<compile_context>
chip_gen: v7x
topology: tpu7x:2x2x1
jax: 0.10.2.dev20260603
libtpu: 0.0.44.dev20260713+nightly
codegen_flags: <defaults>
</compile_context>

<pallas_src>
import jax
import jax.numpy as jnp
from jax import lax
from jax.experimental import pallas as pl
from jax.experimental.pallas import tpu as pltpu
from jax.experimental.pallas import tpu_sc as plsc

V = 1_000_000
D = 64
B = 16384
WIN = 4096
SHIFT = 12
LOCAL_MASK = WIN - 1
POS_MASK = (1 << 14) - 1
NFULL = V // WIN
TAIL = V - NFULL * WIN
NCHUNK = B // 16


def _iota16():
    return lax.iota(jnp.int32, 16)


def _zero16():
    return jnp.zeros((16,), jnp.int32)


def _bucketize(ids_v, pk_v, cur_v, off_v):
    for i in range(16):
        cur_v[pl.ds(16 * i, 16)] = _zero16()

    @pl.loop(0, NCHUNK, unroll=8)
    def _hist(k):
        ids16 = ids_v[pl.ds(16 * k, 16)]
        b = jnp.right_shift(ids16, SHIFT)
        cnt, last = plsc.scan_count(b)
        plsc.addupdate_scatter(cur_v, [b], cnt, mask=last)

    carry = jnp.int32(0)
    for i in range(16):
        h = cur_v[pl.ds(16 * i, 16)]
        inc = plsc.cumsum(h)
        off_v[pl.ds(16 * i, 16)] = inc - h + carry
        carry = carry + jnp.sum(h)

    for i in range(16):
        cur_v[pl.ds(16 * i, 16)] = off_v[pl.ds(16 * i, 16)]

    @pl.loop(0, NCHUNK, unroll=8)
    def _permute(k):
        ids16 = ids_v[pl.ds(16 * k, 16)]
        pos = 16 * k + _iota16()
        b = jnp.right_shift(ids16, SHIFT)
        cnt, last = plsc.scan_count(b)
        base = plsc.load_gather(cur_v, [b])
        dst = base + cnt - 1
        packed = jnp.bitwise_or(
            jnp.left_shift(jnp.bitwise_and(ids16, LOCAL_MASK), 14), pos
        )
        plsc.store_scatter(pk_v, [dst], packed)
        plsc.addupdate_scatter(cur_v, [b], cnt, mask=last)


def _off_at(off_v, w):
    base = pl.multiple_of(jnp.right_shift(w, 4) * 16, 16)
    chunk = off_v[pl.ds(base, 16)]
    sel = _iota16() == jnp.bitwise_and(w, 15)
    return jnp.sum(jnp.where(sel, chunk, 0))


def _extract(win_v, pk_v, off_v, out_v, w):
    lo = _off_at(off_v, w)
    hi = _off_at(off_v, w + 1)

    @pl.loop(lo, hi, step=16)
    def _chunk(p):
        rem = hi - p
        msk = _iota16() < rem
        pkv = pk_v[pl.ds(p, 16)]
        local = jnp.bitwise_and(jnp.right_shift(pkv, 14), LOCAL_MASK)
        pos = jnp.bitwise_and(pkv, POS_MASK)
        vals = plsc.load_gather(win_v, [local], mask=msk)
        plsc.store_scatter(out_v, [pos], vals, mask=msk)


def _gather_body(idx_hbm, tab_hbm, tail_hbm, out_hbm,
                 ids_a, ids_b, pk_a, pk_b,
                 cur_v, off_a, off_b,
                 win0, win1, win2, win3, out_va, out_vb,
                 sem0, sem1, sem2, sem3):
    wid = lax.axis_index("s") * 2 + lax.axis_index("c")
    bufs = ((win0, sem0), (win1, sem1), (win2, sem2), (win3, sem3))

    pltpu.sync_copy(idx_hbm.at[0], ids_a)
    pltpu.sync_copy(idx_hbm.at[1], ids_b)
    _bucketize(ids_a, pk_a, cur_v, off_a)
    _bucketize(ids_b, pk_b, cur_v, off_b)

    for j in range(2):
        c = wid * 2 + j
        for b, (win, sem) in enumerate(bufs):
            pltpu.async_copy(tab_hbm.at[c, pl.ds(b * WIN, WIN)], win, sem)

        @pl.loop(0, NFULL, step=4)
        def _wins(w):
            for b, (win, sem) in enumerate(bufs):
                pltpu.make_async_copy(
                    tab_hbm.at[c, pl.ds(0, WIN)], win, sem
                ).wait()
                _extract(win, pk_a, off_a, out_va, w + b)
                _extract(win, pk_b, off_b, out_vb, w + b)

                @pl.when(w + b + 4 < NFULL)
                def _():
                    pltpu.async_copy(
                        tab_hbm.at[c, pl.ds((w + b + 4) * WIN, WIN)], win, sem
                    )

        pltpu.sync_copy(
            tab_hbm.at[c, pl.ds(NFULL * WIN, 512)], win0.at[pl.ds(0, 512)]
        )
        pltpu.sync_copy(tail_hbm.at[c], win0.at[pl.ds(512, 128)])
        _extract(win0, pk_a, off_a, out_va, NFULL)
        _extract(win0, pk_b, off_b, out_vb, NFULL)

        pltpu.sync_copy(out_va, out_hbm.at[c])
        pltpu.sync_copy(out_vb, out_hbm.at[D + c])


def _sc_stream_extract(idxT, tabT, tail128):
    mesh = plsc.VectorSubcoreMesh(core_axis_name="c", subcore_axis_name="s")
    f = pl.kernel(
        _gather_body,
        out_type=jax.ShapeDtypeStruct((2 * D, B), jnp.float32),
        scratch_types=[
            pltpu.VMEM((B,), jnp.int32),
            pltpu.VMEM((B,), jnp.int32),
            pltpu.VMEM((B + 16,), jnp.int32),
            pltpu.VMEM((B + 16,), jnp.int32),
            pltpu.VMEM((256,), jnp.int32),
            pltpu.VMEM((256,), jnp.int32),
            pltpu.VMEM((256,), jnp.int32),
            pltpu.VMEM((WIN,), jnp.float32),
            pltpu.VMEM((WIN,), jnp.float32),
            pltpu.VMEM((WIN,), jnp.float32),
            pltpu.VMEM((WIN,), jnp.float32),
            pltpu.VMEM((B,), jnp.float32),
            pltpu.VMEM((B,), jnp.float32),
            pltpu.SemaphoreType.DMA,
            pltpu.SemaphoreType.DMA,
            pltpu.SemaphoreType.DMA,
            pltpu.SemaphoreType.DMA,
        ],
        mesh=mesh,
        compiler_params=pltpu.CompilerParams(needs_layout_passes=False),
    )
    return f(idxT, tabT, tail128)


def _mlp_body(x_ref, w1_ref, b1_ref, w2_ref, b2_ref, w3_ref, b3_ref, out_ref):
    x = x_ref[...]
    h = jnp.dot(w1_ref[...], x, preferred_element_type=jnp.float32)
    h = jnp.maximum(h + b1_ref[...], 0.0)
    h = jnp.dot(w2_ref[...], h, preferred_element_type=jnp.float32)
    h = jnp.maximum(h + b2_ref[...], 0.0)
    logit = jnp.sum(h * w3_ref[...], axis=0) + b3_ref[0]
    out_ref[...] = jax.nn.sigmoid(logit)


def _tc_mlp_t(xT, w1t, b1c, w2t, b2c, w3c, b3):
    bb = 2048
    grid = (B // bb,)
    return pl.pallas_call(
        _mlp_body,
        grid=grid,
        in_specs=[
            pl.BlockSpec((2 * D, bb), lambda i: (0, i)),
            pl.BlockSpec((2 * D, 2 * D), lambda i: (0, 0)),
            pl.BlockSpec((2 * D, 1), lambda i: (0, 0)),
            pl.BlockSpec((D, 2 * D), lambda i: (0, 0)),
            pl.BlockSpec((D, 1), lambda i: (0, 0)),
            pl.BlockSpec((D, 1), lambda i: (0, 0)),
            pl.BlockSpec((1,), lambda i: (0,)),
        ],
        out_specs=pl.BlockSpec((bb,), lambda i: (i,)),
        out_shape=jax.ShapeDtypeStruct((B,), jnp.float32),
    )(xT, w1t, b1c, w2t, b2c, w3c, b3)


def kernel(entity_ids, table, W1, b1, W2, b2, W3, b3):
    tail128 = jnp.pad(table[NFULL * WIN + 512:, :].T, ((0, 0), (0, 128 - 64)))
    xT = _sc_stream_extract(entity_ids.T, table.T, tail128)
    return _tc_mlp_t(
        xT,
        W1.T,
        b1.reshape(2 * D, 1),
        W2.T,
        b2.reshape(D, 1),
        W3,
        b3,
    )

# --- scband reference (transcript-rebuilt; emitter-appended) ---
"""Pipeline reference for scband-guard-net-46273977647714 (READ-ONLY COPY).

The authoritative reference and input builder live on the scoring server;
editing this copy changes nothing except your own understanding.
"""

import jax, jax.numpy as jnp
import numpy as np

NUM_ENTITIES = 1000000
EMBED_DIM = 64
BATCH = 16384
ARITY = 2
HIDDEN = [128, 64]


def setup_inputs(seed: int = 0) -> dict:
    key = jax.random.key(seed)
    ks = jax.random.split(key, 8)
    entity_ids = jax.random.randint(ks[0], (BATCH, ARITY), 0, NUM_ENTITIES, dtype=jnp.int64 if jax.config.jax_enable_x64 else jnp.int32).astype(jnp.int32)
    # entity embedding table (xavier uniform init approximated)
    limit = np.sqrt(6.0 / (NUM_ENTITIES + EMBED_DIM))
    table = jax.random.uniform(ks[1], (NUM_ENTITIES, EMBED_DIM), minval=-limit, maxval=limit, dtype=jnp.float32)
    in_dim = ARITY * EMBED_DIM
    W1 = jax.random.normal(ks[2], (in_dim, HIDDEN[0]), dtype=jnp.float32) * (1.0 / np.sqrt(in_dim))
    b1 = jnp.zeros((HIDDEN[0],), dtype=jnp.float32)
    W2 = jax.random.normal(ks[3], (HIDDEN[0], HIDDEN[1]), dtype=jnp.float32) * (1.0 / np.sqrt(HIDDEN[0]))
    b2 = jnp.zeros((HIDDEN[1],), dtype=jnp.float32)
    W3 = jax.random.normal(ks[4], (HIDDEN[1], 1), dtype=jnp.float32) * (1.0 / np.sqrt(HIDDEN[1]))
    b3 = jnp.zeros((1,), dtype=jnp.float32)
    return {"entity_ids": entity_ids, "table": table, "W1": W1, "b1": b1, "W2": W2, "b2": b2, "W3": W3, "b3": b3}


def reference(entity_ids, table, W1, b1, W2, b2, W3, b3):
    # atom satisfaction: gather entity embeddings for each term of the
    # binary predicate, concatenate, run PredicateMLP -> sigmoid degree.
    embeds = jnp.take(table, entity_ids, axis=0)            # [B, 2, D] gather
    x = embeds.reshape(embeds.shape[0], -1)                  # [B, 2*D]
    h = jax.nn.relu(x @ W1 + b1)
    h = jax.nn.relu(h @ W2 + b2)
    sat = jax.nn.sigmoid(h @ W3 + b3)[:, 0]                  # [B] satisfaction degrees
    return sat

if __name__ == "__main__":
    import jax
    _d = setup_inputs()
    print(jax.jit(kernel)(*tuple(_d.values())))

</pallas_src>

<mosaic_0001>
#map = affine_map<(d0, d1) -> (0, 0)>
module attributes {stable_mosaic.version = 14 : i64} {
  func.func @_gather_body(%arg0: i32, %arg1: i32, %arg2: memref<2x16384xi32, #tpu.memory_space<hbm>>, %arg3: memref<64x1000000xf32, #tpu.memory_space<hbm>>, %arg4: memref<64x128xf32, #tpu.memory_space<hbm>>, %arg5: memref<128x16384xf32, #tpu.memory_space<hbm>>, %arg6: memref<16384xi32, #tpu.memory_space<vmem>>, %arg7: memref<16384xi32, #tpu.memory_space<vmem>>, %arg8: memref<16400xi32, #tpu.memory_space<vmem>>, %arg9: memref<16400xi32, #tpu.memory_space<vmem>>, %arg10: memref<256xi32, #tpu.memory_space<vmem>>, %arg11: memref<256xi32, #tpu.memory_space<vmem>>, %arg12: memref<256xi32, #tpu.memory_space<vmem>>, %arg13: memref<4096xf32, #tpu.memory_space<vmem>>, %arg14: memref<4096xf32, #tpu.memory_space<vmem>>, %arg15: memref<4096xf32, #tpu.memory_space<vmem>>, %arg16: memref<4096xf32, #tpu.memory_space<vmem>>, %arg17: memref<16384xf32, #tpu.memory_space<vmem>>, %arg18: memref<16384xf32, #tpu.memory_space<vmem>>, %arg19: memref<!tpu.dma_semaphore, #tpu.memory_space<semaphore_mem>>, %arg20: memref<!tpu.dma_semaphore, #tpu.memory_space<semaphore_mem>>, %arg21: memref<!tpu.dma_semaphore, #tpu.memory_space<semaphore_mem>>, %arg22: memref<!tpu.dma_semaphore, #tpu.memory_space<semaphore_mem>>) attributes {dimension_semantics = [#tpu.dimension_semantics<core_parallel>, #tpu.dimension_semantics<subcore_parallel>], iteration_bounds = array<i64: 2, 16>, scalar_prefetch = 0 : i64, scratch_operands = 17 : i64, tpu.core_type = #tpu.core_type<sc_vector_subcore>, window_params = [{transform_indices = #map}, {transform_indices = #map}, {transform_indices = #map}, {transform_indices = #map}]} {
    %mul3A = arith.constant 2 : i32
    %mul3A_0 = arith.muli %arg1, %mul3A : i32
    %add3A = arith.addi %mul3A_0, %arg0 : i32
    %run_scoped3A = arith.constant 0 : i32
    "tpu.region"() ({
      %run_scoped3A_1051 = tpu.sem_alloc : memref<!tpu.dma_semaphore, #tpu.memory_space<semaphore_mem>>
      %dma_start3A_1052 = arith.constant 0 : i32
      %dma_start3A_1053 = tpu.memref_slice %arg2[%run_scoped3A, %dma_start3A_1052] : memref<2x16384xi32, #tpu.memory_space<hbm>> -> memref<1x16384xi32, #tpu.memory_space<hbm>>
      %dma_start3A_1054 = tpu.memref_squeeze %dma_start3A_1053 : memref<1x16384xi32, #tpu.memory_space<hbm>> -> memref<16384xi32, #tpu.memory_space<hbm>>
      %dma_start3A_1055 = arith.constant 0 : i32
      %dma_start3A_1056 = tpu.memref_slice %arg2[%run_scoped3A, %dma_start3A_1055] : memref<2x16384xi32, #tpu.memory_space<hbm>> -> memref<1x16384xi32, #tpu.memory_space<hbm>>
      %dma_start3A_1057 = tpu.memref_squeeze %dma_start3A_1056 : memref<1x16384xi32, #tpu.memory_space<hbm>> -> memref<16384xi32, #tpu.memory_space<hbm>>
      tpu.enqueue_dma source(%dma_start3A_1057 : memref<16384xi32, #tpu.memory_space<hbm>>) target(%arg6 : memref<16384xi32, #tpu.memory_space<vmem>>) target_semaphore(%run_scoped3A_1051 : memref<!tpu.dma_semaphore, #tpu.memory_space<semaphore_mem>>)
      %dma_wait3A = arith.constant 0 : i32
      %dma_wait3A_1058 = tpu.memref_slice %arg2[%run_scoped3A, %dma_wait3A] : memref<2x16384xi32, #tpu.memory_space<hbm>> -> memref<1x16384xi32, #tpu.memory_space<hbm>>
      %dma_wait3A_1059 = tpu.memref_squeeze %dma_wait3A_1058 : memref<1x16384xi32, #tpu.memory_space<hbm>> -> memref<16384xi32, #tpu.memory_space<hbm>>
      %dma_wait3A_1060 = arith.constant 0 : i32
      %dma_wait3A_1061 = tpu.memref_slice %arg2[%run_scoped3A, %dma_wait3A_1060] : memref<2x16384xi32, #tpu.memory_space<hbm>> -> memref<1x16384xi32, #tpu.memory_space<hbm>>
      %dma_wait3A_1062 = tpu.memref_squeeze %dma_wait3A_1061 : memref<1x16384xi32, #tpu.memory_space<hbm>> -> memref<16384xi32, #tpu.memory_space<hbm>>
      tpu.wait_dma2 semaphore(%run_scoped3A_1051 : memref<!tpu.dma_semaphore, #tpu.memory_space<semaphore_mem>>) src(%dma_wait3A_1062 : memref<16384xi32, #tpu.memory_space<hbm>>) dst(%arg6 : memref<16384xi32, #tpu.memory_space<vmem>>)
      tpu.yield
    }) : () -> ()
    %run_scoped3A_1 = arith.constant 1 : i32
    "tpu.region"() ({
      %run_scoped3A_1051 = tpu.sem_alloc : memref<!tpu.dma_semaphore, #tpu.memory_space<semaphore_mem>>
      %dma_start3A_1052 = arith.constant 0 : i32
      %dma_start3A_1053 = tpu.memref_slice %arg2[%run_scoped3A_1, %dma_start3A_1052] : memref<2x16384xi32, #tpu.memory_space<hbm>> -> memref<1x16384xi32, #tpu.memory_space<hbm>>
      %dma_start3A_1054 = tpu.memref_squeeze %dma_start3A_1053 : memref<1x16384xi32, #tpu.memory_space<hbm>> -> memref<16384xi32, #tpu.memory_space<hbm>>
      %dma_start3A_1055 = arith.constant 0 : i32
      %dma_start3A_1056 = tpu.memref_slice %arg2[%run_scoped3A_1, %dma_start3A_1055] : memref<2x16384xi32, #tpu.memory_space<hbm>> -> memref<1x16384xi32, #tpu.memory_space<hbm>>
      %dma_start3A_1057 = tpu.memref_squeeze %dma_start3A_1056 : memref<1x16384xi32, #tpu.memory_space<hbm>> -> memref<16384xi32, #tpu.memory_space<hbm>>
      tpu.enqueue_dma source(%dma_start3A_1057 : memref<16384xi32, #tpu.memory_space<hbm>>) target(%arg7 : memref<16384xi32, #tpu.memory_space<vmem>>) target_semaphore(%run_scoped3A_1051 : memref<!tpu.dma_semaphore, #tpu.memory_space<semaphore_mem>>)
      %dma_wait3A = arith.constant 0 : i32
      %dma_wait3A_1058 = tpu.memref_slice %arg2[%run_scoped3A_1, %dma_wait3A] : memref<2x16384xi32, #tpu.memory_space<hbm>> -> memref<1x16384xi32, #tpu.memory_space<hbm>>
      %dma_wait3A_1059 = tpu.memref_squeeze %dma_wait3A_1058 : memref<1x16384xi32, #tpu.memory_space<hbm>> -> memref<16384xi32, #tpu.memory_space<hbm>>
      %dma_wait3A_1060 = arith.constant 0 : i32
      %dma_wait3A_1061 = tpu.memref_slice %arg2[%run_scoped3A_1, %dma_wait3A_1060] : memref<2x16384xi32, #tpu.memory_space<hbm>> -> memref<1x16384xi32, #tpu.memory_space<hbm>>
      %dma_wait3A_1062 = tpu.memref_squeeze %dma_wait3A_1061 : memref<1x16384xi32, #tpu.memory_space<hbm>> -> memref<16384xi32, #tpu.memory_space<hbm>>
      tpu.wait_dma2 semaphore(%run_scoped3A_1051 : memref<!tpu.dma_semaphore, #tpu.memory_space<semaphore_mem>>) src(%dma_wait3A_1062 : memref<16384xi32, #tpu.memory_space<hbm>>) dst(%arg7 : memref<16384xi32, #tpu.memory_space<vmem>>)
      tpu.yield
    }) : () -> ()
    %broadcast_in_dim3A = arith.constant 0 : i32
    %broadcast_in_dim3A_2 = vector.broadcast %broadcast_in_dim3A : i32 to vector<16xi32>
    %swap3A = arith.constant 0 : index
    %swap3A_3 = tpu.vector_load %arg10[%swap3A] {strides = array<i32>} : memref<256xi32, #tpu.memory_space<vmem>>, vector<16xi32>,
    tpu.vector_store %arg10[%swap3A], %broadcast_in_dim3A_2 {strides = array<i32>} : memref<256xi32, #tpu.memory_space<vmem>>, vector<16xi32>,
    %broadcast_in_dim3A_4 = arith.constant 0 : i32
    %broadcast_in_dim3A_5 = vector.broadcast %broadcast_in_dim3A_4 : i32 to vector<16xi32>
    %swap3A_6 = arith.constant 16 : index
    %swap3A_7 = tpu.vector_load %arg10[%swap3A_6] {strides = array<i32>} : memref<256xi32, #tpu.memory_space<vmem>>, vector<16xi32>,
    tpu.vector_store %arg10[%swap3A_6], %broadcast_in_dim3A_5 {strides = array<i32>} : memref<256xi32, #tpu.memory_space<vmem>>, vector<16xi32>,
    %broadcast_in_dim3A_8 = arith.constant 0 : i32
    %broadcast_in_dim3A_9 = vector.broadcast %broadcast_in_dim3A_8 : i32 to vector<16xi32>
    %swap3A_10 = arith.constant 32 : index
    %swap3A_11 = tpu.vector_load %arg10[%swap3A_10] {strides = array<i32>} : memref<256xi32, #tpu.memory_space<vmem>>, vector<16xi32>,
    tpu.vector_store %arg10[%swap3A_10], %broadcast_in_dim3A_9 {strides = array<i32>} : memref<256xi32, #tpu.memory_space<vmem>>, vector<16xi32>,
    %broadcast_in_dim3A_12 = arith.constant 0 : i32
    %broadcast_in_dim3A_13 = vector.broadcast %broadcast_in_dim3A_12 : i32 to vector<16xi32>
    %swap3A_14 = arith.constant 48 : index
    %swap3A_15 = tpu.vector_load %arg10[%swap3A_14] {strides = array<i32>} : memref<256xi32, #tpu.memory_space<vmem>>, vector<16xi32>,
    tpu.vector_store %arg10[%swap3A_14], %broadcast_in_dim3A_13 {strides = array<i32>} : memref<256xi32, #tpu.memory_space<vmem>>, vector<16xi32>,
    %broadcast_in_dim3A_16 = arith.constant 0 : i32
    %broadcast_in_dim3A_17 = vector.broadcast %broadcast_in_dim3A_16 : i32 to vector<16xi32>
    %swap3A_18 = arith.constant 64 : index
    %swap3A_19 = tpu.vector_load %arg10[%swap3A_18] {strides = array<i32>} : memref<256xi32, #tpu.memory_space<vmem>>, vector<16xi32>,
    tpu.vector_store %arg10[%swap3A_18], %broadcast_in_dim3A_17 {strides = array<i32>} : memref<256xi32, #tpu.memory_space<vmem>>, vector<16xi32>,
    %broadcast_in_dim3A_20 = arith.constant 0 : i32
    %broadcast_in_dim3A_21 = vector.broadcast %broadcast_in_dim3A_20 : i32 to vector<16xi32>
    %swap3A_22 = arith.constant 80 : index
    %swap3A_23 = tpu.vector_load %arg10[%swap3A_22] {strides = array<i32>} : memref<256xi32, #tpu.memory_space<vmem>>, vector<16xi32>,
    tpu.vector_store %arg10[%swap3A_22], %broadcast_in_dim3A_21 {strides = array<i32>} : memref<256xi32, #tpu.memory_space<vmem>>, vector<16xi32>,
    %broadcast_in_dim3A_24 = arith.constant 0 : i32
    %broadcast_in_dim3A_25 = vector.broadcast %broadcast_in_dim3A_24 : i32 to vector<16xi32>
    %swap3A_26 = arith.constant 96 : index
    %swap3A_27 = tpu.vector_load %arg10[%swap3A_26] {strides = array<i32>} : memref<256xi32, #tpu.memory_space<vmem>>, vector<16xi32>,
    tpu.vector_store %arg10[%swap3A_26], %broadcast_in_dim3A_25 {strides = array<i32>} : memref<256xi32, #tpu.memory_space<vmem>>, vector<16xi32>,
    %broadcast_in_dim3A_28 = arith.constant 0 : i32
    %broadcast_in_dim3A_29 = vector.broadcast %broadcast_in_dim3A_28 : i32 to vector<16xi32>
    %swap3A_30 = arith.constant 112 : index
    %swap3A_31 = tpu.vector_load %arg10[%swap3A_30] {strides = array<i32>} : memref<256xi32, #tpu.memory_space<vmem>>, vector<16xi32>,
    tpu.vector_store %arg10[%swap3A_30], %broadcast_in_dim3A_29 {strides = array<i32>} : memref<256xi32, #tpu.memory_space<vmem>>, vector<16xi32>,
    %broadcast_in_dim3A_32 = arith.constant 0 : i32
    %broadcast_in_dim3A_33 = vector.broadcast %broadcast_in_dim3A_32 : i32 to vector<16xi32>
    %swap3A_34 = arith.constant 128 : index
    %swap3A_35 = tpu.vector_load %arg10[%swap3A_34] {strides = array<i32>} : memref<256xi32, #tpu.memory_space<vmem>>, vector<16xi32>,
    tpu.vector_store %arg10[%swap3A_34], %broadcast_in_dim3A_33 {strides = array<i32>} : memref<256xi32, #tpu.memory_space<vmem>>, vector<16xi32>,
    %broadcast_in_dim3A_36 = arith.constant 0 : i32
    %broadcast_in_dim3A_37 = vector.broadcast %broadcast_in_dim3A_36 : i32 to vector<16xi32>
    %swap3A_38 = arith.constant 144 : index
    %swap3A_39 = tpu.vector_load %arg10[%swap3A_38] {strides = array<i32>} : memref<256xi32, #tpu.memory_space<vmem>>, vector<16xi32>,
    tpu.vector_store %arg10[%swap3A_38], %broadcast_in_dim3A_37 {strides = array<i32>} : memref<256xi32, #tpu.memory_space<vmem>>, vector<16xi32>,
    %broadcast_in_dim3A_40 = arith.constant 0 : i32
    %broadcast_in_dim3A_41 = vector.broadcast %broadcast_in_dim3A_40 : i32 to vector<16xi32>
    %swap3A_42 = arith.constant 160 : index
    %swap3A_43 = tpu.vector_load %arg10[%swap3A_42] {strides = array<i32>} : memref<256xi32, #tpu.memory_space<vmem>>, vector<16xi32>,
    tpu.vector_store %arg10[%swap3A_42], %broadcast_in_dim3A_41 {strides = array<i32>} : memref<256xi32, #tpu.memory_space<vmem>>, vector<16xi32>,
    %broadcast_in_dim3A_44 = arith.constant 0 : i32
    %broadcast_in_dim3A_45 = vector.broadcast %broadcast_in_dim3A_44 : i32 to vector<16xi32>
    %swap3A_46 = arith.constant 176 : index
    %swap3A_47 = tpu.vector_load %arg10[%swap3A_46] {strides = array<i32>} : memref<256xi32, #tpu.memory_space<vmem>>, vector<16xi32>,
    tpu.vector_store %arg10[%swap3A_46], %broadcast_in_dim3A_45 {strides = array<i32>} : memref<256xi32, #tpu.memory_space<vmem>>, vector<16xi32>,
    %broadcast_in_dim3A_48 = arith.constant 0 : i32
    %broadcast_in_dim3A_49 = vector.broadcast %broadcast_in_dim3A_48 : i32 to vector<16xi32>
    %swap3A_50 = arith.constant 192 : index
    %swap3A_51 = tpu.vector_load %arg10[%swap3A_50] {strides = array<i32>} : memref<256xi32, #tpu.memory_space<vmem>>, vector<16xi32>,
    tpu.vector_store %arg10[%swap3A_50], %broadcast_in_dim3A_49 {strides = array<i32>} : memref<256xi32, #tpu.memory_space<vmem>>, vector<16xi32>,
    %broadcast_in_dim3A_52 = arith.constant 0 : i32
    %broadcast_in_dim3A_53 = vector.broadcast %broadcast_in_dim3A_52 : i32 to vector<16xi32>
    %swap3A_54 = arith.constant 208 : index
    %swap3A_55 = tpu.vector_load %arg10[%swap3A_54] {strides = array<i32>} : memref<256xi32, #tpu.memory_space<vmem>>, vector<16xi32>,
    tpu.vector_store %arg10[%swap3A_54], %broadcast_in_dim3A_53 {strides = array<i32>} : memref<256xi32, #tpu.memory_space<vmem>>, vector<16xi32>,
    %broadcast_in_dim3A_56 = arith.constant 0 : i32
    %broadcast_in_dim3A_57 = vector.broadcast %broadcast_in_dim3A_56 : i32 to vector<16xi32>
    %swap3A_58 = arith.constant 224 : index
    %swap3A_59 = tpu.vector_load %arg10[%swap3A_58] {strides = array<i32>} : memref<256xi32, #tpu.memory_space<vmem>>, vector<16xi32>,
    tpu.vector_store %arg10[%swap3A_58], %broadcast_in_dim3A_57 {strides = array<i32>} : memref<256xi32, #tpu.memory_space<vmem>>, vector<16xi32>,
    %broadcast_in_dim3A_60 = arith.constant 0 : i32
    %broadcast_in_dim3A_61 = vector.broadcast %broadcast_in_dim3A_60 : i32 to vector<16xi32>
    %swap3A_62 = arith.constant 240 : index
    %swap3A_63 = tpu.vector_load %arg10[%swap3A_62] {strides = array<i32>} : memref<256xi32, #tpu.memory_space<vmem>>, vector<16xi32>,
    tpu.vector_store %arg10[%swap3A_62], %broadcast_in_dim3A_61 {strides = array<i32>} : memref<256xi32, #tpu.memory_space<vmem>>, vector<16xi32>,
    %scan3A = arith.constant 0 : i32
    %scan3A_64 = arith.constant 1024 : i32
    %scan3A_65 = arith.addi %scan3A, %scan3A_64 : i32
    %scan3A_66 = arith.constant 8 : i32
    scf.for %scan3A_1051 = %scan3A to %scan3A_65 step %scan3A_66  : i32 {
      %mul3A_1052 = arith.constant 1 : i32
      %mul3A_1053 = arith.muli %scan3A_1051, %mul3A_1052 : i32
      %add3A_1054 = arith.constant 0 : i32
      %add3A_1055 = arith.addi %add3A_1054, %mul3A_1053 : i32
      %mul3A_1056 = arith.constant 16 : i32
      %mul3A_1057 = arith.muli %mul3A_1056, %add3A_1055 : i32
      %get3A_1058 = arith.index_cast %mul3A_1057 : i32 to index
      %get3A_1059 = tpu.vector_load %arg6[%get3A_1058] {strides = array<i32>} : memref<16384xi32, #tpu.memory_space<vmem>>, vector<16xi32>,
      %shift_right_arithmetic3A_1060 = arith.constant 12 : i32
      %shift_right_arithmetic3A_1061 = vector.broadcast %shift_right_arithmetic3A_1060 : i32 to vector<16xi32>
      %shift_right_arithmetic3A_1062 = arith.shrsi %get3A_1059, %shift_right_arithmetic3A_1061 : vector<16xi32>
      %broadcast_in_dim3A_1063 = arith.constant true
      %broadcast_in_dim3A_1064 = vector.broadcast %broadcast_in_dim3A_1063 : i1 to vector<16xi1>
      %unique3A, %unique3A_1065 = tpu.scan_count mask(%broadcast_in_dim3A_1064 : vector<16xi1>) value(%shift_right_arithmetic3A_1062 : vector<16xi32>) : vector<16xi1>, vector<16xi32>
      tpu.vector_store_idx %arg10[%shift_right_arithmetic3A_1062], %unique3A_1065 masked %unique3A {add = true} : memref<256xi32, #tpu.memory_space<vmem>>[vector<16xi32>], vector<16xi32>, vector<16xi1>
      %scan3A_1066 = arith.constant 1 : i32
      %scan3A_1067 = arith.addi %scan3A_1051, %scan3A_1066 : i32
      %mul3A_1068 = arith.constant 1 : i32
      %mul3A_1069 = arith.muli %scan3A_1067, %mul3A_1068 : i32
      %add3A_1070 = arith.constant 0 : i32
      %add3A_1071 = arith.addi %add3A_1070, %mul3A_1069 : i32
      %mul3A_1072 = arith.constant 16 : i32
      %mul3A_1073 = arith.muli %mul3A_1072, %add3A_1071 : i32
      %get3A_1074 = arith.index_cast %mul3A_1073 : i32 to index
      %get3A_1075 = tpu.vector_load %arg6[%get3A_1074] {strides = array<i32>} : memref<16384xi32, #tpu.memory_space<vmem>>, vector<16xi32>,
      %shift_right_arithmetic3A_1076 = arith.constant 12 : i32
      %shift_right_arithmetic3A_1077 = vector.broadcast %shift_right_arithmetic3A_1076 : i32 to vector<16xi32>
      %shift_right_arithmetic3A_1078 = arith.shrsi %get3A_1075, %shift_right_arithmetic3A_1077 : vector<16xi32>
      %broadcast_in_dim3A_1079 = arith.constant true
      %broadcast_in_dim3A_1080 = vector.broadcast %broadcast_in_dim3A_1079 : i1 to vector<16xi1>
      %unique3A_1081, %unique3A_1082 = tpu.scan_count mask(%broadcast_in_dim3A_1080 : vector<16xi1>) value(%shift_right_arithmetic3A_1078 : vector<16xi32>) : vector<16xi1>, vector<16xi32>
      tpu.vector_store_idx %arg10[%shift_right_arithmetic3A_1078], %unique3A_1082 masked %unique3A_1081 {add = true} : memref<256xi32, #tpu.memory_space<vmem>>[vector<16xi32>], vector<16xi32>, vector<16xi1>
      %scan3A_1083 = arith.constant 2 : i32
      %scan3A_1084 = arith.addi %scan3A_1051, %scan3A_1083 : i32
      %mul3A_1085 = arith.constant 1 : i32
      %mul3A_1086 = arith.muli %scan3A_1084, %mul3A_1085 : i32
      %add3A_1087 = arith.constant 0 : i32
      %add3A_1088 = arith.addi %add3A_1087, %mul3A_1086 : i32
      %mul3A_1089 = arith.constant 16 : i32
      %mul3A_1090 = arith.muli %mul3A_1089, %add3A_1088 : i32
      %get3A_1091 = arith.index_cast %mul3A_1090 : i32 to index
      %get3A_1092 = tpu.vector_load %arg6[%get3A_1091] {strides = array<i32>} : memref<16384xi32, #tpu.memory_space<vmem>>, vector<16xi32>,
      %shift_right_arithmetic3A_1093 = arith.constant 12 : i32
      %shift_right_arithmetic3A_1094 = vector.broadcast %shift_right_arithmetic3A_1093 : i32 to vector<16xi32>
      %shift_right_arithmetic3A_1095 = arith.shrsi %get3A_1092, %shift_right_arithmetic3A_1094 : vector<16xi32>
      %broadcast_in_dim3A_1096 = arith.constant true
      %broadcast_in_dim3A_1097 = vector.broadcast %broadcast_in_dim3A_1096 : i1 to vector<16xi1>
      %unique3A_1098, %unique3A_1099 = tpu.scan_count mask(%broadcast_in_dim3A_1097 : vector<16xi1>) value(%shift_right_arithmetic3A_1095 : vector<16xi32>) : vector<16xi1>, vector<16xi32>
      tpu.vector_store_idx %arg10[%shift_right_arithmetic3A_1095], %unique3A_1099 masked %unique3A_1098 {add = true} : memref<256xi32, #tpu.memory_space<vmem>>[vector<16xi32>], vector<16xi32>, vector<16xi1>
      %scan3A_1100 = arith.constant 3 : i32
      %scan3A_1101 = arith.addi %scan3A_1051, %scan3A_1100 : i32
      %mul3A_1102 = arith.constant 1 : i32
      %mul3A_1103 = arith.muli %scan3A_1101, %mul3A_1102 : i32
      %add3A_1104 = arith.constant 0 : i32
      %add3A_1105 = arith.addi %add3A_1104, %mul3A_1103 : i32
      %mul3A_1106 = arith.constant 16 : i32
      %mul3A_1107 = arith.muli %mul3A_1106, %add3A_1105 : i32
      %get3A_1108 = arith.index_cast %mul3A_1107 : i32 to index
      %get3A_1109 = tpu.vector_load %arg6[%get3A_1108] {strides = array<i32>} : memref<16384xi32, #tpu.memory_space<vmem>>, vector<16xi32>,
      %shift_right_arithmetic3A_1110 = arith.constant 12 : i32
      %shift_right_arithmetic3A_1111 = vector.broadcast %shift_right_arithmetic3A_1110 : i32 to vector<16xi32>
      %shift_right_arithmetic3A_1112 = arith.shrsi %get3A_1109, %shift_right_arithmetic3A_1111 : vector<16xi32>
      %broadcast_in_dim3A_1113 = arith.constant true
      %broadcast_in_dim3A_1114 = vector.broadcast %broadcast_in_dim3A_1113 : i1 to vector<16xi1>
      %unique3A_1115, %unique3A_1116 = tpu.scan_count mask(%broadcast_in_dim3A_1114 : vector<16xi1>) value(%shift_right_arithmetic3A_1112 : vector<16xi32>) : vector<16xi1>, vector<16xi32>
      tpu.vector_store_idx %arg10[%shift_right_arithmetic3A_1112], %unique3A_1116 masked %unique3A_1115 {add = true} : memref<256xi32, #tpu.memory_space<vmem>>[vector<16xi32>], vector<16xi32>, vector<16xi1>
      %scan3A_1117 = arith.constant 4 : i32
      %scan3A_1118 = arith.addi %scan3A_1051, %scan3A_1117 : i32
      %mul3A_1119 = arith.constant 1 : i32
      %mul3A_1120 = arith.muli %scan3A_1118, %mul3A_1119 : i32
      %add3A_1121 = arith.constant 0 : i32
      %add3A_1122 = arith.addi %add3A_1121, %mul3A_1120 : i32
      %mul3A_1123 = arith.constant 16 : i32
      %mul3A_1124 = arith.muli %mul3A_1123, %add3A_1122 : i32
      %get3A_1125 = arith.index_cast %mul3A_1124 : i32 to index
      %get3A_1126 = tpu.vector_load %arg6[%get3A_1125] {strides = array<i32>} : memref<16384xi32, #tpu.memory_space<vmem>>, vector<16xi32>,
      %shift_right_arithmetic3A_1127 = arith.constant 12 : i32
      %shift_right_arithmetic3A_1128 = vector.broadcast %shift_right_arithmetic3A_1127 : i32 to vector<16xi32>
      %shift_right_arithmetic3A_1129 = arith.shrsi %get3A_1126, %shift_right_arithmetic3A_1128 : vector<16xi32>
      %broadcast_in_dim3A_1130 = arith.constant true
      %broadcast_in_dim3A_1131 = vector.broadcast %broadcast_in_dim3A_1130 : i1 to vector<16xi1>
      %unique3A_1132, %unique3A_1133 = tpu.scan_count mask(%broadcast_in_dim3A_1131 : vector<16xi1>) value(%shift_right_arithmetic3A_1129 : vector<16xi32>) : vector<16xi1>, vector<16xi32>
      tpu.vector_store_idx %arg10[%shift_right_arithmetic3A_1129], %unique3A_1133 masked %unique3A_1132 {add = true} : memref<256xi32, #tpu.memory_space<vmem>>[vector<16xi32>], vector<16xi32>, vector<16xi1>
      %scan3A_1134 = arith.constant 5 : i32
      %scan3A_1135 = arith.addi %scan3A_1051, %scan3A_1134 : i32
      %mul3A_1136 = arith.constant 1 : i32
      %mul3A_1137 = arith.muli %scan3A_1135, %mul3A_1136 : i32
      %add3A_1138 = arith.constant 0 : i32
      %add3A_1139 = arith.addi %add3A_1138, %mul3A_1137 : i32
      %mul3A_1140 = arith.constant 16 : i32
      %mul3A_1141 = arith.muli %mul3A_1140, %add3A_1139 : i32
      %get3A_1142 = arith.index_cast %mul3A_1141 : i32 to index
      %get3A_1143 = tpu.vector_load %arg6[%get3A_1142] {strides = array<i32>} : memref<16384xi32, #tpu.memory_space<vmem>>, vector<16xi32>,
      %shift_right_arithmetic3A_1144 = arith.constant 12 : i32
      %shift_right_arithmetic3A_1145 = vector.broadcast %shift_right_arithmetic3A_1144 : i32 to vector<16xi32>
      %shift_right_arithmetic3A_1146 = arith.shrsi %get3A_1143, %shift_right_arithmetic3A_1145 : vector<16xi32>
      %broadcast_in_dim3A_1147 = arith.constant true
      %broadcast_in_dim3A_1148 = vector.broadcast %broadcast_in_dim3A_1147 : i1 to vector<16xi1>
      %unique3A_1149, %unique3A_1150 = tpu.scan_count mask(%broadcast_in_dim3A_1148 : vector<16xi1>) value(%shift_right_arithmetic3A_1146 : vector<16xi32>) : vector<16xi1>, vector<16xi32>
      tpu.vector_store_idx %arg10[%shift_right_arithmetic3A_1146], %unique3A_1150 masked %unique3A_1149 {add = true} : memref<256xi32, #tpu.memory_space<vmem>>[vector<16xi32>], vector<16xi32>, vector<16xi1>
      %scan3A_1151 = arith.constant 6 : i32
      %scan3A_1152 = arith.addi %scan3A_1051, %scan3A_1151 : i32
      %mul3A_1153 = arith.constant 1 : i32
      %mul3A_1154 = arith.muli %scan3A_1152, %mul3A_1153 : i32
      %add3A_1155 = arith.constant 0 : i32
      %add3A_1156 = arith.addi %add3A_1155, %mul3A_1154 : i32
      %mul3A_1157 = arith.constant 16 : i32
      %mul3A_1158 = arith.muli %mul3A_1157, %add3A_1156 : i32
      %get3A_1159 = arith.index_cast %mul3A_1158 : i32 to index
      %get3A_1160 = tpu.vector_load %arg6[%get3A_1159] {strides = array<i32>} : memref<16384xi32, #tpu.memory_space<vmem>>, vector<16xi32>,
      %shift_right_arithmetic3A_1161 = arith.constant 12 : i32
      %shift_right_arithmetic3A_1162 = vector.broadcast %shift_right_arithmetic3A_1161 : i32 to vector<16xi32>
      %shift_right_arithmetic3A_1163 = arith.shrsi %get3A_1160, %shift_right_arithmetic3A_1162 : vector<16xi32>
      %broadcast_in_dim3A_1164 = arith.constant true
      %broadcast_in_dim3A_1165 = vector.broadcast %broadcast_in_dim3A_1164 : i1 to vector<16xi1>
      %unique3A_1166, %unique3A_1167 = tpu.scan_count mask(%broadcast_in_dim3A_1165 : vector<16xi1>) value(%shift_right_arithmetic3A_1163 : vector<16xi32>) : vector<16xi1>, vector<16xi32>
      tpu.vector_store_idx %arg10[%shift_right_arithmetic3A_1163], %unique3A_1167 masked %unique3A_1166 {add = true} : memref<256xi32, #tpu.memory_space<vmem>>[vector<16xi32>], vector<16xi32>, vector<16xi1>
      %scan3A_1168 = arith.constant 7 : i32
      %scan3A_1169 = arith.addi %scan3A_1051, %scan3A_1168 : i32
      %mul3A_1170 = arith.constant 1 : i32
      %mul3A_1171 = arith.muli %scan3A_1169, %mul3A_1170 : i32
      %add3A_1172 = arith.constant 0 : i32
      %add3A_1173 = arith.addi %add3A_1172, %mul3A_1171 : i32
      %mul3A_1174 = arith.constant 16 : i32
      %mul3A_1175 = arith.muli %mul3A_1174, %add3A_1173 : i32
      %get3A_1176 = arith.index_cast %mul3A_1175 : i32 to index
      %get3A_1177 = tpu.vector_load %arg6[%get3A_1176] {strides = array<i32>} : memref<16384xi32, #tpu.memory_space<vmem>>, vector<16xi32>,
      %shift_right_arithmetic3A_1178 = arith.constant 12 : i32
      %shift_right_arithmetic3A_1179 = vector.broadcast %shift_right_arithmetic3A_1178 : i32 to vector<16xi32>
      %shift_right_arithmetic3A_1180 = arith.shrsi %get3A_1177, %shift_right_arithmetic3A_1179 : vector<16xi32>
      %broadcast_in_dim3A_1181 = arith.constant true
      %broadcast_in_dim3A_1182 = vector.broadcast %broadcast_in_dim3A_1181 : i1 to vector<16xi1>
      %unique3A_1183, %unique3A_1184 = tpu.scan_count mask(%broadcast_in_dim3A_1182 : vector<16xi1>) value(%shift_right_arithmetic3A_1180 : vector<16xi32>) : vector<16xi1>, vector<16xi32>
      tpu.vector_store_idx %arg10[%shift_right_arithmetic3A_1180], %unique3A_1184 masked %unique3A_1183 {add = true} : memref<256xi32, #tpu.memory_space<vmem>>[vector<16xi32>], vector<16xi32>, vector<16xi1>
    }
    %scan3A_67 = arith.constant 1024 : i32
    %get3A = arith.constant 0 : index
    %get3A_68 = tpu.vector_load %arg10[%get3A] {strides = array<i32>} : memref<256xi32, #tpu.memory_space<vmem>>, vector<16xi32>,
    %broadcast_in_dim3A_69 = arith.constant true
    %broadcast_in_dim3A_70 = vector.broadcast %broadcast_in_dim3A_69 : i1 to vector<16xi1>
    %masked_cumsum3A = tpu.scan <sum>, %get3A_68 masked %broadcast_in_dim3A_70 : vector<16xi32>, vector<16xi1> -> vector<16xi32>
    %sub3A = arith.subi %masked_cumsum3A, %get3A_68 : vector<16xi32>
    %add3A_71 = arith.constant 0 : i32
    %add3A_72 = vector.broadcast %add3A_71 : i32 to vector<16xi32>
    %add3A_73 = arith.addi %sub3A, %add3A_72 : vector<16xi32>
    %swap3A_74 = arith.constant 0 : index
    %swap3A_75 = tpu.vector_load %arg11[%swap3A_74] {strides = array<i32>} : memref<256xi32, #tpu.memory_space<vmem>>, vector<16xi32>,
    tpu.vector_store %arg11[%swap3A_74], %add3A_73 {strides = array<i32>} : memref<256xi32, #tpu.memory_space<vmem>>, vector<16xi32>,
    %reduce_sum3A = arith.constant true
    %reduce_sum3A_76 = vector.broadcast %reduce_sum3A : i1 to vector<16xi1>
    %reduce_sum3A_77 = tpu.scan <sum>, %get3A_68 masked %reduce_sum3A_76 : vector<16xi32>, vector<16xi1> -> vector<16xi32>
    %reduce_sum3A_78 = vector.extract %reduce_sum3A_77[15] : i32 from vector<16xi32>
    %add3A_79 = arith.constant 0 : i32
    %add3A_80 = arith.addi %add3A_79, %reduce_sum3A_78 : i32
    %get3A_81 = arith.constant 16 : index
    %get3A_82 = tpu.vector_load %arg10[%get3A_81] {strides = array<i32>} : memref<256xi32, #tpu.memory_space<vmem>>, vector<16xi32>,
    %broadcast_in_dim3A_83 = arith.constant true
    %broadcast_in_dim3A_84 = vector.broadcast %broadcast_in_dim3A_83 : i1 to vector<16xi1>
    %masked_cumsum3A_85 = tpu.scan <sum>, %get3A_82 masked %broadcast_in_dim3A_84 : vector<16xi32>, vector<16xi1> -> vector<16xi32>
    %sub3A_86 = arith.subi %masked_cumsum3A_85, %get3A_82 : vector<16xi32>
    %add3A_87 = vector.broadcast %add3A_80 : i32 to vector<16xi32>
    %add3A_88 = arith.addi %sub3A_86, %add3A_87 : vector<16xi32>
    %swap3A_89 = arith.constant 16 : index
    %swap3A_90 = tpu.vector_load %arg11[%swap3A_89] {strides = array<i32>} : memref<256xi32, #tpu.memory_space<vmem>>, vector<16xi32>,
    tpu.vector_store %arg11[%swap3A_89], %add3A_88 {strides = array<i32>} : memref<256xi32, #tpu.memory_space<vmem>>, vector<16xi32>,
    %reduce_sum3A_91 = arith.constant true
    %reduce_sum3A_92 = vector.broadcast %reduce_sum3A_91 : i1 to vector<16xi1>
    %reduce_sum3A_93 = tpu.scan <sum>, %get3A_82 masked %reduce_sum3A_92 : vector<16xi32>, vector<16xi1> -> vector<16xi32>
    %reduce_sum3A_94 = vector.extract %reduce_sum3A_93[15] : i32 from vector<16xi32>
    %add3A_95 = arith.addi %add3A_80, %reduce_sum3A_94 : i32
    %get3A_96 = arith.constant 32 : index
    %get3A_97 = tpu.vector_load %arg10[%get3A_96] {strides = array<i32>} : memref<256xi32, #tpu.memory_space<vmem>>, vector<16xi32>,
    %broadcast_in_dim3A_98 = arith.constant true
    %broadcast_in_dim3A_99 = vector.broadcast %broadcast_in_dim3A_98 : i1 to vector<16xi1>
    %masked_cumsum3A_100 = tpu.scan <sum>, %get3A_97 masked %broadcast_in_dim3A_99 : vector<16xi32>, vector<16xi1> -> vector<16xi32>
    %sub3A_101 = arith.subi %masked_cumsum3A_100, %get3A_97 : vector<16xi32>
    %add3A_102 = vector.broadcast %add3A_95 : i32 to vector<16xi32>
    %add3A_103 = arith.addi %sub3A_101, %add3A_102 : vector<16xi32>
    %swap3A_104 = arith.constant 32 : index
    %swap3A_105 = tpu.vector_load %arg11[%swap3A_104] {strides = array<i32>} : memref<256xi32, #tpu.memory_space<vmem>>, vector<16xi32>,
    tpu.vector_store %arg11[%swap3A_104], %add3A_103 {strides = array<i32>} : memref<256xi32, #tpu.memory_space<vmem>>, vector<16xi32>,
    %reduce_sum3A_106 = arith.constant true
    %reduce_sum3A_107 = vector.broadcast %reduce_sum3A_106 : i1 to vector<16xi1>
    %reduce_sum3A_108 = tpu.scan <sum>, %get3A_97 masked %reduce_sum3A_107 : vector<16xi32>, vector<16xi1> -> vector<16xi32>
    %reduce_sum3A_109 = vector.extract %reduce_sum3A_108[15] : i32 from vector<16xi32>
    %add3A_110 = arith.addi %add3A_95, %reduce_sum3A_109 : i32
    %get3A_111 = arith.constant 48 : index
    %get3A_112 = tpu.vector_load %arg10[%get3A_111] {strides = array<i32>} : memref<256xi32, #tpu.memory_space<vmem>>, vector<16xi32>,
    %broadcast_in_dim3A_113 = arith.constant true
    %broadcast_in_dim3A_114 = vector.broadcast %broadcast_in_dim3A_113 : i1 to vector<16xi1>
    %masked_cumsum3A_115 = tpu.scan <sum>, %get3A_112 masked %broadcast_in_dim3A_114 : vector<16xi32>, vector<16xi1> -> vector<16xi32>
    %sub3A_116 = arith.subi %masked_cumsum3A_115, %get3A_112 : vector<16xi32>
    %add3A_117 = vector.broadcast %add3A_110 : i32 to vector<16xi32>
    %add3A_118 = arith.addi %sub3A_116, %add3A_117 : vector<16xi32>
    %swap3A_119 = arith.constant 48 : index
    %swap3A_120 = tpu.vector_load %arg11[%swap3A_119] {strides = array<i32>} : memref<256xi32, #tpu.memory_space<vmem>>, vector<16xi32>,
    tpu.vector_store %arg11[%swap3A_119], %add3A_118 {strides = array<i32>} : memref<256xi32, #tpu.memory_space<vmem>>, vector<16xi32>,
    %reduce_sum3A_121 = arith.constant true
    %reduce_sum3A_122 = vector.broadcast %reduce_sum3A_121 : i1 to vector<16xi1>
    %reduce_sum3A_123 = tpu.scan <sum>, %get3A_112 masked %reduce_sum3A_122 : vector<16xi32>, vector<16xi1> -> vector<16xi32>
    %reduce_sum3A_124 = vector.extract %reduce_sum3A_123[15] : i32 from vector<16xi32>
    %add3A_125 = arith.addi %add3A_110, %reduce_sum3A_124 : i32
    %get3A_126 = arith.constant 64 : index
    %get3A_127 = tpu.vector_load %arg10[%get3A_126] {strides = array<i32>} : memref<256xi32, #tpu.memory_space<vmem>>, vector<16xi32>,
    %broadcast_in_dim3A_128 = arith.constant true
    %broadcast_in_dim3A_129 = vector.broadcast %broadcast_in_dim3A_128 : i1 to vector<16xi1>
    %masked_cumsum3A_130 = tpu.scan <sum>, %get3A_127 masked %broadcast_in_dim3A_129 : vector<16xi32>, vector<16xi1> -> vector<16xi32>
    %sub3A_131 = arith.subi %masked_cumsum3A_130, %get3A_127 : vector<16xi32>
    %add3A_132 = vector.broadcast %add3A_125 : i32 to vector<16xi32>
    %add3A_133 = arith.addi %sub3A_131, %add3A_132 : vector<16xi32>
    %swap3A_134 = arith.constant 64 : index
    %swap3A_135 = tpu.vector_load %arg11[%swap3A_134] {strides = array<i32>} : memref<256xi32, #tpu.memory_space<vmem>>, vector<16xi32>,
    tpu.vector_store %arg11[%swap3A_134], %add3A_133 {strides = array<i32>} : memref<256xi32, #tpu.memory_space<vmem>>, vector<16xi32>,
    %reduce_sum3A_136 = arith.constant true
    %reduce_sum3A_137 = vector.broadcast %reduce_sum3A_136 : i1 to vector<16xi1>
    %reduce_sum3A_138 = tpu.scan <sum>, %get3A_127 masked %reduce_sum3A_137 : vector<16xi32>, vector<16xi1> -> vector<16xi32>
    %reduce_sum3A_139 = vector.extract %reduce_sum3A_138[15] : i32 from vector<16xi32>
    %add3A_140 = arith.addi %add3A_125, %reduce_sum3A_139 : i32
    %get3A_141 = arith.constant 80 : index
    %get3A_142 = tpu.vector_load %arg10[%get3A_141] {strides = array<i32>} : memref<256xi32, #tpu.memory_space<vmem>>, vector<16xi32>,
    %broadcast_in_dim3A_143 = arith.constant true
    %broadcast_in_dim3A_144 = vector.broadcast %broadcast_in_dim3A_143 : i1 to vector<16xi1>
    %masked_cumsum3A_145 = tpu.scan <sum>, %get3A_142 masked %broadcast_in_dim3A_144 : vector<16xi32>, vector<16xi1> -> vector<16xi32>
    %sub3A_146 = arith.subi %masked_cumsum3A_145, %get3A_142 : vector<16xi32>
    %add3A_147 = vector.broadcast %add3A_140 : i32 to vector<16xi32>
    %add3A_148 = arith.addi %sub3A_146, %add3A_147 : vector<16xi32>
    %swap3A_149 = arith.constant 80 : index
    %swap3A_150 = tpu.vector_load %arg11[%swap3A_149] {strides = array<i32>} : memref<256xi32, #tpu.memory_space<vmem>>, vector<16xi32>,
    tpu.vector_store %arg11[%swap3A_149], %add3A_148 {strides = array<i32>} : memref<256xi32, #tpu.memory_space<vmem>>, vector<16xi32>,
    %reduce_sum3A_151 = arith.constant true
    %reduce_sum3A_152 = vector.broadcast %reduce_sum3A_151 : i1 to vector<16xi1>
    %reduce_sum3A_153 = tpu.scan <sum>, %get3A_142 masked %reduce_sum3A_152 : vector<16xi32>, vector<16xi1> -> vector<16xi32>
    %reduce_sum3A_154 = vector.extract %reduce_sum3A_153[15] : i32 from vector<16xi32>
    %add3A_155 = arith.addi %add3A_140, %reduce_sum3A_154 : i32
    %get3A_156 = arith.constant 96 : index
    %get3A_157 = tpu.vector_load %arg10[%get3A_156] {strides = array<i32>} : memref<256xi32, #tpu.memory_space<vmem>>, vector<16xi32>,
    %broadcast_in_dim3A_158 = arith.constant true
    %broadcast_in_dim3A_159 = vector.broadcast %broadcast_in_dim3A_158 : i1 to vector<16xi1>
    %masked_cumsum3A_160 = tpu.scan <sum>, %get3A_157 masked %broadcast_in_dim3A_159 : vector<16xi32>, vector<16xi1> -> vector<16xi32>
    %sub3A_161 = arith.subi %masked_cumsum3A_160, %get3A_157 : vector<16xi32>
    %add3A_162 = vector.broadcast %add3A_155 : i32 to vector<16xi32>
    %add3A_163 = arith.addi %sub3A_161, %add3A_162 : vector<16xi32>
    %swap3A_164 = arith.constant 96 : index
    %swap3A_165 = tpu.vector_load %arg11[%swap3A_164] {strides = array<i32>} : memref<256xi32, #tpu.memory_space<vmem>>, vector<16xi32>,
    tpu.vector_store %arg11[%swap3A_164], %add3A_163 {strides = array<i32>} : memref<256xi32, #tpu.memory_space<vmem>>, vector<16xi32>,
    %reduce_sum3A_166 = arith.constant true
    %reduce_sum3A_167 = vector.broadcast %reduce_sum3A_166 : i1 to vector<16xi1>
    %reduce_sum3A_168 = tpu.scan <sum>, %get3A_157 masked %reduce_sum3A_167 : vector<16xi32>, vector<16xi1> -> vector<16xi32>
    %reduce_sum3A_169 = vector.extract %reduce_sum3A_168[15] : i32 from vector<16xi32>
    %add3A_170 = arith.addi %add3A_155, %reduce_sum3A_169 : i32
    %get3A_171 = arith.constant 112 : index
    %get3A_172 = tpu.vector_load %arg10[%get3A_171] {strides = array<i32>} : memref<256xi32, #tpu.memory_space<vmem>>, vector<16xi32>,
    %broadcast_in_dim3A_173 = arith.constant true
    %broadcast_in_dim3A_174 = vector.broadcast %broadcast_in_dim3A_173 : i1 to vector<16xi1>
    %masked_cumsum3A_175 = tpu.scan <sum>, %get3A_172 masked %broadcast_in_dim3A_174 : vector<16xi32>, vector<16xi1> -> vector<16xi32>
    %sub3A_176 = arith.subi %masked_cumsum3A_175, %get3A_172 : vector<16xi32>
    %add3A_177 = vector.broadcast %add3A_170 : i32 to vector<16xi32>
    %add3A_178 = arith.addi %sub3A_176, %add3A_177 : vector<16xi32>
    %swap3A_179 = arith.constant 112 : index
    %swap3A_180 = tpu.vector_load %arg11[%swap3A_179] {strides = array<i32>} : memref<256xi32, #tpu.memory_space<vmem>>, vector<16xi32>,
    tpu.vector_store %arg11[%swap3A_179], %add3A_178 {strides = array<i32>} : memref<256xi32, #tpu.memory_space<vmem>>, vector<16xi32>,
    %reduce_sum3A_181 = arith.constant true
    %reduce_sum3A_182 = vector.broadcast %reduce_sum3A_181 : i1 to vector<16xi1>
    %reduce_sum3A_183 = tpu.scan <sum>, %get3A_172 masked %reduce_sum3A_182 : vector<16xi32>, vector<16xi1> -> vector<16xi32>
    %reduce_sum3A_184 = vector.extract %reduce_sum3A_183[15] : i32 from vector<16xi32>
    %add3A_185 = arith.addi %add3A_170, %reduce_sum3A_184 : i32
    %get3A_186 = arith.constant 128 : index
    %get3A_187 = tpu.vector_load %arg10[%get3A_186] {strides = array<i32>} : memref<256xi32, #tpu.memory_space<vmem>>, vector<16xi32>,
    %broadcast_in_dim3A_188 = arith.constant true
    %broadcast_in_dim3A_189 = vector.broadcast %broadcast_in_dim3A_188 : i1 to vector<16xi1>
    %masked_cumsum3A_190 = tpu.scan <sum>, %get3A_187 masked %broadcast_in_dim3A_189 : vector<16xi32>, vector<16xi1> -> vector<16xi32>
    %sub3A_191 = arith.subi %masked_cumsum3A_190, %get3A_187 : vector<16xi32>
    %add3A_192 = vector.broadcast %add3A_185 : i32 to vector<16xi32>
    %add3A_193 = arith.addi %sub3A_191, %add3A_192 : vector<16xi32>
    %swap3A_194 = arith.constant 128 : index
    %swap3A_195 = tpu.vector_load %arg11[%swap3A_194] {strides = array<i32>} : memref<256xi32, #tpu.memory_space<vmem>>, vector<16xi32>,
    tpu.vector_store %arg11[%swap3A_194], %add3A_193 {strides = array<i32>} : memref<256xi32, #tpu.memory_space<vmem>>, vector<16xi32>,
    %reduce_sum3A_196 = arith.constant true
    %reduce_sum3A_197 = vector.broadcast %reduce_sum3A_196 : i1 to vector<16xi1>
    %reduce_sum3A_198 = tpu.scan <sum>, %get3A_187 masked %reduce_sum3A_197 : vector<16xi32>, vector<16xi1> -> vector<16xi32>
    %reduce_sum3A_199 = vector.extract %reduce_sum3A_198[15] : i32 from vector<16xi32>
    %add3A_200 = arith.addi %add3A_185, %reduce_sum3A_199 : i32
    %get3A_201 = arith.constant 144 : index
    %get3A_202 = tpu.vector_load %arg10[%get3A_201] {strides = array<i32>} : memref<256xi32, #tpu.memory_space<vmem>>, vector<16xi32>,
    %broadcast_in_dim3A_203 = arith.constant true
    %broadcast_in_dim3A_204 = vector.broadcast %broadcast_in_dim3A_203 : i1 to vector<16xi1>
    %masked_cumsum3A_205 = tpu.scan <sum>, %get3A_202 masked %broadcast_in_dim3A_204 : vector<16xi32>, vector<16xi1> -> vector<16xi32>
    %sub3A_206 = arith.subi %masked_cumsum3A_205, %get3A_202 : vector<16xi32>
    %add3A_207 = vector.broadcast %add3A_200 : i32 to vector<16xi32>
    %add3A_208 = arith.addi %sub3A_206, %add3A_207 : vector<16xi32>
    %swap3A_209 = arith.constant 144 : index
    %swap3A_210 = tpu.vector_load %arg11[%swap3A_209] {strides = array<i32>} : memref<256xi32, #tpu.memory_space<vmem>>, vector<16xi32>,
    tpu.vector_store %arg11[%swap3A_209], %add3A_208 {strides = array<i32>} : memref<256xi32, #tpu.memory_space<vmem>>, vector<16xi32>,
    %reduce_sum3A_211 = arith.constant true
    %reduce_sum3A_212 = vector.broadcast %reduce_sum3A_211 : i1 to vector<16xi1>
    %reduce_sum3A_213 = tpu.scan <sum>, %get3A_202 masked %reduce_sum3A_212 : vector<16xi32>, vector<16xi1> -> vector<16xi32>
    %reduce_sum3A_214 = vector.extract %reduce_sum3A_213[15] : i32 from vector<16xi32>
    %add3A_215 = arith.addi %add3A_200, %reduce_sum3A_214 : i32
    %get3A_216 = arith.constant 160 : index
    %get3A_217 = tpu.vector_load %arg10[%get3A_216] {strides = array<i32>} : memref<256xi32, #tpu.memory_space<vmem>>, vector<16xi32>,
    %broadcast_in_dim3A_218 = arith.constant true
    %broadcast_in_dim3A_219 = vector.broadcast %broadcast_in_dim3A_218 : i1 to vector<16xi1>
    %masked_cumsum3A_220 = tpu.scan <sum>, %get3A_217 masked %broadcast_in_dim3A_219 : vector<16xi32>, vector<16xi1> -> vector<16xi32>
    %sub3A_221 = arith.subi %masked_cumsum3A_220, %get3A_217 : vector<16xi32>
    %add3A_222 = vector.broadcast %add3A_215 : i32 to vector<16xi32>
    %add3A_223 = arith.addi %sub3A_221, %add3A_222 : vector<16xi32>
    %swap3A_224 = arith.constant 160 : index
    %swap3A_225 = tpu.vector_load %arg11[%swap3A_224] {strides = array<i32>} : memref<256xi32, #tpu.memory_space<vmem>>, vector<16xi32>,
    tpu.vector_store %arg11[%swap3A_224], %add3A_223 {strides = array<i32>} : memref<256xi32, #tpu.memory_space<vmem>>, vector<16xi32>,
    %reduce_sum3A_226 = arith.constant true
    %reduce_sum3A_227 = vector.broadcast %reduce_sum3A_226 : i1 to vector<16xi1>
    %reduce_sum3A_228 = tpu.scan <sum>, %get3A_217 masked %reduce_sum3A_227 : vector<16xi32>, vector<16xi1> -> vector<16xi32>
    %reduce_sum3A_229 = vector.extract %reduce_sum3A_228[15] : i32 from vector<16xi32>
    %add3A_230 = arith.addi %add3A_215, %reduce_sum3A_229 : i32
    %get3A_231 = arith.constant 176 : index
    %get3A_232 = tpu.vector_load %arg10[%get3A_231] {strides = array<i32>} : memref<256xi32, #tpu.memory_space<vmem>>, vector<16xi32>,
    %broadcast_in_dim3A_233 = arith.constant true
    %broadcast_in_dim3A_234 = vector.broadcast %broadcast_in_dim3A_233 : i1 to vector<16xi1>
    %masked_cumsum3A_235 = tpu.scan <sum>, %get3A_232 masked %broadcast_in_dim3A_234 : vector<16xi32>, vector<16xi1> -> vector<16xi32>
    %sub3A_236 = arith.subi %masked_cumsum3A_235, %get3A_232 : vector<16xi32>
    %add3A_237 = vector.broadcast %add3A_230 : i32 to vector<16xi32>
    %add3A_238 = arith.addi %sub3A_236, %add3A_237 : vector<16xi32>
    %swap3A_239 = arith.constant 176 : index
    %swap3A_240 = tpu.vector_load %arg11[%swap3A_239] {strides = array<i32>} : memref<256xi32, #tpu.memory_space<vmem>>, vector<16xi32>,
    tpu.vector_store %arg11[%swap3A_239], %add3A_238 {strides = array<i32>} : memref<256xi32, #tpu.memory_space<vmem>>, vector<16xi32>,
    %reduce_sum3A_241 = arith.constant true
    %reduce_sum3A_242 = vector.broadcast %reduce_sum3A_241 : i1 to vector<16xi1>
    %reduce_sum3A_243 = tpu.scan <sum>, %get3A_232 masked %reduce_sum3A_242 : vector<16xi32>, vector<16xi1> -> vector<16xi32>
    %reduce_sum3A_244 = vector.extract %reduce_sum3A_243[15] : i32 from vector<16xi32>
    %add3A_245 = arith.addi %add3A_230, %reduce_sum3A_244 : i32
    %get3A_246 = arith.constant 192 : index
    %get3A_247 = tpu.vector_load %arg10[%get3A_246] {strides = array<i32>} : memref<256xi32, #tpu.memory_space<vmem>>, vector<16xi32>,
    %broadcast_in_dim3A_248 = arith.constant true
    %broadcast_in_dim3A_249 = vector.broadcast %broadcast_in_dim3A_248 : i1 to vector<16xi1>
    %masked_cumsum3A_250 = tpu.scan <sum>, %get3A_247 masked %broadcast_in_dim3A_249 : vector<16xi32>, vector<16xi1> -> vector<16xi32>
    %sub3A_251 = arith.subi %masked_cumsum3A_250, %get3A_247 : vector<16xi32>
    %add3A_252 = vector.broadcast %add3A_245 : i32 to vector<16xi32>
    %add3A_253 = arith.addi %sub3A_251, %add3A_252 : vector<16xi32>
    %swap3A_254 = arith.constant 192 : index
    %swap3A_255 = tpu.vector_load %arg11[%swap3A_254] {strides = array<i32>} : memref<256xi32, #tpu.memory_space<vmem>>, vector<16xi32>,
    tpu.vector_store %arg11[%swap3A_254], %add3A_253 {strides = array<i32>} : memref<256xi32, #tpu.memory_space<vmem>>, vector<16xi32>,
    %reduce_sum3A_256 = arith.constant true
    %reduce_sum3A_257 = vector.broadcast %reduce_sum3A_256 : i1 to vector<16xi1>
    %reduce_sum3A_258 = tpu.scan <sum>, %get3A_247 masked %reduce_sum3A_257 : vector<16xi32>, vector<16xi1> -> vector<16xi32>
    %reduce_sum3A_259 = vector.extract %reduce_sum3A_258[15] : i32 from vector<16xi32>
    %add3A_260 = arith.addi %add3A_245, %reduce_sum3A_259 : i32
    %get3A_261 = arith.constant 208 : index
    %get3A_262 = tpu.vector_load %arg10[%get3A_261] {strides = array<i32>} : memref<256xi32, #tpu.memory_space<vmem>>, vector<16xi32>,
    %broadcast_in_dim3A_263 = arith.constant true
    %broadcast_in_dim3A_264 = vector.broadcast %broadcast_in_dim3A_263 : i1 to vector<16xi1>
    %masked_cumsum3A_265 = tpu.scan <sum>, %get3A_262 masked %broadcast_in_dim3A_264 : vector<16xi32>, vector<16xi1> -> vector<16xi32>
    %sub3A_266 = arith.subi %masked_cumsum3A_265, %get3A_262 : vector<16xi32>
    %add3A_267 = vector.broadcast %add3A_260 : i32 to vector<16xi32>
    %add3A_268 = arith.addi %sub3A_266, %add3A_267 : vector<16xi32>
    %swap3A_269 = arith.constant 208 : index
    %swap3A_270 = tpu.vector_load %arg11[%swap3A_269] {strides = array<i32>} : memref<256xi32, #tpu.memory_space<vmem>>, vector<16xi32>,
    tpu.vector_store %arg11[%swap3A_269], %add3A_268 {strides = array<i32>} : memref<256xi32, #tpu.memory_space<vmem>>, vector<16xi32>,
    %reduce_sum3A_271 = arith.constant true
    %reduce_sum3A_272 = vector.broadcast %reduce_sum3A_271 : i1 to vector<16xi1>
    %reduce_sum3A_273 = tpu.scan <sum>, %get3A_262 masked %reduce_sum3A_272 : vector<16xi32>, vector<16xi1> -> vector<16xi32>
    %reduce_sum3A_274 = vector.extract %reduce_sum3A_273[15] : i32 from vector<16xi32>
    %add3A_275 = arith.addi %add3A_260, %reduce_sum3A_274 : i32
    %get3A_276 = arith.constant 224 : index
    %get3A_277 = tpu.vector_load %arg10[%get3A_276] {strides = array<i32>} : memref<256xi32, #tpu.memory_space<vmem>>, vector<16xi32>,
    %broadcast_in_dim3A_278 = arith.constant true
    %broadcast_in_dim3A_279 = vector.broadcast %broadcast_in_dim3A_278 : i1 to vector<16xi1>
    %masked_cumsum3A_280 = tpu.scan <sum>, %get3A_277 masked %broadcast_in_dim3A_279 : vector<16xi32>, vector<16xi1> -> vector<16xi32>
    %sub3A_281 = arith.subi %masked_cumsum3A_280, %get3A_277 : vector<16xi32>
    %add3A_282 = vector.broadcast %add3A_275 : i32 to vector<16xi32>
    %add3A_283 = arith.addi %sub3A_281, %add3A_282 : vector<16xi32>
    %swap3A_284 = arith.constant 224 : index
    %swap3A_285 = tpu.vector_load %arg11[%swap3A_284] {strides = array<i32>} : memref<256xi32, #tpu.memory_space<vmem>>, vector<16xi32>,
    tpu.vector_store %arg11[%swap3A_284], %add3A_283 {strides = array<i32>} : memref<256xi32, #tpu.memory_space<vmem>>, vector<16xi32>,
    %reduce_sum3A_286 = arith.constant true
    %reduce_sum3A_287 = vector.broadcast %reduce_sum3A_286 : i1 to vector<16xi1>
    %reduce_sum3A_288 = tpu.scan <sum>, %get3A_277 masked %reduce_sum3A_287 : vector<16xi32>, vector<16xi1> -> vector<16xi32>
    %reduce_sum3A_289 = vector.extract %reduce_sum3A_288[15] : i32 from vector<16xi32>
    %add3A_290 = arith.addi %add3A_275, %reduce_sum3A_289 : i32
    %get3A_291 = arith.constant 240 : index
    %get3A_292 = tpu.vector_load %arg10[%get3A_291] {strides = array<i32>} : memref<256xi32, #tpu.memory_space<vmem>>, vector<16xi32>,
    %broadcast_in_dim3A_293 = arith.constant true
    %broadcast_in_dim3A_294 = vector.broadcast %broadcast_in_dim3A_293 : i1 to vector<16xi1>
    %masked_cumsum3A_295 = tpu.scan <sum>, %get3A_292 masked %broadcast_in_dim3A_294 : vector<16xi32>, vector<16xi1> -> vector<16xi32>
    %sub3A_296 = arith.subi %masked_cumsum3A_295, %get3A_292 : vector<16xi32>
    %add3A_297 = vector.broadcast %add3A_290 : i32 to vector<16xi32>
    %add3A_298 = arith.addi %sub3A_296, %add3A_297 : vector<16xi32>
    %swap3A_299 = arith.constant 240 : index
    %swap3A_300 = tpu.vector_load %arg11[%swap3A_299] {strides = array<i32>} : memref<256xi32, #tpu.memory_space<vmem>>, vector<16xi32>,
    tpu.vector_store %arg11[%swap3A_299], %add3A_298 {strides = array<i32>} : memref<256xi32, #tpu.memory_space<vmem>>, vector<16xi32>,
    %reduce_sum3A_301 = arith.constant true
    %reduce_sum3A_302 = vector.broadcast %reduce_sum3A_301 : i1 to vector<16xi1>
    %reduce_sum3A_303 = tpu.scan <sum>, %get3A_292 masked %reduce_sum3A_302 : vector<16xi32>, vector<16xi1> -> vector<16xi32>
    %reduce_sum3A_304 = vector.extract %reduce_sum3A_303[15] : i32 from vector<16xi32>
    %add3A_305 = arith.addi %add3A_290, %reduce_sum3A_304 : i32
    %get3A_306 = arith.constant 0 : index
    %get3A_307 = tpu.vector_load %arg11[%get3A_306] {strides = array<i32>} : memref<256xi32, #tpu.memory_space<vmem>>, vector<16xi32>,
    %swap3A_308 = arith.constant 0 : index
    %swap3A_309 = tpu.vector_load %arg10[%swap3A_308] {strides = array<i32>} : memref<256xi32, #tpu.memory_space<vmem>>, vector<16xi32>,
    tpu.vector_store %arg10[%swap3A_308], %get3A_307 {strides = array<i32>} : memref<256xi32, #tpu.memory_space<vmem>>, vector<16xi32>,
    %get3A_310 = arith.constant 16 : index
    %get3A_311 = tpu.vector_load %arg11[%get3A_310] {strides = array<i32>} : memref<256xi32, #tpu.memory_space<vmem>>, vector<16xi32>,
    %swap3A_312 = arith.constant 16 : index
    %swap3A_313 = tpu.vector_load %arg10[%swap3A_312] {strides = array<i32>} : memref<256xi32, #tpu.memory_space<vmem>>, vector<16xi32>,
    tpu.vector_store %arg10[%swap3A_312], %get3A_311 {strides = array<i32>} : memref<256xi32, #tpu.memory_space<vmem>>, vector<16xi32>,
    %get3A_314 = arith.constant 32 : index
    %get3A_315 = tpu.vector_load %arg11[%get3A_314] {strides = array<i32>} : memref<256xi32, #tpu.memory_space<vmem>>, vector<16xi32>,
    %swap3A_316 = arith.constant 32 : index
    %swap3A_317 = tpu.vector_load %arg10[%swap3A_316] {strides = array<i32>} : memref<256xi32, #tpu.memory_space<vmem>>, vector<16xi32>,
    tpu.vector_store %arg10[%swap3A_316], %get3A_315 {strides = array<i32>} : memref<256xi32, #tpu.memory_space<vmem>>, vector<16xi32>,
    %get3A_318 = arith.constant 48 : index
    %get3A_319 = tpu.vector_load %arg11[%get3A_318] {strides = array<i32>} : memref<256xi32, #tpu.memory_space<vmem>>, vector<16xi32>,
    %swap3A_320 = arith.constant 48 : index
    %swap3A_321 = tpu.vector_load %arg10[%swap3A_320] {strides = array<i32>} : memref<256xi32, #tpu.memory_space<vmem>>, vector<16xi32>,
    tpu.vector_store %arg10[%swap3A_320], %get3A_319 {strides = array<i32>} : memref<256xi32, #tpu.memory_space<vmem>>, vector<16xi32>,
    %get3A_322 = arith.constant 64 : index
    %get3A_323 = tpu.vector_load %arg11[%get3A_322] {strides = array<i32>} : memref<256xi32, #tpu.memory_space<vmem>>, vector<16xi32>,
    %swap3A_324 = arith.constant 64 : index
    %swap3A_325 = tpu.vector_load %arg10[%swap3A_324] {strides = array<i32>} : memref<256xi32, #tpu.memory_space<vmem>>, vector<16xi32>,
    tpu.vector_store %arg10[%swap3A_324], %get3A_323 {strides = array<i32>} : memref<256xi32, #tpu.memory_space<vmem>>, vector<16xi32>,
    %get3A_326 = arith.constant 80 : index
    %get3A_327 = tpu.vector_load %arg11[%get3A_326] {strides = array<i32>} : memref<256xi32, #tpu.memory_space<vmem>>, vector<16xi32>,
    %swap3A_328 = arith.constant 80 : index
    %swap3A_329 = tpu.vector_load %arg10[%swap3A_328] {strides = array<i32>} : memref<256xi32, #tpu.memory_space<vmem>>, vector<16xi32>,
    tpu.vector_store %arg10[%swap3A_328], %get3A_327 {strides = array<i32>} : memref<256xi32, #tpu.memory_space<vmem>>, vector<16xi32>,
    %get3A_330 = arith.constant 96 : index
    %get3A_331 = tpu.vector_load %arg11[%get3A_330] {strides = array<i32>} : memref<256xi32, #tpu.memory_space<vmem>>, vector<16xi32>,
    %swap3A_332 = arith.constant 96 : index
    %swap3A_333 = tpu.vector_load %arg10[%swap3A_332] {strides = array<i32>} : memref<256xi32, #tpu.memory_space<vmem>>, vector<16xi32>,
    tpu.vector_store %arg10[%swap3A_332], %get3A_331 {strides = array<i32>} : memref<256xi32, #tpu.memory_space<vmem>>, vector<16xi32>,
    %get3A_334 = arith.constant 112 : index
    %get3A_335 = tpu.vector_load %arg11[%get3A_334] {strides = array<i32>} : memref<256xi32, #tpu.memory_space<vmem>>, vector<16xi32>,
    %swap3A_336 = arith.constant 112 : index
    %swap3A_337 = tpu.vector_load %arg10[%swap3A_336] {strides = array<i32>} : memref<256xi32, #tpu.memory_space<vmem>>, vector<16xi32>,
    tpu.vector_store %arg10[%swap3A_336], %get3A_335 {strides = array<i32>} : memref<256xi32, #tpu.memory_space<vmem>>, vector<16xi32>,
    %get3A_338 = arith.constant 128 : index
    %get3A_339 = tpu.vector_load %arg11[%get3A_338] {strides = array<i32>} : memref<256xi32, #tpu.memory_space<vmem>>, vector<16xi32>,
    %swap3A_340 = arith.constant 128 : index
    %swap3A_341 = tpu.vector_load %arg10[%swap3A_340] {strides = array<i32>} : memref<256xi32, #tpu.memory_space<vmem>>, vector<16xi32>,
    tpu.vector_store %arg10[%swap3A_340], %get3A_339 {strides = array<i32>} : memref<256xi32, #tpu.memory_space<vmem>>, vector<16xi32>,
    %get3A_342 = arith.constant 144 : index
    %get3A_343 = tpu.vector_load %arg11[%get3A_342] {strides = array<i32>} : memref<256xi32, #tpu.memory_space<vmem>>, vector<16xi32>,
    %swap3A_344 = arith.constant 144 : index
    %swap3A_345 = tpu.vector_load %arg10[%swap3A_344] {strides = array<i32>} : memref<256xi32, #tpu.memory_space<vmem>>, vector<16xi32>,
    tpu.vector_store %arg10[%swap3A_344], %get3A_343 {strides = array<i32>} : memref<256xi32, #tpu.memory_space<vmem>>, vector<16xi32>,
    %get3A_346 = arith.constant 160 : index
    %get3A_347 = tpu.vector_load %arg11[%get3A_346] {strides = array<i32>} : memref<256xi32, #tpu.memory_space<vmem>>, vector<16xi32>,
    %swap3A_348 = arith.constant 160 : index
    %swap3A_349 = tpu.vector_load %arg10[%swap3A_348] {strides = array<i32>} : memref<256xi32, #tpu.memory_space<vmem>>, vector<16xi32>,
    tpu.vector_store %arg10[%swap3A_348], %get3A_347 {strides = array<i32>} : memref<256xi32, #tpu.memory_space<vmem>>, vector<16xi32>,
    %get3A_350 = arith.constant 176 : index
    %get3A_351 = tpu.vector_load %arg11[%get3A_350] {strides = array<i32>} : memref<256xi32, #tpu.memory_space<vmem>>, vector<16xi32>,
    %swap3A_352 = arith.constant 176 : index
    %swap3A_353 = tpu.vector_load %arg10[%swap3A_352] {strides = array<i32>} : memref<256xi32, #tpu.memory_space<vmem>>, vector<16xi32>,
    tpu.vector_store %arg10[%swap3A_352], %get3A_351 {strides = array<i32>} : memref<256xi32, #tpu.memory_space<vmem>>, vector<16xi32>,
    %get3A_354 = arith.constant 192 : index
    %get3A_355 = tpu.vector_load %arg11[%get3A_354] {strides = array<i32>} : memref<256xi32, #tpu.memory_space<vmem>>, vector<16xi32>,
    %swap3A_356 = arith.constant 192 : index
    %swap3A_357 = tpu.vector_load %arg10[%swap3A_356] {strides = array<i32>} : memref<256xi32, #tpu.memory_space<vmem>>, vector<16xi32>,
    tpu.vector_store %arg10[%swap3A_356], %get3A_355 {strides = array<i32>} : memref<256xi32, #tpu.memory_space<vmem>>, vector<16xi32>,
    %get3A_358 = arith.constant 208 : index
    %get3A_359 = tpu.vector_load %arg11[%get3A_358] {strides = array<i32>} : memref<256xi32, #tpu.memory_space<vmem>>, vector<16xi32>,
    %swap3A_360 = arith.constant 208 : index
    %swap3A_361 = tpu.vector_load %arg10[%swap3A_360] {strides = array<i32>} : memref<256xi32, #tpu.memory_space<vmem>>, vector<16xi32>,
    tpu.vector_store %arg10[%swap3A_360], %get3A_359 {strides = array<i32>} : memref<256xi32, #tpu.memory_space<vmem>>, vector<16xi32>,
    %get3A_362 = arith.constant 224 : index
    %get3A_363 = tpu.vector_load %arg11[%get3A_362] {strides = array<i32>} : memref<256xi32, #tpu.memory_space<vmem>>, vector<16xi32>,
    %swap3A_364 = arith.constant 224 : index
    %swap3A_365 = tpu.vector_load %arg10[%swap3A_364] {strides = array<i32>} : memref<256xi32, #tpu.memory_space<vmem>>, vector<16xi32>,
    tpu.vector_store %arg10[%swap3A_364], %get3A_363 {strides = array<i32>} : memref<256xi32, #tpu.memory_space<vmem>>, vector<16xi32>,
    %get3A_366 = arith.constant 240 : index
    %get3A_367 = tpu.vector_load %arg11[%get3A_366] {strides = array<i32>} : memref<256xi32, #tpu.memory_space<vmem>>, vector<16xi32>,
    %swap3A_368 = arith.constant 240 : index
    %swap3A_369 = tpu.vector_load %arg10[%swap3A_368] {strides = array<i32>} : memref<256xi32, #tpu.memory_space<vmem>>, vector<16xi32>,
    tpu.vector_store %arg10[%swap3A_368], %get3A_367 {strides = array<i32>} : memref<256xi32, #tpu.memory_space<vmem>>, vector<16xi32>,
    %scan3A_370 = arith.constant 0 : i32
    %scan3A_371 = arith.constant 1024 : i32
    %scan3A_372 = arith.addi %scan3A_370, %scan3A_371 : i32
    %scan3A_373 = arith.constant 8 : i32
    scf.for %scan3A_1051 = %scan3A_370 to %scan3A_372 step %scan3A_373  : i32 {
      %mul3A_1052 = arith.constant 1 : i32
      %mul3A_1053 = arith.muli %scan3A_1051, %mul3A_1052 : i32
      %add3A_1054 = arith.constant 0 : i32
      %add3A_1055 = arith.addi %add3A_1054, %mul3A_1053 : i32
      %mul3A_1056 = arith.constant 16 : i32
      %mul3A_1057 = arith.muli %mul3A_1056, %add3A_1055 : i32
      %get3A_1058 = arith.index_cast %mul3A_1057 : i32 to index
      %get3A_1059 = tpu.vector_load %arg6[%get3A_1058] {strides = array<i32>} : memref<16384xi32, #tpu.memory_space<vmem>>, vector<16xi32>,
      %mul3A_1060 = arith.constant 16 : i32
      %mul3A_1061 = arith.muli %mul3A_1060, %add3A_1055 : i32
      %iota3A_1062 = tpu.iota {dimensions = array<i32: 0>} : vector<16xi32>
      %add3A_1063 = vector.broadcast %mul3A_1061 : i32 to vector<16xi32>
      %add3A_1064 = arith.addi %add3A_1063, %iota3A_1062 : vector<16xi32>
      %shift_right_arithmetic3A_1065 = arith.constant 12 : i32
      %shift_right_arithmetic3A_1066 = vector.broadcast %shift_right_arithmetic3A_1065 : i32 to vector<16xi32>
      %shift_right_arithmetic3A_1067 = arith.shrsi %get3A_1059, %shift_right_arithmetic3A_1066 : vector<16xi32>
      %broadcast_in_dim3A_1068 = arith.constant true
      %broadcast_in_dim3A_1069 = vector.broadcast %broadcast_in_dim3A_1068 : i1 to vector<16xi1>
      %unique3A, %unique3A_1070 = tpu.scan_count mask(%broadcast_in_dim3A_1069 : vector<16xi1>) value(%shift_right_arithmetic3A_1067 : vector<16xi32>) : vector<16xi1>, vector<16xi32>
      %gather3A = tpu.vector_load_idx %arg10[%shift_right_arithmetic3A_1067] : memref<256xi32, #tpu.memory_space<vmem>>[vector<16xi32>], vector<16xi32>,
      %add3A_1071 = arith.addi %gather3A, %unique3A_1070 : vector<16xi32>
      %sub3A_1072 = arith.constant 1 : i32
      %sub3A_1073 = vector.broadcast %sub3A_1072 : i32 to vector<16xi32>
      %sub3A_1074 = arith.subi %add3A_1071, %sub3A_1073 : vector<16xi32>
      %and3A_1075 = arith.constant 4095 : i32
      %and3A_1076 = vector.broadcast %and3A_1075 : i32 to vector<16xi32>
      %and3A_1077 = arith.andi %get3A_1059, %and3A_1076 : vector<16xi32>
      %shift_left3A = arith.constant 14 : i32
      %shift_left3A_1078 = vector.broadcast %shift_left3A : i32 to vector<16xi32>
      %shift_left3A_1079 = arith.shli %and3A_1077, %shift_left3A_1078 : vector<16xi32>
      %or3A = arith.ori %shift_left3A_1079, %add3A_1064 : vector<16xi32>
      tpu.vector_store_idx %arg8[%sub3A_1074], %or3A : memref<16400xi32, #tpu.memory_space<vmem>>[vector<16xi32>], vector<16xi32>,
      tpu.vector_store_idx %arg10[%shift_right_arithmetic3A_1067], %unique3A_1070 masked %unique3A {add = true} : memref<256xi32, #tpu.memory_space<vmem>>[vector<16xi32>], vector<16xi32>, vector<16xi1>
      %scan3A_1080 = arith.constant 1 : i32
      %scan3A_1081 = arith.addi %scan3A_1051, %scan3A_1080 : i32
      %mul3A_1082 = arith.constant 1 : i32
      %mul3A_1083 = arith.muli %scan3A_1081, %mul3A_1082 : i32
      %add3A_1084 = arith.constant 0 : i32
      %add3A_1085 = arith.addi %add3A_1084, %mul3A_1083 : i32
      %mul3A_1086 = arith.constant 16 : i32
      %mul3A_1087 = arith.muli %mul3A_1086, %add3A_1085 : i32
      %get3A_1088 = arith.index_cast %mul3A_1087 : i32 to index
      %get3A_1089 = tpu.vector_load %arg6[%get3A_1088] {strides = array<i32>} : memref<16384xi32, #tpu.memory_space<vmem>>, vector<16xi32>,
      %mul3A_1090 = arith.constant 16 : i32
      %mul3A_1091 = arith.muli %mul3A_1090, %add3A_1085 : i32
      %iota3A_1092 = tpu.iota {dimensions = array<i32: 0>} : vector<16xi32>
      %add3A_1093 = vector.broadcast %mul3A_1091 : i32 to vector<16xi32>
      %add3A_1094 = arith.addi %add3A_1093, %iota3A_1092 : vector<16xi32>
      %shift_right_arithmetic3A_1095 = arith.constant 12 : i32
      %shift_right_arithmetic3A_1096 = vector.broadcast %shift_right_arithmetic3A_1095 : i32 to vector<16xi32>
      %shift_right_arithmetic3A_1097 = arith.shrsi %get3A_1089, %shift_right_arithmetic3A_1096 : vector<16xi32>
      %broadcast_in_dim3A_1098 = arith.constant true
      %broadcast_in_dim3A_1099 = vector.broadcast %broadcast_in_dim3A_1098 : i1 to vector<16xi1>
      %unique3A_1100, %unique3A_1101 = tpu.scan_count mask(%broadcast_in_dim3A_1099 : vector<16xi1>) value(%shift_right_arithmetic3A_1097 : vector<16xi32>) : vector<16xi1>, vector<16xi32>
      %gather3A_1102 = tpu.vector_load_idx %arg10[%shift_right_arithmetic3A_1097] : memref<256xi32, #tpu.memory_space<vmem>>[vector<16xi32>], vector<16xi32>,
      %add3A_1103 = arith.addi %gather3A_1102, %unique3A_1101 : vector<16xi32>
      %sub3A_1104 = arith.constant 1 : i32
      %sub3A_1105 = vector.broadcast %sub3A_1104 : i32 to vector<16xi32>
      %sub3A_1106 = arith.subi %add3A_1103, %sub3A_1105 : vector<16xi32>
      %and3A_1107 = arith.constant 4095 : i32
      %and3A_1108 = vector.broadcast %and3A_1107 : i32 to vector<16xi32>
      %and3A_1109 = arith.andi %get3A_1089, %and3A_1108 : vector<16xi32>
      %shift_left3A_1110 = arith.constant 14 : i32
      %shift_left3A_1111 = vector.broadcast %shift_left3A_1110 : i32 to vector<16xi32>
      %shift_left3A_1112 = arith.shli %and3A_1109, %shift_left3A_1111 : vector<16xi32>
      %or3A_1113 = arith.ori %shift_left3A_1112, %add3A_1094 : vector<16xi32>
      tpu.vector_store_idx %arg8[%sub3A_1106], %or3A_1113 : memref<16400xi32, #tpu.memory_space<vmem>>[vector<16xi32>], vector<16xi32>,
      tpu.vector_store_idx %arg10[%shift_right_arithmetic3A_1097], %unique3A_1101 masked %unique3A_1100 {add = true} : memref<256xi32, #tpu.memory_space<vmem>>[vector<16xi32>], vector<16xi32>, vector<16xi1>
      %scan3A_1114 = arith.constant 2 : i32
      %scan3A_1115 = arith.addi %scan3A_1051, %scan3A_1114 : i32
      %mul3A_1116 = arith.constant 1 : i32
      %mul3A_1117 = arith.muli %scan3A_1115, %mul3A_1116 : i32
      %add3A_1118 = arith.constant 0 : i32
      %add3A_1119 = arith.addi %add3A_1118, %mul3A_1117 : i32
      %mul3A_1120 = arith.constant 16 : i32
      %mul3A_1121 = arith.muli %mul3A_1120, %add3A_1119 : i32
      %get3A_1122 = arith.index_cast %mul3A_1121 : i32 to index
      %get3A_1123 = tpu.vector_load %arg6[%get3A_1122] {strides = array<i32>} : memref<16384xi32, #tpu.memory_space<vmem>>, vector<16xi32>,
      %mul3A_1124 = arith.constant 16 : i32
      %mul3A_1125 = arith.muli %mul3A_1124, %add3A_1119 : i32
      %iota3A_1126 = tpu.iota {dimensions = array<i32: 0>} : vector<16xi32>
      %add3A_1127 = vector.broadcast %mul3A_1125 : i32 to vector<16xi32>
      %add3A_1128 = arith.addi %add3A_1127, %iota3A_1126 : vector<16xi32>
      %shift_right_arithmetic3A_1129 = arith.constant 12 : i32
      %shift_right_arithmetic3A_1130 = vector.broadcast %shift_right_arithmetic3A_1129 : i32 to vector<16xi32>
      %shift_right_arithmetic3A_1131 = arith.shrsi %get3A_1123, %shift_right_arithmetic3A_1130 : vector<16xi32>
      %broadcast_in_dim3A_1132 = arith.constant true
      %broadcast_in_dim3A_1133 = vector.broadcast %broadcast_in_dim3A_1132 : i1 to vector<16xi1>
      %unique3A_1134, %unique3A_1135 = tpu.scan_count mask(%broadcast_in_dim3A_1133 : vector<16xi1>) value(%shift_right_arithmetic3A_1131 : vector<16xi32>) : vector<16xi1>, vector<16xi32>
      %gather3A_1136 = tpu.vector_load_idx %arg10[%shift_right_arithmetic3A_1131] : memref<256xi32, #tpu.memory_space<vmem>>[vector<16xi32>], vector<16xi32>,
      %add3A_1137 = arith.addi %gather3A_1136, %unique3A_1135 : vector<16xi32>
      %sub3A_1138 = arith.constant 1 : i32
      %sub3A_1139 = vector.broadcast %sub3A_1138 : i32 to vector<16xi32>
      %sub3A_1140 = arith.subi %add3A_1137, %sub3A_1139 : vector<16xi32>
      %and3A_1141 = arith.constant 4095 : i32
      %and3A_1142 = vector.broadcast %and3A_1141 : i32 to vector<16xi32>
      %and3A_1143 = arith.andi %get3A_1123, %and3A_1142 : vector<16xi32>
      %shift_left3A_1144 = arith.constant 14 : i32
      %shift_left3A_1145 = vector.broadcast %shift_left3A_1144 : i32 to vector<16xi32>
      %shift_left3A_1146 = arith.shli %and3A_1143, %shift_left3A_1145 : vector<16xi32>
      %or3A_1147 = arith.ori %shift_left3A_1146, %add3A_1128 : vector<16xi32>
      tpu.vector_store_idx %arg8[%sub3A_1140], %or3A_1147 : memref<16400xi32, #tpu.memory_space<vmem>>[vector<16xi32>], vector<16xi32>,
      tpu.vector_store_idx %arg10[%shift_right_arithmetic3A_1131], %unique3A_1135 masked %unique3A_1134 {add = true} : memref<256xi32, #tpu.memory_space<vmem>>[vector<16xi32>], vector<16xi32>, vector<16xi1>
      %scan3A_1148 = arith.constant 3 : i32
      %scan3A_1149 = arith.addi %scan3A_1051, %scan3A_1148 : i32
      %mul3A_1150 = arith.constant 1 : i32
      %mul3A_1151 = arith.muli %scan3A_1149, %mul3A_1150 : i32
      %add3A_1152 = arith.constant 0 : i32
      %add3A_1153 = arith.addi %add3A_1152, %mul3A_1151 : i32
      %mul3A_1154 = arith.constant 16 : i32
      %mul3A_1155 = arith.muli %mul3A_1154, %add3A_1153 : i32
      %get3A_1156 = arith.index_cast %mul3A_1155 : i32 to index
      %get3A_1157 = tpu.vector_load %arg6[%get3A_1156] {strides = array<i32>} : memref<16384xi32, #tpu.memory_space<vmem>>, vector<16xi32>,
      %mul3A_1158 = arith.constant 16 : i32
      %mul3A_1159 = arith.muli %mul3A_1158, %add3A_1153 : i32
      %iota3A_1160 = tpu.iota {dimensions = array<i32: 0>} : vector<16xi32>
      %add3A_1161 = vector.broadcast %mul3A_1159 : i32 to vector<16xi32>
      %add3A_1162 = arith.addi %add3A_1161, %iota3A_1160 : vector<16xi32>
      %shift_right_arithmetic3A_1163 = arith.constant 12 : i32
      %shift_right_arithmetic3A_1164 = vector.broadcast %shift_right_arithmetic3A_1163 : i32 to vector<16xi32>
      %shift_right_arithmetic3A_1165 = arith.shrsi %get3A_1157, %shift_right_arithmetic3A_1164 : vector<16xi32>
      %broadcast_in_dim3A_1166 = arith.constant true
      %broadcast_in_dim3A_1167 = vector.broadcast %broadcast_in_dim3A_1166 : i1 to vector<16xi1>
      %unique3A_1168, %unique3A_1169 = tpu.scan_count mask(%broadcast_in_dim3A_1167 : vector<16xi1>) value(%shift_right_arithmetic3A_1165 : vector<16xi32>) : vector<16xi1>, vector<16xi32>
      %gather3A_1170 = tpu.vector_load_idx %arg10[%shift_right_arithmetic3A_1165] : memref<256xi32, #tpu.memory_space<vmem>>[vector<16xi32>], vector<16xi32>,
      %add3A_1171 = arith.addi %gather3A_1170, %unique3A_1169 : vector<16xi32>
      %sub3A_1172 = arith.constant 1 : i32
      %sub3A_1173 = vector.broadcast %sub3A_1172 : i32 to vector<16xi32>
      %sub3A_1174 = arith.subi %add3A_1171, %sub3A_1173 : vector<16xi32>
      %and3A_1175 = arith.constant 4095 : i32
      %and3A_1176 = vector.broadcast %and3A_1175 : i32 to vector<16xi32>
      %and3A_1177 = arith.andi %get3A_1157, %and3A_1176 : vector<16xi32>
      %shift_left3A_1178 = arith.constant 14 : i32
      %shift_left3A_1179 = vector.broadcast %shift_left3A_1178 : i32 to vector<16xi32>
      %shift_left3A_1180 = arith.shli %and3A_1177, %shift_left3A_1179 : vector<16xi32>
      %or3A_1181 = arith.ori %shift_left3A_1180, %add3A_1162 : vector<16xi32>
      tpu.vector_store_idx %arg8[%sub3A_1174], %or3A_1181 : memref<16400xi32, #tpu.memory_space<vmem>>[vector<16xi32>], vector<16xi32>,
      tpu.vector_store_idx %arg10[%shift_right_arithmetic3A_1165], %unique3A_1169 masked %unique3A_1168 {add = true} : memref<256xi32, #tpu.memory_space<vmem>>[vector<16xi32>], vector<16xi32>, vector<16xi1>
      %scan3A_1182 = arith.constant 4 : i32
      %scan3A_1183 = arith.addi %scan3A_1051, %scan3A_1182 : i32
      %mul3A_1184 = arith.constant 1 : i32
      %mul3A_1185 = arith.muli %scan3A_1183, %mul3A_1184 : i32
      %add3A_1186 = arith.constant 0 : i32
      %add3A_1187 = arith.addi %add3A_1186, %mul3A_1185 : i32
      %mul3A_1188 = arith.constant 16 : i32
      %mul3A_1189 = arith.muli %mul3A_1188, %add3A_1187 : i32
      %get3A_1190 = arith.index_cast %mul3A_1189 : i32 to index
      %get3A_1191 = tpu.vector_load %arg6[%get3A_1190] {strides = array<i32>} : memref<16384xi32, #tpu.memory_space<vmem>>, vector<16xi32>,
      %mul3A_1192 = arith.constant 16 : i32
      %mul3A_1193 = arith.muli %mul3A_1192, %add3A_1187 : i32
      %iota3A_1194 = tpu.iota {dimensions = array<i32: 0>} : vector<16xi32>
      %add3A_1195 = vector.broadcast %mul3A_1193 : i32 to vector<16xi32>
      %add3A_1196 = arith.addi %add3A_1195, %iota3A_1194 : vector<16xi32>
      %shift_right_arithmetic3A_1197 = arith.constant 12 : i32
      %shift_right_arithmetic3A_1198 = vector.broadcast %shift_right_arithmetic3A_1197 : i32 to vector<16xi32>
      %shift_right_arithmetic3A_1199 = arith.shrsi %get3A_1191, %shift_right_arithmetic3A_1198 : vector<16xi32>
      %broadcast_in_dim3A_1200 = arith.constant true
      %broadcast_in_dim3A_1201 = vector.broadcast %broadcast_in_dim3A_1200 : i1 to vector<16xi1>
      %unique3A_1202, %unique3A_1203 = tpu.scan_count mask(%broadcast_in_dim3A_1201 : vector<16xi1>) value(%shift_right_arithmetic3A_1199 : vector<16xi32>) : vector<16xi1>, vector<16xi32>
      %gather3A_1204 = tpu.vector_load_idx %arg10[%shift_right_arithmetic3A_1199] : memref<256xi32, #tpu.memory_space<vmem>>[vector<16xi32>], vector<16xi32>,
      %add3A_1205 = arith.addi %gather3A_1204, %unique3A_1203 : vector<16xi32>
      %sub3A_1206 = arith.constant 1 : i32
      %sub3A_1207 = vector.broadcast %sub3A_1206 : i32 to vector<16xi32>
      %sub3A_1208 = arith.subi %add3A_1205, %sub3A_1207 : vector<16xi32>
      %and3A_1209 = arith.constant 4095 : i32
      %and3A_1210 = vector.broadcast %and3A_1209 : i32 to vector<16xi32>
      %and3A_1211 = arith.andi %get3A_1191, %and3A_1210 : vector<16xi32>
      %shift_left3A_1212 = arith.constant 14 : i32
      %shift_left3A_1213 = vector.broadcast %shift_left3A_1212 : i32 to vector<16xi32>
      %shift_left3A_1214 = arith.shli %and3A_1211, %shift_left3A_1213 : vector<16xi32>
      %or3A_1215 = arith.ori %shift_left3A_1214, %add3A_1196 : vector<16xi32>
      tpu.vector_store_idx %arg8[%sub3A_1208], %or3A_1215 : memref<16400xi32, #tpu.memory_space<vmem>>[vector<16xi32>], vector<16xi32>,
      tpu.vector_store_idx %arg10[%shift_right_arithmetic3A_1199], %unique3A_1203 masked %unique3A_1202 {add = true} : memref<256xi32, #tpu.memory_space<vmem>>[vector<16xi32>], vector<16xi32>, vector<16xi1>
      %scan3A_1216 = arith.constant 5 : i32
      %scan3A_1217 = arith.addi %scan3A_1051, %scan3A_1216 : i32
      %mul3A_1218 = arith.constant 1 : i32
      %mul3A_1219 = arith.muli %scan3A_1217, %mul3A_1218 : i32
      %add3A_1220 = arith.constant 0 : i32
      %add3A_1221 = arith.addi %add3A_1220, %mul3A_1219 : i32
      %mul3A_1222 = arith.constant 16 : i32
      %mul3A_1223 = arith.muli %mul3A_1222, %add3A_1221 : i32
      %get3A_1224 = arith.index_cast %mul3A_1223 : i32 to index
      %get3A_1225 = tpu.vector_load %arg6[%get3A_1224] {strides = array<i32>} : memref<16384xi32, #tpu.memory_space<vmem>>, vector<16xi32>,
      %mul3A_1226 = arith.constant 16 : i32
      %mul3A_1227 = arith.muli %mul3A_1226, %add3A_1221 : i32
      %iota3A_1228 = tpu.iota {dimensions = array<i32: 0>} : vector<16xi32>
      %add3A_1229 = vector.broadcast %mul3A_1227 : i32 to vector<16xi32>
      %add3A_1230 = arith.addi %add3A_1229, %iota3A_1228 : vector<16xi32>
      %shift_right_arithmetic3A_1231 = arith.constant 12 : i32
      %shift_right_arithmetic3A_1232 = vector.broadcast %shift_right_arithmetic3A_1231 : i32 to vector<16xi32>
      %shift_right_arithmetic3A_1233 = arith.shrsi %get3A_1225, %shift_right_arithmetic3A_1232 : vector<16xi32>
      %broadcast_in_dim3A_1234 = arith.constant true
      %broadcast_in_dim3A_1235 = vector.broadcast %broadcast_in_dim3A_1234 : i1 to vector<16xi1>
      %unique3A_1236, %unique3A_1237 = tpu.scan_count mask(%broadcast_in_dim3A_1235 : vector<16xi1>) value(%shift_right_arithmetic3A_1233 : vector<16xi32>) : vector<16xi1>, vector<16xi32>
      %gather3A_1238 = tpu.vector_load_idx %arg10[%shift_right_arithmetic3A_1233] : memref<256xi32, #tpu.memory_space<vmem>>[vector<16xi32>], vector<16xi32>,
      %add3A_1239 = arith.addi %gather3A_1238, %unique3A_1237 : vector<16xi32>
      %sub3A_1240 = arith.constant 1 : i32
      %sub3A_1241 = vector.broadcast %sub3A_1240 : i32 to vector<16xi32>
      %sub3A_1242 = arith.subi %add3A_1239, %sub3A_1241 : vector<16xi32>
      %and3A_1243 = arith.constant 4095 : i32
      %and3A_1244 = vector.broadcast %and3A_1243 : i32 to vector<16xi32>
      %and3A_1245 = arith.andi %get3A_1225, %and3A_1244 : vector<16xi32>
      %shift_left3A_1246 = arith.constant 14 : i32
      %shift_left3A_1247 = vector.broadcast %shift_left3A_1246 : i32 to vector<16xi32>
      %shift_left3A_1248 = arith.shli %and3A_1245, %shift_left3A_1247 : vector<16xi32>
      %or3A_1249 = arith.ori %shift_left3A_1248, %add3A_1230 : vector<16xi32>
      tpu.vector_store_idx %arg8[%sub3A_1242], %or3A_1249 : memref<16400xi32, #tpu.memory_space<vmem>>[vector<16xi32>], vector<16xi32>,
      tpu.vector_store_idx %arg10[%shift_right_arithmetic3A_1233], %unique3A_1237 masked %unique3A_1236 {add = true} : memref<256xi32, #tpu.memory_space<vmem>>[vector<16xi32>], vector<16xi32>, vector<16xi1>
      %scan3A_1250 = arith.constant 6 : i32
      %scan3A_1251 = arith.addi %scan3A_1051, %scan3A_1250 : i32
      %mul3A_1252 = arith.constant 1 : i32
      %mul3A_1253 = arith.muli %scan3A_1251, %mul3A_1252 : i32
      %add3A_1254 = arith.constant 0 : i32
      %add3A_1255 = arith.addi %add3A_1254, %mul3A_1253 : i32
      %mul3A_1256 = arith.constant 16 : i32
      %mul3A_1257 = arith.muli %mul3A_1256, %add3A_1255 : i32
      %get3A_1258 = arith.index_cast %mul3A_1257 : i32 to index
      %get3A_1259 = tpu.vector_load %arg6[%get3A_1258] {strides = array<i32>} : memref<16384xi32, #tpu.memory_space<vmem>>, vector<16xi32>,
      %mul3A_1260 = arith.constant 16 : i32
      %mul3A_1261 = arith.muli %mul3A_1260, %add3A_1255 : i32
      %iota3A_1262 = tpu.iota {dimensions = array<i32: 0>} : vector<16xi32>
      %add3A_1263 = vector.broadcast %mul3A_1261 : i32 to vector<16xi32>
      %add3A_1264 = arith.addi %add3A_1263, %iota3A_1262 : vector<16xi32>
      %shift_right_arithmetic3A_1265 = arith.constant 12 : i32
      %shift_right_arithmetic3A_1266 = vector.broadcast %shift_right_arithmetic3A_1265 : i32 to vector<16xi32>
      %shift_right_arithmetic3A_1267 = arith.shrsi %get3A_1259, %shift_right_arithmetic3A_1266 : vector<16xi32>
      %broadcast_in_dim3A_1268 = arith.constant true
      %broadcast_in_dim3A_1269 = vector.broadcast %broadcast_in_dim3A_1268 : i1 to vector<16xi1>
      %unique3A_1270, %unique3A_1271 = tpu.scan_count mask(%broadcast_in_dim3A_1269 : vector<16xi1>) value(%shift_right_arithmetic3A_1267 : vector<16xi32>) : vector<16xi1>, vector<16xi32>
      %gather3A_1272 = tpu.vector_load_idx %arg10[%shift_right_arithmetic3A_1267] : memref<256xi32, #tpu.memory_space<vmem>>[vector<16xi32>], vector<16xi32>,
      %add3A_1273 = arith.addi %gather3A_1272, %unique3A_1271 : vector<16xi32>
      %sub3A_1274 = arith.constant 1 : i32
      %sub3A_1275 = vector.broadcast %sub3A_1274 : i32 to vector<16xi32>
      %sub3A_1276 = arith.subi %add3A_1273, %sub3A_1275 : vector<16xi32>
      %and3A_1277 = arith.constant 4095 : i32
      %and3A_1278 = vector.broadcast %and3A_1277 : i32 to vector<16xi32>
      %and3A_1279 = arith.andi %get3A_1259, %and3A_1278 : vector<16xi32>
      %shift_left3A_1280 = arith.constant 14 : i32
      %shift_left3A_1281 = vector.broadcast %shift_left3A_1280 : i32 to vector<16xi32>
      %shift_left3A_1282 = arith.shli %and3A_1279, %shift_left3A_1281 : vector<16xi32>
      %or3A_1283 = arith.ori %shift_left3A_1282, %add3A_1264 : vector<16xi32>
      tpu.vector_store_idx %arg8[%sub3A_1276], %or3A_1283 : memref<16400xi32, #tpu.memory_space<vmem>>[vector<16xi32>], vector<16xi32>,
      tpu.vector_store_idx %arg10[%shift_right_arithmetic3A_1267], %unique3A_1271 masked %unique3A_1270 {add = true} : memref<256xi32, #tpu.memory_space<vmem>>[vector<16xi32>], vector<16xi32>, vector<16xi1>
      %scan3A_1284 = arith.constant 7 : i32
      %scan3A_1285 = arith.addi %scan3A_1051, %scan3A_1284 : i32
      %mul3A_1286 = arith.constant 1 : i32
      %mul3A_1287 = arith.muli %scan3A_1285, %mul3A_1286 : i32
      %add3A_1288 = arith.constant 0 : i32
      %add3A_1289 = arith.addi %add3A_1288, %mul3A_1287 : i32
      %mul3A_1290 = arith.constant 16 : i32
      %mul3A_1291 = arith.muli %mul3A_1290, %add3A_1289 : i32
      %get3A_1292 = arith.index_cast %mul3A_1291 : i32 to index
      %get3A_1293 = tpu.vector_load %arg6[%get3A_1292] {strides = array<i32>} : memref<16384xi32, #tpu.memory_space<vmem>>, vector<16xi32>,
      %mul3A_1294 = arith.constant 16 : i32
      %mul3A_1295 = arith.muli %mul3A_1294, %add3A_1289 : i32
      %iota3A_1296 = tpu.iota {dimensions = array<i32: 0>} : vector<16xi32>
      %add3A_1297 = vector.broadcast %mul3A_1295 : i32 to vector<16xi32>
      %add3A_1298 = arith.addi %add3A_1297, %iota3A_1296 : vector<16xi32>
      %shift_right_arithmetic3A_1299 = arith.constant 12 : i32
      %shift_right_arithmetic3A_1300 = vector.broadcast %shift_right_arithmetic3A_1299 : i32 to vector<16xi32>
      %shift_right_arithmetic3A_1301 = arith.shrsi %get3A_1293, %shift_right_arithmetic3A_1300 : vector<16xi32>
      %broadcast_in_dim3A_1302 = arith.constant true
      %broadcast_in_dim3A_1303 = vector.broadcast %broadcast_in_dim3A_1302 : i1 to vector<16xi1>
      %unique3A_1304, %unique3A_1305 = tpu.scan_count mask(%broadcast_in_dim3A_1303 : vector<16xi1>) value(%shift_right_arithmetic3A_1301 : vector<16xi32>) : vector<16xi1>, vector<16xi32>
      %gather3A_1306 = tpu.vector_load_idx %arg10[%shift_right_arithmetic3A_1301] : memref<256xi32, #tpu.memory_space<vmem>>[vector<16xi32>], vector<16xi32>,
      %add3A_1307 = arith.addi %gather3A_1306, %unique3A_1305 : vector<16xi32>
      %sub3A_1308 = arith.constant 1 : i32
      %sub3A_1309 = vector.broadcast %sub3A_1308 : i32 to vector<16xi32>
      %sub3A_1310 = arith.subi %add3A_1307, %sub3A_1309 : vector<16xi32>
      %and3A_1311 = arith.constant 4095 : i32
      %and3A_1312 = vector.broadcast %and3A_1311 : i32 to vector<16xi32>
      %and3A_1313 = arith.andi %get3A_1293, %and3A_1312 : vector<16xi32>
      %shift_left3A_1314 = arith.constant 14 : i32
      %shift_left3A_1315 = vector.broadcast %shift_left3A_1314 : i32 to vector<16xi32>
      %shift_left3A_1316 = arith.shli %and3A_1313, %shift_left3A_1315 : vector<16xi32>
      %or3A_1317 = arith.ori %shift_left3A_1316, %add3A_1298 : vector<16xi32>
      tpu.vector_store_idx %arg8[%sub3A_1310], %or3A_1317 : memref<16400xi32, #tpu.memory_space<vmem>>[vector<16xi32>], vector<16xi32>,
      tpu.vector_store_idx %arg10[%shift_right_arithmetic3A_1301], %unique3A_1305 masked %unique3A_1304 {add = true} : memref<256xi32, #tpu.memory_space<vmem>>[vector<16xi32>], vector<16xi32>, vector<16xi1>
    }
    %scan3A_374 = arith.constant 1024 : i32
    %broadcast_in_dim3A_375 = arith.constant 0 : i32
    %broadcast_in_dim3A_376 = vector.broadcast %broadcast_in_dim3A_375 : i32 to vector<16xi32>
    %swap3A_377 = arith.constant 0 : index
    %swap3A_378 = tpu.vector_load %arg10[%swap3A_377] {strides = array<i32>} : memref<256xi32, #tpu.memory_space<vmem>>, vector<16xi32>,
    tpu.vector_store %arg10[%swap3A_377], %broadcast_in_dim3A_376 {strides = array<i32>} : memref<256xi32, #tpu.memory_space<vmem>>, vector<16xi32>,
    %broadcast_in_dim3A_379 = arith.constant 0 : i32
    %broadcast_in_dim3A_380 = vector.broadcast %broadcast_in_dim3A_379 : i32 to vector<16xi32>
    %swap3A_381 = arith.constant 16 : index
    %swap3A_382 = tpu.vector_load %arg10[%swap3A_381] {strides = array<i32>} : memref<256xi32, #tpu.memory_space<vmem>>, vector<16xi32>,
    tpu.vector_store %arg10[%swap3A_381], %broadcast_in_dim3A_380 {strides = array<i32>} : memref<256xi32, #tpu.memory_space<vmem>>, vector<16xi32>,
    %broadcast_in_dim3A_383 = arith.constant 0 : i32
    %broadcast_in_dim3A_384 = vector.broadcast %broadcast_in_dim3A_383 : i32 to vector<16xi32>
    %swap3A_385 = arith.constant 32 : index
    %swap3A_386 = tpu.vector_load %arg10[%swap3A_385] {strides = array<i32>} : memref<256xi32, #tpu.memory_space<vmem>>, vector<16xi32>,
    tpu.vector_store %arg10[%swap3A_385], %broadcast_in_dim3A_384 {strides = array<i32>} : memref<256xi32, #tpu.memory_space<vmem>>, vector<16xi32>,
    %broadcast_in_dim3A_387 = arith.constant 0 : i32
    %broadcast_in_dim3A_388 = vector.broadcast %broadcast_in_dim3A_387 : i32 to vector<16xi32>
    %swap3A_389 = arith.constant 48 : index
    %swap3A_390 = tpu.vector_load %arg10[%swap3A_389] {strides = array<i32>} : memref<256xi32, #tpu.memory_space<vmem>>, vector<16xi32>,
    tpu.vector_store %arg10[%swap3A_389], %broadcast_in_dim3A_388 {strides = array<i32>} : memref<256xi32, #tpu.memory_space<vmem>>, vector<16xi32>,
    %broadcast_in_dim3A_391 = arith.constant 0 : i32
    %broadcast_in_dim3A_392 = vector.broadcast %broadcast_in_dim3A_391 : i32 to vector<16xi32>
    %swap3A_393 = arith.constant 64 : index
    %swap3A_394 = tpu.vector_load %arg10[%swap3A_393] {strides = array<i32>} : memref<256xi32, #tpu.memory_space<vmem>>, vector<16xi32>,
    tpu.vector_store %arg10[%swap3A_393], %broadcast_in_dim3A_392 {strides = array<i32>} : memref<256xi32, #tpu.memory_space<vmem>>, vector<16xi32>,
    %broadcast_in_dim3A_395 = arith.constant 0 : i32
    %broadcast_in_dim3A_396 = vector.broadcast %broadcast_in_dim3A_395 : i32 to vector<16xi32>
    %swap3A_397 = arith.constant 80 : index
    %swap3A_398 = tpu.vector_load %arg10[%swap3A_397] {strides = array<i32>} : memref<256xi32, #tpu.memory_space<vmem>>, vector<16xi32>,
    tpu.vector_store %arg10[%swap3A_397], %broadcast_in_dim3A_396 {strides = array<i32>} : memref<256xi32, #tpu.memory_space<vmem>>, vector<16xi32>,
    %broadcast_in_dim3A_399 = arith.constant 0 : i32
    %broadcast_in_dim3A_400 = vector.broadcast %broadcast_in_dim3A_399 : i32 to vector<16xi32>
    %swap3A_401 = arith.constant 96 : index
    %swap3A_402 = tpu.vector_load %arg10[%swap3A_401] {strides = array<i32>} : memref<256xi32, #tpu.memory_space<vmem>>, vector<16xi32>,
    tpu.vector_store %arg10[%swap3A_401], %broadcast_in_dim3A_400 {strides = array<i32>} : memref<256xi32, #tpu.memory_space<vmem>>, vector<16xi32>,
    %broadcast_in_dim3A_403 = arith.constant 0 : i32
    %broadcast_in_dim3A_404 = vector.broadcast %broadcast_in_dim3A_403 : i32 to vector<16xi32>
    %swap3A_405 = arith.constant 112 : index
    %swap3A_406 = tpu.vector_load %arg10[%swap3A_405] {strides = array<i32>} : memref<256xi32, #tpu.memory_space<vmem>>, vector<16xi32>,
    tpu.vector_store %arg10[%swap3A_405], %broadcast_in_dim3A_404 {strides = array<i32>} : memref<256xi32, #tpu.memory_space<vmem>>, vector<16xi32>,
    %broadcast_in_dim3A_407 = arith.constant 0 : i32
    %broadcast_in_dim3A_408 = vector.broadcast %broadcast_in_dim3A_407 : i32 to vector<16xi32>
    %swap3A_409 = arith.constant 128 : index
    %swap3A_410 = tpu.vector_load %arg10[%swap3A_409] {strides = array<i32>} : memref<256xi32, #tpu.memory_space<vmem>>, vector<16xi32>,
    tpu.vector_store %arg10[%swap3A_409], %broadcast_in_dim3A_408 {strides = array<i32>} : memref<256xi32, #tpu.memory_space<vmem>>, vector<16xi32>,
    %broadcast_in_dim3A_411 = arith.constant 0 : i32
    %broadcast_in_dim3A_412 = vector.broadcast %broadcast_in_dim3A_411 : i32 to vector<16xi32>
    %swap3A_413 = arith.constant 144 : index
    %swap3A_414 = tpu.vector_load %arg10[%swap3A_413] {strides = array<i32>} : memref<256xi32, #tpu.memory_space<vmem>>, vector<16xi32>,
    tpu.vector_store %arg10[%swap3A_413], %broadcast_in_dim3A_412 {strides = array<i32>} : memref<256xi32, #tpu.memory_space<vmem>>, vector<16xi32>,
    %broadcast_in_dim3A_415 = arith.constant 0 : i32
    %broadcast_in_dim3A_416 = vector.broadcast %broadcast_in_dim3A_415 : i32 to vector<16xi32>
    %swap3A_417 = arith.constant 160 : index
    %swap3A_418 = tpu.vector_load %arg10[%swap3A_417] {strides = array<i32>} : memref<256xi32, #tpu.memory_space<vmem>>, vector<16xi32>,
    tpu.vector_store %arg10[%swap3A_417], %broadcast_in_dim3A_416 {strides = array<i32>} : memref<256xi32, #tpu.memory_space<vmem>>, vector<16xi32>,
    %broadcast_in_dim3A_419 = arith.constant 0 : i32
    %broadcast_in_dim3A_420 = vector.broadcast %broadcast_in_dim3A_419 : i32 to vector<16xi32>
    %swap3A_421 = arith.constant 176 : index
    %swap3A_422 = tpu.vector_load %arg10[%swap3A_421] {strides = array<i32>} : memref<256xi32, #tpu.memory_space<vmem>>, vector<16xi32>,
    tpu.vector_store %arg10[%swap3A_421], %broadcast_in_dim3A_420 {strides = array<i32>} : memref<256xi32, #tpu.memory_space<vmem>>, vector<16xi32>,
    %broadcast_in_dim3A_423 = arith.constant 0 : i32
    %broadcast_in_dim3A_424 = vector.broadcast %broadcast_in_dim3A_423 : i32 to vector<16xi32>
    %swap3A_425 = arith.constant 192 : index
    %swap3A_426 = tpu.vector_load %arg10[%swap3A_425] {strides = array<i32>} : memref<256xi32, #tpu.memory_space<vmem>>, vector<16xi32>,
    tpu.vector_store %arg10[%swap3A_425], %broadcast_in_dim3A_424 {strides = array<i32>} : memref<256xi32, #tpu.memory_space<vmem>>, vector<16xi32>,
    %broadcast_in_dim3A_427 = arith.constant 0 : i32
    %broadcast_in_dim3A_428 = vector.broadcast %broadcast_in_dim3A_427 : i32 to vector<16xi32>
    %swap3A_429 = arith.constant 208 : index
    %swap3A_430 = tpu.vector_load %arg10[%swap3A_429] {strides = array<i32>} : memref<256xi32, #tpu.memory_space<vmem>>, vector<16xi32>,
    tpu.vector_store %arg10[%swap3A_429], %broadcast_in_dim3A_428 {strides = array<i32>} : memref<256xi32, #tpu.memory_space<vmem>>, vector<16xi32>,
    %broadcast_in_dim3A_431 = arith.constant 0 : i32
    %broadcast_in_dim3A_432 = vector.broadcast %broadcast_in_dim3A_431 : i32 to vector<16xi32>
    %swap3A_433 = arith.constant 224 : index
    %swap3A_434 = tpu.vector_load %arg10[%swap3A_433] {strides = array<i32>} : memref<256xi32, #tpu.memory_space<vmem>>, vector<16xi32>,
    tpu.vector_store %arg10[%swap3A_433], %broadcast_in_dim3A_432 {strides = array<i32>} : memref<256xi32, #tpu.memory_space<vmem>>, vector<16xi32>,
    %broadcast_in_dim3A_435 = arith.constant 0 : i32
    %broadcast_in_dim3A_436 = vector.broadcast %broadcast_in_dim3A_435 : i32 to vector<16xi32>
    %swap3A_437 = arith.constant 240 : index
    %swap3A_438 = tpu.vector_load %arg10[%swap3A_437] {strides = array<i32>} : memref<256xi32, #tpu.memory_space<vmem>>, vector<16xi32>,
    tpu.vector_store %arg10[%swap3A_437], %broadcast_in_dim3A_436 {strides = array<i32>} : memref<256xi32, #tpu.memory_space<vmem>>, vector<16xi32>,
    %scan3A_439 = arith.constant 0 : i32
    %scan3A_440 = arith.constant 1024 : i32
    %scan3A_441 = arith.addi %scan3A_439, %scan3A_440 : i32
    %scan3A_442 = arith.constant 8 : i32
    scf.for %scan3A_1051 = %scan3A_439 to %scan3A_441 step %scan3A_442  : i32 {
      %mul3A_1052 = arith.constant 1 : i32
      %mul3A_1053 = arith.muli %scan3A_1051, %mul3A_1052 : i32
      %add3A_1054 = arith.constant 0 : i32
      %add3A_1055 = arith.addi %add3A_1054, %mul3A_1053 : i32
      %mul3A_1056 = arith.constant 16 : i32
      %mul3A_1057 = arith.muli %mul3A_1056, %add3A_1055 : i32
      %get3A_1058 = arith.index_cast %mul3A_1057 : i32 to index
      %get3A_1059 = tpu.vector_load %arg7[%get3A_1058] {strides = array<i32>} : memref<16384xi32, #tpu.memory_space<vmem>>, vector<16xi32>,
      %shift_right_arithmetic3A_1060 = arith.constant 12 : i32
      %shift_right_arithmetic3A_1061 = vector.broadcast %shift_right_arithmetic3A_1060 : i32 to vector<16xi32>
      %shift_right_arithmetic3A_1062 = arith.shrsi %get3A_1059, %shift_right_arithmetic3A_1061 : vector<16xi32>
      %broadcast_in_dim3A_1063 = arith.constant true
      %broadcast_in_dim3A_1064 = vector.broadcast %broadcast_in_dim3A_1063 : i1 to vector<16xi1>
      %unique3A, %unique3A_1065 = tpu.scan_count mask(%broadcast_in_dim3A_1064 : vector<16xi1>) value(%shift_right_arithmetic3A_1062 : vector<16xi32>) : vector<16xi1>, vector<16xi32>
      tpu.vector_store_idx %arg10[%shift_right_arithmetic3A_1062], %unique3A_1065 masked %unique3A {add = true} : memref<256xi32, #tpu.memory_space<vmem>>[vector<16xi32>], vector<16xi32>, vector<16xi1>
      %scan3A_1066 = arith.constant 1 : i32
      %scan3A_1067 = arith.addi %scan3A_1051, %scan3A_1066 : i32
      %mul3A_1068 = arith.constant 1 : i32
      %mul3A_1069 = arith.muli %scan3A_1067, %mul3A_1068 : i32
      %add3A_1070 = arith.constant 0 : i32
      %add3A_1071 = arith.addi %add3A_1070, %mul3A_1069 : i32
      %mul3A_1072 = arith.constant 16 : i32
      %mul3A_1073 = arith.muli %mul3A_1072, %add3A_1071 : i32
      %get3A_1074 = arith.index_cast %mul3A_1073 : i32 to index
      %get3A_1075 = tpu.vector_load %arg7[%get3A_1074] {strides = array<i32>} : memref<16384xi32, #tpu.memory_space<vmem>>, vector<16xi32>,
      %shift_right_arithmetic3A_1076 = arith.constant 12 : i32
      %shift_right_arithmetic3A_1077 = vector.broadcast %shift_right_arithmetic3A_1076 : i32 to vector<16xi32>
      %shift_right_arithmetic3A_1078 = arith.shrsi %get3A_1075, %shift_right_arithmetic3A_1077 : vector<16xi32>
      %broadcast_in_dim3A_1079 = arith.constant true
      %broadcast_in_dim3A_1080 = vector.broadcast %broadcast_in_dim3A_1079 : i1 to vector<16xi1>
      %unique3A_1081, %unique3A_1082 = tpu.scan_count mask(%broadcast_in_dim3A_1080 : vector<16xi1>) value(%shift_right_arithmetic3A_1078 : vector<16xi32>) : vector<16xi1>, vector<16xi32>
      tpu.vector_store_idx %arg10[%shift_right_arithmetic3A_1078], %unique3A_1082 masked %unique3A_1081 {add = true} : memref<256xi32, #tpu.memory_space<vmem>>[vector<16xi32>], vector<16xi32>, vector<16xi1>
      %scan3A_1083 = arith.constant 2 : i32
      %scan3A_1084 = arith.addi %scan3A_1051, %scan3A_1083 : i32
      %mul3A_1085 = arith.constant 1 : i32
      %mul3A_1086 = arith.muli %scan3A_1084, %mul3A_1085 : i32
      %add3A_1087 = arith.constant 0 : i32
      %add3A_1088 = arith.addi %add3A_1087, %mul3A_1086 : i32
      %mul3A_1089 = arith.constant 16 : i32
      %mul3A_1090 = arith.muli %mul3A_1089, %add3A_1088 : i32
      %get3A_1091 = arith.index_cast %mul3A_1090 : i32 to index
      %get3A_1092 = tpu.vector_load %arg7[%get3A_1091] {strides = array<i32>} : memref<16384xi32, #tpu.memory_space<vmem>>, vector<16xi32>,
      %shift_right_arithmetic3A_1093 = arith.constant 12 : i32
      %shift_right_arithmetic3A_1094 = vector.broadcast %shift_right_arithmetic3A_1093 : i32 to vector<16xi32>
      %shift_right_arithmetic3A_1095 = arith.shrsi %get3A_1092, %shift_right_arithmetic3A_1094 : vector<16xi32>
      %broadcast_in_dim3A_1096 = arith.constant true
      %broadcast_in_dim3A_1097 = vector.broadcast %broadcast_in_dim3A_1096 : i1 to vector<16xi1>
      %unique3A_1098, %unique3A_1099 = tpu.scan_count mask(%broadcast_in_dim3A_1097 : vector<16xi1>) value(%shift_right_arithmetic3A_1095 : vector<16xi32>) : vector<16xi1>, vector<16xi32>
      tpu.vector_store_idx %arg10[%shift_right_arithmetic3A_1095], %unique3A_1099 masked %unique3A_1098 {add = true} : memref<256xi32, #tpu.memory_space<vmem>>[vector<16xi32>], vector<16xi32>, vector<16xi1>
      %scan3A_1100 = arith.constant 3 : i32
      %scan3A_1101 = arith.addi %scan3A_1051, %scan3A_1100 : i32
      %mul3A_1102 = arith.constant 1 : i32
      %mul3A_1103 = arith.muli %scan3A_1101, %mul3A_1102 : i32
      %add3A_1104 = arith.constant 0 : i32
      %add3A_1105 = arith.addi %add3A_1104, %mul3A_1103 : i32
      %mul3A_1106 = arith.constant 16 : i32
      %mul3A_1107 = arith.muli %mul3A_1106, %add3A_1105 : i32
      %get3A_1108 = arith.index_cast %mul3A_1107 : i32 to index
      %get3A_1109 = tpu.vector_load %arg7[%get3A_1108] {strides = array<i32>} : memref<16384xi32, #tpu.memory_space<vmem>>, vector<16xi32>,
      %shift_right_arithmetic3A_1110 = arith.constant 12 : i32
      %shift_right_arithmetic3A_1111 = vector.broadcast %shift_right_arithmetic3A_1110 : i32 to vector<16xi32>
      %shift_right_arithmetic3A_1112 = arith.shrsi %get3A_1109, %shift_right_arithmetic3A_1111 : vector<16xi32>
      %broadcast_in_dim3A_1113 = arith.constant true
      %broadcast_in_dim3A_1114 = vector.broadcast %broadcast_in_dim3A_1113 : i1 to vector<16xi1>
      %unique3A_1115, %unique3A_1116 = tpu.scan_count mask(%broadcast_in_dim3A_1114 : vector<16xi1>) value(%shift_right_arithmetic3A_1112 : vector<16xi32>) : vector<16xi1>, vector<16xi32>
      tpu.vector_store_idx %arg10[%shift_right_arithmetic3A_1112], %unique3A_1116 masked %unique3A_1115 {add = true} : memref<256xi32, #tpu.memory_space<vmem>>[vector<16xi32>], vector<16xi32>, vector<16xi1>
      %scan3A_1117 = arith.constant 4 : i32
      %scan3A_1118 = arith.addi %scan3A_1051, %scan3A_1117 : i32
      %mul3A_1119 = arith.constant 1 : i32
      %mul3A_1120 = arith.muli %scan3A_1118, %mul3A_1119 : i32
      %add3A_1121 = arith.constant 0 : i32
      %add3A_1122 = arith.addi %add3A_1121, %mul3A_1120 : i32
      %mul3A_1123 = arith.constant 16 : i32
      %mul3A_1124 = arith.muli %mul3A_1123, %add3A_1122 : i32
      %get3A_1125 = arith.index_cast %mul3A_1124 : i32 to index
      %get3A_1126 = tpu.vector_load %arg7[%get3A_1125] {strides = array<i32>} : memref<16384xi32, #tpu.memory_space<vmem>>, vector<16xi32>,
      %shift_right_arithmetic3A_1127 = arith.constant 12 : i32
      %shift_right_arithmetic3A_1128 = vector.broadcast %shift_right_arithmetic3A_1127 : i32 to vector<16xi32>
      %shift_right_arithmetic3A_1129 = arith.shrsi %get3A_1126, %shift_right_arithmetic3A_1128 : vector<16xi32>
      %broadcast_in_dim3A_1130 = arith.constant true
      %broadcast_in_dim3A_1131 = vector.broadcast %broadcast_in_dim3A_1130 : i1 to vector<16xi1>
      %unique3A_1132, %unique3A_1133 = tpu.scan_count mask(%broadcast_in_dim3A_1131 : vector<16xi1>) value(%shift_right_arithmetic3A_1129 : vector<16xi32>) : vector<16xi1>, vector<16xi32>
      tpu.vector_store_idx %arg10[%shift_right_arithmetic3A_1129], %unique3A_1133 masked %unique3A_1132 {add = true} : memref<256xi32, #tpu.memory_space<vmem>>[vector<16xi32>], vector<16xi32>, vector<16xi1>
      %scan3A_1134 = arith.constant 5 : i32
      %scan3A_1135 = arith.addi %scan3A_1051, %scan3A_1134 : i32
      %mul3A_1136 = arith.constant 1 : i32
      %mul3A_1137 = arith.muli %scan3A_1135, %mul3A_1136 : i32
      %add3A_1138 = arith.constant 0 : i32
      %add3A_1139 = arith.addi %add3A_1138, %mul3A_1137 : i32
      %mul3A_1140 = arith.constant 16 : i32
      %mul3A_1141 = arith.muli %mul3A_1140, %add3A_1139 : i32
      %get3A_1142 = arith.index_cast %mul3A_1141 : i32 to index
      %get3A_1143 = tpu.vector_load %arg7[%get3A_1142] {strides = array<i32>} : memref<16384xi32, #tpu.memory_space<vmem>>, vector<16xi32>,
      %shift_right_arithmetic3A_1144 = arith.constant 12 : i32
      %shift_right_arithmetic3A_1145 = vector.broadcast %shift_right_arithmetic3A_1144 : i32 to vector<16xi32>
      %shift_right_arithmetic3A_1146 = arith.shrsi %get3A_1143, %shift_right_arithmetic3A_1145 : vector<16xi32>
      %broadcast_in_dim3A_1147 = arith.constant true
      %broadcast_in_dim3A_1148 = vector.broadcast %broadcast_in_dim3A_1147 : i1 to vector<16xi1>
      %unique3A_1149, %unique3A_1150 = tpu.scan_count mask(%broadcast_in_dim3A_1148 : vector<16xi1>) value(%shift_right_arithmetic3A_1146 : vector<16xi32>) : vector<16xi1>, vector<16xi32>
      tpu.vector_store_idx %arg10[%shift_right_arithmetic3A_1146], %unique3A_1150 masked %unique3A_1149 {add = true} : memref<256xi32, #tpu.memory_space<vmem>>[vector<16xi32>], vector<16xi32>, vector<16xi1>
      %scan3A_1151 = arith.constant 6 : i32
      %scan3A_1152 = arith.addi %scan3A_1051, %scan3A_1151 : i32
      %mul3A_1153 = arith.constant 1 : i32
      %mul3A_1154 = arith.muli %scan3A_1152, %mul3A_1153 : i32
      %add3A_1155 = arith.constant 0 : i32
      %add3A_1156 = arith.addi %add3A_1155, %mul3A_1154 : i32
      %mul3A_1157 = arith.constant 16 : i32
      %mul3A_1158 = arith.muli %mul3A_1157, %add3A_1156 : i32
      %get3A_1159 = arith.index_cast %mul3A_1158 : i32 to index
      %get3A_1160 = tpu.vector_load %arg7[%get3A_1159] {strides = array<i32>} : memref<16384xi32, #tpu.memory_space<vmem>>, vector<16xi32>,
      %shift_right_arithmetic3A_1161 = arith.constant 12 : i32
      %shift_right_arithmetic3A_1162 = vector.broadcast %shift_right_arithmetic3A_1161 : i32 to vector<16xi32>
      %shift_right_arithmetic3A_1163 = arith.shrsi %get3A_1160, %shift_right_arithmetic3A_1162 : vector<16xi32>
      %broadcast_in_dim3A_1164 = arith.constant true
      %broadcast_in_dim3A_1165 = vector.broadcast %broadcast_in_dim3A_1164 : i1 to vector<16xi1>
      %unique3A_1166, %unique3A_1167 = tpu.scan_count mask(%broadcast_in_dim3A_1165 : vector<16xi1>) value(%shift_right_arithmetic3A_1163 : vector<16xi32>) : vector<16xi1>, vector<16xi32>
      tpu.vector_store_idx %arg10[%shift_right_arithmetic3A_1163], %unique3A_1167 masked %unique3A_1166 {add = true} : memref<256xi32, #tpu.memory_space<vmem>>[vector<16xi32>], vector<16xi32>, vector<16xi1>
      %scan3A_1168 = arith.constant 7 : i32
      %scan3A_1169 = arith.addi %scan3A_1051, %scan3A_1168 : i32
      %mul3A_1170 = arith.constant 1 : i32
      %mul3A_1171 = arith.muli %scan3A_1169, %mul3A_1170 : i32
      %add3A_1172 = arith.constant 0 : i32
      %add3A_1173 = arith.addi %add3A_1172, %mul3A_1171 : i32
      %mul3A_1174 = arith.constant 16 : i32
      %mul3A_1175 = arith.muli %mul3A_1174, %add3A_1173 : i32
      %get3A_1176 = arith.index_cast %mul3A_1175 : i32 to index
      %get3A_1177 = tpu.vector_load %arg7[%get3A_1176] {strides = array<i32>} : memref<16384xi32, #tpu.memory_space<vmem>>, vector<16xi32>,
      %shift_right_arithmetic3A_1178 = arith.constant 12 : i32
      %shift_right_arithmetic3A_1179 = vector.broadcast %shift_right_arithmetic3A_1178 : i32 to vector<16xi32>
      %shift_right_arithmetic3A_1180 = arith.shrsi %get3A_1177, %shift_right_arithmetic3A_1179 : vector<16xi32>
      %broadcast_in_dim3A_1181 = arith.constant true
      %broadcast_in_dim3A_1182 = vector.broadcast %broadcast_in_dim3A_1181 : i1 to vector<16xi1>
      %unique3A_1183, %unique3A_1184 = tpu.scan_count mask(%broadcast_in_dim3A_1182 : vector<16xi1>) value(%shift_right_arithmetic3A_1180 : vector<16xi32>) : vector<16xi1>, vector<16xi32>
      tpu.vector_store_idx %arg10[%shift_right_arithmetic3A_1180], %unique3A_1184 masked %unique3A_1183 {add = true} : memref<256xi32, #tpu.memory_space<vmem>>[vector<16xi32>], vector<16xi32>, vector<16xi1>
    }
    %scan3A_443 = arith.constant 1024 : i32
    %get3A_444 = arith.constant 0 : index
    %get3A_445 = tpu.vector_load %arg10[%get3A_444] {strides = array<i32>} : memref<256xi32, #tpu.memory_space<vmem>>, vector<16xi32>,
    %broadcast_in_dim3A_446 = arith.constant true
    %broadcast_in_dim3A_447 = vector.broadcast %broadcast_in_dim3A_446 : i1 to vector<16xi1>
    %masked_cumsum3A_448 = tpu.scan <sum>, %get3A_445 masked %broadcast_in_dim3A_447 : vector<16xi32>, vector<16xi1> -> vector<16xi32>
    %sub3A_449 = arith.subi %masked_cumsum3A_448, %get3A_445 : vector<16xi32>
    %add3A_450 = arith.constant 0 : i32
    %add3A_451 = vector.broadcast %add3A_450 : i32 to vector<16xi32>
    %add3A_452 = arith.addi %sub3A_449, %add3A_451 : vector<16xi32>
    %swap3A_453 = arith.constant 0 : index
    %swap3A_454 = tpu.vector_load %arg12[%swap3A_453] {strides = array<i32>} : memref<256xi32, #tpu.memory_space<vmem>>, vector<16xi32>,
    tpu.vector_store %arg12[%swap3A_453], %add3A_452 {strides = array<i32>} : memref<256xi32, #tpu.memory_space<vmem>>, vector<16xi32>,
    %reduce_sum3A_455 = arith.constant true
    %reduce_sum3A_456 = vector.broadcast %reduce_sum3A_455 : i1 to vector<16xi1>
    %reduce_sum3A_457 = tpu.scan <sum>, %get3A_445 masked %reduce_sum3A_456 : vector<16xi32>, vector<16xi1> -> vector<16xi32>
    %reduce_sum3A_458 = vector.extract %reduce_sum3A_457[15] : i32 from vector<16xi32>
    %add3A_459 = arith.constant 0 : i32
    %add3A_460 = arith.addi %add3A_459, %reduce_sum3A_458 : i32
    %get3A_461 = arith.constant 16 : index
    %get3A_462 = tpu.vector_load %arg10[%get3A_461] {strides = array<i32>} : memref<256xi32, #tpu.memory_space<vmem>>, vector<16xi32>,
    %broadcast_in_dim3A_463 = arith.constant true
    %broadcast_in_dim3A_464 = vector.broadcast %broadcast_in_dim3A_463 : i1 to vector<16xi1>
    %masked_cumsum3A_465 = tpu.scan <sum>, %get3A_462 masked %broadcast_in_dim3A_464 : vector<16xi32>, vector<16xi1> -> vector<16xi32>
    %sub3A_466 = arith.subi %masked_cumsum3A_465, %get3A_462 : vector<16xi32>
    %add3A_467 = vector.broadcast %add3A_460 : i32 to vector<16xi32>
    %add3A_468 = arith.addi %sub3A_466, %add3A_467 : vector<16xi32>
    %swap3A_469 = arith.constant 16 : index
    %swap3A_470 = tpu.vector_load %arg12[%swap3A_469] {strides = array<i32>} : memref<256xi32, #tpu.memory_space<vmem>>, vector<16xi32>,
    tpu.vector_store %arg12[%swap3A_469], %add3A_468 {strides = array<i32>} : memref<256xi32, #tpu.memory_space<vmem>>, vector<16xi32>,
    %reduce_sum3A_471 = arith.constant true
    %reduce_sum3A_472 = vector.broadcast %reduce_sum3A_471 : i1 to vector<16xi1>
    %reduce_sum3A_473 = tpu.scan <sum>, %get3A_462 masked %reduce_sum3A_472 : vector<16xi32>, vector<16xi1> -> vector<16xi32>
    %reduce_sum3A_474 = vector.extract %reduce_sum3A_473[15] : i32 from vector<16xi32>
    %add3A_475 = arith.addi %add3A_460, %reduce_sum3A_474 : i32
    %get3A_476 = arith.constant 32 : index
    %get3A_477 = tpu.vector_load %arg10[%get3A_476] {strides = array<i32>} : memref<256xi32, #tpu.memory_space<vmem>>, vector<16xi32>,
    %broadcast_in_dim3A_478 = arith.constant true
    %broadcast_in_dim3A_479 = vector.broadcast %broadcast_in_dim3A_478 : i1 to vector<16xi1>
    %masked_cumsum3A_480 = tpu.scan <sum>, %get3A_477 masked %broadcast_in_dim3A_479 : vector<16xi32>, vector<16xi1> -> vector<16xi32>
    %sub3A_481 = arith.subi %masked_cumsum3A_480, %get3A_477 : vector<16xi32>
    %add3A_482 = vector.broadcast %add3A_475 : i32 to vector<16xi32>
    %add3A_483 = arith.addi %sub3A_481, %add3A_482 : vector<16xi32>
    %swap3A_484 = arith.constant 32 : index
    %swap3A_485 = tpu.vector_load %arg12[%swap3A_484] {strides = array<i32>} : memref<256xi32, #tpu.memory_space<vmem>>, vector<16xi32>,
    tpu.vector_store %arg12[%swap3A_484], %add3A_483 {strides = array<i32>} : memref<256xi32, #tpu.memory_space<vmem>>, vector<16xi32>,
    %reduce_sum3A_486 = arith.constant true
    %reduce_sum3A_487 = vector.broadcast %reduce_sum3A_486 : i1 to vector<16xi1>
    %reduce_sum3A_488 = tpu.scan <sum>, %get3A_477 masked %reduce_sum3A_487 : vector<16xi32>, vector<16xi1> -> vector<16xi32>
    %reduce_sum3A_489 = vector.extract %reduce_sum3A_488[15] : i32 from vector<16xi32>
    %add3A_490 = arith.addi %add3A_475, %reduce_sum3A_489 : i32
    %get3A_491 = arith.constant 48 : index
    %get3A_492 = tpu.vector_load %arg10[%get3A_491] {strides = array<i32>} : memref<256xi32, #tpu.memory_space<vmem>>, vector<16xi32>,
    %broadcast_in_dim3A_493 = arith.constant true
    %broadcast_in_dim3A_494 = vector.broadcast %broadcast_in_dim3A_493 : i1 to vector<16xi1>
    %masked_cumsum3A_495 = tpu.scan <sum>, %get3A_492 masked %broadcast_in_dim3A_494 : vector<16xi32>, vector<16xi1> -> vector<16xi32>
    %sub3A_496 = arith.subi %masked_cumsum3A_495, %get3A_492 : vector<16xi32>
    %add3A_497 = vector.broadcast %add3A_490 : i32 to vector<16xi32>
    %add3A_498 = arith.addi %sub3A_496, %add3A_497 : vector<16xi32>
    %swap3A_499 = arith.constant 48 : index
    %swap3A_500 = tpu.vector_load %arg12[%swap3A_499] {strides = array<i32>} : memref<256xi32, #tpu.memory_space<vmem>>, vector<16xi32>,
    tpu.vector_store %arg12[%swap3A_499], %add3A_498 {strides = array<i32>} : memref<256xi32, #tpu.memory_space<vmem>>, vector<16xi32>,
    %reduce_sum3A_501 = arith.constant true
    %reduce_sum3A_502 = vector.broadcast %reduce_sum3A_501 : i1 to vector<16xi1>
    %reduce_sum3A_503 = tpu.scan <sum>, %get3A_492 masked %reduce_sum3A_502 : vector<16xi32>, vector<16xi1> -> vector<16xi32>
    %reduce_sum3A_504 = vector.extract %reduce_sum3A_503[15] : i32 from vector<16xi32>
    %add3A_505 = arith.addi %add3A_490, %reduce_sum3A_504 : i32
    %get3A_506 = arith.constant 64 : index
    %get3A_507 = tpu.vector_load %arg10[%get3A_506] {strides = array<i32>} : memref<256xi32, #tpu.memory_space<vmem>>, vector<16xi32>,
    %broadcast_in_dim3A_508 = arith.constant true
    %broadcast_in_dim3A_509 = vector.broadcast %broadcast_in_dim3A_508 : i1 to vector<16xi1>
    %masked_cumsum3A_510 = tpu.scan <sum>, %get3A_507 masked %broadcast_in_dim3A_509 : vector<16xi32>, vector<16xi1> -> vector<16xi32>
    %sub3A_511 = arith.subi %masked_cumsum3A_510, %get3A_507 : vector<16xi32>
    %add3A_512 = vector.broadcast %add3A_505 : i32 to vector<16xi32>
    %add3A_513 = arith.addi %sub3A_511, %add3A_512 : vector<16xi32>
    %swap3A_514 = arith.constant 64 : index
    %swap3A_515 = tpu.vector_load %arg12[%swap3A_514] {strides = array<i32>} : memref<256xi32, #tpu.memory_space<vmem>>, vector<16xi32>,
    tpu.vector_store %arg12[%swap3A_514], %add3A_513 {strides = array<i32>} : memref<256xi32, #tpu.memory_space<vmem>>, vector<16xi32>,
    %reduce_sum3A_516 = arith.constant true
    %reduce_sum3A_517 = vector.broadcast %reduce_sum3A_516 : i1 to vector<16xi1>
    %reduce_sum3A_518 = tpu.scan <sum>, %get3A_507 masked %reduce_sum3A_517 : vector<16xi32>, vector<16xi1> -> vector<16xi32>
    %reduce_sum3A_519 = vector.extract %reduce_sum3A_518[15] : i32 from vector<16xi32>
    %add3A_520 = arith.addi %add3A_505, %reduce_sum3A_519 : i32
    %get3A_521 = arith.constant 80 : index
    %get3A_522 = tpu.vector_load %arg10[%get3A_521] {strides = array<i32>} : memref<256xi32, #tpu.memory_space<vmem>>, vector<16xi32>,
    %broadcast_in_dim3A_523 = arith.constant true
    %broadcast_in_dim3A_524 = vector.broadcast %broadcast_in_dim3A_523 : i1 to vector<16xi1>
    %masked_cumsum3A_525 = tpu.scan <sum>, %get3A_522 masked %broadcast_in_dim3A_524 : vector<16xi32>, vector<16xi1> -> vector<16xi32>
    %sub3A_526 = arith.subi %masked_cumsum3A_525, %get3A_522 : vector<16xi32>
    %add3A_527 = vector.broadcast %add3A_520 : i32 to vector<16xi32>
    %add3A_528 = arith.addi %sub3A_526, %add3A_527 : vector<16xi32>
    %swap3A_529 = arith.constant 80 : index
    %swap3A_530 = tpu.vector_load %arg12[%swap3A_529] {strides = array<i32>} : memref<256xi32, #tpu.memory_space<vmem>>, vector<16xi32>,
    tpu.vector_store %arg12[%swap3A_529], %add3A_528 {strides = array<i32>} : memref<256xi32, #tpu.memory_space<vmem>>, vector<16xi32>,
    %reduce_sum3A_531 = arith.constant true
    %reduce_sum3A_532 = vector.broadcast %reduce_sum3A_531 : i1 to vector<16xi1>
    %reduce_sum3A_533 = tpu.scan <sum>, %get3A_522 masked %reduce_sum3A_532 : vector<16xi32>, vector<16xi1> -> vector<16xi32>
    %reduce_sum3A_534 = vector.extract %reduce_sum3A_533[15] : i32 from vector<16xi32>
    %add3A_535 = arith.addi %add3A_520, %reduce_sum3A_534 : i32
    %get3A_536 = arith.constant 96 : index
    %get3A_537 = tpu.vector_load %arg10[%get3A_536] {strides = array<i32>} : memref<256xi32, #tpu.memory_space<vmem>>, vector<16xi32>,
    %broadcast_in_dim3A_538 = arith.constant true
    %broadcast_in_dim3A_539 = vector.broadcast %broadcast_in_dim3A_538 : i1 to vector<16xi1>
    %masked_cumsum3A_540 = tpu.scan <sum>, %get3A_537 masked %broadcast_in_dim3A_539 : vector<16xi32>, vector<16xi1> -> vector<16xi32>
    %sub3A_541 = arith.subi %masked_cumsum3A_540, %get3A_537 : vector<16xi32>
    %add3A_542 = vector.broadcast %add3A_535 : i32 to vector<16xi32>
    %add3A_543 = arith.addi %sub3A_541, %add3A_542 : vector<16xi32>
    %swap3A_544 = arith.constant 96 : index
    %swap3A_545 = tpu.vector_load %arg12[%swap3A_544] {strides = array<i32>} : memref<256xi32, #tpu.memory_space<vmem>>, vector<16xi32>,
    tpu.vector_store %arg12[%swap3A_544], %add3A_543 {strides = array<i32>} : memref<256xi32, #tpu.memory_space<vmem>>, vector<16xi32>,
    %reduce_sum3A_546 = arith.constant true
    %reduce_sum3A_547 = vector.broadcast %reduce_sum3A_546 : i1 to vector<16xi1>
    %reduce_sum3A_548 = tpu.scan <sum>, %get3A_537 masked %reduce_sum3A_547 : vector<16xi32>, vector<16xi1> -> vector<16xi32>
    %reduce_sum3A_549 = vector.extract %reduce_sum3A_548[15] : i32 from vector<16xi32>
    %add3A_550 = arith.addi %add3A_535, %reduce_sum3A_549 : i32
    %get3A_551 = arith.constant 112 : index
    %get3A_552 = tpu.vector_load %arg10[%get3A_551] {strides = array<i32>} : memref<256xi32, #tpu.memory_space<vmem>>, vector<16xi32>,
    %broadcast_in_dim3A_553 = arith.constant true
    %broadcast_in_dim3A_554 = vector.broadcast %broadcast_in_dim3A_553 : i1 to vector<16xi1>
    %masked_cumsum3A_555 = tpu.scan <sum>, %get3A_552 masked %broadcast_in_dim3A_554 : vector<16xi32>, vector<16xi1> -> vector<16xi32>
    %sub3A_556 = arith.subi %masked_cumsum3A_555, %get3A_552 : vector<16xi32>
    %add3A_557 = vector.broadcast %add3A_550 : i32 to vector<16xi32>
    %add3A_558 = arith.addi %sub3A_556, %add3A_557 : vector<16xi32>
    %swap3A_559 = arith.constant 112 : index
    %swap3A_560 = tpu.vector_load %arg12[%swap3A_559] {strides = array<i32>} : memref<256xi32, #tpu.memory_space<vmem>>, vector<16xi32>,
    tpu.vector_store %arg12[%swap3A_559], %add3A_558 {strides = array<i32>} : memref<256xi32, #tpu.memory_space<vmem>>, vector<16xi32>,
    %reduce_sum3A_561 = arith.constant true
    %reduce_sum3A_562 = vector.broadcast %reduce_sum3A_561 : i1 to vector<16xi1>
    %reduce_sum3A_563 = tpu.scan <sum>, %get3A_552 masked %reduce_sum3A_562 : vector<16xi32>, vector<16xi1> -> vector<16xi32>
    %reduce_sum3A_564 = vector.extract %reduce_sum3A_563[15] : i32 from vector<16xi32>
    %add3A_565 = arith.addi %add3A_550, %reduce_sum3A_564 : i32
    %get3A_566 = arith.constant 128 : index
    %get3A_567 = tpu.vector_load %arg10[%get3A_566] {strides = array<i32>} : memref<256xi32, #tpu.memory_space<vmem>>, vector<16xi32>,
    %broadcast_in_dim3A_568 = arith.constant true
    %broadcast_in_dim3A_569 = vector.broadcast %broadcast_in_dim3A_568 : i1 to vector<16xi1>
    %masked_cumsum3A_570 = tpu.scan <sum>, %get3A_567 masked %broadcast_in_dim3A_569 : vector<16xi32>, vector<16xi1> -> vector<16xi32>
    %sub3A_571 = arith.subi %masked_cumsum3A_570, %get3A_567 : vector<16xi32>
    %add3A_572 = vector.broadcast %add3A_565 : i32 to vector<16xi32>
    %add3A_573 = arith.addi %sub3A_571, %add3A_572 : vector<16xi32>
    %swap3A_574 = arith.constant 128 : index
    %swap3A_575 = tpu.vector_load %arg12[%swap3A_574] {strides = array<i32>} : memref<256xi32, #tpu.memory_space<vmem>>, vector<16xi32>,
    tpu.vector_store %arg12[%swap3A_574], %add3A_573 {strides = array<i32>} : memref<256xi32, #tpu.memory_space<vmem>>, vector<16xi32>,
    %reduce_sum3A_576 = arith.constant true
    %reduce_sum3A_577 = vector.broadcast %reduce_sum3A_576 : i1 to vector<16xi1>
    %reduce_sum3A_578 = tpu.scan <sum>, %get3A_567 masked %reduce_sum3A_577 : vector<16xi32>, vector<16xi1> -> vector<16xi32>
    %reduce_sum3A_579 = vector.extract %reduce_sum3A_578[15] : i32 from vector<16xi32>
    %add3A_580 = arith.addi %add3A_565, %reduce_sum3A_579 : i32
    %get3A_581 = arith.constant 144 : index
    %get3A_582 = tpu.vector_load %arg10[%get3A_581] {strides = array<i32>} : memref<256xi32, #tpu.memory_space<vmem>>, vector<16xi32>,
    %broadcast_in_dim3A_583 = arith.constant true
    %broadcast_in_dim3A_584 = vector.broadcast %broadcast_in_dim3A_583 : i1 to vector<16xi1>
    %masked_cumsum3A_585 = tpu.scan <sum>, %get3A_582 masked %broadcast_in_dim3A_584 : vector<16xi32>, vector<16xi1> -> vector<16xi32>
    %sub3A_586 = arith.subi %masked_cumsum3A_585, %get3A_582 : vector<16xi32>
    %add3A_587 = vector.broadcast %add3A_580 : i32 to vector<16xi32>
    %add3A_588 = arith.addi %sub3A_586, %add3A_587 : vector<16xi32>
    %swap3A_589 = arith.constant 144 : index
    %swap3A_590 = tpu.vector_load %arg12[%swap3A_589] {strides = array<i32>} : memref<256xi32, #tpu.memory_space<vmem>>, vector<16xi32>,
    tpu.vector_store %arg12[%swap3A_589], %add3A_588 {strides = array<i32>} : memref<256xi32, #tpu.memory_space<vmem>>, vector<16xi32>,
    %reduce_sum3A_591 = arith.constant true
    %reduce_sum3A_592 = vector.broadcast %reduce_sum3A_591 : i1 to vector<16xi1>
    %reduce_sum3A_593 = tpu.scan <sum>, %get3A_582 masked %reduce_sum3A_592 : vector<16xi32>, vector<16xi1> -> vector<16xi32>
    %reduce_sum3A_594 = vector.extract %reduce_sum3A_593[15] : i32 from vector<16xi32>
    %add3A_595 = arith.addi %add3A_580, %reduce_sum3A_594 : i32
    %get3A_596 = arith.constant 160 : index
    %get3A_597 = tpu.vector_load %arg10[%get3A_596] {strides = array<i32>} : memref<256xi32, #tpu.memory_space<vmem>>, vector<16xi32>,
    %broadcast_in_dim3A_598 = arith.constant true
    %broadcast_in_dim3A_599 = vector.broadcast %broadcast_in_dim3A_598 : i1 to vector<16xi1>
    %masked_cumsum3A_600 = tpu.scan <sum>, %get3A_597 masked %broadcast_in_dim3A_599 : vector<16xi32>, vector<16xi1> -> vector<16xi32>
    %sub3A_601 = arith.subi %masked_cumsum3A_600, %get3A_597 : vector<16xi32>
    %add3A_602 = vector.broadcast %add3A_595 : i32 to vector<16xi32>
    %add3A_603 = arith.addi %sub3A_601, %add3A_602 : vector<16xi32>
    %swap3A_604 = arith.constant 160 : index
    %swap3A_605 = tpu.vector_load %arg12[%swap3A_604] {strides = array<i32>} : memref<256xi32, #tpu.memory_space<vmem>>, vector<16xi32>,
    tpu.vector_store %arg12[%swap3A_604], %add3A_603 {strides = array<i32>} : memref<256xi32, #tpu.memory_space<vmem>>, vector<16xi32>,
    %reduce_sum3A_606 = arith.constant true
    %reduce_sum3A_607 = vector.broadcast %reduce_sum3A_606 : i1 to vector<16xi1>
    %reduce_sum3A_608 = tpu.scan <sum>, %get3A_597 masked %reduce_sum3A_607 : vector<16xi32>, vector<16xi1> -> vector<16xi32>
    %reduce_sum3A_609 = vector.extract %reduce_sum3A_608[15] : i32 from vector<16xi32>
    %add3A_610 = arith.addi %add3A_595, %reduce_sum3A_609 : i32
    %get3A_611 = arith.constant 176 : index
    %get3A_612 = tpu.vector_load %arg10[%get3A_611] {strides = array<i32>} : memref<256xi32, #tpu.memory_space<vmem>>, vector<16xi32>,
    %broadcast_in_dim3A_613 = arith.constant true
    %broadcast_in_dim3A_614 = vector.broadcast %broadcast_in_dim3A_613 : i1 to vector<16xi1>
    %masked_cumsum3A_615 = tpu.scan <sum>, %get3A_612 masked %broadcast_in_dim3A_614 : vector<16xi32>, vector<16xi1> -> vector<16xi32>
    %sub3A_616 = arith.subi %masked_cumsum3A_615, %get3A_612 : vector<16xi32>
    %add3A_617 = vector.broadcast %add3A_610 : i32 to vector<16xi32>
    %add3A_618 = arith.addi %sub3A_616, %add3A_617 : vector<16xi32>
    %swap3A_619 = arith.constant 176 : index
    %swap3A_620 = tpu.vector_load %arg12[%swap3A_619] {strides = array<i32>} : memref<256xi32, #tpu.memory_space<vmem>>, vector<16xi32>,
    tpu.vector_store %arg12[%swap3A_619], %add3A_618 {strides = array<i32>} : memref<256xi32, #tpu.memory_space<vmem>>, vector<16xi32>,
    %reduce_sum3A_621 = arith.constant true
    %reduce_sum3A_622 = vector.broadcast %reduce_sum3A_621 : i1 to vector<16xi1>
    %reduce_sum3A_623 = tpu.scan <sum>, %get3A_612 masked %reduce_sum3A_622 : vector<16xi32>, vector<16xi1> -> vector<16xi32>
    %reduce_sum3A_624 = vector.extract %reduce_sum3A_623[15] : i32 from vector<16xi32>
    %add3A_625 = arith.addi %add3A_610, %reduce_sum3A_624 : i32
    %get3A_626 = arith.constant 192 : index
    %get3A_627 = tpu.vector_load %arg10[%get3A_626] {strides = array<i32>} : memref<256xi32, #tpu.memory_space<vmem>>, vector<16xi32>,
    %broadcast_in_dim3A_628 = arith.constant true
    %broadcast_in_dim3A_629 = vector.broadcast %broadcast_in_dim3A_628 : i1 to vector<16xi1>
    %masked_cumsum3A_630 = tpu.scan <sum>, %get3A_627 masked %broadcast_in_dim3A_629 : vector<16xi32>, vector<16xi1> -> vector<16xi32>
    %sub3A_631 = arith.subi %masked_cumsum3A_630, %get3A_627 : vector<16xi32>
    %add3A_632 = vector.broadcast %add3A_625 : i32 to vector<16xi32>
    %add3A_633 = arith.addi %sub3A_631, %add3A_632 : vector<16xi32>
    %swap3A_634 = arith.constant 192 : index
    %swap3A_635 = tpu.vector_load %arg12[%swap3A_634] {strides = array<i32>} : memref<256xi32, #tpu.memory_space<vmem>>, vector<16xi32>,
    tpu.vector_store %arg12[%swap3A_634], %add3A_633 {strides = array<i32>} : memref<256xi32, #tpu.memory_space<vmem>>, vector<16xi32>,
    %reduce_sum3A_636 = arith.constant true
    %reduce_sum3A_637 = vector.broadcast %reduce_sum3A_636 : i1 to vector<16xi1>
    %reduce_sum3A_638 = tpu.scan <sum>, %get3A_627 masked %reduce_sum3A_637 : vector<16xi32>, vector<16xi1> -> vector<16xi32>
    %reduce_sum3A_639 = vector.extract %reduce_sum3A_638[15] : i32 from vector<16xi32>
    %add3A_640 = arith.addi %add3A_625, %reduce_sum3A_639 : i32
    %get3A_641 = arith.constant 208 : index
    %get3A_642 = tpu.vector_load %arg10[%get3A_641] {strides = array<i32>} : memref<256xi32, #tpu.memory_space<vmem>>, vector<16xi32>,
    %broadcast_in_dim3A_643 = arith.constant true
    %broadcast_in_dim3A_644 = vector.broadcast %broadcast_in_dim3A_643 : i1 to vector<16xi1>
    %masked_cumsum3A_645 = tpu.scan <sum>, %get3A_642 masked %broadcast_in_dim3A_644 : vector<16xi32>, vector<16xi1> -> vector<16xi32>
    %sub3A_646 = arith.subi %masked_cumsum3A_645, %get3A_642 : vector<16xi32>
    %add3A_647 = vector.broadcast %add3A_640 : i32 to vector<16xi32>
    %add3A_648 = arith.addi %sub3A_646, %add3A_647 : vector<16xi32>
    %swap3A_649 = arith.constant 208 : index
    %swap3A_650 = tpu.vector_load %arg12[%swap3A_649] {strides = array<i32>} : memref<256xi32, #tpu.memory_space<vmem>>, vector<16xi32>,
    tpu.vector_store %arg12[%swap3A_649], %add3A_648 {strides = array<i32>} : memref<256xi32, #tpu.memory_space<vmem>>, vector<16xi32>,
    %reduce_sum3A_651 = arith.constant true
    %reduce_sum3A_652 = vector.broadcast %reduce_sum3A_651 : i1 to vector<16xi1>
    %reduce_sum3A_653 = tpu.scan <sum>, %get3A_642 masked %reduce_sum3A_652 : vector<16xi32>, vector<16xi1> -> vector<16xi32>
    %reduce_sum3A_654 = vector.extract %reduce_sum3A_653[15] : i32 from vector<16xi32>
    %add3A_655 = arith.addi %add3A_640, %reduce_sum3A_654 : i32
    %get3A_656 = arith.constant 224 : index
    %get3A_657 = tpu.vector_load %arg10[%get3A_656] {strides = array<i32>} : memref<256xi32, #tpu.memory_space<vmem>>, vector<16xi32>,
    %broadcast_in_dim3A_658 = arith.constant true
    %broadcast_in_dim3A_659 = vector.broadcast %broadcast_in_dim3A_658 : i1 to vector<16xi1>
    %masked_cumsum3A_660 = tpu.scan <sum>, %get3A_657 masked %broadcast_in_dim3A_659 : vector<16xi32>, vector<16xi1> -> vector<16xi32>
    %sub3A_661 = arith.subi %masked_cumsum3A_660, %get3A_657 : vector<16xi32>
    %add3A_662 = vector.broadcast %add3A_655 : i32 to vector<16xi32>
    %add3A_663 = arith.addi %sub3A_661, %add3A_662 : vector<16xi32>
    %swap3A_664 = arith.constant 224 : index
    %swap3A_665 = tpu.vector_load %arg12[%swap3A_664] {strides = array<i32>} : memref<256xi32, #tpu.memory_space<vmem>>, vector<16xi32>,
    tpu.vector_store %arg12[%swap3A_664], %add3A_663 {strides = array<i32>} : memref<256xi32, #tpu.memory_space<vmem>>, vector<16xi32>,
    %reduce_sum3A_666 = arith.constant true
    %reduce_sum3A_667 = vector.broadcast %reduce_sum3A_666 : i1 to vector<16xi1>
    %reduce_sum3A_668 = tpu.scan <sum>, %get3A_657 masked %reduce_sum3A_667 : vector<16xi32>, vector<16xi1> -> vector<16xi32>
    %reduce_sum3A_669 = vector.extract %reduce_sum3A_668[15] : i32 from vector<16xi32>
    %add3A_670 = arith.addi %add3A_655, %reduce_sum3A_669 : i32
    %get3A_671 = arith.constant 240 : index
    %get3A_672 = tpu.vector_load %arg10[%get3A_671] {strides = array<i32>} : memref<256xi32, #tpu.memory_space<vmem>>, vector<16xi32>,
    %broadcast_in_dim3A_673 = arith.constant true
    %broadcast_in_dim3A_674 = vector.broadcast %broadcast_in_dim3A_673 : i1 to vector<16xi1>
    %masked_cumsum3A_675 = tpu.scan <sum>, %get3A_672 masked %broadcast_in_dim3A_674 : vector<16xi32>, vector<16xi1> -> vector<16xi32>
    %sub3A_676 = arith.subi %masked_cumsum3A_675, %get3A_672 : vector<16xi32>
    %add3A_677 = vector.broadcast %add3A_670 : i32 to vector<16xi32>
    %add3A_678 = arith.addi %sub3A_676, %add3A_677 : vector<16xi32>
    %swap3A_679 = arith.constant 240 : index
    %swap3A_680 = tpu.vector_load %arg12[%swap3A_679] {strides = array<i32>} : memref<256xi32, #tpu.memory_space<vmem>>, vector<16xi32>,
    tpu.vector_store %arg12[%swap3A_679], %add3A_678 {strides = array<i32>} : memref<256xi32, #tpu.memory_space<vmem>>, vector<16xi32>,
    %reduce_sum3A_681 = arith.constant true
    %reduce_sum3A_682 = vector.broadcast %reduce_sum3A_681 : i1 to vector<16xi1>
    %reduce_sum3A_683 = tpu.scan <sum>, %get3A_672 masked %reduce_sum3A_682 : vector<16xi32>, vector<16xi1> -> vector<16xi32>
    %reduce_sum3A_684 = vector.extract %reduce_sum3A_683[15] : i32 from vector<16xi32>
    %add3A_685 = arith.addi %add3A_670, %reduce_sum3A_684 : i32
    %get3A_686 = arith.constant 0 : index
    %get3A_687 = tpu.vector_load %arg12[%get3A_686] {strides = array<i32>} : memref<256xi32, #tpu.memory_space<vmem>>, vector<16xi32>,
    %swap3A_688 = arith.constant 0 : index
    %swap3A_689 = tpu.vector_load %arg10[%swap3A_688] {strides = array<i32>} : memref<256xi32, #tpu.memory_space<vmem>>, vector<16xi32>,
    tpu.vector_store %arg10[%swap3A_688], %get3A_687 {strides = array<i32>} : memref<256xi32, #tpu.memory_space<vmem>>, vector<16xi32>,
    %get3A_690 = arith.constant 16 : index
    %get3A_691 = tpu.vector_load %arg12[%get3A_690] {strides = array<i32>} : memref<256xi32, #tpu.memory_space<vmem>>, vector<16xi32>,
    %swap3A_692 = arith.constant 16 : index
    %swap3A_693 = tpu.vector_load %arg10[%swap3A_692] {strides = array<i32>} : memref<256xi32, #tpu.memory_space<vmem>>, vector<16xi32>,
    tpu.vector_store %arg10[%swap3A_692], %get3A_691 {strides = array<i32>} : memref<256xi32, #tpu.memory_space<vmem>>, vector<16xi32>,
    %get3A_694 = arith.constant 32 : index
    %get3A_695 = tpu.vector_load %arg12[%get3A_694] {strides = array<i32>} : memref<256xi32, #tpu.memory_space<vmem>>, vector<16xi32>,
    %swap3A_696 = arith.constant 32 : index
    %swap3A_697 = tpu.vector_load %arg10[%swap3A_696] {strides = array<i32>} : memref<256xi32, #tpu.memory_space<vmem>>, vector<16xi32>,
    tpu.vector_store %arg10[%swap3A_696], %get3A_695 {strides = array<i32>} : memref<256xi32, #tpu.memory_space<vmem>>, vector<16xi32>,
    %get3A_698 = arith.constant 48 : index
    %get3A_699 = tpu.vector_load %arg12[%get3A_698] {strides = array<i32>} : memref<256xi32, #tpu.memory_space<vmem>>, vector<16xi32>,
    %swap3A_700 = arith.constant 48 : index
    %swap3A_701 = tpu.vector_load %arg10[%swap3A_700] {strides = array<i32>} : memref<256xi32, #tpu.memory_space<vmem>>, vector<16xi32>,
    tpu.vector_store %arg10[%swap3A_700], %get3A_699 {strides = array<i32>} : memref<256xi32, #tpu.memory_space<vmem>>, vector<16xi32>,
    %get3A_702 = arith.constant 64 : index
    %get3A_703 = tpu.vector_load %arg12[%get3A_702] {strides = array<i32>} : memref<256xi32, #tpu.memory_space<vmem>>, vector<16xi32>,
    %swap3A_704 = arith.constant 64 : index
    %swap3A_705 = tpu.vector_load %arg10[%swap3A_704] {strides = array<i32>} : memref<256xi32, #tpu.memory_space<vmem>>, vector<16xi32>,
    tpu.vector_store %arg10[%swap3A_704], %get3A_703 {strides = array<i32>} : memref<256xi32, #tpu.memory_space<vmem>>, vector<16xi32>,
    %get3A_706 = arith.constant 80 : index
    %get3A_707 = tpu.vector_load %arg12[%get3A_706] {strides = array<i32>} : memref<256xi32, #tpu.memory_space<vmem>>, vector<16xi32>,
    %swap3A_708 = arith.constant 80 : index
    %swap3A_709 = tpu.vector_load %arg10[%swap3A_708] {strides = array<i32>} : memref<256xi32, #tpu.memory_space<vmem>>, vector<16xi32>,
    tpu.vector_store %arg10[%swap3A_708], %get3A_707 {strides = array<i32>} : memref<256xi32, #tpu.memory_space<vmem>>, vector<16xi32>,
    %get3A_710 = arith.constant 96 : index
    %get3A_711 = tpu.vector_load %arg12[%get3A_710] {strides = array<i32>} : memref<256xi32, #tpu.memory_space<vmem>>, vector<16xi32>,
    %swap3A_712 = arith.constant 96 : index
    %swap3A_713 = tpu.vector_load %arg10[%swap3A_712] {strides = array<i32>} : memref<256xi32, #tpu.memory_space<vmem>>, vector<16xi32>,
    tpu.vector_store %arg10[%swap3A_712], %get3A_711 {strides = array<i32>} : memref<256xi32, #tpu.memory_space<vmem>>, vector<16xi32>,
    %get3A_714 = arith.constant 112 : index
    %get3A_715 = tpu.vector_load %arg12[%get3A_714] {strides = array<i32>} : memref<256xi32, #tpu.memory_space<vmem>>, vector<16xi32>,
    %swap3A_716 = arith.constant 112 : index
    %swap3A_717 = tpu.vector_load %arg10[%swap3A_716] {strides = array<i32>} : memref<256xi32, #tpu.memory_space<vmem>>, vector<16xi32>,
    tpu.vector_store %arg10[%swap3A_716], %get3A_715 {strides = array<i32>} : memref<256xi32, #tpu.memory_space<vmem>>, vector<16xi32>,
    %get3A_718 = arith.constant 128 : index
    %get3A_719 = tpu.vector_load %arg12[%get3A_718] {strides = array<i32>} : memref<256xi32, #tpu.memory_space<vmem>>, vector<16xi32>,
    %swap3A_720 = arith.constant 128 : index
    %swap3A_721 = tpu.vector_load %arg10[%swap3A_720] {strides = array<i32>} : memref<256xi32, #tpu.memory_space<vmem>>, vector<16xi32>,
    tpu.vector_store %arg10[%swap3A_720], %get3A_719 {strides = array<i32>} : memref<256xi32, #tpu.memory_space<vmem>>, vector<16xi32>,
    %get3A_722 = arith.constant 144 : index
    %get3A_723 = tpu.vector_load %arg12[%get3A_722] {strides = array<i32>} : memref<256xi32, #tpu.memory_space<vmem>>, vector<16xi32>,
    %swap3A_724 = arith.constant 144 : index
    %swap3A_725 = tpu.vector_load %arg10[%swap3A_724] {strides = array<i32>} : memref<256xi32, #tpu.memory_space<vmem>>, vector<16xi32>,
    tpu.vector_store %arg10[%swap3A_724], %get3A_723 {strides = array<i32>} : memref<256xi32, #tpu.memory_space<vmem>>, vector<16xi32>,
    %get3A_726 = arith.constant 160 : index
    %get3A_727 = tpu.vector_load %arg12[%get3A_726] {strides = array<i32>} : memref<256xi32, #tpu.memory_space<vmem>>, vector<16xi32>,
    %swap3A_728 = arith.constant 160 : index
    %swap3A_729 = tpu.vector_load %arg10[%swap3A_728] {strides = array<i32>} : memref<256xi32, #tpu.memory_space<vmem>>, vector<16xi32>,
    tpu.vector_store %arg10[%swap3A_728], %get3A_727 {strides = array<i32>} : memref<256xi32, #tpu.memory_space<vmem>>, vector<16xi32>,
    %get3A_730 = arith.constant 176 : index
    %get3A_731 = tpu.vector_load %arg12[%get3A_730] {strides = array<i32>} : memref<256xi32, #tpu.memory_space<vmem>>, vector<16xi32>,
    %swap3A_732 = arith.constant 176 : index
    %swap3A_733 = tpu.vector_load %arg10[%swap3A_732] {strides = array<i32>} : memref<256xi32, #tpu.memory_space<vmem>>, vector<16xi32>,
    tpu.vector_store %arg10[%swap3A_732], %get3A_731 {strides = array<i32>} : memref<256xi32, #tpu.memory_space<vmem>>, vector<16xi32>,
    %get3A_734 = arith.constant 192 : index
    %get3A_735 = tpu.vector_load %arg12[%get3A_734] {strides = array<i32>} : memref<256xi32, #tpu.memory_space<vmem>>, vector<16xi32>,
    %swap3A_736 = arith.constant 192 : index
    %swap3A_737 = tpu.vector_load %arg10[%swap3A_736] {strides = array<i32>} : memref<256xi32, #tpu.memory_space<vmem>>, vector<16xi32>,
    tpu.vector_store %arg10[%swap3A_736], %get3A_735 {strides = array<i32>} : memref<256xi32, #tpu.memory_space<vmem>>, vector<16xi32>,
    %get3A_738 = arith.constant 208 : index
    %get3A_739 = tpu.vector_load %arg12[%get3A_738] {strides = array<i32>} : memref<256xi32, #tpu.memory_space<vmem>>, vector<16xi32>,
    %swap3A_740 = arith.constant 208 : index
    %swap3A_741 = tpu.vector_load %arg10[%swap3A_740] {strides = array<i32>} : memref<256xi32, #tpu.memory_space<vmem>>, vector<16xi32>,
    tpu.vector_store %arg10[%swap3A_740], %get3A_739 {strides = array<i32>} : memref<256xi32, #tpu.memory_space<vmem>>, vector<16xi32>,
    %get3A_742 = arith.constant 224 : index
    %get3A_743 = tpu.vector_load %arg12[%get3A_742] {strides = array<i32>} : memref<256xi32, #tpu.memory_space<vmem>>, vector<16xi32>,
    %swap3A_744 = arith.constant 224 : index
    %swap3A_745 = tpu.vector_load %arg10[%swap3A_744] {strides = array<i32>} : memref<256xi32, #tpu.memory_space<vmem>>, vector<16xi32>,
    tpu.vector_store %arg10[%swap3A_744], %get3A_743 {strides = array<i32>} : memref<256xi32, #tpu.memory_space<vmem>>, vector<16xi32>,
    %get3A_746 = arith.constant 240 : index
    %get3A_747 = tpu.vector_load %arg12[%get3A_746] {strides = array<i32>} : memref<256xi32, #tpu.memory_space<vmem>>, vector<16xi32>,
    %swap3A_748 = arith.constant 240 : index
    %swap3A_749 = tpu.vector_load %arg10[%swap3A_748] {strides = array<i32>} : memref<256xi32, #tpu.memory_space<vmem>>, vector<16xi32>,
    tpu.vector_store %arg10[%swap3A_748], %get3A_747 {strides = array<i32>} : memref<256xi32, #tpu.memory_space<vmem>>, vector<16xi32>,
    %scan3A_750 = arith.constant 0 : i32
    %scan3A_751 = arith.constant 1024 : i32
    %scan3A_752 = arith.addi %scan3A_750, %scan3A_751 : i32
    %scan3A_753 = arith.constant 8 : i32
    scf.for %scan3A_1051 = %scan3A_750 to %scan3A_752 step %scan3A_753  : i32 {
      %mul3A_1052 = arith.constant 1 : i32
      %mul3A_1053 = arith.muli %scan3A_1051, %mul3A_1052 : i32
      %add3A_1054 = arith.constant 0 : i32
      %add3A_1055 = arith.addi %add3A_1054, %mul3A_1053 : i32
      %mul3A_1056 = arith.constant 16 : i32
      %mul3A_1057 = arith.muli %mul3A_1056, %add3A_1055 : i32
      %get3A_1058 = arith.index_cast %mul3A_1057 : i32 to index
      %get3A_1059 = tpu.vector_load %arg7[%get3A_1058] {strides = array<i32>} : memref<16384xi32, #tpu.memory_space<vmem>>, vector<16xi32>,
      %mul3A_1060 = arith.constant 16 : i32
      %mul3A_1061 = arith.muli %mul3A_1060, %add3A_1055 : i32
      %iota3A_1062 = tpu.iota {dimensions = array<i32: 0>} : vector<16xi32>
      %add3A_1063 = vector.broadcast %mul3A_1061 : i32 to vector<16xi32>
      %add3A_1064 = arith.addi %add3A_1063, %iota3A_1062 : vector<16xi32>
      %shift_right_arithmetic3A_1065 = arith.constant 12 : i32
      %shift_right_arithmetic3A_1066 = vector.broadcast %shift_right_arithmetic3A_1065 : i32 to vector<16xi32>
      %shift_right_arithmetic3A_1067 = arith.shrsi %get3A_1059, %shift_right_arithmetic3A_1066 : vector<16xi32>
      %broadcast_in_dim3A_1068 = arith.constant true
      %broadcast_in_dim3A_1069 = vector.broadcast %broadcast_in_dim3A_1068 : i1 to vector<16xi1>
      %unique3A, %unique3A_1070 = tpu.scan_count mask(%broadcast_in_dim3A_1069 : vector<16xi1>) value(%shift_right_arithmetic3A_1067 : vector<16xi32>) : vector<16xi1>, vector<16xi32>
      %gather3A = tpu.vector_load_idx %arg10[%shift_right_arithmetic3A_1067] : memref<256xi32, #tpu.memory_space<vmem>>[vector<16xi32>], vector<16xi32>,
      %add3A_1071 = arith.addi %gather3A, %unique3A_1070 : vector<16xi32>
      %sub3A_1072 = arith.constant 1 : i32
      %sub3A_1073 = vector.broadcast %sub3A_1072 : i32 to vector<16xi32>
      %sub3A_1074 = arith.subi %add3A_1071, %sub3A_1073 : vector<16xi32>
      %and3A_1075 = arith.constant 4095 : i32
      %and3A_1076 = vector.broadcast %and3A_1075 : i32 to vector<16xi32>
      %and3A_1077 = arith.andi %get3A_1059, %and3A_1076 : vector<16xi32>
      %shift_left3A = arith.constant 14 : i32
      %shift_left3A_1078 = vector.broadcast %shift_left3A : i32 to vector<16xi32>
      %shift_left3A_1079 = arith.shli %and3A_1077, %shift_left3A_1078 : vector<16xi32>
      %or3A = arith.ori %shift_left3A_1079, %add3A_1064 : vector<16xi32>
      tpu.vector_store_idx %arg9[%sub3A_1074], %or3A : memref<16400xi32, #tpu.memory_space<vmem>>[vector<16xi32>], vector<16xi32>,
      tpu.vector_store_idx %arg10[%shift_right_arithmetic3A_1067], %unique3A_1070 masked %unique3A {add = true} : memref<256xi32, #tpu.memory_space<vmem>>[vector<16xi32>], vector<16xi32>, vector<16xi1>
      %scan3A_1080 = arith.constant 1 : i32
      %scan3A_1081 = arith.addi %scan3A_1051, %scan3A_1080 : i32
      %mul3A_1082 = arith.constant 1 : i32
      %mul3A_1083 = arith.muli %scan3A_1081, %mul3A_1082 : i32
      %add3A_1084 = arith.constant 0 : i32
      %add3A_1085 = arith.addi %add3A_1084, %mul3A_1083 : i32
      %mul3A_1086 = arith.constant 16 : i32
      %mul3A_1087 = arith.muli %mul3A_1086, %add3A_1085 : i32
      %get3A_1088 = arith.index_cast %mul3A_1087 : i32 to index
      %get3A_1089 = tpu.vector_load %arg7[%get3A_1088] {strides = array<i32>} : memref<16384xi32, #tpu.memory_space<vmem>>, vector<16xi32>,
      %mul3A_1090 = arith.constant 16 : i32
      %mul3A_1091 = arith.muli %mul3A_1090, %add3A_1085 : i32
      %iota3A_1092 = tpu.iota {dimensions = array<i32: 0>} : vector<16xi32>
      %add3A_1093 = vector.broadcast %mul3A_1091 : i32 to vector<16xi32>
      %add3A_1094 = arith.addi %add3A_1093, %iota3A_1092 : vector<16xi32>
      %shift_right_arithmetic3A_1095 = arith.constant 12 : i32
      %shift_right_arithmetic3A_1096 = vector.broadcast %shift_right_arithmetic3A_1095 : i32 to vector<16xi32>
      %shift_right_arithmetic3A_1097 = arith.shrsi %get3A_1089, %shift_right_arithmetic3A_1096 : vector<16xi32>
      %broadcast_in_dim3A_1098 = arith.constant true
      %broadcast_in_dim3A_1099 = vector.broadcast %broadcast_in_dim3A_1098 : i1 to vector<16xi1>
      %unique3A_1100, %unique3A_1101 = tpu.scan_count mask(%broadcast_in_dim3A_1099 : vector<16xi1>) value(%shift_right_arithmetic3A_1097 : vector<16xi32>) : vector<16xi1>, vector<16xi32>
      %gather3A_1102 = tpu.vector_load_idx %arg10[%shift_right_arithmetic3A_1097] : memref<256xi32, #tpu.memory_space<vmem>>[vector<16xi32>], vector<16xi32>,
      %add3A_1103 = arith.addi %gather3A_1102, %unique3A_1101 : vector<16xi32>
      %sub3A_1104 = arith.constant 1 : i32
      %sub3A_1105 = vector.broadcast %sub3A_1104 : i32 to vector<16xi32>
      %sub3A_1106 = arith.subi %add3A_1103, %sub3A_1105 : vector<16xi32>
      %and3A_1107 = arith.constant 4095 : i32
      %and3A_1108 = vector.broadcast %and3A_1107 : i32 to vector<16xi32>
      %and3A_1109 = arith.andi %get3A_1089, %and3A_1108 : vector<16xi32>
      %shift_left3A_1110 = arith.constant 14 : i32
      %shift_left3A_1111 = vector.broadcast %shift_left3A_1110 : i32 to vector<16xi32>
      %shift_left3A_1112 = arith.shli %and3A_1109, %shift_left3A_1111 : vector<16xi32>
      %or3A_1113 = arith.ori %shift_left3A_1112, %add3A_1094 : vector<16xi32>
      tpu.vector_store_idx %arg9[%sub3A_1106], %or3A_1113 : memref<16400xi32, #tpu.memory_space<vmem>>[vector<16xi32>], vector<16xi32>,
      tpu.vector_store_idx %arg10[%shift_right_arithmetic3A_1097], %unique3A_1101 masked %unique3A_1100 {add = true} : memref<256xi32, #tpu.memory_space<vmem>>[vector<16xi32>], vector<16xi32>, vector<16xi1>
      %scan3A_1114 = arith.constant 2 : i32
      %scan3A_1115 = arith.addi %scan3A_1051, %scan3A_1114 : i32
      %mul3A_1116 = arith.constant 1 : i32
      %mul3A_1117 = arith.muli %scan3A_1115, %mul3A_1116 : i32
      %add3A_1118 = arith.constant 0 : i32
      %add3A_1119 = arith.addi %add3A_1118, %mul3A_1117 : i32
      %mul3A_1120 = arith.constant 16 : i32
      %mul3A_1121 = arith.muli %mul3A_1120, %add3A_1119 : i32
      %get3A_1122 = arith.index_cast %mul3A_1121 : i32 to index
      %get3A_1123 = tpu.vector_load %arg7[%get3A_1122] {strides = array<i32>} : memref<16384xi32, #tpu.memory_space<vmem>>, vector<16xi32>,
      %mul3A_1124 = arith.constant 16 : i32
      %mul3A_1125 = arith.muli %mul3A_1124, %add3A_1119 : i32
      %iota3A_1126 = tpu.iota {dimensions = array<i32: 0>} : vector<16xi32>
      %add3A_1127 = vector.broadcast %mul3A_1125 : i32 to vector<16xi32>
      %add3A_1128 = arith.addi %add3A_1127, %iota3A_1126 : vector<16xi32>
      %shift_right_arithmetic3A_1129 = arith.constant 12 : i32
      %shift_right_arithmetic3A_1130 = vector.broadcast %shift_right_arithmetic3A_1129 : i32 to vector<16xi32>
      %shift_right_arithmetic3A_1131 = arith.shrsi %get3A_1123, %shift_right_arithmetic3A_1130 : vector<16xi32>
      %broadcast_in_dim3A_1132 = arith.constant true
      %broadcast_in_dim3A_1133 = vector.broadcast %broadcast_in_dim3A_1132 : i1 to vector<16xi1>
      %unique3A_1134, %unique3A_1135 = tpu.scan_count mask(%broadcast_in_dim3A_1133 : vector<16xi1>) value(%shift_right_arithmetic3A_1131 : vector<16xi32>) : vector<16xi1>, vector<16xi32>
      %gather3A_1136 = tpu.vector_load_idx %arg10[%shift_right_arithmetic3A_1131] : memref<256xi32, #tpu.memory_space<vmem>>[vector<16xi32>], vector<16xi32>,
      %add3A_1137 = arith.addi %gather3A_1136, %unique3A_1135 : vector<16xi32>
      %sub3A_1138 = arith.constant 1 : i32
      %sub3A_1139 = vector.broadcast %sub3A_1138 : i32 to vector<16xi32>
      %sub3A_1140 = arith.subi %add3A_1137, %sub3A_1139 : vector<16xi32>
      %and3A_1141 = arith.constant 4095 : i32
      %and3A_1142 = vector.broadcast %and3A_1141 : i32 to vector<16xi32>
      %and3A_1143 = arith.andi %get3A_1123, %and3A_1142 : vector<16xi32>
      %shift_left3A_1144 = arith.constant 14 : i32
      %shift_left3A_1145 = vector.broadcast %shift_left3A_1144 : i32 to vector<16xi32>
      %shift_left3A_1146 = arith.shli %and3A_1143, %shift_left3A_1145 : vector<16xi32>
      %or3A_1147 = arith.ori %shift_left3A_1146, %add3A_1128 : vector<16xi32>
      tpu.vector_store_idx %arg9[%sub3A_1140], %or3A_1147 : memref<16400xi32, #tpu.memory_space<vmem>>[vector<16xi32>], vector<16xi32>,
      tpu.vector_store_idx %arg10[%shift_right_arithmetic3A_1131], %unique3A_1135 masked %unique3A_1134 {add = true} : memref<256xi32, #tpu.memory_space<vmem>>[vector<16xi32>], vector<16xi32>, vector<16xi1>
      %scan3A_1148 = arith.constant 3 : i32
      %scan3A_1149 = arith.addi %scan3A_1051, %scan3A_1148 : i32
      %mul3A_1150 = arith.constant 1 : i32
      %mul3A_1151 = arith.muli %scan3A_1149, %mul3A_1150 : i32
      %add3A_1152 = arith.constant 0 : i32
      %add3A_1153 = arith.addi %add3A_1152, %mul3A_1151 : i32
      %mul3A_1154 = arith.constant 16 : i32
      %mul3A_1155 = arith.muli %mul3A_1154, %add3A_1153 : i32
      %get3A_1156 = arith.index_cast %mul3A_1155 : i32 to index
      %get3A_1157 = tpu.vector_load %arg7[%get3A_1156] {strides = array<i32>} : memref<16384xi32, #tpu.memory_space<vmem>>, vector<16xi32>,
      %mul3A_1158 = arith.constant 16 : i32
      %mul3A_1159 = arith.muli %mul3A_1158, %add3A_1153 : i32
      %iota3A_1160 = tpu.iota {dimensions = array<i32: 0>} : vector<16xi32>
      %add3A_1161 = vector.broadcast %mul3A_1159 : i32 to vector<16xi32>
      %add3A_1162 = arith.addi %add3A_1161, %iota3A_1160 : vector<16xi32>
      %shift_right_arithmetic3A_1163 = arith.constant 12 : i32
      %shift_right_arithmetic3A_1164 = vector.broadcast %shift_right_arithmetic3A_1163 : i32 to vector<16xi32>
      %shift_right_arithmetic3A_1165 = arith.shrsi %get3A_1157, %shift_right_arithmetic3A_1164 : vector<16xi32>
      %broadcast_in_dim3A_1166 = arith.constant true
      %broadcast_in_dim3A_1167 = vector.broadcast %broadcast_in_dim3A_1166 : i1 to vector<16xi1>
      %unique3A_1168, %unique3A_1169 = tpu.scan_count mask(%broadcast_in_dim3A_1167 : vector<16xi1>) value(%shift_right_arithmetic3A_1165 : vector<16xi32>) : vector<16xi1>, vector<16xi32>
      %gather3A_1170 = tpu.vector_load_idx %arg10[%shift_right_arithmetic3A_1165] : memref<256xi32, #tpu.memory_space<vmem>>[vector<16xi32>], vector<16xi32>,
      %add3A_1171 = arith.addi %gather3A_1170, %unique3A_1169 : vector<16xi32>
      %sub3A_1172 = arith.constant 1 : i32
      %sub3A_1173 = vector.broadcast %sub3A_1172 : i32 to vector<16xi32>
      %sub3A_1174 = arith.subi %add3A_1171, %sub3A_1173 : vector<16xi32>
      %and3A_1175 = arith.constant 4095 : i32
      %and3A_1176 = vector.broadcast %and3A_1175 : i32 to vector<16xi32>
      %and3A_1177 = arith.andi %get3A_1157, %and3A_1176 : vector<16xi32>
      %shift_left3A_1178 = arith.constant 14 : i32
      %shift_left3A_1179 = vector.broadcast %shift_left3A_1178 : i32 to vector<16xi32>
      %shift_left3A_1180 = arith.shli %and3A_1177, %shift_left3A_1179 : vector<16xi32>
      %or3A_1181 = arith.ori %shift_left3A_1180, %add3A_1162 : vector<16xi32>
      tpu.vector_store_idx %arg9[%sub3A_1174], %or3A_1181 : memref<16400xi32, #tpu.memory_space<vmem>>[vector<16xi32>], vector<16xi32>,
      tpu.vector_store_idx %arg10[%shift_right_arithmetic3A_1165], %unique3A_1169 masked %unique3A_1168 {add = true} : memref<256xi32, #tpu.memory_space<vmem>>[vector<16xi32>], vector<16xi32>, vector<16xi1>
      %scan3A_1182 = arith.constant 4 : i32
      %scan3A_1183 = arith.addi %scan3A_1051, %scan3A_1182 : i32
      %mul3A_1184 = arith.constant 1 : i32
      %mul3A_1185 = arith.muli %scan3A_1183, %mul3A_1184 : i32
      %add3A_1186 = arith.constant 0 : i32
      %add3A_1187 = arith.addi %add3A_1186, %mul3A_1185 : i32
      %mul3A_1188 = arith.constant 16 : i32
      %mul3A_1189 = arith.muli %mul3A_1188, %add3A_1187 : i32
      %get3A_1190 = arith.index_cast %mul3A_1189 : i32 to index
      %get3A_1191 = tpu.vector_load %arg7[%get3A_1190] {strides = array<i32>} : memref<16384xi32, #tpu.memory_space<vmem>>, vector<16xi32>,
      %mul3A_1192 = arith.constant 16 : i32
      %mul3A_1193 = arith.muli %mul3A_1192, %add3A_1187 : i32
      %iota3A_1194 = tpu.iota {dimensions = array<i32: 0>} : vector<16xi32>
      %add3A_1195 = vector.broadcast %mul3A_1193 : i32 to vector<16xi32>
      %add3A_1196 = arith.addi %add3A_1195, %iota3A_1194 : vector<16xi32>
      %shift_right_arithmetic3A_1197 = arith.constant 12 : i32
      %shift_right_arithmetic3A_1198 = vector.broadcast %shift_right_arithmetic3A_1197 : i32 to vector<16xi32>
      %shift_right_arithmetic3A_1199 = arith.shrsi %get3A_1191, %shift_right_arithmetic3A_1198 : vector<16xi32>
      %broadcast_in_dim3A_1200 = arith.constant true
      %broadcast_in_dim3A_1201 = vector.broadcast %broadcast_in_dim3A_1200 : i1 to vector<16xi1>
      %unique3A_1202, %unique3A_1203 = tpu.scan_count mask(%broadcast_in_dim3A_1201 : vector<16xi1>) value(%shift_right_arithmetic3A_1199 : vector<16xi32>) : vector<16xi1>, vector<16xi32>
      %gather3A_1204 = tpu.vector_load_idx %arg10[%shift_right_arithmetic3A_1199] : memref<256xi32, #tpu.memory_space<vmem>>[vector<16xi32>], vector<16xi32>,
      %add3A_1205 = arith.addi %gather3A_1204, %unique3A_1203 : vector<16xi32>
      %sub3A_1206 = arith.constant 1 : i32
      %sub3A_1207 = vector.broadcast %sub3A_1206 : i32 to vector<16xi32>
      %sub3A_1208 = arith.subi %add3A_1205, %sub3A_1207 : vector<16xi32>
      %and3A_1209 = arith.constant 4095 : i32
      %and3A_1210 = vector.broadcast %and3A_1209 : i32 to vector<16xi32>
      %and3A_1211 = arith.andi %get3A_1191, %and3A_1210 : vector<16xi32>
      %shift_left3A_1212 = arith.constant 14 : i32
      %shift_left3A_1213 = vector.broadcast %shift_left3A_1212 : i32 to vector<16xi32>
      %shift_left3A_1214 = arith.shli %and3A_1211, %shift_left3A_1213 : vector<16xi32>
      %or3A_1215 = arith.ori %shift_left3A_1214, %add3A_1196 : vector<16xi32>
      tpu.vector_store_idx %arg9[%sub3A_1208], %or3A_1215 : memref<16400xi32, #tpu.memory_space<vmem>>[vector<16xi32>], vector<16xi32>,
      tpu.vector_store_idx %arg10[%shift_right_arithmetic3A_1199], %unique3A_1203 masked %unique3A_1202 {add = true} : memref<256xi32, #tpu.memory_space<vmem>>[vector<16xi32>], vector<16xi32>, vector<16xi1>
      %scan3A_1216 = arith.constant 5 : i32
      %scan3A_1217 = arith.addi %scan3A_1051, %scan3A_1216 : i32
      %mul3A_1218 = arith.constant 1 : i32
      %mul3A_1219 = arith.muli %scan3A_1217, %mul3A_1218 : i32
      %add3A_1220 = arith.constant 0 : i32
      %add3A_1221 = arith.addi %add3A_1220, %mul3A_1219 : i32
      %mul3A_1222 = arith.constant 16 : i32
      %mul3A_1223 = arith.muli %mul3A_1222, %add3A_1221 : i32
      %get3A_1224 = arith.index_cast %mul3A_1223 : i32 to index
      %get3A_1225 = tpu.vector_load %arg7[%get3A_1224] {strides = array<i32>} : memref<16384xi32, #tpu.memory_space<vmem>>, vector<16xi32>,
      %mul3A_1226 = arith.constant 16 : i32
      %mul3A_1227 = arith.muli %mul3A_1226, %add3A_1221 : i32
      %iota3A_1228 = tpu.iota {dimensions = array<i32: 0>} : vector<16xi32>
      %add3A_1229 = vector.broadcast %mul3A_1227 : i32 to vector<16xi32>
      %add3A_1230 = arith.addi %add3A_1229, %iota3A_1228 : vector<16xi32>
      %shift_right_arithmetic3A_1231 = arith.constant 12 : i32
      %shift_right_arithmetic3A_1232 = vector.broadcast %shift_right_arithmetic3A_1231 : i32 to vector<16xi32>
      %shift_right_arithmetic3A_1233 = arith.shrsi %get3A_1225, %shift_right_arithmetic3A_1232 : vector<16xi32>
      %broadcast_in_dim3A_1234 = arith.constant true
      %broadcast_in_dim3A_1235 = vector.broadcast %broadcast_in_dim3A_1234 : i1 to vector<16xi1>
      %unique3A_1236, %unique3A_1237 = tpu.scan_count mask(%broadcast_in_dim3A_1235 : vector<16xi1>) value(%shift_right_arithmetic3A_1233 : vector<16xi32>) : vector<16xi1>, vector<16xi32>
      %gather3A_1238 = tpu.vector_load_idx %arg10[%shift_right_arithmetic3A_1233] : memref<256xi32, #tpu.memory_space<vmem>>[vector<16xi32>], vector<16xi32>,
      %add3A_1239 = arith.addi %gather3A_1238, %unique3A_1237 : vector<16xi32>
      %sub3A_1240 = arith.constant 1 : i32
      %sub3A_1241 = vector.broadcast %sub3A_1240 : i32 to vector<16xi32>
      %sub3A_1242 = arith.subi %add3A_1239, %sub3A_1241 : vector<16xi32>
      %and3A_1243 = arith.constant 4095 : i32
      %and3A_1244 = vector.broadcast %and3A_1243 : i32 to vector<16xi32>
      %and3A_1245 = arith.andi %get3A_1225, %and3A_1244 : vector<16xi32>
      %shift_left3A_1246 = arith.constant 14 : i32
      %shift_left3A_1247 = vector.broadcast %shift_left3A_1246 : i32 to vector<16xi32>
      %shift_left3A_1248 = arith.shli %and3A_1245, %shift_left3A_1247 : vector<16xi32>
      %or3A_1249 = arith.ori %shift_left3A_1248, %add3A_1230 : vector<16xi32>
      tpu.vector_store_idx %arg9[%sub3A_1242], %or3A_1249 : memref<16400xi32, #tpu.memory_space<vmem>>[vector<16xi32>], vector<16xi32>,
      tpu.vector_store_idx %arg10[%shift_right_arithmetic3A_1233], %unique3A_1237 masked %unique3A_1236 {add = true} : memref<256xi32, #tpu.memory_space<vmem>>[vector<16xi32>], vector<16xi32>, vector<16xi1>
      %scan3A_1250 = arith.constant 6 : i32
      %scan3A_1251 = arith.addi %scan3A_1051, %scan3A_1250 : i32
      %mul3A_1252 = arith.constant 1 : i32
      %mul3A_1253 = arith.muli %scan3A_1251, %mul3A_1252 : i32
      %add3A_1254 = arith.constant 0 : i32
      %add3A_1255 = arith.addi %add3A_1254, %mul3A_1253 : i32
      %mul3A_1256 = arith.constant 16 : i32
      %mul3A_1257 = arith.muli %mul3A_1256, %add3A_1255 : i32
      %get3A_1258 = arith.index_cast %mul3A_1257 : i32 to index
      %get3A_1259 = tpu.vector_load %arg7[%get3A_1258] {strides = array<i32>} : memref<16384xi32, #tpu.memory_space<vmem>>, vector<16xi32>,
      %mul3A_1260 = arith.constant 16 : i32
      %mul3A_1261 = arith.muli %mul3A_1260, %add3A_1255 : i32
      %iota3A_1262 = tpu.iota {dimensions = array<i32: 0>} : vector<16xi32>
      %add3A_1263 = vector.broadcast %mul3A_1261 : i32 to vector<16xi32>
      %add3A_1264 = arith.addi %add3A_1263, %iota3A_1262 : vector<16xi32>
      %shift_right_arithmetic3A_1265 = arith.constant 12 : i32
      %shift_right_arithmetic3A_1266 = vector.broadcast %shift_right_arithmetic3A_1265 : i32 to vector<16xi32>
      %shift_right_arithmetic3A_1267 = arith.shrsi %get3A_1259, %shift_right_arithmetic3A_1266 : vector<16xi32>
      %broadcast_in_dim3A_1268 = arith.constant true
      %broadcast_in_dim3A_1269 = vector.broadcast %broadcast_in_dim3A_1268 : i1 to vector<16xi1>
      %unique3A_1270, %unique3A_1271 = tpu.scan_count mask(%broadcast_in_dim3A_1269 : vector<16xi1>) value(%shift_right_arithmetic3A_1267 : vector<16xi32>) : vector<16xi1>, vector<16xi32>
      %gather3A_1272 = tpu.vector_load_idx %arg10[%shift_right_arithmetic3A_1267] : memref<256xi32, #tpu.memory_space<vmem>>[vector<16xi32>], vector<16xi32>,
      %add3A_1273 = arith.addi %gather3A_1272, %unique3A_1271 : vector<16xi32>
      %sub3A_1274 = arith.constant 1 : i32
      %sub3A_1275 = vector.broadcast %sub3A_1274 : i32 to vector<16xi32>
      %sub3A_1276 = arith.subi %add3A_1273, %sub3A_1275 : vector<16xi32>
      %and3A_1277 = arith.constant 4095 : i32
      %and3A_1278 = vector.broadcast %and3A_1277 : i32 to vector<16xi32>
      %and3A_1279 = arith.andi %get3A_1259, %and3A_1278 : vector<16xi32>
      %shift_left3A_1280 = arith.constant 14 : i32
      %shift_left3A_1281 = vector.broadcast %shift_left3A_1280 : i32 to vector<16xi32>
      %shift_left3A_1282 = arith.shli %and3A_1279, %shift_left3A_1281 : vector<16xi32>
      %or3A_1283 = arith.ori %shift_left3A_1282, %add3A_1264 : vector<16xi32>
      tpu.vector_store_idx %arg9[%sub3A_1276], %or3A_1283 : memref<16400xi32, #tpu.memory_space<vmem>>[vector<16xi32>], vector<16xi32>,
      tpu.vector_store_idx %arg10[%shift_right_arithmetic3A_1267], %unique3A_1271 masked %unique3A_1270 {add = true} : memref<256xi32, #tpu.memory_space<vmem>>[vector<16xi32>], vector<16xi32>, vector<16xi1>
      %scan3A_1284 = arith.constant 7 : i32
      %scan3A_1285 = arith.addi %scan3A_1051, %scan3A_1284 : i32
      %mul3A_1286 = arith.constant 1 : i32
      %mul3A_1287 = arith.muli %scan3A_1285, %mul3A_1286 : i32
      %add3A_1288 = arith.constant 0 : i32
      %add3A_1289 = arith.addi %add3A_1288, %mul3A_1287 : i32
      %mul3A_1290 = arith.constant 16 : i32
      %mul3A_1291 = arith.muli %mul3A_1290, %add3A_1289 : i32
      %get3A_1292 = arith.index_cast %mul3A_1291 : i32 to index
      %get3A_1293 = tpu.vector_load %arg7[%get3A_1292] {strides = array<i32>} : memref<16384xi32, #tpu.memory_space<vmem>>, vector<16xi32>,
      %mul3A_1294 = arith.constant 16 : i32
      %mul3A_1295 = arith.muli %mul3A_1294, %add3A_1289 : i32
      %iota3A_1296 = tpu.iota {dimensions = array<i32: 0>} : vector<16xi32>
      %add3A_1297 = vector.broadcast %mul3A_1295 : i32 to vector<16xi32>
      %add3A_1298 = arith.addi %add3A_1297, %iota3A_1296 : vector<16xi32>
      %shift_right_arithmetic3A_1299 = arith.constant 12 : i32
      %shift_right_arithmetic3A_1300 = vector.broadcast %shift_right_arithmetic3A_1299 : i32 to vector<16xi32>
      %shift_right_arithmetic3A_1301 = arith.shrsi %get3A_1293, %shift_right_arithmetic3A_1300 : vector<16xi32>
      %broadcast_in_dim3A_1302 = arith.constant true
      %broadcast_in_dim3A_1303 = vector.broadcast %broadcast_in_dim3A_1302 : i1 to vector<16xi1>
      %unique3A_1304, %unique3A_1305 = tpu.scan_count mask(%broadcast_in_dim3A_1303 : vector<16xi1>) value(%shift_right_arithmetic3A_1301 : vector<16xi32>) : vector<16xi1>, vector<16xi32>
      %gather3A_1306 = tpu.vector_load_idx %arg10[%shift_right_arithmetic3A_1301] : memref<256xi32, #tpu.memory_space<vmem>>[vector<16xi32>], vector<16xi32>,
      %add3A_1307 = arith.addi %gather3A_1306, %unique3A_1305 : vector<16xi32>
      %sub3A_1308 = arith.constant 1 : i32
      %sub3A_1309 = vector.broadcast %sub3A_1308 : i32 to vector<16xi32>
      %sub3A_1310 = arith.subi %add3A_1307, %sub3A_1309 : vector<16xi32>
      %and3A_1311 = arith.constant 4095 : i32
      %and3A_1312 = vector.broadcast %and3A_1311 : i32 to vector<16xi32>
      %and3A_1313 = arith.andi %get3A_1293, %and3A_1312 : vector<16xi32>
      %shift_left3A_1314 = arith.constant 14 : i32
      %shift_left3A_1315 = vector.broadcast %shift_left3A_1314 : i32 to vector<16xi32>
      %shift_left3A_1316 = arith.shli %and3A_1313, %shift_left3A_1315 : vector<16xi32>
      %or3A_1317 = arith.ori %shift_left3A_1316, %add3A_1298 : vector<16xi32>
      tpu.vector_store_idx %arg9[%sub3A_1310], %or3A_1317 : memref<16400xi32, #tpu.memory_space<vmem>>[vector<16xi32>], vector<16xi32>,
      tpu.vector_store_idx %arg10[%shift_right_arithmetic3A_1301], %unique3A_1305 masked %unique3A_1304 {add = true} : memref<256xi32, #tpu.memory_space<vmem>>[vector<16xi32>], vector<16xi32>, vector<16xi1>
    }
    %scan3A_754 = arith.constant 1024 : i32
    %mul3A_755 = arith.constant 2 : i32
    %mul3A_756 = arith.muli %add3A, %mul3A_755 : i32
    %add3A_757 = arith.constant 0 : i32
    %add3A_758 = arith.addi %mul3A_756, %add3A_757 : i32
    %dma_start3A = arith.constant 0 : i32
    %dma_start3A_759 = tpu.memref_slice %arg3[%add3A_758, %dma_start3A] : memref<64x1000000xf32, #tpu.memory_space<hbm>> -> memref<1x4096xf32, #tpu.memory_space<hbm>>
    %dma_start3A_760 = tpu.memref_squeeze %dma_start3A_759 : memref<1x4096xf32, #tpu.memory_space<hbm>> -> memref<4096xf32, #tpu.memory_space<hbm>>
    %dma_start3A_761 = arith.constant 0 : i32
    %dma_start3A_762 = tpu.memref_slice %arg3[%add3A_758, %dma_start3A_761] : memref<64x1000000xf32, #tpu.memory_space<hbm>> -> memref<1x4096xf32, #tpu.memory_space<hbm>>
    %dma_start3A_763 = tpu.memref_squeeze %dma_start3A_762 : memref<1x4096xf32, #tpu.memory_space<hbm>> -> memref<4096xf32, #tpu.memory_space<hbm>>
    tpu.enqueue_dma source(%dma_start3A_763 : memref<4096xf32, #tpu.memory_space<hbm>>) target(%arg13 : memref<4096xf32, #tpu.memory_space<vmem>>) target_semaphore(%arg19 : memref<!tpu.dma_semaphore, #tpu.memory_space<semaphore_mem>>)
    %dma_start3A_764 = arith.constant 4096 : i32
    %dma_start3A_765 = tpu.memref_slice %arg3[%add3A_758, %dma_start3A_764] : memref<64x1000000xf32, #tpu.memory_space<hbm>> -> memref<1x4096xf32, #tpu.memory_space<hbm>>
    %dma_start3A_766 = tpu.memref_squeeze %dma_start3A_765 : memref<1x4096xf32, #tpu.memory_space<hbm>> -> memref<4096xf32, #tpu.memory_space<hbm>>
    %dma_start3A_767 = arith.constant 4096 : i32
    %dma_start3A_768 = tpu.memref_slice %arg3[%add3A_758, %dma_start3A_767] : memref<64x1000000xf32, #tpu.memory_space<hbm>> -> memref<1x4096xf32, #tpu.memory_space<hbm>>
    %dma_start3A_769 = tpu.memref_squeeze %dma_start3A_768 : memref<1x4096xf32, #tpu.memory_space<hbm>> -> memref<4096xf32, #tpu.memory_space<hbm>>
    tpu.enqueue_dma source(%dma_start3A_769 : memref<4096xf32, #tpu.memory_space<hbm>>) target(%arg14 : memref<4096xf32, #tpu.memory_space<vmem>>) target_semaphore(%arg20 : memref<!tpu.dma_semaphore, #tpu.memory_space<semaphore_mem>>)
    %dma_start3A_770 = arith.constant 8192 : i32
    %dma_start3A_771 = tpu.memref_slice %arg3[%add3A_758, %dma_start3A_770] : memref<64x1000000xf32, #tpu.memory_space<hbm>> -> memref<1x4096xf32, #tpu.memory_space<hbm>>
    %dma_start3A_772 = tpu.memref_squeeze %dma_start3A_771 : memref<1x4096xf32, #tpu.memory_space<hbm>> -> memref<4096xf32, #tpu.memory_space<hbm>>
    %dma_start3A_773 = arith.constant 8192 : i32
    %dma_start3A_774 = tpu.memref_slice %arg3[%add3A_758, %dma_start3A_773] : memref<64x1000000xf32, #tpu.memory_space<hbm>> -> memref<1x4096xf32, #tpu.memory_space<hbm>>
    %dma_start3A_775 = tpu.memref_squeeze %dma_start3A_774 : memref<1x4096xf32, #tpu.memory_space<hbm>> -> memref<4096xf32, #tpu.memory_space<hbm>>
    tpu.enqueue_dma source(%dma_start3A_775 : memref<4096xf32, #tpu.memory_space<hbm>>) target(%arg15 : memref<4096xf32, #tpu.memory_space<vmem>>) target_semaphore(%arg21 : memref<!tpu.dma_semaphore, #tpu.memory_space<semaphore_mem>>)
    %dma_start3A_776 = arith.constant 12288 : i32
    %dma_start3A_777 = tpu.memref_slice %arg3[%add3A_758, %dma_start3A_776] : memref<64x1000000xf32, #tpu.memory_space<hbm>> -> memref<1x4096xf32, #tpu.memory_space<hbm>>
    %dma_start3A_778 = tpu.memref_squeeze %dma_start3A_777 : memref<1x4096xf32, #tpu.memory_space<hbm>> -> memref<4096xf32, #tpu.memory_space<hbm>>
    %dma_start3A_779 = arith.constant 12288 : i32
    %dma_start3A_780 = tpu.memref_slice %arg3[%add3A_758, %dma_start3A_779] : memref<64x1000000xf32, #tpu.memory_space<hbm>> -> memref<1x4096xf32, #tpu.memory_space<hbm>>
    %dma_start3A_781 = tpu.memref_squeeze %dma_start3A_780 : memref<1x4096xf32, #tpu.memory_space<hbm>> -> memref<4096xf32, #tpu.memory_space<hbm>>
    tpu.enqueue_dma source(%dma_start3A_781 : memref<4096xf32, #tpu.memory_space<hbm>>) target(%arg16 : memref<4096xf32, #tpu.memory_space<vmem>>) target_semaphore(%arg22 : memref<!tpu.dma_semaphore, #tpu.memory_space<semaphore_mem>>)
    %scan3A_782 = arith.constant 0 : i32
    %scan3A_783 = arith.constant 61 : i32
    %scan3A_784 = arith.addi %scan3A_782, %scan3A_783 : i32
    %scan3A_785 = arith.constant 1 : i32
    scf.for %scan3A_1051 = %scan3A_782 to %scan3A_784 step %scan3A_785  : i32 {
      %mul3A_1052 = arith.constant 4 : i32
      %mul3A_1053 = arith.muli %scan3A_1051, %mul3A_1052 : i32
      %add3A_1054 = arith.constant 0 : i32
      %add3A_1055 = arith.addi %add3A_1054, %mul3A_1053 : i32
      %dma_wait3A = arith.constant 0 : i32
      %dma_wait3A_1056 = tpu.memref_slice %arg3[%add3A_758, %dma_wait3A] : memref<64x1000000xf32, #tpu.memory_space<hbm>> -> memref<1x4096xf32, #tpu.memory_space<hbm>>
      %dma_wait3A_1057 = tpu.memref_squeeze %dma_wait3A_1056 : memref<1x4096xf32, #tpu.memory_space<hbm>> -> memref<4096xf32, #tpu.memory_space<hbm>>
      %dma_wait3A_1058 = arith.constant 0 : i32
      %dma_wait3A_1059 = tpu.memref_slice %arg3[%add3A_758, %dma_wait3A_1058] : memref<64x1000000xf32, #tpu.memory_space<hbm>> -> memref<1x4096xf32, #tpu.memory_space<hbm>>
      %dma_wait3A_1060 = tpu.memref_squeeze %dma_wait3A_1059 : memref<1x4096xf32, #tpu.memory_space<hbm>> -> memref<4096xf32, #tpu.memory_space<hbm>>
      tpu.wait_dma2 semaphore(%arg19 : memref<!tpu.dma_semaphore, #tpu.memory_space<semaphore_mem>>) src(%dma_wait3A_1060 : memref<4096xf32, #tpu.memory_space<hbm>>) dst(%arg13 : memref<4096xf32, #tpu.memory_space<vmem>>)
      %add3A_1061 = arith.constant 0 : i32
      %add3A_1062 = arith.addi %add3A_1055, %add3A_1061 : i32
      %shift_right_arithmetic3A_1063 = arith.constant 4 : i32
      %shift_right_arithmetic3A_1064 = arith.shrsi %add3A_1062, %shift_right_arithmetic3A_1063 : i32
      %mul3A_1065 = arith.constant 16 : i32
      %mul3A_1066 = arith.muli %shift_right_arithmetic3A_1064, %mul3A_1065 : i32
      %multiple_of3A_1067 = tpu.assume_multiple %mul3A_1066, 16 : i32
      %get3A_1068 = arith.index_cast %multiple_of3A_1067 : i32 to index
      %get3A_1069 = tpu.vector_load %arg11[%get3A_1068] {strides = array<i32>} : memref<256xi32, #tpu.memory_space<vmem>>, vector<16xi32>,
      %iota3A_1070 = tpu.iota {dimensions = array<i32: 0>} : vector<16xi32>
      %and3A_1071 = arith.constant 15 : i32
      %and3A_1072 = arith.andi %add3A_1062, %and3A_1071 : i32
      %eq3A_1073 = vector.broadcast %and3A_1072 : i32 to vector<16xi32>
      %eq3A_1074 = arith.cmpi eq, %iota3A_1070, %eq3A_1073 : vector<16xi32>
      %jit3A_1075 = arith.constant 0 : i32
      %broadcast_in_dim3A_1076 = vector.broadcast %jit3A_1075 : i32 to vector<16xi32>
      %select_n3A_1077 = arith.select %eq3A_1074, %get3A_1069, %broadcast_in_dim3A_1076 : vector<16xi1>, vector<16xi32>
      %reduce_sum3A_1078 = arith.constant true
      %reduce_sum3A_1079 = vector.broadcast %reduce_sum3A_1078 : i1 to vector<16xi1>
      %reduce_sum3A_1080 = tpu.scan <sum>, %select_n3A_1077 masked %reduce_sum3A_1079 : vector<16xi32>, vector<16xi1> -> vector<16xi32>
      %reduce_sum3A_1081 = vector.extract %reduce_sum3A_1080[15] : i32 from vector<16xi32>
      %add3A_1082 = arith.constant 1 : i32
      %add3A_1083 = arith.addi %add3A_1062, %add3A_1082 : i32
      %shift_right_arithmetic3A_1084 = arith.constant 4 : i32
      %shift_right_arithmetic3A_1085 = arith.shrsi %add3A_1083, %shift_right_arithmetic3A_1084 : i32
      %mul3A_1086 = arith.constant 16 : i32
      %mul3A_1087 = arith.muli %shift_right_arithmetic3A_1085, %mul3A_1086 : i32
      %multiple_of3A_1088 = tpu.assume_multiple %mul3A_1087, 16 : i32
      %get3A_1089 = arith.index_cast %multiple_of3A_1088 : i32 to index
      %get3A_1090 = tpu.vector_load %arg11[%get3A_1089] {strides = array<i32>} : memref<256xi32, #tpu.memory_space<vmem>>, vector<16xi32>,
      %iota3A_1091 = tpu.iota {dimensions = array<i32: 0>} : vector<16xi32>
      %and3A_1092 = arith.constant 15 : i32
      %and3A_1093 = arith.andi %add3A_1083, %and3A_1092 : i32
      %eq3A_1094 = vector.broadcast %and3A_1093 : i32 to vector<16xi32>
      %eq3A_1095 = arith.cmpi eq, %iota3A_1091, %eq3A_1094 : vector<16xi32>
      %jit3A_1096 = arith.constant 0 : i32
      %broadcast_in_dim3A_1097 = vector.broadcast %jit3A_1096 : i32 to vector<16xi32>
      %select_n3A_1098 = arith.select %eq3A_1095, %get3A_1090, %broadcast_in_dim3A_1097 : vector<16xi1>, vector<16xi32>
      %reduce_sum3A_1099 = arith.constant true
      %reduce_sum3A_1100 = vector.broadcast %reduce_sum3A_1099 : i1 to vector<16xi1>
      %reduce_sum3A_1101 = tpu.scan <sum>, %select_n3A_1098 masked %reduce_sum3A_1100 : vector<16xi32>, vector<16xi1> -> vector<16xi32>
      %reduce_sum3A_1102 = vector.extract %reduce_sum3A_1101[15] : i32 from vector<16xi32>
      %sub3A_1103 = arith.subi %reduce_sum3A_1102, %reduce_sum3A_1081 : i32
      %sub3A_1104 = arith.constant 16 : i32
      %sub3A_1105 = arith.constant 1 : i32
      %sub3A_1106 = arith.subi %sub3A_1104, %sub3A_1105 : i32
      %add3A_1107 = arith.addi %sub3A_1103, %sub3A_1106 : i32
      %div3A_1108 = arith.constant 16 : i32
      %div3A_1109 = arith.divsi %add3A_1107, %div3A_1108 : i32
      %while3A_1110 = arith.constant 16 : i32
      %while3A_1111 = arith.constant 0 : i32
      %while3A_1112 = arith.subi %div3A_1109, %while3A_1111 : i32
      %while3A_1113 = arith.addi %while3A_1111, %while3A_1112 : i32
      %while3A_1114 = arith.constant 1 : i32
      %while3A_1115 = arith.divsi %while3A_1112, %while3A_1114 : i32
      %while3A_1116 = arith.muli %while3A_1115, %while3A_1114 : i32
      %while3A_1117 = arith.addi %while3A_1111, %while3A_1116 : i32
      %while3A_1118 = arith.constant 1 : i32
      scf.for %while3A_1584 = %while3A_1111 to %while3A_1117 step %while3A_1118  : i32 {
        %mul3A_1585 = arith.muli %while3A_1584, %while3A_1110 : i32
        %add3A_1586 = arith.addi %reduce_sum3A_1081, %mul3A_1585 : i32
        %sub3A_1587 = arith.subi %reduce_sum3A_1102, %add3A_1586 : i32
        %iota3A_1588 = tpu.iota {dimensions = array<i32: 0>} : vector<16xi32>
        %lt3A_1589 = vector.broadcast %sub3A_1587 : i32 to vector<16xi32>
        %lt3A_1590 = arith.cmpi slt, %iota3A_1588, %lt3A_1589 : vector<16xi32>
        %get3A_1591 = arith.index_cast %add3A_1586 : i32 to index
        %get3A_1592 = tpu.vector_load %arg8[%get3A_1591] {strides = array<i32>} : memref<16400xi32, #tpu.memory_space<vmem>>, vector<16xi32>,
        %shift_right_arithmetic3A_1593 = arith.constant 14 : i32
        %shift_right_arithmetic3A_1594 = vector.broadcast %shift_right_arithmetic3A_1593 : i32 to vector<16xi32>
        %shift_right_arithmetic3A_1595 = arith.shrsi %get3A_1592, %shift_right_arithmetic3A_1594 : vector<16xi32>
        %and3A_1596 = arith.constant 4095 : i32
        %and3A_1597 = vector.broadcast %and3A_1596 : i32 to vector<16xi32>
        %and3A_1598 = arith.andi %shift_right_arithmetic3A_1595, %and3A_1597 : vector<16xi32>
        %and3A_1599 = arith.constant 16383 : i32
        %and3A_1600 = vector.broadcast %and3A_1599 : i32 to vector<16xi32>
        %and3A_1601 = arith.andi %get3A_1592, %and3A_1600 : vector<16xi32>
        %gather3A = tpu.vector_load_idx %arg13[%and3A_1598] masked %lt3A_1590 : memref<4096xf32, #tpu.memory_space<vmem>>[vector<16xi32>], vector<16xf32>, vector<16xi1>
        tpu.vector_store_idx %arg17[%and3A_1601], %gather3A masked %lt3A_1590 : memref<16384xf32, #tpu.memory_space<vmem>>[vector<16xi32>], vector<16xf32>, vector<16xi1>
      }
      %while3A_1119 = arith.constant 1 : i32
      scf.for %while3A_1584 = %while3A_1117 to %while3A_1113 step %while3A_1119  : i32 {
        %mul3A_1585 = arith.muli %while3A_1584, %while3A_1110 : i32
        %add3A_1586 = arith.addi %reduce_sum3A_1081, %mul3A_1585 : i32
        %sub3A_1587 = arith.subi %reduce_sum3A_1102, %add3A_1586 : i32
        %iota3A_1588 = tpu.iota {dimensions = array<i32: 0>} : vector<16xi32>
        %lt3A_1589 = vector.broadcast %sub3A_1587 : i32 to vector<16xi32>
        %lt3A_1590 = arith.cmpi slt, %iota3A_1588, %lt3A_1589 : vector<16xi32>
        %get3A_1591 = arith.index_cast %add3A_1586 : i32 to index
        %get3A_1592 = tpu.vector_load %arg8[%get3A_1591] {strides = array<i32>} : memref<16400xi32, #tpu.memory_space<vmem>>, vector<16xi32>,
        %shift_right_arithmetic3A_1593 = arith.constant 14 : i32
        %shift_right_arithmetic3A_1594 = vector.broadcast %shift_right_arithmetic3A_1593 : i32 to vector<16xi32>
        %shift_right_arithmetic3A_1595 = arith.shrsi %get3A_1592, %shift_right_arithmetic3A_1594 : vector<16xi32>
        %and3A_1596 = arith.constant 4095 : i32
        %and3A_1597 = vector.broadcast %and3A_1596 : i32 to vector<16xi32>
        %and3A_1598 = arith.andi %shift_right_arithmetic3A_1595, %and3A_1597 : vector<16xi32>
        %and3A_1599 = arith.constant 16383 : i32
        %and3A_1600 = vector.broadcast %and3A_1599 : i32 to vector<16xi32>
        %and3A_1601 = arith.andi %get3A_1592, %and3A_1600 : vector<16xi32>
        %gather3A = tpu.vector_load_idx %arg13[%and3A_1598] masked %lt3A_1590 : memref<4096xf32, #tpu.memory_space<vmem>>[vector<16xi32>], vector<16xf32>, vector<16xi1>
        tpu.vector_store_idx %arg17[%and3A_1601], %gather3A masked %lt3A_1590 : memref<16384xf32, #tpu.memory_space<vmem>>[vector<16xi32>], vector<16xf32>, vector<16xi1>
      }
      %add3A_1120 = arith.constant 0 : i32
      %add3A_1121 = arith.addi %add3A_1055, %add3A_1120 : i32
      %shift_right_arithmetic3A_1122 = arith.constant 4 : i32
      %shift_right_arithmetic3A_1123 = arith.shrsi %add3A_1121, %shift_right_arithmetic3A_1122 : i32
      %mul3A_1124 = arith.constant 16 : i32
      %mul3A_1125 = arith.muli %shift_right_arithmetic3A_1123, %mul3A_1124 : i32
      %multiple_of3A_1126 = tpu.assume_multiple %mul3A_1125, 16 : i32
      %get3A_1127 = arith.index_cast %multiple_of3A_1126 : i32 to index
      %get3A_1128 = tpu.vector_load %arg12[%get3A_1127] {strides = array<i32>} : memref<256xi32, #tpu.memory_space<vmem>>, vector<16xi32>,
      %iota3A_1129 = tpu.iota {dimensions = array<i32: 0>} : vector<16xi32>
      %and3A_1130 = arith.constant 15 : i32
      %and3A_1131 = arith.andi %add3A_1121, %and3A_1130 : i32
      %eq3A_1132 = vector.broadcast %and3A_1131 : i32 to vector<16xi32>
      %eq3A_1133 = arith.cmpi eq, %iota3A_1129, %eq3A_1132 : vector<16xi32>
      %jit3A_1134 = arith.constant 0 : i32
      %broadcast_in_dim3A_1135 = vector.broadcast %jit3A_1134 : i32 to vector<16xi32>
      %select_n3A_1136 = arith.select %eq3A_1133, %get3A_1128, %broadcast_in_dim3A_1135 : vector<16xi1>, vector<16xi32>
      %reduce_sum3A_1137 = arith.constant true
      %reduce_sum3A_1138 = vector.broadcast %reduce_sum3A_1137 : i1 to vector<16xi1>
      %reduce_sum3A_1139 = tpu.scan <sum>, %select_n3A_1136 masked %reduce_sum3A_1138 : vector<16xi32>, vector<16xi1> -> vector<16xi32>
      %reduce_sum3A_1140 = vector.extract %reduce_sum3A_1139[15] : i32 from vector<16xi32>
      %add3A_1141 = arith.constant 1 : i32
      %add3A_1142 = arith.addi %add3A_1121, %add3A_1141 : i32
      %shift_right_arithmetic3A_1143 = arith.constant 4 : i32
      %shift_right_arithmetic3A_1144 = arith.shrsi %add3A_1142, %shift_right_arithmetic3A_1143 : i32
      %mul3A_1145 = arith.constant 16 : i32
      %mul3A_1146 = arith.muli %shift_right_arithmetic3A_1144, %mul3A_1145 : i32
      %multiple_of3A_1147 = tpu.assume_multiple %mul3A_1146, 16 : i32
      %get3A_1148 = arith.index_cast %multiple_of3A_1147 : i32 to index
      %get3A_1149 = tpu.vector_load %arg12[%get3A_1148] {strides = array<i32>} : memref<256xi32, #tpu.memory_space<vmem>>, vector<16xi32>,
      %iota3A_1150 = tpu.iota {dimensions = array<i32: 0>} : vector<16xi32>
      %and3A_1151 = arith.constant 15 : i32
      %and3A_1152 = arith.andi %add3A_1142, %and3A_1151 : i32
      %eq3A_1153 = vector.broadcast %and3A_1152 : i32 to vector<16xi32>
      %eq3A_1154 = arith.cmpi eq, %iota3A_1150, %eq3A_1153 : vector<16xi32>
      %jit3A_1155 = arith.constant 0 : i32
      %broadcast_in_dim3A_1156 = vector.broadcast %jit3A_1155 : i32 to vector<16xi32>
      %select_n3A_1157 = arith.select %eq3A_1154, %get3A_1149, %broadcast_in_dim3A_1156 : vector<16xi1>, vector<16xi32>
      %reduce_sum3A_1158 = arith.constant true
      %reduce_sum3A_1159 = vector.broadcast %reduce_sum3A_1158 : i1 to vector<16xi1>
      %reduce_sum3A_1160 = tpu.scan <sum>, %select_n3A_1157 masked %reduce_sum3A_1159 : vector<16xi32>, vector<16xi1> -> vector<16xi32>
      %reduce_sum3A_1161 = vector.extract %reduce_sum3A_1160[15] : i32 from vector<16xi32>
      %sub3A_1162 = arith.subi %reduce_sum3A_1161, %reduce_sum3A_1140 : i32
      %sub3A_1163 = arith.constant 16 : i32
      %sub3A_1164 = arith.constant 1 : i32
      %sub3A_1165 = arith.subi %sub3A_1163, %sub3A_1164 : i32
      %add3A_1166 = arith.addi %sub3A_1162, %sub3A_1165 : i32
      %div3A_1167 = arith.constant 16 : i32
      %div3A_1168 = arith.divsi %add3A_1166, %div3A_1167 : i32
      %while3A_1169 = arith.constant 16 : i32
      %while3A_1170 = arith.constant 0 : i32
      %while3A_1171 = arith.subi %div3A_1168, %while3A_1170 : i32
      %while3A_1172 = arith.addi %while3A_1170, %while3A_1171 : i32
      %while3A_1173 = arith.constant 1 : i32
      %while3A_1174 = arith.divsi %while3A_1171, %while3A_1173 : i32
      %while3A_1175 = arith.muli %while3A_1174, %while3A_1173 : i32
      %while3A_1176 = arith.addi %while3A_1170, %while3A_1175 : i32
      %while3A_1177 = arith.constant 1 : i32
      scf.for %while3A_1584 = %while3A_1170 to %while3A_1176 step %while3A_1177  : i32 {
        %mul3A_1585 = arith.muli %while3A_1584, %while3A_1169 : i32
        %add3A_1586 = arith.addi %reduce_sum3A_1140, %mul3A_1585 : i32
        %sub3A_1587 = arith.subi %reduce_sum3A_1161, %add3A_1586 : i32
        %iota3A_1588 = tpu.iota {dimensions = array<i32: 0>} : vector<16xi32>
        %lt3A_1589 = vector.broadcast %sub3A_1587 : i32 to vector<16xi32>
        %lt3A_1590 = arith.cmpi slt, %iota3A_1588, %lt3A_1589 : vector<16xi32>
        %get3A_1591 = arith.index_cast %add3A_1586 : i32 to index
        %get3A_1592 = tpu.vector_load %arg9[%get3A_1591] {strides = array<i32>} : memref<16400xi32, #tpu.memory_space<vmem>>, vector<16xi32>,
        %shift_right_arithmetic3A_1593 = arith.constant 14 : i32
        %shift_right_arithmetic3A_1594 = vector.broadcast %shift_right_arithmetic3A_1593 : i32 to vector<16xi32>
        %shift_right_arithmetic3A_1595 = arith.shrsi %get3A_1592, %shift_right_arithmetic3A_1594 : vector<16xi32>
        %and3A_1596 = arith.constant 4095 : i32
        %and3A_1597 = vector.broadcast %and3A_1596 : i32 to vector<16xi32>
        %and3A_1598 = arith.andi %shift_right_arithmetic3A_1595, %and3A_1597 : vector<16xi32>
        %and3A_1599 = arith.constant 16383 : i32
        %and3A_1600 = vector.broadcast %and3A_1599 : i32 to vector<16xi32>
        %and3A_1601 = arith.andi %get3A_1592, %and3A_1600 : vector<16xi32>
        %gather3A = tpu.vector_load_idx %arg13[%and3A_1598] masked %lt3A_1590 : memref<4096xf32, #tpu.memory_space<vmem>>[vector<16xi32>], vector<16xf32>, vector<16xi1>
        tpu.vector_store_idx %arg18[%and3A_1601], %gather3A masked %lt3A_1590 : memref<16384xf32, #tpu.memory_space<vmem>>[vector<16xi32>], vector<16xf32>, vector<16xi1>
      }
      %while3A_1178 = arith.constant 1 : i32
      scf.for %while3A_1584 = %while3A_1176 to %while3A_1172 step %while3A_1178  : i32 {
        %mul3A_1585 = arith.muli %while3A_1584, %while3A_1169 : i32
        %add3A_1586 = arith.addi %reduce_sum3A_1140, %mul3A_1585 : i32
        %sub3A_1587 = arith.subi %reduce_sum3A_1161, %add3A_1586 : i32
        %iota3A_1588 = tpu.iota {dimensions = array<i32: 0>} : vector<16xi32>
        %lt3A_1589 = vector.broadcast %sub3A_1587 : i32 to vector<16xi32>
        %lt3A_1590 = arith.cmpi slt, %iota3A_1588, %lt3A_1589 : vector<16xi32>
        %get3A_1591 = arith.index_cast %add3A_1586 : i32 to index
        %get3A_1592 = tpu.vector_load %arg9[%get3A_1591] {strides = array<i32>} : memref<16400xi32, #tpu.memory_space<vmem>>, vector<16xi32>,
        %shift_right_arithmetic3A_1593 = arith.constant 14 : i32
        %shift_right_arithmetic3A_1594 = vector.broadcast %shift_right_arithmetic3A_1593 : i32 to vector<16xi32>
        %shift_right_arithmetic3A_1595 = arith.shrsi %get3A_1592, %shift_right_arithmetic3A_1594 : vector<16xi32>
        %and3A_1596 = arith.constant 4095 : i32
        %and3A_1597 = vector.broadcast %and3A_1596 : i32 to vector<16xi32>
        %and3A_1598 = arith.andi %shift_right_arithmetic3A_1595, %and3A_1597 : vector<16xi32>
        %and3A_1599 = arith.constant 16383 : i32
        %and3A_1600 = vector.broadcast %and3A_1599 : i32 to vector<16xi32>
        %and3A_1601 = arith.andi %get3A_1592, %and3A_1600 : vector<16xi32>
        %gather3A = tpu.vector_load_idx %arg13[%and3A_1598] masked %lt3A_1590 : memref<4096xf32, #tpu.memory_space<vmem>>[vector<16xi32>], vector<16xf32>, vector<16xi1>
        tpu.vector_store_idx %arg18[%and3A_1601], %gather3A masked %lt3A_1590 : memref<16384xf32, #tpu.memory_space<vmem>>[vector<16xi32>], vector<16xf32>, vector<16xi1>
      }
      %add3A_1179 = arith.constant 0 : i32
      %add3A_1180 = arith.addi %add3A_1055, %add3A_1179 : i32
      %add3A_1181 = arith.constant 4 : i32
      %add3A_1182 = arith.addi %add3A_1180, %add3A_1181 : i32
      %lt3A = arith.constant 244 : i32
      %lt3A_1183 = arith.cmpi slt, %add3A_1182, %lt3A : i32
      %convert_element_type3A = arith.extui %lt3A_1183 : i1 to i32
      %cond3A = arith.constant 0 : i32
      %cond3A_1184 = arith.cmpi ne, %convert_element_type3A, %cond3A : i32
      scf.if %cond3A_1184 {
        %add3A_1584 = arith.constant 0 : i32
        %add3A_1585 = arith.addi %add3A_1055, %add3A_1584 : i32
        %add3A_1586 = arith.constant 4 : i32
        %add3A_1587 = arith.addi %add3A_1585, %add3A_1586 : i32
        %mul3A_1588 = arith.constant 4096 : i32
        %mul3A_1589 = arith.muli %add3A_1587, %mul3A_1588 : i32
        %dma_start3A_1590 = tpu.memref_slice %arg3[%add3A_758, %mul3A_1589] : memref<64x1000000xf32, #tpu.memory_space<hbm>> -> memref<1x4096xf32, #tpu.memory_space<hbm>>
        %dma_start3A_1591 = tpu.memref_squeeze %dma_start3A_1590 : memref<1x4096xf32, #tpu.memory_space<hbm>> -> memref<4096xf32, #tpu.memory_space<hbm>>
        %dma_start3A_1592 = tpu.memref_slice %arg3[%add3A_758, %mul3A_1589] : memref<64x1000000xf32, #tpu.memory_space<hbm>> -> memref<1x4096xf32, #tpu.memory_space<hbm>>
        %dma_start3A_1593 = tpu.memref_squeeze %dma_start3A_1592 : memref<1x4096xf32, #tpu.memory_space<hbm>> -> memref<4096xf32, #tpu.memory_space<hbm>>
        tpu.enqueue_dma source(%dma_start3A_1593 : memref<4096xf32, #tpu.memory_space<hbm>>) target(%arg13 : memref<4096xf32, #tpu.memory_space<vmem>>) target_semaphore(%arg19 : memref<!tpu.dma_semaphore, #tpu.memory_space<semaphore_mem>>)
      } else {
      }
      %dma_wait3A_1185 = arith.constant 0 : i32
      %dma_wait3A_1186 = tpu.memref_slice %arg3[%add3A_758, %dma_wait3A_1185] : memref<64x1000000xf32, #tpu.memory_space<hbm>> -> memref<1x4096xf32, #tpu.memory_space<hbm>>
      %dma_wait3A_1187 = tpu.memref_squeeze %dma_wait3A_1186 : memref<1x4096xf32, #tpu.memory_space<hbm>> -> memref<4096xf32, #tpu.memory_space<hbm>>
      %dma_wait3A_1188 = arith.constant 0 : i32
      %dma_wait3A_1189 = tpu.memref_slice %arg3[%add3A_758, %dma_wait3A_1188] : memref<64x1000000xf32, #tpu.memory_space<hbm>> -> memref<1x4096xf32, #tpu.memory_space<hbm>>
      %dma_wait3A_1190 = tpu.memref_squeeze %dma_wait3A_1189 : memref<1x4096xf32, #tpu.memory_space<hbm>> -> memref<4096xf32, #tpu.memory_space<hbm>>
      tpu.wait_dma2 semaphore(%arg20 : memref<!tpu.dma_semaphore, #tpu.memory_space<semaphore_mem>>) src(%dma_wait3A_1190 : memref<4096xf32, #tpu.memory_space<hbm>>) dst(%arg14 : memref<4096xf32, #tpu.memory_space<vmem>>)
      %add3A_1191 = arith.constant 1 : i32
      %add3A_1192 = arith.addi %add3A_1055, %add3A_1191 : i32
      %shift_right_arithmetic3A_1193 = arith.constant 4 : i32
      %shift_right_arithmetic3A_1194 = arith.shrsi %add3A_1192, %shift_right_arithmetic3A_1193 : i32
      %mul3A_1195 = arith.constant 16 : i32
      %mul3A_1196 = arith.muli %shift_right_arithmetic3A_1194, %mul3A_1195 : i32
      %multiple_of3A_1197 = tpu.assume_multiple %mul3A_1196, 16 : i32
      %get3A_1198 = arith.index_cast %multiple_of3A_1197 : i32 to index
      %get3A_1199 = tpu.vector_load %arg11[%get3A_1198] {strides = array<i32>} : memref<256xi32, #tpu.memory_space<vmem>>, vector<16xi32>,
      %iota3A_1200 = tpu.iota {dimensions = array<i32: 0>} : vector<16xi32>
      %and3A_1201 = arith.constant 15 : i32
      %and3A_1202 = arith.andi %add3A_1192, %and3A_1201 : i32
      %eq3A_1203 = vector.broadcast %and3A_1202 : i32 to vector<16xi32>
      %eq3A_1204 = arith.cmpi eq, %iota3A_1200, %eq3A_1203 : vector<16xi32>
      %jit3A_1205 = arith.constant 0 : i32
      %broadcast_in_dim3A_1206 = vector.broadcast %jit3A_1205 : i32 to vector<16xi32>
      %select_n3A_1207 = arith.select %eq3A_1204, %get3A_1199, %broadcast_in_dim3A_1206 : vector<16xi1>, vector<16xi32>
      %reduce_sum3A_1208 = arith.constant true
      %reduce_sum3A_1209 = vector.broadcast %reduce_sum3A_1208 : i1 to vector<16xi1>
      %reduce_sum3A_1210 = tpu.scan <sum>, %select_n3A_1207 masked %reduce_sum3A_1209 : vector<16xi32>, vector<16xi1> -> vector<16xi32>
      %reduce_sum3A_1211 = vector.extract %reduce_sum3A_1210[15] : i32 from vector<16xi32>
      %add3A_1212 = arith.constant 1 : i32
      %add3A_1213 = arith.addi %add3A_1192, %add3A_1212 : i32
      %shift_right_arithmetic3A_1214 = arith.constant 4 : i32
      %shift_right_arithmetic3A_1215 = arith.shrsi %add3A_1213, %shift_right_arithmetic3A_1214 : i32
      %mul3A_1216 = arith.constant 16 : i32
      %mul3A_1217 = arith.muli %shift_right_arithmetic3A_1215, %mul3A_1216 : i32
      %multiple_of3A_1218 = tpu.assume_multiple %mul3A_1217, 16 : i32
      %get3A_1219 = arith.index_cast %multiple_of3A_1218 : i32 to index
      %get3A_1220 = tpu.vector_load %arg11[%get3A_1219] {strides = array<i32>} : memref<256xi32, #tpu.memory_space<vmem>>, vector<16xi32>,
      %iota3A_1221 = tpu.iota {dimensions = array<i32: 0>} : vector<16xi32>
      %and3A_1222 = arith.constant 15 : i32
      %and3A_1223 = arith.andi %add3A_1213, %and3A_1222 : i32
      %eq3A_1224 = vector.broadcast %and3A_1223 : i32 to vector<16xi32>
      %eq3A_1225 = arith.cmpi eq, %iota3A_1221, %eq3A_1224 : vector<16xi32>
      %jit3A_1226 = arith.constant 0 : i32
      %broadcast_in_dim3A_1227 = vector.broadcast %jit3A_1226 : i32 to vector<16xi32>
      %select_n3A_1228 = arith.select %eq3A_1225, %get3A_1220, %broadcast_in_dim3A_1227 : vector<16xi1>, vector<16xi32>
      %reduce_sum3A_1229 = arith.constant true
      %reduce_sum3A_1230 = vector.broadcast %reduce_sum3A_1229 : i1 to vector<16xi1>
      %reduce_sum3A_1231 = tpu.scan <sum>, %select_n3A_1228 masked %reduce_sum3A_1230 : vector<16xi32>, vector<16xi1> -> vector<16xi32>
      %reduce_sum3A_1232 = vector.extract %reduce_sum3A_1231[15] : i32 from vector<16xi32>
      %sub3A_1233 = arith.subi %reduce_sum3A_1232, %reduce_sum3A_1211 : i32
      %sub3A_1234 = arith.constant 16 : i32
      %sub3A_1235 = arith.constant 1 : i32
      %sub3A_1236 = arith.subi %sub3A_1234, %sub3A_1235 : i32
      %add3A_1237 = arith.addi %sub3A_1233, %sub3A_1236 : i32
      %div3A_1238 = arith.constant 16 : i32
      %div3A_1239 = arith.divsi %add3A_1237, %div3A_1238 : i32
      %while3A_1240 = arith.constant 16 : i32
      %while3A_1241 = arith.constant 0 : i32
      %while3A_1242 = arith.subi %div3A_1239, %while3A_1241 : i32
      %while3A_1243 = arith.addi %while3A_1241, %while3A_1242 : i32
      %while3A_1244 = arith.constant 1 : i32
      %while3A_1245 = arith.divsi %while3A_1242, %while3A_1244 : i32
      %while3A_1246 = arith.muli %while3A_1245, %while3A_1244 : i32
      %while3A_1247 = arith.addi %while3A_1241, %while3A_1246 : i32
      %while3A_1248 = arith.constant 1 : i32
      scf.for %while3A_1584 = %while3A_1241 to %while3A_1247 step %while3A_1248  : i32 {
        %mul3A_1585 = arith.muli %while3A_1584, %while3A_1240 : i32
        %add3A_1586 = arith.addi %reduce_sum3A_1211, %mul3A_1585 : i32
        %sub3A_1587 = arith.subi %reduce_sum3A_1232, %add3A_1586 : i32
        %iota3A_1588 = tpu.iota {dimensions = array<i32: 0>} : vector<16xi32>
        %lt3A_1589 = vector.broadcast %sub3A_1587 : i32 to vector<16xi32>
        %lt3A_1590 = arith.cmpi slt, %iota3A_1588, %lt3A_1589 : vector<16xi32>
        %get3A_1591 = arith.index_cast %add3A_1586 : i32 to index
        %get3A_1592 = tpu.vector_load %arg8[%get3A_1591] {strides = array<i32>} : memref<16400xi32, #tpu.memory_space<vmem>>, vector<16xi32>,
        %shift_right_arithmetic3A_1593 = arith.constant 14 : i32
        %shift_right_arithmetic3A_1594 = vector.broadcast %shift_right_arithmetic3A_1593 : i32 to vector<16xi32>
        %shift_right_arithmetic3A_1595 = arith.shrsi %get3A_1592, %shift_right_arithmetic3A_1594 : vector<16xi32>
        %and3A_1596 = arith.constant 4095 : i32
        %and3A_1597 = vector.broadcast %and3A_1596 : i32 to vector<16xi32>
        %and3A_1598 = arith.andi %shift_right_arithmetic3A_1595, %and3A_1597 : vector<16xi32>
        %and3A_1599 = arith.constant 16383 : i32
        %and3A_1600 = vector.broadcast %and3A_1599 : i32 to vector<16xi32>
        %and3A_1601 = arith.andi %get3A_1592, %and3A_1600 : vector<16xi32>
        %gather3A = tpu.vector_load_idx %arg14[%and3A_1598] masked %lt3A_1590 : memref<4096xf32, #tpu.memory_space<vmem>>[vector<16xi32>], vector<16xf32>, vector<16xi1>
        tpu.vector_store_idx %arg17[%and3A_1601], %gather3A masked %lt3A_1590 : memref<16384xf32, #tpu.memory_space<vmem>>[vector<16xi32>], vector<16xf32>, vector<16xi1>
      }
      %while3A_1249 = arith.constant 1 : i32
      scf.for %while3A_1584 = %while3A_1247 to %while3A_1243 step %while3A_1249  : i32 {
        %mul3A_1585 = arith.muli %while3A_1584, %while3A_1240 : i32
        %add3A_1586 = arith.addi %reduce_sum3A_1211, %mul3A_1585 : i32
        %sub3A_1587 = arith.subi %reduce_sum3A_1232, %add3A_1586 : i32
        %iota3A_1588 = tpu.iota {dimensions = array<i32: 0>} : vector<16xi32>
        %lt3A_1589 = vector.broadcast %sub3A_1587 : i32 to vector<16xi32>
        %lt3A_1590 = arith.cmpi slt, %iota3A_1588, %lt3A_1589 : vector<16xi32>
        %get3A_1591 = arith.index_cast %add3A_1586 : i32 to index
        %get3A_1592 = tpu.vector_load %arg8[%get3A_1591] {strides = array<i32>} : memref<16400xi32, #tpu.memory_space<vmem>>, vector<16xi32>,
        %shift_right_arithmetic3A_1593 = arith.constant 14 : i32
        %shift_right_arithmetic3A_1594 = vector.broadcast %shift_right_arithmetic3A_1593 : i32 to vector<16xi32>
        %shift_right_arithmetic3A_1595 = arith.shrsi %get3A_1592, %shift_right_arithmetic3A_1594 : vector<16xi32>
        %and3A_1596 = arith.constant 4095 : i32
        %and3A_1597 = vector.broadcast %and3A_1596 : i32 to vector<16xi32>
        %and3A_1598 = arith.andi %shift_right_arithmetic3A_1595, %and3A_1597 : vector<16xi32>
        %and3A_1599 = arith.constant 16383 : i32
        %and3A_1600 = vector.broadcast %and3A_1599 : i32 to vector<16xi32>
        %and3A_1601 = arith.andi %get3A_1592, %and3A_1600 : vector<16xi32>
        %gather3A = tpu.vector_load_idx %arg14[%and3A_1598] masked %lt3A_1590 : memref<4096xf32, #tpu.memory_space<vmem>>[vector<16xi32>], vector<16xf32>, vector<16xi1>
        tpu.vector_store_idx %arg17[%and3A_1601], %gather3A masked %lt3A_1590 : memref<16384xf32, #tpu.memory_space<vmem>>[vector<16xi32>], vector<16xf32>, vector<16xi1>
      }
      %add3A_1250 = arith.constant 1 : i32
      %add3A_1251 = arith.addi %add3A_1055, %add3A_1250 : i32
      %shift_right_arithmetic3A_1252 = arith.constant 4 : i32
      %shift_right_arithmetic3A_1253 = arith.shrsi %add3A_1251, %shift_right_arithmetic3A_1252 : i32
      %mul3A_1254 = arith.constant 16 : i32
      %mul3A_1255 = arith.muli %shift_right_arithmetic3A_1253, %mul3A_1254 : i32
      %multiple_of3A_1256 = tpu.assume_multiple %mul3A_1255, 16 : i32
      %get3A_1257 = arith.index_cast %multiple_of3A_1256 : i32 to index
      %get3A_1258 = tpu.vector_load %arg12[%get3A_1257] {strides = array<i32>} : memref<256xi32, #tpu.memory_space<vmem>>, vector<16xi32>,
      %iota3A_1259 = tpu.iota {dimensions = array<i32: 0>} : vector<16xi32>
      %and3A_1260 = arith.constant 15 : i32
      %and3A_1261 = arith.andi %add3A_1251, %and3A_1260 : i32
      %eq3A_1262 = vector.broadcast %and3A_1261 : i32 to vector<16xi32>
      %eq3A_1263 = arith.cmpi eq, %iota3A_1259, %eq3A_1262 : vector<16xi32>
      %jit3A_1264 = arith.constant 0 : i32
      %broadcast_in_dim3A_1265 = vector.broadcast %jit3A_1264 : i32 to vector<16xi32>
      %select_n3A_1266 = arith.select %eq3A_1263, %get3A_1258, %broadcast_in_dim3A_1265 : vector<16xi1>, vector<16xi32>
      %reduce_sum3A_1267 = arith.constant true
      %reduce_sum3A_1268 = vector.broadcast %reduce_sum3A_1267 : i1 to vector<16xi1>
      %reduce_sum3A_1269 = tpu.scan <sum>, %select_n3A_1266 masked %reduce_sum3A_1268 : vector<16xi32>, vector<16xi1> -> vector<16xi32>
      %reduce_sum3A_1270 = vector.extract %reduce_sum3A_1269[15] : i32 from vector<16xi32>
      %add3A_1271 = arith.constant 1 : i32
      %add3A_1272 = arith.addi %add3A_1251, %add3A_1271 : i32
      %shift_right_arithmetic3A_1273 = arith.constant 4 : i32
      %shift_right_arithmetic3A_1274 = arith.shrsi %add3A_1272, %shift_right_arithmetic3A_1273 : i32
      %mul3A_1275 = arith.constant 16 : i32
      %mul3A_1276 = arith.muli %shift_right_arithmetic3A_1274, %mul3A_1275 : i32
      %multiple_of3A_1277 = tpu.assume_multiple %mul3A_1276, 16 : i32
      %get3A_1278 = arith.index_cast %multiple_of3A_1277 : i32 to index
      %get3A_1279 = tpu.vector_load %arg12[%get3A_1278] {strides = array<i32>} : memref<256xi32, #tpu.memory_space<vmem>>, vector<16xi32>,
      %iota3A_1280 = tpu.iota {dimensions = array<i32: 0>} : vector<16xi32>
      %and3A_1281 = arith.constant 15 : i32
      %and3A_1282 = arith.andi %add3A_1272, %and3A_1281 : i32
      %eq3A_1283 = vector.broadcast %and3A_1282 : i32 to vector<16xi32>
      %eq3A_1284 = arith.cmpi eq, %iota3A_1280, %eq3A_1283 : vector<16xi32>
      %jit3A_1285 = arith.constant 0 : i32
      %broadcast_in_dim3A_1286 = vector.broadcast %jit3A_1285 : i32 to vector<16xi32>
      %select_n3A_1287 = arith.select %eq3A_1284, %get3A_1279, %broadcast_in_dim3A_1286 : vector<16xi1>, vector<16xi32>
      %reduce_sum3A_1288 = arith.constant true
      %reduce_sum3A_1289 = vector.broadcast %reduce_sum3A_1288 : i1 to vector<16xi1>
      %reduce_sum3A_1290 = tpu.scan <sum>, %select_n3A_1287 masked %reduce_sum3A_1289 : vector<16xi32>, vector<16xi1> -> vector<16xi32>
      %reduce_sum3A_1291 = vector.extract %reduce_sum3A_1290[15] : i32 from vector<16xi32>
      %sub3A_1292 = arith.subi %reduce_sum3A_1291, %reduce_sum3A_1270 : i32
      %sub3A_1293 = arith.constant 16 : i32
      %sub3A_1294 = arith.constant 1 : i32
      %sub3A_1295 = arith.subi %sub3A_1293, %sub3A_1294 : i32
      %add3A_1296 = arith.addi %sub3A_1292, %sub3A_1295 : i32
      %div3A_1297 = arith.constant 16 : i32
      %div3A_1298 = arith.divsi %add3A_1296, %div3A_1297 : i32
      %while3A_1299 = arith.constant 16 : i32
      %while3A_1300 = arith.constant 0 : i32
      %while3A_1301 = arith.subi %div3A_1298, %while3A_1300 : i32
      %while3A_1302 = arith.addi %while3A_1300, %while3A_1301 : i32
      %while3A_1303 = arith.constant 1 : i32
      %while3A_1304 = arith.divsi %while3A_1301, %while3A_1303 : i32
      %while3A_1305 = arith.muli %while3A_1304, %while3A_1303 : i32
      %while3A_1306 = arith.addi %while3A_1300, %while3A_1305 : i32
      %while3A_1307 = arith.constant 1 : i32
      scf.for %while3A_1584 = %while3A_1300 to %while3A_1306 step %while3A_1307  : i32 {
        %mul3A_1585 = arith.muli %while3A_1584, %while3A_1299 : i32
        %add3A_1586 = arith.addi %reduce_sum3A_1270, %mul3A_1585 : i32
        %sub3A_1587 = arith.subi %reduce_sum3A_1291, %add3A_1586 : i32
        %iota3A_1588 = tpu.iota {dimensions = array<i32: 0>} : vector<16xi32>
        %lt3A_1589 = vector.broadcast %sub3A_1587 : i32 to vector<16xi32>
        %lt3A_1590 = arith.cmpi slt, %iota3A_1588, %lt3A_1589 : vector<16xi32>
        %get3A_1591 = arith.index_cast %add3A_1586 : i32 to index
        %get3A_1592 = tpu.vector_load %arg9[%get3A_1591] {strides = array<i32>} : memref<16400xi32, #tpu.memory_space<vmem>>, vector<16xi32>,
        %shift_right_arithmetic3A_1593 = arith.constant 14 : i32
        %shift_right_arithmetic3A_1594 = vector.broadcast %shift_right_arithmetic3A_1593 : i32 to vector<16xi32>
        %shift_right_arithmetic3A_1595 = arith.shrsi %get3A_1592, %shift_right_arithmetic3A_1594 : vector<16xi32>
        %and3A_1596 = arith.constant 4095 : i32
        %and3A_1597 = vector.broadcast %and3A_1596 : i32 to vector<16xi32>
        %and3A_1598 = arith.andi %shift_right_arithmetic3A_1595, %and3A_1597 : vector<16xi32>
        %and3A_1599 = arith.constant 16383 : i32
        %and3A_1600 = vector.broadcast %and3A_1599 : i32 to vector<16xi32>
        %and3A_1601 = arith.andi %get3A_1592, %and3A_1600 : vector<16xi32>
        %gather3A = tpu.vector_load_idx %arg14[%and3A_1598] masked %lt3A_1590 : memref<4096xf32, #tpu.memory_space<vmem>>[vector<16xi32>], vector<16xf32>, vector<16xi1>
        tpu.vector_store_idx %arg18[%and3A_1601], %gather3A masked %lt3A_1590 : memref<16384xf32, #tpu.memory_space<vmem>>[vector<16xi32>], vector<16xf32>, vector<16xi1>
      }
      %while3A_1308 = arith.constant 1 : i32
      scf.for %while3A_1584 = %while3A_1306 to %while3A_1302 step %while3A_1308  : i32 {
        %mul3A_1585 = arith.muli %while3A_1584, %while3A_1299 : i32
        %add3A_1586 = arith.addi %reduce_sum3A_1270, %mul3A_1585 : i32
        %sub3A_1587 = arith.subi %reduce_sum3A_1291, %add3A_1586 : i32
        %iota3A_1588 = tpu.iota {dimensions = array<i32: 0>} : vector<16xi32>
        %lt3A_1589 = vector.broadcast %sub3A_1587 : i32 to vector<16xi32>
        %lt3A_1590 = arith.cmpi slt, %iota3A_1588, %lt3A_1589 : vector<16xi32>
        %get3A_1591 = arith.index_cast %add3A_1586 : i32 to index
        %get3A_1592 = tpu.vector_load %arg9[%get3A_1591] {strides = array<i32>} : memref<16400xi32, #tpu.memory_space<vmem>>, vector<16xi32>,
        %shift_right_arithmetic3A_1593 = arith.constant 14 : i32
        %shift_right_arithmetic3A_1594 = vector.broadcast %shift_right_arithmetic3A_1593 : i32 to vector<16xi32>
        %shift_right_arithmetic3A_1595 = arith.shrsi %get3A_1592, %shift_right_arithmetic3A_1594 : vector<16xi32>
        %and3A_1596 = arith.constant 4095 : i32
        %and3A_1597 = vector.broadcast %and3A_1596 : i32 to vector<16xi32>
        %and3A_1598 = arith.andi %shift_right_arithmetic3A_1595, %and3A_1597 : vector<16xi32>
        %and3A_1599 = arith.constant 16383 : i32
        %and3A_1600 = vector.broadcast %and3A_1599 : i32 to vector<16xi32>
        %and3A_1601 = arith.andi %get3A_1592, %and3A_1600 : vector<16xi32>
        %gather3A = tpu.vector_load_idx %arg14[%and3A_1598] masked %lt3A_1590 : memref<4096xf32, #tpu.memory_space<vmem>>[vector<16xi32>], vector<16xf32>, vector<16xi1>
        tpu.vector_store_idx %arg18[%and3A_1601], %gather3A masked %lt3A_1590 : memref<16384xf32, #tpu.memory_space<vmem>>[vector<16xi32>], vector<16xf32>, vector<16xi1>
      }
      %add3A_1309 = arith.constant 1 : i32
      %add3A_1310 = arith.addi %add3A_1055, %add3A_1309 : i32
      %add3A_1311 = arith.constant 4 : i32
      %add3A_1312 = arith.addi %add3A_1310, %add3A_1311 : i32
      %lt3A_1313 = arith.constant 244 : i32
      %lt3A_1314 = arith.cmpi slt, %add3A_1312, %lt3A_1313 : i32
      %convert_element_type3A_1315 = arith.extui %lt3A_1314 : i1 to i32
      %cond3A_1316 = arith.constant 0 : i32
      %cond3A_1317 = arith.cmpi ne, %convert_element_type3A_1315, %cond3A_1316 : i32
      scf.if %cond3A_1317 {
        %add3A_1584 = arith.constant 1 : i32
        %add3A_1585 = arith.addi %add3A_1055, %add3A_1584 : i32
        %add3A_1586 = arith.constant 4 : i32
        %add3A_1587 = arith.addi %add3A_1585, %add3A_1586 : i32
        %mul3A_1588 = arith.constant 4096 : i32
        %mul3A_1589 = arith.muli %add3A_1587, %mul3A_1588 : i32
        %dma_start3A_1590 = tpu.memref_slice %arg3[%add3A_758, %mul3A_1589] : memref<64x1000000xf32, #tpu.memory_space<hbm>> -> memref<1x4096xf32, #tpu.memory_space<hbm>>
        %dma_start3A_1591 = tpu.memref_squeeze %dma_start3A_1590 : memref<1x4096xf32, #tpu.memory_space<hbm>> -> memref<4096xf32, #tpu.memory_space<hbm>>
        %dma_start3A_1592 = tpu.memref_slice %arg3[%add3A_758, %mul3A_1589] : memref<64x1000000xf32, #tpu.memory_space<hbm>> -> memref<1x4096xf32, #tpu.memory_space<hbm>>
        %dma_start3A_1593 = tpu.memref_squeeze %dma_start3A_1592 : memref<1x4096xf32, #tpu.memory_space<hbm>> -> memref<4096xf32, #tpu.memory_space<hbm>>
        tpu.enqueue_dma source(%dma_start3A_1593 : memref<4096xf32, #tpu.memory_space<hbm>>) target(%arg14 : memref<4096xf32, #tpu.memory_space<vmem>>) target_semaphore(%arg20 : memref<!tpu.dma_semaphore, #tpu.memory_space<semaphore_mem>>)
      } else {
      }
      %dma_wait3A_1318 = arith.constant 0 : i32
      %dma_wait3A_1319 = tpu.memref_slice %arg3[%add3A_758, %dma_wait3A_1318] : memref<64x1000000xf32, #tpu.memory_space<hbm>> -> memref<1x4096xf32, #tpu.memory_space<hbm>>
      %dma_wait3A_1320 = tpu.memref_squeeze %dma_wait3A_1319 : memref<1x4096xf32, #tpu.memory_space<hbm>> -> memref<4096xf32, #tpu.memory_space<hbm>>
      %dma_wait3A_1321 = arith.constant 0 : i32
      %dma_wait3A_1322 = tpu.memref_slice %arg3[%add3A_758, %dma_wait3A_1321] : memref<64x1000000xf32, #tpu.memory_space<hbm>> -> memref<1x4096xf32, #tpu.memory_space<hbm>>
      %dma_wait3A_1323 = tpu.memref_squeeze %dma_wait3A_1322 : memref<1x4096xf32, #tpu.memory_space<hbm>> -> memref<4096xf32, #tpu.memory_space<hbm>>
      tpu.wait_dma2 semaphore(%arg21 : memref<!tpu.dma_semaphore, #tpu.memory_space<semaphore_mem>>) src(%dma_wait3A_1323 : memref<4096xf32, #tpu.memory_space<hbm>>) dst(%arg15 : memref<4096xf32, #tpu.memory_space<vmem>>)
      %add3A_1324 = arith.constant 2 : i32
      %add3A_1325 = arith.addi %add3A_1055, %add3A_1324 : i32
      %shift_right_arithmetic3A_1326 = arith.constant 4 : i32
      %shift_right_arithmetic3A_1327 = arith.shrsi %add3A_1325, %shift_right_arithmetic3A_1326 : i32
      %mul3A_1328 = arith.constant 16 : i32
      %mul3A_1329 = arith.muli %shift_right_arithmetic3A_1327, %mul3A_1328 : i32
      %multiple_of3A_1330 = tpu.assume_multiple %mul3A_1329, 16 : i32
      %get3A_1331 = arith.index_cast %multiple_of3A_1330 : i32 to index
      %get3A_1332 = tpu.vector_load %arg11[%get3A_1331] {strides = array<i32>} : memref<256xi32, #tpu.memory_space<vmem>>, vector<16xi32>,
      %iota3A_1333 = tpu.iota {dimensions = array<i32: 0>} : vector<16xi32>
      %and3A_1334 = arith.constant 15 : i32
      %and3A_1335 = arith.andi %add3A_1325, %and3A_1334 : i32
      %eq3A_1336 = vector.broadcast %and3A_1335 : i32 to vector<16xi32>
      %eq3A_1337 = arith.cmpi eq, %iota3A_1333, %eq3A_1336 : vector<16xi32>
      %jit3A_1338 = arith.constant 0 : i32
      %broadcast_in_dim3A_1339 = vector.broadcast %jit3A_1338 : i32 to vector<16xi32>
      %select_n3A_1340 = arith.select %eq3A_1337, %get3A_1332, %broadcast_in_dim3A_1339 : vector<16xi1>, vector<16xi32>
      %reduce_sum3A_1341 = arith.constant true
      %reduce_sum3A_1342 = vector.broadcast %reduce_sum3A_1341 : i1 to vector<16xi1>
      %reduce_sum3A_1343 = tpu.scan <sum>, %select_n3A_1340 masked %reduce_sum3A_1342 : vector<16xi32>, vector<16xi1> -> vector<16xi32>
      %reduce_sum3A_1344 = vector.extract %reduce_sum3A_1343[15] : i32 from vector<16xi32>
      %add3A_1345 = arith.constant 1 : i32
      %add3A_1346 = arith.addi %add3A_1325, %add3A_1345 : i32
      %shift_right_arithmetic3A_1347 = arith.constant 4 : i32
      %shift_right_arithmetic3A_1348 = arith.shrsi %add3A_1346, %shift_right_arithmetic3A_1347 : i32
      %mul3A_1349 = arith.constant 16 : i32
      %mul3A_1350 = arith.muli %shift_right_arithmetic3A_1348, %mul3A_1349 : i32
      %multiple_of3A_1351 = tpu.assume_multiple %mul3A_1350, 16 : i32
      %get3A_1352 = arith.index_cast %multiple_of3A_1351 : i32 to index
      %get3A_1353 = tpu.vector_load %arg11[%get3A_1352] {strides = array<i32>} : memref<256xi32, #tpu.memory_space<vmem>>, vector<16xi32>,
      %iota3A_1354 = tpu.iota {dimensions = array<i32: 0>} : vector<16xi32>
      %and3A_1355 = arith.constant 15 : i32
      %and3A_1356 = arith.andi %add3A_1346, %and3A_1355 : i32
      %eq3A_1357 = vector.broadcast %and3A_1356 : i32 to vector<16xi32>
      %eq3A_1358 = arith.cmpi eq, %iota3A_1354, %eq3A_1357 : vector<16xi32>
      %jit3A_1359 = arith.constant 0 : i32
      %broadcast_in_dim3A_1360 = vector.broadcast %jit3A_1359 : i32 to vector<16xi32>
      %select_n3A_1361 = arith.select %eq3A_1358, %get3A_1353, %broadcast_in_dim3A_1360 : vector<16xi1>, vector<16xi32>
      %reduce_sum3A_1362 = arith.constant true
      %reduce_sum3A_1363 = vector.broadcast %reduce_sum3A_1362 : i1 to vector<16xi1>
      %reduce_sum3A_1364 = tpu.scan <sum>, %select_n3A_1361 masked %reduce_sum3A_1363 : vector<16xi32>, vector<16xi1> -> vector<16xi32>
      %reduce_sum3A_1365 = vector.extract %reduce_sum3A_1364[15] : i32 from vector<16xi32>
      %sub3A_1366 = arith.subi %reduce_sum3A_1365, %reduce_sum3A_1344 : i32
      %sub3A_1367 = arith.constant 16 : i32
      %sub3A_1368 = arith.constant 1 : i32
      %sub3A_1369 = arith.subi %sub3A_1367, %sub3A_1368 : i32
      %add3A_1370 = arith.addi %sub3A_1366, %sub3A_1369 : i32
      %div3A_1371 = arith.constant 16 : i32
      %div3A_1372 = arith.divsi %add3A_1370, %div3A_1371 : i32
      %while3A_1373 = arith.constant 16 : i32
      %while3A_1374 = arith.constant 0 : i32
      %while3A_1375 = arith.subi %div3A_1372, %while3A_1374 : i32
      %while3A_1376 = arith.addi %while3A_1374, %while3A_1375 : i32
      %while3A_1377 = arith.constant 1 : i32
      %while3A_1378 = arith.divsi %while3A_1375, %while3A_1377 : i32
      %while3A_1379 = arith.muli %while3A_1378, %while3A_1377 : i32
      %while3A_1380 = arith.addi %while3A_1374, %while3A_1379 : i32
      %while3A_1381 = arith.constant 1 : i32
      scf.for %while3A_1584 = %while3A_1374 to %while3A_1380 step %while3A_1381  : i32 {
        %mul3A_1585 = arith.muli %while3A_1584, %while3A_1373 : i32
        %add3A_1586 = arith.addi %reduce_sum3A_1344, %mul3A_1585 : i32
        %sub3A_1587 = arith.subi %reduce_sum3A_1365, %add3A_1586 : i32
        %iota3A_1588 = tpu.iota {dimensions = array<i32: 0>} : vector<16xi32>
        %lt3A_1589 = vector.broadcast %sub3A_1587 : i32 to vector<16xi32>
        %lt3A_1590 = arith.cmpi slt, %iota3A_1588, %lt3A_1589 : vector<16xi32>
        %get3A_1591 = arith.index_cast %add3A_1586 : i32 to index
        %get3A_1592 = tpu.vector_load %arg8[%get3A_1591] {strides = array<i32>} : memref<16400xi32, #tpu.memory_space<vmem>>, vector<16xi32>,
        %shift_right_arithmetic3A_1593 = arith.constant 14 : i32
        %shift_right_arithmetic3A_1594 = vector.broadcast %shift_right_arithmetic3A_1593 : i32 to vector<16xi32>
        %shift_right_arithmetic3A_1595 = arith.shrsi %get3A_1592, %shift_right_arithmetic3A_1594 : vector<16xi32>
        %and3A_1596 = arith.constant 4095 : i32
        %and3A_1597 = vector.broadcast %and3A_1596 : i32 to vector<16xi32>
        %and3A_1598 = arith.andi %shift_right_arithmetic3A_1595, %and3A_1597 : vector<16xi32>
        %and3A_1599 = arith.constant 16383 : i32
        %and3A_1600 = vector.broadcast %and3A_1599 : i32 to vector<16xi32>
        %and3A_1601 = arith.andi %get3A_1592, %and3A_1600 : vector<16xi32>
        %gather3A = tpu.vector_load_idx %arg15[%and3A_1598] masked %lt3A_1590 : memref<4096xf32, #tpu.memory_space<vmem>>[vector<16xi32>], vector<16xf32>, vector<16xi1>
        tpu.vector_store_idx %arg17[%and3A_1601], %gather3A masked %lt3A_1590 : memref<16384xf32, #tpu.memory_space<vmem>>[vector<16xi32>], vector<16xf32>, vector<16xi1>
      }
      %while3A_1382 = arith.constant 1 : i32
      scf.for %while3A_1584 = %while3A_1380 to %while3A_1376 step %while3A_1382  : i32 {
        %mul3A_1585 = arith.muli %while3A_1584, %while3A_1373 : i32
        %add3A_1586 = arith.addi %reduce_sum3A_1344, %mul3A_1585 : i32
        %sub3A_1587 = arith.subi %reduce_sum3A_1365, %add3A_1586 : i32
        %iota3A_1588 = tpu.iota {dimensions = array<i32: 0>} : vector<16xi32>
        %lt3A_1589 = vector.broadcast %sub3A_1587 : i32 to vector<16xi32>
        %lt3A_1590 = arith.cmpi slt, %iota3A_1588, %lt3A_1589 : vector<16xi32>
        %get3A_1591 = arith.index_cast %add3A_1586 : i32 to index
        %get3A_1592 = tpu.vector_load %arg8[%get3A_1591] {strides = array<i32>} : memref<16400xi32, #tpu.memory_space<vmem>>, vector<16xi32>,
        %shift_right_arithmetic3A_1593 = arith.constant 14 : i32
        %shift_right_arithmetic3A_1594 = vector.broadcast %shift_right_arithmetic3A_1593 : i32 to vector<16xi32>
        %shift_right_arithmetic3A_1595 = arith.shrsi %get3A_1592, %shift_right_arithmetic3A_1594 : vector<16xi32>
        %and3A_1596 = arith.constant 4095 : i32
        %and3A_1597 = vector.broadcast %and3A_1596 : i32 to vector<16xi32>
        %and3A_1598 = arith.andi %shift_right_arithmetic3A_1595, %and3A_1597 : vector<16xi32>
        %and3A_1599 = arith.constant 16383 : i32
        %and3A_1600 = vector.broadcast %and3A_1599 : i32 to vector<16xi32>
        %and3A_1601 = arith.andi %get3A_1592, %and3A_1600 : vector<16xi32>
        %gather3A = tpu.vector_load_idx %arg15[%and3A_1598] masked %lt3A_1590 : memref<4096xf32, #tpu.memory_space<vmem>>[vector<16xi32>], vector<16xf32>, vector<16xi1>
        tpu.vector_store_idx %arg17[%and3A_1601], %gather3A masked %lt3A_1590 : memref<16384xf32, #tpu.memory_space<vmem>>[vector<16xi32>], vector<16xf32>, vector<16xi1>
      }
      %add3A_1383 = arith.constant 2 : i32
      %add3A_1384 = arith.addi %add3A_1055, %add3A_1383 : i32
      %shift_right_arithmetic3A_1385 = arith.constant 4 : i32
      %shift_right_arithmetic3A_1386 = arith.shrsi %add3A_1384, %shift_right_arithmetic3A_1385 : i32
      %mul3A_1387 = arith.constant 16 : i32
      %mul3A_1388 = arith.muli %shift_right_arithmetic3A_1386, %mul3A_1387 : i32
      %multiple_of3A_1389 = tpu.assume_multiple %mul3A_1388, 16 : i32
      %get3A_1390 = arith.index_cast %multiple_of3A_1389 : i32 to index
      %get3A_1391 = tpu.vector_load %arg12[%get3A_1390] {strides = array<i32>} : memref<256xi32, #tpu.memory_space<vmem>>, vector<16xi32>,
      %iota3A_1392 = tpu.iota {dimensions = array<i32: 0>} : vector<16xi32>
      %and3A_1393 = arith.constant 15 : i32
      %and3A_1394 = arith.andi %add3A_1384, %and3A_1393 : i32
      %eq3A_1395 = vector.broadcast %and3A_1394 : i32 to vector<16xi32>
      %eq3A_1396 = arith.cmpi eq, %iota3A_1392, %eq3A_1395 : vector<16xi32>
      %jit3A_1397 = arith.constant 0 : i32
      %broadcast_in_dim3A_1398 = vector.broadcast %jit3A_1397 : i32 to vector<16xi32>
      %select_n3A_1399 = arith.select %eq3A_1396, %get3A_1391, %broadcast_in_dim3A_1398 : vector<16xi1>, vector<16xi32>
      %reduce_sum3A_1400 = arith.constant true
      %reduce_sum3A_1401 = vector.broadcast %reduce_sum3A_1400 : i1 to vector<16xi1>
      %reduce_sum3A_1402 = tpu.scan <sum>, %select_n3A_1399 masked %reduce_sum3A_1401 : vector<16xi32>, vector<16xi1> -> vector<16xi32>
      %reduce_sum3A_1403 = vector.extract %reduce_sum3A_1402[15] : i32 from vector<16xi32>
      %add3A_1404 = arith.constant 1 : i32
      %add3A_1405 = arith.addi %add3A_1384, %add3A_1404 : i32
      %shift_right_arithmetic3A_1406 = arith.constant 4 : i32
      %shift_right_arithmetic3A_1407 = arith.shrsi %add3A_1405, %shift_right_arithmetic3A_1406 : i32
      %mul3A_1408 = arith.constant 16 : i32
      %mul3A_1409 = arith.muli %shift_right_arithmetic3A_1407, %mul3A_1408 : i32
      %multiple_of3A_1410 = tpu.assume_multiple %mul3A_1409, 16 : i32
      %get3A_1411 = arith.index_cast %multiple_of3A_1410 : i32 to index
      %get3A_1412 = tpu.vector_load %arg12[%get3A_1411] {strides = array<i32>} : memref<256xi32, #tpu.memory_space<vmem>>, vector<16xi32>,
      %iota3A_1413 = tpu.iota {dimensions = array<i32: 0>} : vector<16xi32>
      %and3A_1414 = arith.constant 15 : i32
      %and3A_1415 = arith.andi %add3A_1405, %and3A_1414 : i32
      %eq3A_1416 = vector.broadcast %and3A_1415 : i32 to vector<16xi32>
      %eq3A_1417 = arith.cmpi eq, %iota3A_1413, %eq3A_1416 : vector<16xi32>
      %jit3A_1418 = arith.constant 0 : i32
      %broadcast_in_dim3A_1419 = vector.broadcast %jit3A_1418 : i32 to vector<16xi32>
      %select_n3A_1420 = arith.select %eq3A_1417, %get3A_1412, %broadcast_in_dim3A_1419 : vector<16xi1>, vector<16xi32>
      %reduce_sum3A_1421 = arith.constant true
      %reduce_sum3A_1422 = vector.broadcast %reduce_sum3A_1421 : i1 to vector<16xi1>
      %reduce_sum3A_1423 = tpu.scan <sum>, %select_n3A_1420 masked %reduce_sum3A_1422 : vector<16xi32>, vector<16xi1> -> vector<16xi32>
      %reduce_sum3A_1424 = vector.extract %reduce_sum3A_1423[15] : i32 from vector<16xi32>
      %sub3A_1425 = arith.subi %reduce_sum3A_1424, %reduce_sum3A_1403 : i32
      %sub3A_1426 = arith.constant 16 : i32
      %sub3A_1427 = arith.constant 1 : i32
      %sub3A_1428 = arith.subi %sub3A_1426, %sub3A_1427 : i32
      %add3A_1429 = arith.addi %sub3A_1425, %sub3A_1428 : i32
      %div3A_1430 = arith.constant 16 : i32
      %div3A_1431 = arith.divsi %add3A_1429, %div3A_1430 : i32
      %while3A_1432 = arith.constant 16 : i32
      %while3A_1433 = arith.constant 0 : i32
      %while3A_1434 = arith.subi %div3A_1431, %while3A_1433 : i32
      %while3A_1435 = arith.addi %while3A_1433, %while3A_1434 : i32
      %while3A_1436 = arith.constant 1 : i32
      %while3A_1437 = arith.divsi %while3A_1434, %while3A_1436 : i32
      %while3A_1438 = arith.muli %while3A_1437, %while3A_1436 : i32
      %while3A_1439 = arith.addi %while3A_1433, %while3A_1438 : i32
      %while3A_1440 = arith.constant 1 : i32
      scf.for %while3A_1584 = %while3A_1433 to %while3A_1439 step %while3A_1440  : i32 {
        %mul3A_1585 = arith.muli %while3A_1584, %while3A_1432 : i32
        %add3A_1586 = arith.addi %reduce_sum3A_1403, %mul3A_1585 : i32
        %sub3A_1587 = arith.subi %reduce_sum3A_1424, %add3A_1586 : i32
        %iota3A_1588 = tpu.iota {dimensions = array<i32: 0>} : vector<16xi32>
        %lt3A_1589 = vector.broadcast %sub3A_1587 : i32 to vector<16xi32>
        %lt3A_1590 = arith.cmpi slt, %iota3A_1588, %lt3A_1589 : vector<16xi32>
        %get3A_1591 = arith.index_cast %add3A_1586 : i32 to index
        %get3A_1592 = tpu.vector_load %arg9[%get3A_1591] {strides = array<i32>} : memref<16400xi32, #tpu.memory_space<vmem>>, vector<16xi32>,
        %shift_right_arithmetic3A_1593 = arith.constant 14 : i32
        %shift_right_arithmetic3A_1594 = vector.broadcast %shift_right_arithmetic3A_1593 : i32 to vector<16xi32>
        %shift_right_arithmetic3A_1595 = arith.shrsi %get3A_1592, %shift_right_arithmetic3A_1594 : vector<16xi32>
        %and3A_1596 = arith.constant 4095 : i32
        %and3A_1597 = vector.broadcast %and3A_1596 : i32 to vector<16xi32>
        %and3A_1598 = arith.andi %shift_right_arithmetic3A_1595, %and3A_1597 : vector<16xi32>
        %and3A_1599 = arith.constant 16383 : i32
        %and3A_1600 = vector.broadcast %and3A_1599 : i32 to vector<16xi32>
        %and3A_1601 = arith.andi %get3A_1592, %and3A_1600 : vector<16xi32>
        %gather3A = tpu.vector_load_idx %arg15[%and3A_1598] masked %lt3A_1590 : memref<4096xf32, #tpu.memory_space<vmem>>[vector<16xi32>], vector<16xf32>, vector<16xi1>
        tpu.vector_store_idx %arg18[%and3A_1601], %gather3A masked %lt3A_1590 : memref<16384xf32, #tpu.memory_space<vmem>>[vector<16xi32>], vector<16xf32>, vector<16xi1>
      }
      %while3A_1441 = arith.constant 1 : i32
      scf.for %while3A_1584 = %while3A_1439 to %while3A_1435 step %while3A_1441  : i32 {
        %mul3A_1585 = arith.muli %while3A_1584, %while3A_1432 : i32
        %add3A_1586 = arith.addi %reduce_sum3A_1403, %mul3A_1585 : i32
        %sub3A_1587 = arith.subi %reduce_sum3A_1424, %add3A_1586 : i32
        %iota3A_1588 = tpu.iota {dimensions = array<i32: 0>} : vector<16xi32>
        %lt3A_1589 = vector.broadcast %sub3A_1587 : i32 to vector<16xi32>
        %lt3A_1590 = arith.cmpi slt, %iota3A_1588, %lt3A_1589 : vector<16xi32>
        %get3A_1591 = arith.index_cast %add3A_1586 : i32 to index
        %get3A_1592 = tpu.vector_load %arg9[%get3A_1591] {strides = array<i32>} : memref<16400xi32, #tpu.memory_space<vmem>>, vector<16xi32>,
        %shift_right_arithmetic3A_1593 = arith.constant 14 : i32
        %shift_right_arithmetic3A_1594 = vector.broadcast %shift_right_arithmetic3A_1593 : i32 to vector<16xi32>
        %shift_right_arithmetic3A_1595 = arith.shrsi %get3A_1592, %shift_right_arithmetic3A_1594 : vector<16xi32>
        %and3A_1596 = arith.constant 4095 : i32
        %and3A_1597 = vector.broadcast %and3A_1596 : i32 to vector<16xi32>
        %and3A_1598 = arith.andi %shift_right_arithmetic3A_1595, %and3A_1597 : vector<16xi32>
        %and3A_1599 = arith.constant 16383 : i32
        %and3A_1600 = vector.broadcast %and3A_1599 : i32 to vector<16xi32>
        %and3A_1601 = arith.andi %get3A_1592, %and3A_1600 : vector<16xi32>
        %gather3A = tpu.vector_load_idx %arg15[%and3A_1598] masked %lt3A_1590 : memref<4096xf32, #tpu.memory_space<vmem>>[vector<16xi32>], vector<16xf32>, vector<16xi1>
        tpu.vector_store_idx %arg18[%and3A_1601], %gather3A masked %lt3A_1590 : memref<16384xf32, #tpu.memory_space<vmem>>[vector<16xi32>], vector<16xf32>, vector<16xi1>
      }
      %add3A_1442 = arith.constant 2 : i32
      %add3A_1443 = arith.addi %add3A_1055, %add3A_1442 : i32
      %add3A_1444 = arith.constant 4 : i32
      %add3A_1445 = arith.addi %add3A_1443, %add3A_1444 : i32
      %lt3A_1446 = arith.constant 244 : i32
      %lt3A_1447 = arith.cmpi slt, %add3A_1445, %lt3A_1446 : i32
      %convert_element_type3A_1448 = arith.extui %lt3A_1447 : i1 to i32
      %cond3A_1449 = arith.constant 0 : i32
      %cond3A_1450 = arith.cmpi ne, %convert_element_type3A_1448, %cond3A_1449 : i32
      scf.if %cond3A_1450 {
        %add3A_1584 = arith.constant 2 : i32
        %add3A_1585 = arith.addi %add3A_1055, %add3A_1584 : i32
        %add3A_1586 = arith.constant 4 : i32
        %add3A_1587 = arith.addi %add3A_1585, %add3A_1586 : i32
        %mul3A_1588 = arith.constant 4096 : i32
        %mul3A_1589 = arith.muli %add3A_1587, %mul3A_1588 : i32
        %dma_start3A_1590 = tpu.memref_slice %arg3[%add3A_758, %mul3A_1589] : memref<64x1000000xf32, #tpu.memory_space<hbm>> -> memref<1x4096xf32, #tpu.memory_space<hbm>>
        %dma_start3A_1591 = tpu.memref_squeeze %dma_start3A_1590 : memref<1x4096xf32, #tpu.memory_space<hbm>> -> memref<4096xf32, #tpu.memory_space<hbm>>
        %dma_start3A_1592 = tpu.memref_slice %arg3[%add3A_758, %mul3A_1589] : memref<64x1000000xf32, #tpu.memory_space<hbm>> -> memref<1x4096xf32, #tpu.memory_space<hbm>>
        %dma_start3A_1593 = tpu.memref_squeeze %dma_start3A_1592 : memref<1x4096xf32, #tpu.memory_space<hbm>> -> memref<4096xf32, #tpu.memory_space<hbm>>
        tpu.enqueue_dma source(%dma_start3A_1593 : memref<4096xf32, #tpu.memory_space<hbm>>) target(%arg15 : memref<4096xf32, #tpu.memory_space<vmem>>) target_semaphore(%arg21 : memref<!tpu.dma_semaphore, #tpu.memory_space<semaphore_mem>>)
      } else {
      }
      %dma_wait3A_1451 = arith.constant 0 : i32
      %dma_wait3A_1452 = tpu.memref_slice %arg3[%add3A_758, %dma_wait3A_1451] : memref<64x1000000xf32, #tpu.memory_space<hbm>> -> memref<1x4096xf32, #tpu.memory_space<hbm>>
      %dma_wait3A_1453 = tpu.memref_squeeze %dma_wait3A_1452 : memref<1x4096xf32, #tpu.memory_space<hbm>> -> memref<4096xf32, #tpu.memory_space<hbm>>
      %dma_wait3A_1454 = arith.constant 0 : i32
      %dma_wait3A_1455 = tpu.memref_slice %arg3[%add3A_758, %dma_wait3A_1454] : memref<64x1000000xf32, #tpu.memory_space<hbm>> -> memref<1x4096xf32, #tpu.memory_space<hbm>>
      %dma_wait3A_1456 = tpu.memref_squeeze %dma_wait3A_1455 : memref<1x4096xf32, #tpu.memory_space<hbm>> -> memref<4096xf32, #tpu.memory_space<hbm>>
      tpu.wait_dma2 semaphore(%arg22 : memref<!tpu.dma_semaphore, #tpu.memory_space<semaphore_mem>>) src(%dma_wait3A_1456 : memref<4096xf32, #tpu.memory_space<hbm>>) dst(%arg16 : memref<4096xf32, #tpu.memory_space<vmem>>)
      %add3A_1457 = arith.constant 3 : i32
      %add3A_1458 = arith.addi %add3A_1055, %add3A_1457 : i32
      %shift_right_arithmetic3A_1459 = arith.constant 4 : i32
      %shift_right_arithmetic3A_1460 = arith.shrsi %add3A_1458, %shift_right_arithmetic3A_1459 : i32
      %mul3A_1461 = arith.constant 16 : i32
      %mul3A_1462 = arith.muli %shift_right_arithmetic3A_1460, %mul3A_1461 : i32
      %multiple_of3A_1463 = tpu.assume_multiple %mul3A_1462, 16 : i32
      %get3A_1464 = arith.index_cast %multiple_of3A_1463 : i32 to index
      %get3A_1465 = tpu.vector_load %arg11[%get3A_1464] {strides = array<i32>} : memref<256xi32, #tpu.memory_space<vmem>>, vector<16xi32>,
      %iota3A_1466 = tpu.iota {dimensions = array<i32: 0>} : vector<16xi32>
      %and3A_1467 = arith.constant 15 : i32
      %and3A_1468 = arith.andi %add3A_1458, %and3A_1467 : i32
      %eq3A_1469 = vector.broadcast %and3A_1468 : i32 to vector<16xi32>
      %eq3A_1470 = arith.cmpi eq, %iota3A_1466, %eq3A_1469 : vector<16xi32>
      %jit3A_1471 = arith.constant 0 : i32
      %broadcast_in_dim3A_1472 = vector.broadcast %jit3A_1471 : i32 to vector<16xi32>
      %select_n3A_1473 = arith.select %eq3A_1470, %get3A_1465, %broadcast_in_dim3A_1472 : vector<16xi1>, vector<16xi32>
      %reduce_sum3A_1474 = arith.constant true
      %reduce_sum3A_1475 = vector.broadcast %reduce_sum3A_1474 : i1 to vector<16xi1>
      %reduce_sum3A_1476 = tpu.scan <sum>, %select_n3A_1473 masked %reduce_sum3A_1475 : vector<16xi32>, vector<16xi1> -> vector<16xi32>
      %reduce_sum3A_1477 = vector.extract %reduce_sum3A_1476[15] : i32 from vector<16xi32>
      %add3A_1478 = arith.constant 1 : i32
      %add3A_1479 = arith.addi %add3A_1458, %add3A_1478 : i32
      %shift_right_arithmetic3A_1480 = arith.constant 4 : i32
      %shift_right_arithmetic3A_1481 = arith.shrsi %add3A_1479, %shift_right_arithmetic3A_1480 : i32
      %mul3A_1482 = arith.constant 16 : i32
      %mul3A_1483 = arith.muli %shift_right_arithmetic3A_1481, %mul3A_1482 : i32
      %multiple_of3A_1484 = tpu.assume_multiple %mul3A_1483, 16 : i32
      %get3A_1485 = arith.index_cast %multiple_of3A_1484 : i32 to index
      %get3A_1486 = tpu.vector_load %arg11[%get3A_1485] {strides = array<i32>} : memref<256xi32, #tpu.memory_space<vmem>>, vector<16xi32>,
      %iota3A_1487 = tpu.iota {dimensions = array<i32: 0>} : vector<16xi32>
      %and3A_1488 = arith.constant 15 : i32
      %and3A_1489 = arith.andi %add3A_1479, %and3A_1488 : i32
      %eq3A_1490 = vector.broadcast %and3A_1489 : i32 to vector<16xi32>
      %eq3A_1491 = arith.cmpi eq, %iota3A_1487, %eq3A_1490 : vector<16xi32>
      %jit3A_1492 = arith.constant 0 : i32
      %broadcast_in_dim3A_1493 = vector.broadcast %jit3A_1492 : i32 to vector<16xi32>
      %select_n3A_1494 = arith.select %eq3A_1491, %get3A_1486, %broadcast_in_dim3A_1493 : vector<16xi1>, vector<16xi32>
      %reduce_sum3A_1495 = arith.constant true
      %reduce_sum3A_1496 = vector.broadcast %reduce_sum3A_1495 : i1 to vector<16xi1>
      %reduce_sum3A_1497 = tpu.scan <sum>, %select_n3A_1494 masked %reduce_sum3A_1496 : vector<16xi32>, vector<16xi1> -> vector<16xi32>
      %reduce_sum3A_1498 = vector.extract %reduce_sum3A_1497[15] : i32 from vector<16xi32>
      %sub3A_1499 = arith.subi %reduce_sum3A_1498, %reduce_sum3A_1477 : i32
      %sub3A_1500 = arith.constant 16 : i32
      %sub3A_1501 = arith.constant 1 : i32
      %sub3A_1502 = arith.subi %sub3A_1500, %sub3A_1501 : i32
      %add3A_1503 = arith.addi %sub3A_1499, %sub3A_1502 : i32
      %div3A_1504 = arith.constant 16 : i32
      %div3A_1505 = arith.divsi %add3A_1503, %div3A_1504 : i32
      %while3A_1506 = arith.constant 16 : i32
      %while3A_1507 = arith.constant 0 : i32
      %while3A_1508 = arith.subi %div3A_1505, %while3A_1507 : i32
      %while3A_1509 = arith.addi %while3A_1507, %while3A_1508 : i32
      %while3A_1510 = arith.constant 1 : i32
      %while3A_1511 = arith.divsi %while3A_1508, %while3A_1510 : i32
      %while3A_1512 = arith.muli %while3A_1511, %while3A_1510 : i32
      %while3A_1513 = arith.addi %while3A_1507, %while3A_1512 : i32
      %while3A_1514 = arith.constant 1 : i32
      scf.for %while3A_1584 = %while3A_1507 to %while3A_1513 step %while3A_1514  : i32 {
        %mul3A_1585 = arith.muli %while3A_1584, %while3A_1506 : i32
        %add3A_1586 = arith.addi %reduce_sum3A_1477, %mul3A_1585 : i32
        %sub3A_1587 = arith.subi %reduce_sum3A_1498, %add3A_1586 : i32
        %iota3A_1588 = tpu.iota {dimensions = array<i32: 0>} : vector<16xi32>
        %lt3A_1589 = vector.broadcast %sub3A_1587 : i32 to vector<16xi32>
        %lt3A_1590 = arith.cmpi slt, %iota3A_1588, %lt3A_1589 : vector<16xi32>
        %get3A_1591 = arith.index_cast %add3A_1586 : i32 to index
        %get3A_1592 = tpu.vector_load %arg8[%get3A_1591] {strides = array<i32>} : memref<16400xi32, #tpu.memory_space<vmem>>, vector<16xi32>,
        %shift_right_arithmetic3A_1593 = arith.constant 14 : i32
        %shift_right_arithmetic3A_1594 = vector.broadcast %shift_right_arithmetic3A_1593 : i32 to vector<16xi32>
        %shift_right_arithmetic3A_1595 = arith.shrsi %get3A_1592, %shift_right_arithmetic3A_1594 : vector<16xi32>
        %and3A_1596 = arith.constant 4095 : i32
        %and3A_1597 = vector.broadcast %and3A_1596 : i32 to vector<16xi32>
        %and3A_1598 = arith.andi %shift_right_arithmetic3A_1595, %and3A_1597 : vector<16xi32>
        %and3A_1599 = arith.constant 16383 : i32
        %and3A_1600 = vector.broadcast %and3A_1599 : i32 to vector<16xi32>
        %and3A_1601 = arith.andi %get3A_1592, %and3A_1600 : vector<16xi32>
        %gather3A = tpu.vector_load_idx %arg16[%and3A_1598] masked %lt3A_1590 : memref<4096xf32, #tpu.memory_space<vmem>>[vector<16xi32>], vector<16xf32>, vector<16xi1>
        tpu.vector_store_idx %arg17[%and3A_1601], %gather3A masked %lt3A_1590 : memref<16384xf32, #tpu.memory_space<vmem>>[vector<16xi32>], vector<16xf32>, vector<16xi1>
      }
      %while3A_1515 = arith.constant 1 : i32
      scf.for %while3A_1584 = %while3A_1513 to %while3A_1509 step %while3A_1515  : i32 {
        %mul3A_1585 = arith.muli %while3A_1584, %while3A_1506 : i32
        %add3A_1586 = arith.addi %reduce_sum3A_1477, %mul3A_1585 : i32
        %sub3A_1587 = arith.subi %reduce_sum3A_1498, %add3A_1586 : i32
        %iota3A_1588 = tpu.iota {dimensions = array<i32: 0>} : vector<16xi32>
        %lt3A_1589 = vector.broadcast %sub3A_1587 : i32 to vector<16xi32>
        %lt3A_1590 = arith.cmpi slt, %iota3A_1588, %lt3A_1589 : vector<16xi32>
        %get3A_1591 = arith.index_cast %add3A_1586 : i32 to index
        %get3A_1592 = tpu.vector_load %arg8[%get3A_1591] {strides = array<i32>} : memref<16400xi32, #tpu.memory_space<vmem>>, vector<16xi32>,
        %shift_right_arithmetic3A_1593 = arith.constant 14 : i32
        %shift_right_arithmetic3A_1594 = vector.broadcast %shift_right_arithmetic3A_1593 : i32 to vector<16xi32>
        %shift_right_arithmetic3A_1595 = arith.shrsi %get3A_1592, %shift_right_arithmetic3A_1594 : vector<16xi32>
        %and3A_1596 = arith.constant 4095 : i32
        %and3A_1597 = vector.broadcast %and3A_1596 : i32 to vector<16xi32>
        %and3A_1598 = arith.andi %shift_right_arithmetic3A_1595, %and3A_1597 : vector<16xi32>
        %and3A_1599 = arith.constant 16383 : i32
        %and3A_1600 = vector.broadcast %and3A_1599 : i32 to vector<16xi32>
        %and3A_1601 = arith.andi %get3A_1592, %and3A_1600 : vector<16xi32>
        %gather3A = tpu.vector_load_idx %arg16[%and3A_1598] masked %lt3A_1590 : memref<4096xf32, #tpu.memory_space<vmem>>[vector<16xi32>], vector<16xf32>, vector<16xi1>
        tpu.vector_store_idx %arg17[%and3A_1601], %gather3A masked %lt3A_1590 : memref<16384xf32, #tpu.memory_space<vmem>>[vector<16xi32>], vector<16xf32>, vector<16xi1>
      }
      %add3A_1516 = arith.constant 3 : i32
      %add3A_1517 = arith.addi %add3A_1055, %add3A_1516 : i32
      %shift_right_arithmetic3A_1518 = arith.constant 4 : i32
      %shift_right_arithmetic3A_1519 = arith.shrsi %add3A_1517, %shift_right_arithmetic3A_1518 : i32
      %mul3A_1520 = arith.constant 16 : i32
      %mul3A_1521 = arith.muli %shift_right_arithmetic3A_1519, %mul3A_1520 : i32
      %multiple_of3A_1522 = tpu.assume_multiple %mul3A_1521, 16 : i32
      %get3A_1523 = arith.index_cast %multiple_of3A_1522 : i32 to index
      %get3A_1524 = tpu.vector_load %arg12[%get3A_1523] {strides = array<i32>} : memref<256xi32, #tpu.memory_space<vmem>>, vector<16xi32>,
      %iota3A_1525 = tpu.iota {dimensions = array<i32: 0>} : vector<16xi32>
      %and3A_1526 = arith.constant 15 : i32
      %and3A_1527 = arith.andi %add3A_1517, %and3A_1526 : i32
      %eq3A_1528 = vector.broadcast %and3A_1527 : i32 to vector<16xi32>
      %eq3A_1529 = arith.cmpi eq, %iota3A_1525, %eq3A_1528 : vector<16xi32>
      %jit3A_1530 = arith.constant 0 : i32
      %broadcast_in_dim3A_1531 = vector.broadcast %jit3A_1530 : i32 to vector<16xi32>
      %select_n3A_1532 = arith.select %eq3A_1529, %get3A_1524, %broadcast_in_dim3A_1531 : vector<16xi1>, vector<16xi32>
      %reduce_sum3A_1533 = arith.constant true
      %reduce_sum3A_1534 = vector.broadcast %reduce_sum3A_1533 : i1 to vector<16xi1>
      %reduce_sum3A_1535 = tpu.scan <sum>, %select_n3A_1532 masked %reduce_sum3A_1534 : vector<16xi32>, vector<16xi1> -> vector<16xi32>
      %reduce_sum3A_1536 = vector.extract %reduce_sum3A_1535[15] : i32 from vector<16xi32>
      %add3A_1537 = arith.constant 1 : i32
      %add3A_1538 = arith.addi %add3A_1517, %add3A_1537 : i32
      %shift_right_arithmetic3A_1539 = arith.constant 4 : i32
      %shift_right_arithmetic3A_1540 = arith.shrsi %add3A_1538, %shift_right_arithmetic3A_1539 : i32
      %mul3A_1541 = arith.constant 16 : i32
      %mul3A_1542 = arith.muli %shift_right_arithmetic3A_1540, %mul3A_1541 : i32
      %multiple_of3A_1543 = tpu.assume_multiple %mul3A_1542, 16 : i32
      %get3A_1544 = arith.index_cast %multiple_of3A_1543 : i32 to index
      %get3A_1545 = tpu.vector_load %arg12[%get3A_1544] {strides = array<i32>} : memref<256xi32, #tpu.memory_space<vmem>>, vector<16xi32>,
      %iota3A_1546 = tpu.iota {dimensions = array<i32: 0>} : vector<16xi32>
      %and3A_1547 = arith.constant 15 : i32
      %and3A_1548 = arith.andi %add3A_1538, %and3A_1547 : i32
      %eq3A_1549 = vector.broadcast %and3A_1548 : i32 to vector<16xi32>
      %eq3A_1550 = arith.cmpi eq, %iota3A_1546, %eq3A_1549 : vector<16xi32>
      %jit3A_1551 = arith.constant 0 : i32
      %broadcast_in_dim3A_1552 = vector.broadcast %jit3A_1551 : i32 to vector<16xi32>
      %select_n3A_1553 = arith.select %eq3A_1550, %get3A_1545, %broadcast_in_dim3A_1552 : vector<16xi1>, vector<16xi32>
      %reduce_sum3A_1554 = arith.constant true
      %reduce_sum3A_1555 = vector.broadcast %reduce_sum3A_1554 : i1 to vector<16xi1>
      %reduce_sum3A_1556 = tpu.scan <sum>, %select_n3A_1553 masked %reduce_sum3A_1555 : vector<16xi32>, vector<16xi1> -> vector<16xi32>
      %reduce_sum3A_1557 = vector.extract %reduce_sum3A_1556[15] : i32 from vector<16xi32>
      %sub3A_1558 = arith.subi %reduce_sum3A_1557, %reduce_sum3A_1536 : i32
      %sub3A_1559 = arith.constant 16 : i32
      %sub3A_1560 = arith.constant 1 : i32
      %sub3A_1561 = arith.subi %sub3A_1559, %sub3A_1560 : i32
      %add3A_1562 = arith.addi %sub3A_1558, %sub3A_1561 : i32
      %div3A_1563 = arith.constant 16 : i32
      %div3A_1564 = arith.divsi %add3A_1562, %div3A_1563 : i32
      %while3A_1565 = arith.constant 16 : i32
      %while3A_1566 = arith.constant 0 : i32
      %while3A_1567 = arith.subi %div3A_1564, %while3A_1566 : i32
      %while3A_1568 = arith.addi %while3A_1566, %while3A_1567 : i32
      %while3A_1569 = arith.constant 1 : i32
      %while3A_1570 = arith.divsi %while3A_1567, %while3A_1569 : i32
      %while3A_1571 = arith.muli %while3A_1570, %while3A_1569 : i32
      %while3A_1572 = arith.addi %while3A_1566, %while3A_1571 : i32
      %while3A_1573 = arith.constant 1 : i32
      scf.for %while3A_1584 = %while3A_1566 to %while3A_1572 step %while3A_1573  : i32 {
        %mul3A_1585 = arith.muli %while3A_1584, %while3A_1565 : i32
        %add3A_1586 = arith.addi %reduce_sum3A_1536, %mul3A_1585 : i32
        %sub3A_1587 = arith.subi %reduce_sum3A_1557, %add3A_1586 : i32
        %iota3A_1588 = tpu.iota {dimensions = array<i32: 0>} : vector<16xi32>
        %lt3A_1589 = vector.broadcast %sub3A_1587 : i32 to vector<16xi32>
        %lt3A_1590 = arith.cmpi slt, %iota3A_1588, %lt3A_1589 : vector<16xi32>
        %get3A_1591 = arith.index_cast %add3A_1586 : i32 to index
        %get3A_1592 = tpu.vector_load %arg9[%get3A_1591] {strides = array<i32>} : memref<16400xi32, #tpu.memory_space<vmem>>, vector<16xi32>,
        %shift_right_arithmetic3A_1593 = arith.constant 14 : i32
        %shift_right_arithmetic3A_1594 = vector.broadcast %shift_right_arithmetic3A_1593 : i32 to vector<16xi32>
        %shift_right_arithmetic3A_1595 = arith.shrsi %get3A_1592, %shift_right_arithmetic3A_1594 : vector<16xi32>
        %and3A_1596 = arith.constant 4095 : i32
        %and3A_1597 = vector.broadcast %and3A_1596 : i32 to vector<16xi32>
        %and3A_1598 = arith.andi %shift_right_arithmetic3A_1595, %and3A_1597 : vector<16xi32>
        %and3A_1599 = arith.constant 16383 : i32
        %and3A_1600 = vector.broadcast %and3A_1599 : i32 to vector<16xi32>
        %and3A_1601 = arith.andi %get3A_1592, %and3A_1600 : vector<16xi32>
        %gather3A = tpu.vector_load_idx %arg16[%and3A_1598] masked %lt3A_1590 : memref<4096xf32, #tpu.memory_space<vmem>>[vector<16xi32>], vector<16xf32>, vector<16xi1>
        tpu.vector_store_idx %arg18[%and3A_1601], %gather3A masked %lt3A_1590 : memref<16384xf32, #tpu.memory_space<vmem>>[vector<16xi32>], vector<16xf32>, vector<16xi1>
      }
      %while3A_1574 = arith.constant 1 : i32
      scf.for %while3A_1584 = %while3A_1572 to %while3A_1568 step %while3A_1574  : i32 {
        %mul3A_1585 = arith.muli %while3A_1584, %while3A_1565 : i32
        %add3A_1586 = arith.addi %reduce_sum3A_1536, %mul3A_1585 : i32
        %sub3A_1587 = arith.subi %reduce_sum3A_1557, %add3A_1586 : i32
        %iota3A_1588 = tpu.iota {dimensions = array<i32: 0>} : vector<16xi32>
        %lt3A_1589 = vector.broadcast %sub3A_1587 : i32 to vector<16xi32>
        %lt3A_1590 = arith.cmpi slt, %iota3A_1588, %lt3A_1589 : vector<16xi32>
        %get3A_1591 = arith.index_cast %add3A_1586 : i32 to index
        %get3A_1592 = tpu.vector_load %arg9[%get3A_1591] {strides = array<i32>} : memref<16400xi32, #tpu.memory_space<vmem>>, vector<16xi32>,
        %shift_right_arithmetic3A_1593 = arith.constant 14 : i32
        %shift_right_arithmetic3A_1594 = vector.broadcast %shift_right_arithmetic3A_1593 : i32 to vector<16xi32>
        %shift_right_arithmetic3A_1595 = arith.shrsi %get3A_1592, %shift_right_arithmetic3A_1594 : vector<16xi32>
        %and3A_1596 = arith.constant 4095 : i32
        %and3A_1597 = vector.broadcast %and3A_1596 : i32 to vector<16xi32>
        %and3A_1598 = arith.andi %shift_right_arithmetic3A_1595, %and3A_1597 : vector<16xi32>
        %and3A_1599 = arith.constant 16383 : i32
        %and3A_1600 = vector.broadcast %and3A_1599 : i32 to vector<16xi32>
        %and3A_1601 = arith.andi %get3A_1592, %and3A_1600 : vector<16xi32>
        %gather3A = tpu.vector_load_idx %arg16[%and3A_1598] masked %lt3A_1590 : memref<4096xf32, #tpu.memory_space<vmem>>[vector<16xi32>], vector<16xf32>, vector<16xi1>
        tpu.vector_store_idx %arg18[%and3A_1601], %gather3A masked %lt3A_1590 : memref<16384xf32, #tpu.memory_space<vmem>>[vector<16xi32>], vector<16xf32>, vector<16xi1>
      }
      %add3A_1575 = arith.constant 3 : i32
      %add3A_1576 = arith.addi %add3A_1055, %add3A_1575 : i32
      %add3A_1577 = arith.constant 4 : i32
      %add3A_1578 = arith.addi %add3A_1576, %add3A_1577 : i32
      %lt3A_1579 = arith.constant 244 : i32
      %lt3A_1580 = arith.cmpi slt, %add3A_1578, %lt3A_1579 : i32
      %convert_element_type3A_1581 = arith.extui %lt3A_1580 : i1 to i32
      %cond3A_1582 = arith.constant 0 : i32
      %cond3A_1583 = arith.cmpi ne, %convert_element_type3A_1581, %cond3A_1582 : i32
      scf.if %cond3A_1583 {
        %add3A_1584 = arith.constant 3 : i32
        %add3A_1585 = arith.addi %add3A_1055, %add3A_1584 : i32
        %add3A_1586 = arith.constant 4 : i32
        %add3A_1587 = arith.addi %add3A_1585, %add3A_1586 : i32
        %mul3A_1588 = arith.constant 4096 : i32
        %mul3A_1589 = arith.muli %add3A_1587, %mul3A_1588 : i32
        %dma_start3A_1590 = tpu.memref_slice %arg3[%add3A_758, %mul3A_1589] : memref<64x1000000xf32, #tpu.memory_space<hbm>> -> memref<1x4096xf32, #tpu.memory_space<hbm>>
        %dma_start3A_1591 = tpu.memref_squeeze %dma_start3A_1590 : memref<1x4096xf32, #tpu.memory_space<hbm>> -> memref<4096xf32, #tpu.memory_space<hbm>>
        %dma_start3A_1592 = tpu.memref_slice %arg3[%add3A_758, %mul3A_1589] : memref<64x1000000xf32, #tpu.memory_space<hbm>> -> memref<1x4096xf32, #tpu.memory_space<hbm>>
        %dma_start3A_1593 = tpu.memref_squeeze %dma_start3A_1592 : memref<1x4096xf32, #tpu.memory_space<hbm>> -> memref<4096xf32, #tpu.memory_space<hbm>>
        tpu.enqueue_dma source(%dma_start3A_1593 : memref<4096xf32, #tpu.memory_space<hbm>>) target(%arg16 : memref<4096xf32, #tpu.memory_space<vmem>>) target_semaphore(%arg22 : memref<!tpu.dma_semaphore, #tpu.memory_space<semaphore_mem>>)
      } else {
      }
    }
    %scan3A_786 = arith.constant 61 : i32
    "tpu.region"() ({
      %run_scoped3A_1051 = tpu.sem_alloc : memref<!tpu.dma_semaphore, #tpu.memory_space<semaphore_mem>>
      %dma_start3A_1052 = arith.constant 0 : i32
      %dma_start3A_1053 = tpu.memref_slice %arg13[%dma_start3A_1052] : memref<4096xf32, #tpu.memory_space<vmem>> -> memref<512xf32, #tpu.memory_space<vmem>>
      %dma_start3A_1054 = arith.constant 999424 : i32
      %dma_start3A_1055 = tpu.memref_slice %arg3[%add3A_758, %dma_start3A_1054] : memref<64x1000000xf32, #tpu.memory_space<hbm>> -> memref<1x512xf32, #tpu.memory_space<hbm>>
      %dma_start3A_1056 = tpu.memref_squeeze %dma_start3A_1055 : memref<1x512xf32, #tpu.memory_space<hbm>> -> memref<512xf32, #tpu.memory_space<hbm>>
      %dma_start3A_1057 = arith.constant 0 : i32
      %dma_start3A_1058 = tpu.memref_slice %arg13[%dma_start3A_1057] : memref<4096xf32, #tpu.memory_space<vmem>> -> memref<512xf32, #tpu.memory_space<vmem>>
      %dma_start3A_1059 = arith.constant 999424 : i32
      %dma_start3A_1060 = tpu.memref_slice %arg3[%add3A_758, %dma_start3A_1059] : memref<64x1000000xf32, #tpu.memory_space<hbm>> -> memref<1x512xf32, #tpu.memory_space<hbm>>
      %dma_start3A_1061 = tpu.memref_squeeze %dma_start3A_1060 : memref<1x512xf32, #tpu.memory_space<hbm>> -> memref<512xf32, #tpu.memory_space<hbm>>
      tpu.enqueue_dma source(%dma_start3A_1061 : memref<512xf32, #tpu.memory_space<hbm>>) target(%dma_start3A_1058 : memref<512xf32, #tpu.memory_space<vmem>>) target_semaphore(%run_scoped3A_1051 : memref<!tpu.dma_semaphore, #tpu.memory_space<semaphore_mem>>)
      %dma_wait3A = arith.constant 0 : i32
      %dma_wait3A_1062 = tpu.memref_slice %arg13[%dma_wait3A] : memref<4096xf32, #tpu.memory_space<vmem>> -> memref<512xf32, #tpu.memory_space<vmem>>
      %dma_wait3A_1063 = arith.constant 999424 : i32
      %dma_wait3A_1064 = tpu.memref_slice %arg3[%add3A_758, %dma_wait3A_1063] : memref<64x1000000xf32, #tpu.memory_space<hbm>> -> memref<1x512xf32, #tpu.memory_space<hbm>>
      %dma_wait3A_1065 = tpu.memref_squeeze %dma_wait3A_1064 : memref<1x512xf32, #tpu.memory_space<hbm>> -> memref<512xf32, #tpu.memory_space<hbm>>
      %dma_wait3A_1066 = arith.constant 0 : i32
      %dma_wait3A_1067 = tpu.memref_slice %arg13[%dma_wait3A_1066] : memref<4096xf32, #tpu.memory_space<vmem>> -> memref<512xf32, #tpu.memory_space<vmem>>
      %dma_wait3A_1068 = arith.constant 999424 : i32
      %dma_wait3A_1069 = tpu.memref_slice %arg3[%add3A_758, %dma_wait3A_1068] : memref<64x1000000xf32, #tpu.memory_space<hbm>> -> memref<1x512xf32, #tpu.memory_space<hbm>>
      %dma_wait3A_1070 = tpu.memref_squeeze %dma_wait3A_1069 : memref<1x512xf32, #tpu.memory_space<hbm>> -> memref<512xf32, #tpu.memory_space<hbm>>
      tpu.wait_dma2 semaphore(%run_scoped3A_1051 : memref<!tpu.dma_semaphore, #tpu.memory_space<semaphore_mem>>) src(%dma_wait3A_1070 : memref<512xf32, #tpu.memory_space<hbm>>) dst(%dma_wait3A_1067 : memref<512xf32, #tpu.memory_space<vmem>>)
      tpu.yield
    }) : () -> ()
    "tpu.region"() ({
      %run_scoped3A_1051 = tpu.sem_alloc : memref<!tpu.dma_semaphore, #tpu.memory_space<semaphore_mem>>
      %dma_start3A_1052 = arith.constant 512 : i32
      %dma_start3A_1053 = tpu.memref_slice %arg13[%dma_start3A_1052] : memref<4096xf32, #tpu.memory_space<vmem>> -> memref<128xf32, #tpu.memory_space<vmem>>
      %dma_start3A_1054 = arith.constant 0 : i32
      %dma_start3A_1055 = tpu.memref_slice %arg4[%add3A_758, %dma_start3A_1054] : memref<64x128xf32, #tpu.memory_space<hbm>> -> memref<1x128xf32, #tpu.memory_space<hbm>>
      %dma_start3A_1056 = tpu.memref_squeeze %dma_start3A_1055 : memref<1x128xf32, #tpu.memory_space<hbm>> -> memref<128xf32, #tpu.memory_space<hbm>>
      %dma_start3A_1057 = arith.constant 512 : i32
      %dma_start3A_1058 = tpu.memref_slice %arg13[%dma_start3A_1057] : memref<4096xf32, #tpu.memory_space<vmem>> -> memref<128xf32, #tpu.memory_space<vmem>>
      %dma_start3A_1059 = arith.constant 0 : i32
      %dma_start3A_1060 = tpu.memref_slice %arg4[%add3A_758, %dma_start3A_1059] : memref<64x128xf32, #tpu.memory_space<hbm>> -> memref<1x128xf32, #tpu.memory_space<hbm>>
      %dma_start3A_1061 = tpu.memref_squeeze %dma_start3A_1060 : memref<1x128xf32, #tpu.memory_space<hbm>> -> memref<128xf32, #tpu.memory_space<hbm>>
      tpu.enqueue_dma source(%dma_start3A_1061 : memref<128xf32, #tpu.memory_space<hbm>>) target(%dma_start3A_1058 : memref<128xf32, #tpu.memory_space<vmem>>) target_semaphore(%run_scoped3A_1051 : memref<!tpu.dma_semaphore, #tpu.memory_space<semaphore_mem>>)
      %dma_wait3A = arith.constant 512 : i32
      %dma_wait3A_1062 = tpu.memref_slice %arg13[%dma_wait3A] : memref<4096xf32, #tpu.memory_space<vmem>> -> memref<128xf32, #tpu.memory_space<vmem>>
      %dma_wait3A_1063 = arith.constant 0 : i32
      %dma_wait3A_1064 = tpu.memref_slice %arg4[%add3A_758, %dma_wait3A_1063] : memref<64x128xf32, #tpu.memory_space<hbm>> -> memref<1x128xf32, #tpu.memory_space<hbm>>
      %dma_wait3A_1065 = tpu.memref_squeeze %dma_wait3A_1064 : memref<1x128xf32, #tpu.memory_space<hbm>> -> memref<128xf32, #tpu.memory_space<hbm>>
      %dma_wait3A_1066 = arith.constant 512 : i32
      %dma_wait3A_1067 = tpu.memref_slice %arg13[%dma_wait3A_1066] : memref<4096xf32, #tpu.memory_space<vmem>> -> memref<128xf32, #tpu.memory_space<vmem>>
      %dma_wait3A_1068 = arith.constant 0 : i32
      %dma_wait3A_1069 = tpu.memref_slice %arg4[%add3A_758, %dma_wait3A_1068] : memref<64x128xf32, #tpu.memory_space<hbm>> -> memref<1x128xf32, #tpu.memory_space<hbm>>
      %dma_wait3A_1070 = tpu.memref_squeeze %dma_wait3A_1069 : memref<1x128xf32, #tpu.memory_space<hbm>> -> memref<128xf32, #tpu.memory_space<hbm>>
      tpu.wait_dma2 semaphore(%run_scoped3A_1051 : memref<!tpu.dma_semaphore, #tpu.memory_space<semaphore_mem>>) src(%dma_wait3A_1070 : memref<128xf32, #tpu.memory_space<hbm>>) dst(%dma_wait3A_1067 : memref<128xf32, #tpu.memory_space<vmem>>)
      tpu.yield
    }) : () -> ()
    %shift_right_arithmetic3A = arith.constant 244 : i32
    %shift_right_arithmetic3A_787 = arith.constant 4 : i32
    %shift_right_arithmetic3A_788 = arith.shrsi %shift_right_arithmetic3A, %shift_right_arithmetic3A_787 : i32
    %mul3A_789 = arith.constant 16 : i32
    %mul3A_790 = arith.muli %shift_right_arithmetic3A_788, %mul3A_789 : i32
    %multiple_of3A = tpu.assume_multiple %mul3A_790, 16 : i32
    %get3A_791 = arith.index_cast %multiple_of3A : i32 to index
    %get3A_792 = tpu.vector_load %arg11[%get3A_791] {strides = array<i32>} : memref<256xi32, #tpu.memory_space<vmem>>, vector<16xi32>,
    %iota3A = tpu.iota {dimensions = array<i32: 0>} : vector<16xi32>
    %and3A = arith.constant 244 : i32
    %and3A_793 = arith.constant 15 : i32
    %and3A_794 = arith.andi %and3A, %and3A_793 : i32
    %eq3A = vector.broadcast %and3A_794 : i32 to vector<16xi32>
    %eq3A_795 = arith.cmpi eq, %iota3A, %eq3A : vector<16xi32>
    %jit3A = arith.constant 0 : i32
    %broadcast_in_dim3A_796 = vector.broadcast %jit3A : i32 to vector<16xi32>
    %select_n3A = arith.select %eq3A_795, %get3A_792, %broadcast_in_dim3A_796 : vector<16xi1>, vector<16xi32>
    %reduce_sum3A_797 = arith.constant true
    %reduce_sum3A_798 = vector.broadcast %reduce_sum3A_797 : i1 to vector<16xi1>
    %reduce_sum3A_799 = tpu.scan <sum>, %select_n3A masked %reduce_sum3A_798 : vector<16xi32>, vector<16xi1> -> vector<16xi32>
    %reduce_sum3A_800 = vector.extract %reduce_sum3A_799[15] : i32 from vector<16xi32>
    %shift_right_arithmetic3A_801 = arith.constant 245 : i32
    %shift_right_arithmetic3A_802 = arith.constant 4 : i32
    %shift_right_arithmetic3A_803 = arith.shrsi %shift_right_arithmetic3A_801, %shift_right_arithmetic3A_802 : i32
    %mul3A_804 = arith.constant 16 : i32
    %mul3A_805 = arith.muli %shift_right_arithmetic3A_803, %mul3A_804 : i32
    %multiple_of3A_806 = tpu.assume_multiple %mul3A_805, 16 : i32
    %get3A_807 = arith.index_cast %multiple_of3A_806 : i32 to index
    %get3A_808 = tpu.vector_load %arg11[%get3A_807] {strides = array<i32>} : memref<256xi32, #tpu.memory_space<vmem>>, vector<16xi32>,
    %iota3A_809 = tpu.iota {dimensions = array<i32: 0>} : vector<16xi32>
    %and3A_810 = arith.constant 245 : i32
    %and3A_811 = arith.constant 15 : i32
    %and3A_812 = arith.andi %and3A_810, %and3A_811 : i32
    %eq3A_813 = vector.broadcast %and3A_812 : i32 to vector<16xi32>
    %eq3A_814 = arith.cmpi eq, %iota3A_809, %eq3A_813 : vector<16xi32>
    %jit3A_815 = arith.constant 0 : i32
    %broadcast_in_dim3A_816 = vector.broadcast %jit3A_815 : i32 to vector<16xi32>
    %select_n3A_817 = arith.select %eq3A_814, %get3A_808, %broadcast_in_dim3A_816 : vector<16xi1>, vector<16xi32>
    %reduce_sum3A_818 = arith.constant true
    %reduce_sum3A_819 = vector.broadcast %reduce_sum3A_818 : i1 to vector<16xi1>
    %reduce_sum3A_820 = tpu.scan <sum>, %select_n3A_817 masked %reduce_sum3A_819 : vector<16xi32>, vector<16xi1> -> vector<16xi32>
    %reduce_sum3A_821 = vector.extract %reduce_sum3A_820[15] : i32 from vector<16xi32>
    %sub3A_822 = arith.subi %reduce_sum3A_821, %reduce_sum3A_800 : i32
    %sub3A_823 = arith.constant 16 : i32
    %sub3A_824 = arith.constant 1 : i32
    %sub3A_825 = arith.subi %sub3A_823, %sub3A_824 : i32
    %add3A_826 = arith.addi %sub3A_822, %sub3A_825 : i32
    %div3A = arith.constant 16 : i32
    %div3A_827 = arith.divsi %add3A_826, %div3A : i32
    %while3A = arith.constant 16 : i32
    %while3A_828 = arith.constant 0 : i32
    %while3A_829 = arith.subi %div3A_827, %while3A_828 : i32
    %while3A_830 = arith.addi %while3A_828, %while3A_829 : i32
    %while3A_831 = arith.constant 1 : i32
    %while3A_832 = arith.divsi %while3A_829, %while3A_831 : i32
    %while3A_833 = arith.muli %while3A_832, %while3A_831 : i32
    %while3A_834 = arith.addi %while3A_828, %while3A_833 : i32
    %while3A_835 = arith.constant 1 : i32
    scf.for %while3A_1051 = %while3A_828 to %while3A_834 step %while3A_835  : i32 {
      %mul3A_1052 = arith.muli %while3A_1051, %while3A : i32
      %add3A_1053 = arith.addi %reduce_sum3A_800, %mul3A_1052 : i32
      %sub3A_1054 = arith.subi %reduce_sum3A_821, %add3A_1053 : i32
      %iota3A_1055 = tpu.iota {dimensions = array<i32: 0>} : vector<16xi32>
      %lt3A = vector.broadcast %sub3A_1054 : i32 to vector<16xi32>
      %lt3A_1056 = arith.cmpi slt, %iota3A_1055, %lt3A : vector<16xi32>
      %get3A_1057 = arith.index_cast %add3A_1053 : i32 to index
      %get3A_1058 = tpu.vector_load %arg8[%get3A_1057] {strides = array<i32>} : memref<16400xi32, #tpu.memory_space<vmem>>, vector<16xi32>,
      %shift_right_arithmetic3A_1059 = arith.constant 14 : i32
      %shift_right_arithmetic3A_1060 = vector.broadcast %shift_right_arithmetic3A_1059 : i32 to vector<16xi32>
      %shift_right_arithmetic3A_1061 = arith.shrsi %get3A_1058, %shift_right_arithmetic3A_1060 : vector<16xi32>
      %and3A_1062 = arith.constant 4095 : i32
      %and3A_1063 = vector.broadcast %and3A_1062 : i32 to vector<16xi32>
      %and3A_1064 = arith.andi %shift_right_arithmetic3A_1061, %and3A_1063 : vector<16xi32>
      %and3A_1065 = arith.constant 16383 : i32
      %and3A_1066 = vector.broadcast %and3A_1065 : i32 to vector<16xi32>
      %and3A_1067 = arith.andi %get3A_1058, %and3A_1066 : vector<16xi32>
      %gather3A = tpu.vector_load_idx %arg13[%and3A_1064] masked %lt3A_1056 : memref<4096xf32, #tpu.memory_space<vmem>>[vector<16xi32>], vector<16xf32>, vector<16xi1>
      tpu.vector_store_idx %arg17[%and3A_1067], %gather3A masked %lt3A_1056 : memref<16384xf32, #tpu.memory_space<vmem>>[vector<16xi32>], vector<16xf32>, vector<16xi1>
    }
    %while3A_836 = arith.constant 1 : i32
    scf.for %while3A_1051 = %while3A_834 to %while3A_830 step %while3A_836  : i32 {
      %mul3A_1052 = arith.muli %while3A_1051, %while3A : i32
      %add3A_1053 = arith.addi %reduce_sum3A_800, %mul3A_1052 : i32
      %sub3A_1054 = arith.subi %reduce_sum3A_821, %add3A_1053 : i32
      %iota3A_1055 = tpu.iota {dimensions = array<i32: 0>} : vector<16xi32>
      %lt3A = vector.broadcast %sub3A_1054 : i32 to vector<16xi32>
      %lt3A_1056 = arith.cmpi slt, %iota3A_1055, %lt3A : vector<16xi32>
      %get3A_1057 = arith.index_cast %add3A_1053 : i32 to index
      %get3A_1058 = tpu.vector_load %arg8[%get3A_1057] {strides = array<i32>} : memref<16400xi32, #tpu.memory_space<vmem>>, vector<16xi32>,
      %shift_right_arithmetic3A_1059 = arith.constant 14 : i32
      %shift_right_arithmetic3A_1060 = vector.broadcast %shift_right_arithmetic3A_1059 : i32 to vector<16xi32>
      %shift_right_arithmetic3A_1061 = arith.shrsi %get3A_1058, %shift_right_arithmetic3A_1060 : vector<16xi32>
      %and3A_1062 = arith.constant 4095 : i32
      %and3A_1063 = vector.broadcast %and3A_1062 : i32 to vector<16xi32>
      %and3A_1064 = arith.andi %shift_right_arithmetic3A_1061, %and3A_1063 : vector<16xi32>
      %and3A_1065 = arith.constant 16383 : i32
      %and3A_1066 = vector.broadcast %and3A_1065 : i32 to vector<16xi32>
      %and3A_1067 = arith.andi %get3A_1058, %and3A_1066 : vector<16xi32>
      %gather3A = tpu.vector_load_idx %arg13[%and3A_1064] masked %lt3A_1056 : memref<4096xf32, #tpu.memory_space<vmem>>[vector<16xi32>], vector<16xf32>, vector<16xi1>
      tpu.vector_store_idx %arg17[%and3A_1067], %gather3A masked %lt3A_1056 : memref<16384xf32, #tpu.memory_space<vmem>>[vector<16xi32>], vector<16xf32>, vector<16xi1>
    }
    %shift_right_arithmetic3A_837 = arith.constant 244 : i32
    %shift_right_arithmetic3A_838 = arith.constant 4 : i32
    %shift_right_arithmetic3A_839 = arith.shrsi %shift_right_arithmetic3A_837, %shift_right_arithmetic3A_838 : i32
    %mul3A_840 = arith.constant 16 : i32
    %mul3A_841 = arith.muli %shift_right_arithmetic3A_839, %mul3A_840 : i32
    %multiple_of3A_842 = tpu.assume_multiple %mul3A_841, 16 : i32
    %get3A_843 = arith.index_cast %multiple_of3A_842 : i32 to index
    %get3A_844 = tpu.vector_load %arg12[%get3A_843] {strides = array<i32>} : memref<256xi32, #tpu.memory_space<vmem>>, vector<16xi32>,
    %iota3A_845 = tpu.iota {dimensions = array<i32: 0>} : vector<16xi32>
    %and3A_846 = arith.constant 244 : i32
    %and3A_847 = arith.constant 15 : i32
    %and3A_848 = arith.andi %and3A_846, %and3A_847 : i32
    %eq3A_849 = vector.broadcast %and3A_848 : i32 to vector<16xi32>
    %eq3A_850 = arith.cmpi eq, %iota3A_845, %eq3A_849 : vector<16xi32>
    %jit3A_851 = arith.constant 0 : i32
    %broadcast_in_dim3A_852 = vector.broadcast %jit3A_851 : i32 to vector<16xi32>
    %select_n3A_853 = arith.select %eq3A_850, %get3A_844, %broadcast_in_dim3A_852 : vector<16xi1>, vector<16xi32>
    %reduce_sum3A_854 = arith.constant true
    %reduce_sum3A_855 = vector.broadcast %reduce_sum3A_854 : i1 to vector<16xi1>
    %reduce_sum3A_856 = tpu.scan <sum>, %select_n3A_853 masked %reduce_sum3A_855 : vector<16xi32>, vector<16xi1> -> vector<16xi32>
    %reduce_sum3A_857 = vector.extract %reduce_sum3A_856[15] : i32 from vector<16xi32>
    %shift_right_arithmetic3A_858 = arith.constant 245 : i32
    %shift_right_arithmetic3A_859 = arith.constant 4 : i32
    %shift_right_arithmetic3A_860 = arith.shrsi %shift_right_arithmetic3A_858, %shift_right_arithmetic3A_859 : i32
    %mul3A_861 = arith.constant 16 : i32
    %mul3A_862 = arith.muli %shift_right_arithmetic3A_860, %mul3A_861 : i32
    %multiple_of3A_863 = tpu.assume_multiple %mul3A_862, 16 : i32
    %get3A_864 = arith.index_cast %multiple_of3A_863 : i32 to index
    %get3A_865 = tpu.vector_load %arg12[%get3A_864] {strides = array<i32>} : memref<256xi32, #tpu.memory_space<vmem>>, vector<16xi32>,
    %iota3A_866 = tpu.iota {dimensions = array<i32: 0>} : vector<16xi32>
    %and3A_867 = arith.constant 245 : i32
    %and3A_868 = arith.constant 15 : i32
    %and3A_869 = arith.andi %and3A_867, %and3A_868 : i32
    %eq3A_870 = vector.broadcast %and3A_869 : i32 to vector<16xi32>
    %eq3A_871 = arith.cmpi eq, %iota3A_866, %eq3A_870 : vector<16xi32>
    %jit3A_872 = arith.constant 0 : i32
    %broadcast_in_dim3A_873 = vector.broadcast %jit3A_872 : i32 to vector<16xi32>
    %select_n3A_874 = arith.select %eq3A_871, %get3A_865, %broadcast_in_dim3A_873 : vector<16xi1>, vector<16xi32>
    %reduce_sum3A_875 = arith.constant true
    %reduce_sum3A_876 = vector.broadcast %reduce_sum3A_875 : i1 to vector<16xi1>
    %reduce_sum3A_877 = tpu.scan <sum>, %select_n3A_874 masked %reduce_sum3A_876 : vector<16xi32>, vector<16xi1> -> vector<16xi32>
    %reduce_sum3A_878 = vector.extract %reduce_sum3A_877[15] : i32 from vector<16xi32>
    %sub3A_879 = arith.subi %reduce_sum3A_878, %reduce_sum3A_857 : i32
    %sub3A_880 = arith.constant 16 : i32
    %sub3A_881 = arith.constant 1 : i32
    %sub3A_882 = arith.subi %sub3A_880, %sub3A_881 : i32
    %add3A_883 = arith.addi %sub3A_879, %sub3A_882 : i32
    %div3A_884 = arith.constant 16 : i32
    %div3A_885 = arith.divsi %add3A_883, %div3A_884 : i32
    %while3A_886 = arith.constant 16 : i32
    %while3A_887 = arith.constant 0 : i32
    %while3A_888 = arith.subi %div3A_885, %while3A_887 : i32
    %while3A_889 = arith.addi %while3A_887, %while3A_888 : i32
    %while3A_890 = arith.constant 1 : i32
    %while3A_891 = arith.divsi %while3A_888, %while3A_890 : i32
    %while3A_892 = arith.muli %while3A_891, %while3A_890 : i32
    %while3A_893 = arith.addi %while3A_887, %while3A_892 : i32
    %while3A_894 = arith.constant 1 : i32
    scf.for %while3A_1051 = %while3A_887 to %while3A_893 step %while3A_894  : i32 {
      %mul3A_1052 = arith.muli %while3A_1051, %while3A_886 : i32
      %add3A_1053 = arith.addi %reduce_sum3A_857, %mul3A_1052 : i32
      %sub3A_1054 = arith.subi %reduce_sum3A_878, %add3A_1053 : i32
      %iota3A_1055 = tpu.iota {dimensions = array<i32: 0>} : vector<16xi32>
      %lt3A = vector.broadcast %sub3A_1054 : i32 to vector<16xi32>
      %lt3A_1056 = arith.cmpi slt, %iota3A_1055, %lt3A : vector<16xi32>
      %get3A_1057 = arith.index_cast %add3A_1053 : i32 to index
      %get3A_1058 = tpu.vector_load %arg9[%get3A_1057] {strides = array<i32>} : memref<16400xi32, #tpu.memory_space<vmem>>, vector<16xi32>,
      %shift_right_arithmetic3A_1059 = arith.constant 14 : i32
      %shift_right_arithmetic3A_1060 = vector.broadcast %shift_right_arithmetic3A_1059 : i32 to vector<16xi32>
      %shift_right_arithmetic3A_1061 = arith.shrsi %get3A_1058, %shift_right_arithmetic3A_1060 : vector<16xi32>
      %and3A_1062 = arith.constant 4095 : i32
      %and3A_1063 = vector.broadcast %and3A_1062 : i32 to vector<16xi32>
      %and3A_1064 = arith.andi %shift_right_arithmetic3A_1061, %and3A_1063 : vector<16xi32>
      %and3A_1065 = arith.constant 16383 : i32
      %and3A_1066 = vector.broadcast %and3A_1065 : i32 to vector<16xi32>
      %and3A_1067 = arith.andi %get3A_1058, %and3A_1066 : vector<16xi32>
      %gather3A = tpu.vector_load_idx %arg13[%and3A_1064] masked %lt3A_1056 : memref<4096xf32, #tpu.memory_space<vmem>>[vector<16xi32>], vector<16xf32>, vector<16xi1>
      tpu.vector_store_idx %arg18[%and3A_1067], %gather3A masked %lt3A_1056 : memref<16384xf32, #tpu.memory_space<vmem>>[vector<16xi32>], vector<16xf32>, vector<16xi1>
    }
    %while3A_895 = arith.constant 1 : i32
    scf.for %while3A_1051 = %while3A_893 to %while3A_889 step %while3A_895  : i32 {
      %mul3A_1052 = arith.muli %while3A_1051, %while3A_886 : i32
      %add3A_1053 = arith.addi %reduce_sum3A_857, %mul3A_1052 : i32
      %sub3A_1054 = arith.subi %reduce_sum3A_878, %add3A_1053 : i32
      %iota3A_1055 = tpu.iota {dimensions = array<i32: 0>} : vector<16xi32>
      %lt3A = vector.broadcast %sub3A_1054 : i32 to vector<16xi32>
      %lt3A_1056 = arith.cmpi slt, %iota3A_1055, %lt3A : vector<16xi32>
      %get3A_1057 = arith.index_cast %add3A_1053 : i32 to index
      %get3A_1058 = tpu.vector_load %arg9[%get3A_1057] {strides = array<i32>} : memref<16400xi32, #tpu.memory_space<vmem>>, vector<16xi32>,
      %shift_right_arithmetic3A_1059 = arith.constant 14 : i32
      %shift_right_arithmetic3A_1060 = vector.broadcast %shift_right_arithmetic3A_1059 : i32 to vector<16xi32>
      %shift_right_arithmetic3A_1061 = arith.shrsi %get3A_1058, %shift_right_arithmetic3A_1060 : vector<16xi32>
      %and3A_1062 = arith.constant 4095 : i32
      %and3A_1063 = vector.broadcast %and3A_1062 : i32 to vector<16xi32>
      %and3A_1064 = arith.andi %shift_right_arithmetic3A_1061, %and3A_1063 : vector<16xi32>
      %and3A_1065 = arith.constant 16383 : i32
      %and3A_1066 = vector.broadcast %and3A_1065 : i32 to vector<16xi32>
      %and3A_1067 = arith.andi %get3A_1058, %and3A_1066 : vector<16xi32>
      %gather3A = tpu.vector_load_idx %arg13[%and3A_1064] masked %lt3A_1056 : memref<4096xf32, #tpu.memory_space<vmem>>[vector<16xi32>], vector<16xf32>, vector<16xi1>
      tpu.vector_store_idx %arg18[%and3A_1067], %gather3A masked %lt3A_1056 : memref<16384xf32, #tpu.memory_space<vmem>>[vector<16xi32>], vector<16xf32>, vector<16xi1>
    }
    "tpu.region"() ({
      %run_scoped3A_1051 = tpu.sem_alloc : memref<!tpu.dma_semaphore, #tpu.memory_space<semaphore_mem>>
      %dma_start3A_1052 = arith.constant 0 : i32
      %dma_start3A_1053 = tpu.memref_slice %arg5[%add3A_758, %dma_start3A_1052] : memref<128x16384xf32, #tpu.memory_space<hbm>> -> memref<1x16384xf32, #tpu.memory_space<hbm>>
      %dma_start3A_1054 = tpu.memref_squeeze %dma_start3A_1053 : memref<1x16384xf32, #tpu.memory_space<hbm>> -> memref<16384xf32, #tpu.memory_space<hbm>>
      %dma_start3A_1055 = arith.constant 0 : i32
      %dma_start3A_1056 = tpu.memref_slice %arg5[%add3A_758, %dma_start3A_1055] : memref<128x16384xf32, #tpu.memory_space<hbm>> -> memref<1x16384xf32, #tpu.memory_space<hbm>>
      %dma_start3A_1057 = tpu.memref_squeeze %dma_start3A_1056 : memref<1x16384xf32, #tpu.memory_space<hbm>> -> memref<16384xf32, #tpu.memory_space<hbm>>
      tpu.enqueue_dma source(%arg17 : memref<16384xf32, #tpu.memory_space<vmem>>) target(%dma_start3A_1057 : memref<16384xf32, #tpu.memory_space<hbm>>) target_semaphore(%run_scoped3A_1051 : memref<!tpu.dma_semaphore, #tpu.memory_space<semaphore_mem>>)
      %dma_wait3A = arith.constant 0 : i32
      %dma_wait3A_1058 = tpu.memref_slice %arg5[%add3A_758, %dma_wait3A] : memref<128x16384xf32, #tpu.memory_space<hbm>> -> memref<1x16384xf32, #tpu.memory_space<hbm>>
      %dma_wait3A_1059 = tpu.memref_squeeze %dma_wait3A_1058 : memref<1x16384xf32, #tpu.memory_space<hbm>> -> memref<16384xf32, #tpu.memory_space<hbm>>
      %dma_wait3A_1060 = arith.constant 0 : i32
      %dma_wait3A_1061 = tpu.memref_slice %arg5[%add3A_758, %dma_wait3A_1060] : memref<128x16384xf32, #tpu.memory_space<hbm>> -> memref<1x16384xf32, #tpu.memory_space<hbm>>
      %dma_wait3A_1062 = tpu.memref_squeeze %dma_wait3A_1061 : memref<1x16384xf32, #tpu.memory_space<hbm>> -> memref<16384xf32, #tpu.memory_space<hbm>>
      tpu.wait_dma2 semaphore(%run_scoped3A_1051 : memref<!tpu.dma_semaphore, #tpu.memory_space<semaphore_mem>>) src(%arg17 : memref<16384xf32, #tpu.memory_space<vmem>>) dst(%dma_wait3A_1062 : memref<16384xf32, #tpu.memory_space<hbm>>)
      tpu.yield
    }) : () -> ()
    %add3A_896 = arith.constant 64 : i32
    %add3A_897 = arith.addi %add3A_896, %add3A_758 : i32
    "tpu.region"() ({
      %run_scoped3A_1051 = tpu.sem_alloc : memref<!tpu.dma_semaphore, #tpu.memory_space<semaphore_mem>>
      %dma_start3A_1052 = arith.constant 0 : i32
      %dma_start3A_1053 = tpu.memref_slice %arg5[%add3A_897, %dma_start3A_1052] : memref<128x16384xf32, #tpu.memory_space<hbm>> -> memref<1x16384xf32, #tpu.memory_space<hbm>>
      %dma_start3A_1054 = tpu.memref_squeeze %dma_start3A_1053 : memref<1x16384xf32, #tpu.memory_space<hbm>> -> memref<16384xf32, #tpu.memory_space<hbm>>
      %dma_start3A_1055 = arith.constant 0 : i32
      %dma_start3A_1056 = tpu.memref_slice %arg5[%add3A_897, %dma_start3A_1055] : memref<128x16384xf32, #tpu.memory_space<hbm>> -> memref<1x16384xf32, #tpu.memory_space<hbm>>
      %dma_start3A_1057 = tpu.memref_squeeze %dma_start3A_1056 : memref<1x16384xf32, #tpu.memory_space<hbm>> -> memref<16384xf32, #tpu.memory_space<hbm>>
      tpu.enqueue_dma source(%arg18 : memref<16384xf32, #tpu.memory_space<vmem>>) target(%dma_start3A_1057 : memref<16384xf32, #tpu.memory_space<hbm>>) target_semaphore(%run_scoped3A_1051 : memref<!tpu.dma_semaphore, #tpu.memory_space<semaphore_mem>>)
      %dma_wait3A = arith.constant 0 : i32
      %dma_wait3A_1058 = tpu.memref_slice %arg5[%add3A_897, %dma_wait3A] : memref<128x16384xf32, #tpu.memory_space<hbm>> -> memref<1x16384xf32, #tpu.memory_space<hbm>>
      %dma_wait3A_1059 = tpu.memref_squeeze %dma_wait3A_1058 : memref<1x16384xf32, #tpu.memory_space<hbm>> -> memref<16384xf32, #tpu.memory_space<hbm>>
      %dma_wait3A_1060 = arith.constant 0 : i32
      %dma_wait3A_1061 = tpu.memref_slice %arg5[%add3A_897, %dma_wait3A_1060] : memref<128x16384xf32, #tpu.memory_space<hbm>> -> memref<1x16384xf32, #tpu.memory_space<hbm>>
      %dma_wait3A_1062 = tpu.memref_squeeze %dma_wait3A_1061 : memref<1x16384xf32, #tpu.memory_space<hbm>> -> memref<16384xf32, #tpu.memory_space<hbm>>
      tpu.wait_dma2 semaphore(%run_scoped3A_1051 : memref<!tpu.dma_semaphore, #tpu.memory_space<semaphore_mem>>) src(%arg18 : memref<16384xf32, #tpu.memory_space<vmem>>) dst(%dma_wait3A_1062 : memref<16384xf32, #tpu.memory_space<hbm>>)
      tpu.yield
    }) : () -> ()
    %mul3A_898 = arith.constant 2 : i32
    %mul3A_899 = arith.muli %add3A, %mul3A_898 : i32
    %add3A_900 = arith.constant 1 : i32
    %add3A_901 = arith.addi %mul3A_899, %add3A_900 : i32
    %dma_start3A_902 = arith.constant 0 : i32
    %dma_start3A_903 = tpu.memref_slice %arg3[%add3A_901, %dma_start3A_902] : memref<64x1000000xf32, #tpu.memory_space<hbm>> -> memref<1x4096xf32, #tpu.memory_space<hbm>>
    %dma_start3A_904 = tpu.memref_squeeze %dma_start3A_903 : memref<1x4096xf32, #tpu.memory_space<hbm>> -> memref<4096xf32, #tpu.memory_space<hbm>>
    %dma_start3A_905 = arith.constant 0 : i32
    %dma_start3A_906 = tpu.memref_slice %arg3[%add3A_901, %dma_start3A_905] : memref<64x1000000xf32, #tpu.memory_space<hbm>> -> memref<1x4096xf32, #tpu.memory_space<hbm>>
    %dma_start3A_907 = tpu.memref_squeeze %dma_start3A_906 : memref<1x4096xf32, #tpu.memory_space<hbm>> -> memref<4096xf32, #tpu.memory_space<hbm>>
    tpu.enqueue_dma source(%dma_start3A_907 : memref<4096xf32, #tpu.memory_space<hbm>>) target(%arg13 : memref<4096xf32, #tpu.memory_space<vmem>>) target_semaphore(%arg19 : memref<!tpu.dma_semaphore, #tpu.memory_space<semaphore_mem>>)
    %dma_start3A_908 = arith.constant 4096 : i32
    %dma_start3A_909 = tpu.memref_slice %arg3[%add3A_901, %dma_start3A_908] : memref<64x1000000xf32, #tpu.memory_space<hbm>> -> memref<1x4096xf32, #tpu.memory_space<hbm>>
    %dma_start3A_910 = tpu.memref_squeeze %dma_start3A_909 : memref<1x4096xf32, #tpu.memory_space<hbm>> -> memref<4096xf32, #tpu.memory_space<hbm>>
    %dma_start3A_911 = arith.constant 4096 : i32
    %dma_start3A_912 = tpu.memref_slice %arg3[%add3A_901, %dma_start3A_911] : memref<64x1000000xf32, #tpu.memory_space<hbm>> -> memref<1x4096xf32, #tpu.memory_space<hbm>>
    %dma_start3A_913 = tpu.memref_squeeze %dma_start3A_912 : memref<1x4096xf32, #tpu.memory_space<hbm>> -> memref<4096xf32, #tpu.memory_space<hbm>>
    tpu.enqueue_dma source(%dma_start3A_913 : memref<4096xf32, #tpu.memory_space<hbm>>) target(%arg14 : memref<4096xf32, #tpu.memory_space<vmem>>) target_semaphore(%arg20 : memref<!tpu.dma_semaphore, #tpu.memory_space<semaphore_mem>>)
    %dma_start3A_914 = arith.constant 8192 : i32
    %dma_start3A_915 = tpu.memref_slice %arg3[%add3A_901, %dma_start3A_914] : memref<64x1000000xf32, #tpu.memory_space<hbm>> -> memref<1x4096xf32, #tpu.memory_space<hbm>>
    %dma_start3A_916 = tpu.memref_squeeze %dma_start3A_915 : memref<1x4096xf32, #tpu.memory_space<hbm>> -> memref<4096xf32, #tpu.memory_space<hbm>>
    %dma_start3A_917 = arith.constant 8192 : i32
    %dma_start3A_918 = tpu.memref_slice %arg3[%add3A_901, %dma_start3A_917] : memref<64x1000000xf32, #tpu.memory_space<hbm>> -> memref<1x4096xf32, #tpu.memory_space<hbm>>
    %dma_start3A_919 = tpu.memref_squeeze %dma_start3A_918 : memref<1x4096xf32, #tpu.memory_space<hbm>> -> memref<4096xf32, #tpu.memory_space<hbm>>
    tpu.enqueue_dma source(%dma_start3A_919 : memref<4096xf32, #tpu.memory_space<hbm>>) target(%arg15 : memref<4096xf32, #tpu.memory_space<vmem>>) target_semaphore(%arg21 : memref<!tpu.dma_semaphore, #tpu.memory_space<semaphore_mem>>)
    %dma_start3A_920 = arith.constant 12288 : i32
    %dma_start3A_921 = tpu.memref_slice %arg3[%add3A_901, %dma_start3A_920] : memref<64x1000000xf32, #tpu.memory_space<hbm>> -> memref<1x4096xf32, #tpu.memory_space<hbm>>
    %dma_start3A_922 = tpu.memref_squeeze %dma_start3A_921 : memref<1x4096xf32, #tpu.memory_space<hbm>> -> memref<4096xf32, #tpu.memory_space<hbm>>
    %dma_start3A_923 = arith.constant 12288 : i32
    %dma_start3A_924 = tpu.memref_slice %arg3[%add3A_901, %dma_start3A_923] : memref<64x1000000xf32, #tpu.memory_space<hbm>> -> memref<1x4096xf32, #tpu.memory_space<hbm>>
    %dma_start3A_925 = tpu.memref_squeeze %dma_start3A_924 : memref<1x4096xf32, #tpu.memory_space<hbm>> -> memref<4096xf32, #tpu.memory_space<hbm>>
    tpu.enqueue_dma source(%dma_start3A_925 : memref<4096xf32, #tpu.memory_space<hbm>>) target(%arg16 : memref<4096xf32, #tpu.memory_space<vmem>>) target_semaphore(%arg22 : memref<!tpu.dma_semaphore, #tpu.memory_space<semaphore_mem>>)
    %scan3A_926 = arith.constant 0 : i32
    %scan3A_927 = arith.constant 61 : i32
    %scan3A_928 = arith.addi %scan3A_926, %scan3A_927 : i32
    %scan3A_929 = arith.constant 1 : i32
    scf.for %scan3A_1051 = %scan3A_926 to %scan3A_928 step %scan3A_929  : i32 {
      %mul3A_1052 = arith.constant 4 : i32
      %mul3A_1053 = arith.muli %scan3A_1051, %mul3A_1052 : i32
      %add3A_1054 = arith.constant 0 : i32
      %add3A_1055 = arith.addi %add3A_1054, %mul3A_1053 : i32
      %dma_wait3A = arith.constant 0 : i32
      %dma_wait3A_1056 = tpu.memref_slice %arg3[%add3A_901, %dma_wait3A] : memref<64x1000000xf32, #tpu.memory_space<hbm>> -> memref<1x4096xf32, #tpu.memory_space<hbm>>
      %dma_wait3A_1057 = tpu.memref_squeeze %dma_wait3A_1056 : memref<1x4096xf32, #tpu.memory_space<hbm>> -> memref<4096xf32, #tpu.memory_space<hbm>>
      %dma_wait3A_1058 = arith.constant 0 : i32
      %dma_wait3A_1059 = tpu.memref_slice %arg3[%add3A_901, %dma_wait3A_1058] : memref<64x1000000xf32, #tpu.memory_space<hbm>> -> memref<1x4096xf32, #tpu.memory_space<hbm>>
      %dma_wait3A_1060 = tpu.memref_squeeze %dma_wait3A_1059 : memref<1x4096xf32, #tpu.memory_space<hbm>> -> memref<4096xf32, #tpu.memory_space<hbm>>
      tpu.wait_dma2 semaphore(%arg19 : memref<!tpu.dma_semaphore, #tpu.memory_space<semaphore_mem>>) src(%dma_wait3A_1060 : memref<4096xf32, #tpu.memory_space<hbm>>) dst(%arg13 : memref<4096xf32, #tpu.memory_space<vmem>>)
      %add3A_1061 = arith.constant 0 : i32
      %add3A_1062 = arith.addi %add3A_1055, %add3A_1061 : i32
      %shift_right_arithmetic3A_1063 = arith.constant 4 : i32
      %shift_right_arithmetic3A_1064 = arith.shrsi %add3A_1062, %shift_right_arithmetic3A_1063 : i32
      %mul3A_1065 = arith.constant 16 : i32
      %mul3A_1066 = arith.muli %shift_right_arithmetic3A_1064, %mul3A_1065 : i32
      %multiple_of3A_1067 = tpu.assume_multiple %mul3A_1066, 16 : i32
      %get3A_1068 = arith.index_cast %multiple_of3A_1067 : i32 to index
      %get3A_1069 = tpu.vector_load %arg11[%get3A_1068] {strides = array<i32>} : memref<256xi32, #tpu.memory_space<vmem>>, vector<16xi32>,
      %iota3A_1070 = tpu.iota {dimensions = array<i32: 0>} : vector<16xi32>
      %and3A_1071 = arith.constant 15 : i32
      %and3A_1072 = arith.andi %add3A_1062, %and3A_1071 : i32
      %eq3A_1073 = vector.broadcast %and3A_1072 : i32 to vector<16xi32>
      %eq3A_1074 = arith.cmpi eq, %iota3A_1070, %eq3A_1073 : vector<16xi32>
      %jit3A_1075 = arith.constant 0 : i32
      %broadcast_in_dim3A_1076 = vector.broadcast %jit3A_1075 : i32 to vector<16xi32>
      %select_n3A_1077 = arith.select %eq3A_1074, %get3A_1069, %broadcast_in_dim3A_1076 : vector<16xi1>, vector<16xi32>
      %reduce_sum3A_1078 = arith.constant true
      %reduce_sum3A_1079 = vector.broadcast %reduce_sum3A_1078 : i1 to vector<16xi1>
      %reduce_sum3A_1080 = tpu.scan <sum>, %select_n3A_1077 masked %reduce_sum3A_1079 : vector<16xi32>, vector<16xi1> -> vector<16xi32>
      %reduce_sum3A_1081 = vector.extract %reduce_sum3A_1080[15] : i32 from vector<16xi32>
      %add3A_1082 = arith.constant 1 : i32
      %add3A_1083 = arith.addi %add3A_1062, %add3A_1082 : i32
      %shift_right_arithmetic3A_1084 = arith.constant 4 : i32
      %shift_right_arithmetic3A_1085 = arith.shrsi %add3A_1083, %shift_right_arithmetic3A_1084 : i32
      %mul3A_1086 = arith.constant 16 : i32
      %mul3A_1087 = arith.muli %shift_right_arithmetic3A_1085, %mul3A_1086 : i32
      %multiple_of3A_1088 = tpu.assume_multiple %mul3A_1087, 16 : i32
      %get3A_1089 = arith.index_cast %multiple_of3A_1088 : i32 to index
      %get3A_1090 = tpu.vector_load %arg11[%get3A_1089] {strides = array<i32>} : memref<256xi32, #tpu.memory_space<vmem>>, vector<16xi32>,
      %iota3A_1091 = tpu.iota {dimensions = array<i32: 0>} : vector<16xi32>
      %and3A_1092 = arith.constant 15 : i32
      %and3A_1093 = arith.andi %add3A_1083, %and3A_1092 : i32
      %eq3A_1094 = vector.broadcast %and3A_1093 : i32 to vector<16xi32>
      %eq3A_1095 = arith.cmpi eq, %iota3A_1091, %eq3A_1094 : vector<16xi32>
      %jit3A_1096 = arith.constant 0 : i32
      %broadcast_in_dim3A_1097 = vector.broadcast %jit3A_1096 : i32 to vector<16xi32>
      %select_n3A_1098 = arith.select %eq3A_1095, %get3A_1090, %broadcast_in_dim3A_1097 : vector<16xi1>, vector<16xi32>
      %reduce_sum3A_1099 = arith.constant true
      %reduce_sum3A_1100 = vector.broadcast %reduce_sum3A_1099 : i1 to vector<16xi1>
      %reduce_sum3A_1101 = tpu.scan <sum>, %select_n3A_1098 masked %reduce_sum3A_1100 : vector<16xi32>, vector<16xi1> -> vector<16xi32>
      %reduce_sum3A_1102 = vector.extract %reduce_sum3A_1101[15] : i32 from vector<16xi32>
      %sub3A_1103 = arith.subi %reduce_sum3A_1102, %reduce_sum3A_1081 : i32
      %sub3A_1104 = arith.constant 16 : i32
      %sub3A_1105 = arith.constant 1 : i32
      %sub3A_1106 = arith.subi %sub3A_1104, %sub3A_1105 : i32
      %add3A_1107 = arith.addi %sub3A_1103, %sub3A_1106 : i32
      %div3A_1108 = arith.constant 16 : i32
      %div3A_1109 = arith.divsi %add3A_1107, %div3A_1108 : i32
      %while3A_1110 = arith.constant 16 : i32
      %while3A_1111 = arith.constant 0 : i32
      %while3A_1112 = arith.subi %div3A_1109, %while3A_1111 : i32
      %while3A_1113 = arith.addi %while3A_1111, %while3A_1112 : i32
      %while3A_1114 = arith.constant 1 : i32
      %while3A_1115 = arith.divsi %while3A_1112, %while3A_1114 : i32
      %while3A_1116 = arith.muli %while3A_1115, %while3A_1114 : i32
      %while3A_1117 = arith.addi %while3A_1111, %while3A_1116 : i32
      %while3A_1118 = arith.constant 1 : i32
      scf.for %while3A_1584 = %while3A_1111 to %while3A_1117 step %while3A_1118  : i32 {
        %mul3A_1585 = arith.muli %while3A_1584, %while3A_1110 : i32
        %add3A_1586 = arith.addi %reduce_sum3A_1081, %mul3A_1585 : i32
        %sub3A_1587 = arith.subi %reduce_sum3A_1102, %add3A_1586 : i32
        %iota3A_1588 = tpu.iota {dimensions = array<i32: 0>} : vector<16xi32>
        %lt3A_1589 = vector.broadcast %sub3A_1587 : i32 to vector<16xi32>
        %lt3A_1590 = arith.cmpi slt, %iota3A_1588, %lt3A_1589 : vector<16xi32>
        %get3A_1591 = arith.index_cast %add3A_1586 : i32 to index
        %get3A_1592 = tpu.vector_load %arg8[%get3A_1591] {strides = array<i32>} : memref<16400xi32, #tpu.memory_space<vmem>>, vector<16xi32>,
        %shift_right_arithmetic3A_1593 = arith.constant 14 : i32
        %shift_right_arithmetic3A_1594 = vector.broadcast %shift_right_arithmetic3A_1593 : i32 to vector<16xi32>
        %shift_right_arithmetic3A_1595 = arith.shrsi %get3A_1592, %shift_right_arithmetic3A_1594 : vector<16xi32>
        %and3A_1596 = arith.constant 4095 : i32
        %and3A_1597 = vector.broadcast %and3A_1596 : i32 to vector<16xi32>
        %and3A_1598 = arith.andi %shift_right_arithmetic3A_1595, %and3A_1597 : vector<16xi32>
        %and3A_1599 = arith.constant 16383 : i32
        %and3A_1600 = vector.broadcast %and3A_1599 : i32 to vector<16xi32>
        %and3A_1601 = arith.andi %get3A_1592, %and3A_1600 : vector<16xi32>
        %gather3A = tpu.vector_load_idx %arg13[%and3A_1598] masked %lt3A_1590 : memref<4096xf32, #tpu.memory_space<vmem>>[vector<16xi32>], vector<16xf32>, vector<16xi1>
        tpu.vector_store_idx %arg17[%and3A_1601], %gather3A masked %lt3A_1590 : memref<16384xf32, #tpu.memory_space<vmem>>[vector<16xi32>], vector<16xf32>, vector<16xi1>
      }
      %while3A_1119 = arith.constant 1 : i32
      scf.for %while3A_1584 = %while3A_1117 to %while3A_1113 step %while3A_1119  : i32 {
        %mul3A_1585 = arith.muli %while3A_1584, %while3A_1110 : i32
        %add3A_1586 = arith.addi %reduce_sum3A_1081, %mul3A_1585 : i32
        %sub3A_1587 = arith.subi %reduce_sum3A_1102, %add3A_1586 : i32
        %iota3A_1588 = tpu.iota {dimensions = array<i32: 0>} : vector<16xi32>
        %lt3A_1589 = vector.broadcast %sub3A_1587 : i32 to vector<16xi32>
        %lt3A_1590 = arith.cmpi slt, %iota3A_1588, %lt3A_1589 : vector<16xi32>
        %get3A_1591 = arith.index_cast %add3A_1586 : i32 to index
        %get3A_1592 = tpu.vector_load %arg8[%get3A_1591] {strides = array<i32>} : memref<16400xi32, #tpu.memory_space<vmem>>, vector<16xi32>,
        %shift_right_arithmetic3A_1593 = arith.constant 14 : i32
        %shift_right_arithmetic3A_1594 = vector.broadcast %shift_right_arithmetic3A_1593 : i32 to vector<16xi32>
        %shift_right_arithmetic3A_1595 = arith.shrsi %get3A_1592, %shift_right_arithmetic3A_1594 : vector<16xi32>
        %and3A_1596 = arith.constant 4095 : i32
        %and3A_1597 = vector.broadcast %and3A_1596 : i32 to vector<16xi32>
        %and3A_1598 = arith.andi %shift_right_arithmetic3A_1595, %and3A_1597 : vector<16xi32>
        %and3A_1599 = arith.constant 16383 : i32
        %and3A_1600 = vector.broadcast %and3A_1599 : i32 to vector<16xi32>
        %and3A_1601 = arith.andi %get3A_1592, %and3A_1600 : vector<16xi32>
        %gather3A = tpu.vector_load_idx %arg13[%and3A_1598] masked %lt3A_1590 : memref<4096xf32, #tpu.memory_space<vmem>>[vector<16xi32>], vector<16xf32>, vector<16xi1>
        tpu.vector_store_idx %arg17[%and3A_1601], %gather3A masked %lt3A_1590 : memref<16384xf32, #tpu.memory_space<vmem>>[vector<16xi32>], vector<16xf32>, vector<16xi1>
      }
      %add3A_1120 = arith.constant 0 : i32
      %add3A_1121 = arith.addi %add3A_1055, %add3A_1120 : i32
      %shift_right_arithmetic3A_1122 = arith.constant 4 : i32
      %shift_right_arithmetic3A_1123 = arith.shrsi %add3A_1121, %shift_right_arithmetic3A_1122 : i32
      %mul3A_1124 = arith.constant 16 : i32
      %mul3A_1125 = arith.muli %shift_right_arithmetic3A_1123, %mul3A_1124 : i32
      %multiple_of3A_1126 = tpu.assume_multiple %mul3A_1125, 16 : i32
      %get3A_1127 = arith.index_cast %multiple_of3A_1126 : i32 to index
      %get3A_1128 = tpu.vector_load %arg12[%get3A_1127] {strides = array<i32>} : memref<256xi32, #tpu.memory_space<vmem>>, vector<16xi32>,
      %iota3A_1129 = tpu.iota {dimensions = array<i32: 0>} : vector<16xi32>
      %and3A_1130 = arith.constant 15 : i32
      %and3A_1131 = arith.andi %add3A_1121, %and3A_1130 : i32
      %eq3A_1132 = vector.broadcast %and3A_1131 : i32 to vector<16xi32>
      %eq3A_1133 = arith.cmpi eq, %iota3A_1129, %eq3A_1132 : vector<16xi32>
      %jit3A_1134 = arith.constant 0 : i32
      %broadcast_in_dim3A_1135 = vector.broadcast %jit3A_1134 : i32 to vector<16xi32>
      %select_n3A_1136 = arith.select %eq3A_1133, %get3A_1128, %broadcast_in_dim3A_1135 : vector<16xi1>, vector<16xi32>
      %reduce_sum3A_1137 = arith.constant true
      %reduce_sum3A_1138 = vector.broadcast %reduce_sum3A_1137 : i1 to vector<16xi1>
      %reduce_sum3A_1139 = tpu.scan <sum>, %select_n3A_1136 masked %reduce_sum3A_1138 : vector<16xi32>, vector<16xi1> -> vector<16xi32>
      %reduce_sum3A_1140 = vector.extract %reduce_sum3A_1139[15] : i32 from vector<16xi32>
      %add3A_1141 = arith.constant 1 : i32
      %add3A_1142 = arith.addi %add3A_1121, %add3A_1141 : i32
      %shift_right_arithmetic3A_1143 = arith.constant 4 : i32
      %shift_right_arithmetic3A_1144 = arith.shrsi %add3A_1142, %shift_right_arithmetic3A_1143 : i32
      %mul3A_1145 = arith.constant 16 : i32
      %mul3A_1146 = arith.muli %shift_right_arithmetic3A_1144, %mul3A_1145 : i32
      %multiple_of3A_1147 = tpu.assume_multiple %mul3A_1146, 16 : i32
      %get3A_1148 = arith.index_cast %multiple_of3A_1147 : i32 to index
      %get3A_1149 = tpu.vector_load %arg12[%get3A_1148] {strides = array<i32>} : memref<256xi32, #tpu.memory_space<vmem>>, vector<16xi32>,
      %iota3A_1150 = tpu.iota {dimensions = array<i32: 0>} : vector<16xi32>
      %and3A_1151 = arith.constant 15 : i32
      %and3A_1152 = arith.andi %add3A_1142, %and3A_1151 : i32
      %eq3A_1153 = vector.broadcast %and3A_1152 : i32 to vector<16xi32>
      %eq3A_1154 = arith.cmpi eq, %iota3A_1150, %eq3A_1153 : vector<16xi32>
      %jit3A_1155 = arith.constant 0 : i32
      %broadcast_in_dim3A_1156 = vector.broadcast %jit3A_1155 : i32 to vector<16xi32>
      %select_n3A_1157 = arith.select %eq3A_1154, %get3A_1149, %broadcast_in_dim3A_1156 : vector<16xi1>, vector<16xi32>
      %reduce_sum3A_1158 = arith.constant true
      %reduce_sum3A_1159 = vector.broadcast %reduce_sum3A_1158 : i1 to vector<16xi1>
      %reduce_sum3A_1160 = tpu.scan <sum>, %select_n3A_1157 masked %reduce_sum3A_1159 : vector<16xi32>, vector<16xi1> -> vector<16xi32>
      %reduce_sum3A_1161 = vector.extract %reduce_sum3A_1160[15] : i32 from vector<16xi32>
      %sub3A_1162 = arith.subi %reduce_sum3A_1161, %reduce_sum3A_1140 : i32
      %sub3A_1163 = arith.constant 16 : i32
      %sub3A_1164 = arith.constant 1 : i32
      %sub3A_1165 = arith.subi %sub3A_1163, %sub3A_1164 : i32
      %add3A_1166 = arith.addi %sub3A_1162, %sub3A_1165 : i32
      %div3A_1167 = arith.constant 16 : i32
      %div3A_1168 = arith.divsi %add3A_1166, %div3A_1167 : i32
      %while3A_1169 = arith.constant 16 : i32
      %while3A_1170 = arith.constant 0 : i32
      %while3A_1171 = arith.subi %div3A_1168, %while3A_1170 : i32
      %while3A_1172 = arith.addi %while3A_1170, %while3A_1171 : i32
      %while3A_1173 = arith.constant 1 : i32
      %while3A_1174 = arith.divsi %while3A_1171, %while3A_1173 : i32
      %while3A_1175 = arith.muli %while3A_1174, %while3A_1173 : i32
      %while3A_1176 = arith.addi %while3A_1170, %while3A_1175 : i32
      %while3A_1177 = arith.constant 1 : i32
      scf.for %while3A_1584 = %while3A_1170 to %while3A_1176 step %while3A_1177  : i32 {
        %mul3A_1585 = arith.muli %while3A_1584, %while3A_1169 : i32
        %add3A_1586 = arith.addi %reduce_sum3A_1140, %mul3A_1585 : i32
        %sub3A_1587 = arith.subi %reduce_sum3A_1161, %add3A_1586 : i32
        %iota3A_1588 = tpu.iota {dimensions = array<i32: 0>} : vector<16xi32>
        %lt3A_1589 = vector.broadcast %sub3A_1587 : i32 to vector<16xi32>
        %lt3A_1590 = arith.cmpi slt, %iota3A_1588, %lt3A_1589 : vector<16xi32>
        %get3A_1591 = arith.index_cast %add3A_1586 : i32 to index
        %get3A_1592 = tpu.vector_load %arg9[%get3A_1591] {strides = array<i32>} : memref<16400xi32, #tpu.memory_space<vmem>>, vector<16xi32>,
        %shift_right_arithmetic3A_1593 = arith.constant 14 : i32
        %shift_right_arithmetic3A_1594 = vector.broadcast %shift_right_arithmetic3A_1593 : i32 to vector<16xi32>
        %shift_right_arithmetic3A_1595 = arith.shrsi %get3A_1592, %shift_right_arithmetic3A_1594 : vector<16xi32>
        %and3A_1596 = arith.constant 4095 : i32
        %and3A_1597 = vector.broadcast %and3A_1596 : i32 to vector<16xi32>
        %and3A_1598 = arith.andi %shift_right_arithmetic3A_1595, %and3A_1597 : vector<16xi32>
        %and3A_1599 = arith.constant 16383 : i32
        %and3A_1600 = vector.broadcast %and3A_1599 : i32 to vector<16xi32>
        %and3A_1601 = arith.andi %get3A_1592, %and3A_1600 : vector<16xi32>
        %gather3A = tpu.vector_load_idx %arg13[%and3A_1598] masked %lt3A_1590 : memref<4096xf32, #tpu.memory_space<vmem>>[vector<16xi32>], vector<16xf32>, vector<16xi1>
        tpu.vector_store_idx %arg18[%and3A_1601], %gather3A masked %lt3A_1590 : memref<16384xf32, #tpu.memory_space<vmem>>[vector<16xi32>], vector<16xf32>, vector<16xi1>
      }
      %while3A_1178 = arith.constant 1 : i32
      scf.for %while3A_1584 = %while3A_1176 to %while3A_1172 step %while3A_1178  : i32 {
        %mul3A_1585 = arith.muli %while3A_1584, %while3A_1169 : i32
        %add3A_1586 = arith.addi %reduce_sum3A_1140, %mul3A_1585 : i32
        %sub3A_1587 = arith.subi %reduce_sum3A_1161, %add3A_1586 : i32
        %iota3A_1588 = tpu.iota {dimensions = array<i32: 0>} : vector<16xi32>
        %lt3A_1589 = vector.broadcast %sub3A_1587 : i32 to vector<16xi32>
        %lt3A_1590 = arith.cmpi slt, %iota3A_1588, %lt3A_1589 : vector<16xi32>
        %get3A_1591 = arith.index_cast %add3A_1586 : i32 to index
        %get3A_1592 = tpu.vector_load %arg9[%get3A_1591] {strides = array<i32>} : memref<16400xi32, #tpu.memory_space<vmem>>, vector<16xi32>,
        %shift_right_arithmetic3A_1593 = arith.constant 14 : i32
        %shift_right_arithmetic3A_1594 = vector.broadcast %shift_right_arithmetic3A_1593 : i32 to vector<16xi32>
        %shift_right_arithmetic3A_1595 = arith.shrsi %get3A_1592, %shift_right_arithmetic3A_1594 : vector<16xi32>
        %and3A_1596 = arith.constant 4095 : i32
        %and3A_1597 = vector.broadcast %and3A_1596 : i32 to vector<16xi32>
        %and3A_1598 = arith.andi %shift_right_arithmetic3A_1595, %and3A_1597 : vector<16xi32>
        %and3A_1599 = arith.constant 16383 : i32
        %and3A_1600 = vector.broadcast %and3A_1599 : i32 to vector<16xi32>
        %and3A_1601 = arith.andi %get3A_1592, %and3A_1600 : vector<16xi32>
        %gather3A = tpu.vector_load_idx %arg13[%and3A_1598] masked %lt3A_1590 : memref<4096xf32, #tpu.memory_space<vmem>>[vector<16xi32>], vector<16xf32>, vector<16xi1>
        tpu.vector_store_idx %arg18[%and3A_1601], %gather3A masked %lt3A_1590 : memref<16384xf32, #tpu.memory_space<vmem>>[vector<16xi32>], vector<16xf32>, vector<16xi1>
      }
      %add3A_1179 = arith.constant 0 : i32
      %add3A_1180 = arith.addi %add3A_1055, %add3A_1179 : i32
      %add3A_1181 = arith.constant 4 : i32
      %add3A_1182 = arith.addi %add3A_1180, %add3A_1181 : i32
      %lt3A = arith.constant 244 : i32
      %lt3A_1183 = arith.cmpi slt, %add3A_1182, %lt3A : i32
      %convert_element_type3A = arith.extui %lt3A_1183 : i1 to i32
      %cond3A = arith.constant 0 : i32
      %cond3A_1184 = arith.cmpi ne, %convert_element_type3A, %cond3A : i32
      scf.if %cond3A_1184 {
        %add3A_1584 = arith.constant 0 : i32
        %add3A_1585 = arith.addi %add3A_1055, %add3A_1584 : i32
        %add3A_1586 = arith.constant 4 : i32
        %add3A_1587 = arith.addi %add3A_1585, %add3A_1586 : i32
        %mul3A_1588 = arith.constant 4096 : i32
        %mul3A_1589 = arith.muli %add3A_1587, %mul3A_1588 : i32
        %dma_start3A_1590 = tpu.memref_slice %arg3[%add3A_901, %mul3A_1589] : memref<64x1000000xf32, #tpu.memory_space<hbm>> -> memref<1x4096xf32, #tpu.memory_space<hbm>>
        %dma_start3A_1591 = tpu.memref_squeeze %dma_start3A_1590 : memref<1x4096xf32, #tpu.memory_space<hbm>> -> memref<4096xf32, #tpu.memory_space<hbm>>
        %dma_start3A_1592 = tpu.memref_slice %arg3[%add3A_901, %mul3A_1589] : memref<64x1000000xf32, #tpu.memory_space<hbm>> -> memref<1x4096xf32, #tpu.memory_space<hbm>>
        %dma_start3A_1593 = tpu.memref_squeeze %dma_start3A_1592 : memref<1x4096xf32, #tpu.memory_space<hbm>> -> memref<4096xf32, #tpu.memory_space<hbm>>
        tpu.enqueue_dma source(%dma_start3A_1593 : memref<4096xf32, #tpu.memory_space<hbm>>) target(%arg13 : memref<4096xf32, #tpu.memory_space<vmem>>) target_semaphore(%arg19 : memref<!tpu.dma_semaphore, #tpu.memory_space<semaphore_mem>>)
      } else {
      }
      %dma_wait3A_1185 = arith.constant 0 : i32
      %dma_wait3A_1186 = tpu.memref_slice %arg3[%add3A_901, %dma_wait3A_1185] : memref<64x1000000xf32, #tpu.memory_space<hbm>> -> memref<1x4096xf32, #tpu.memory_space<hbm>>
      %dma_wait3A_1187 = tpu.memref_squeeze %dma_wait3A_1186 : memref<1x4096xf32, #tpu.memory_space<hbm>> -> memref<4096xf32, #tpu.memory_space<hbm>>
      %dma_wait3A_1188 = arith.constant 0 : i32
      %dma_wait3A_1189 = tpu.memref_slice %arg3[%add3A_901, %dma_wait3A_1188] : memref<64x1000000xf32, #tpu.memory_space<hbm>> -> memref<1x4096xf32, #tpu.memory_space<hbm>>
      %dma_wait3A_1190 = tpu.memref_squeeze %dma_wait3A_1189 : memref<1x4096xf32, #tpu.memory_space<hbm>> -> memref<4096xf32, #tpu.memory_space<hbm>>
      tpu.wait_dma2 semaphore(%arg20 : memref<!tpu.dma_semaphore, #tpu.memory_space<semaphore_mem>>) src(%dma_wait3A_1190 : memref<4096xf32, #tpu.memory_space<hbm>>) dst(%arg14 : memref<4096xf32, #tpu.memory_space<vmem>>)
      %add3A_1191 = arith.constant 1 : i32
      %add3A_1192 = arith.addi %add3A_1055, %add3A_1191 : i32
      %shift_right_arithmetic3A_1193 = arith.constant 4 : i32
      %shift_right_arithmetic3A_1194 = arith.shrsi %add3A_1192, %shift_right_arithmetic3A_1193 : i32
      %mul3A_1195 = arith.constant 16 : i32
      %mul3A_1196 = arith.muli %shift_right_arithmetic3A_1194, %mul3A_1195 : i32
      %multiple_of3A_1197 = tpu.assume_multiple %mul3A_1196, 16 : i32
      %get3A_1198 = arith.index_cast %multiple_of3A_1197 : i32 to index
      %get3A_1199 = tpu.vector_load %arg11[%get3A_1198] {strides = array<i32>} : memref<256xi32, #tpu.memory_space<vmem>>, vector<16xi32>,
      %iota3A_1200 = tpu.iota {dimensions = array<i32: 0>} : vector<16xi32>
      %and3A_1201 = arith.constant 15 : i32
      %and3A_1202 = arith.andi %add3A_1192, %and3A_1201 : i32
      %eq3A_1203 = vector.broadcast %and3A_1202 : i32 to vector<16xi32>
      %eq3A_1204 = arith.cmpi eq, %iota3A_1200, %eq3A_1203 : vector<16xi32>
      %jit3A_1205 = arith.constant 0 : i32
      %broadcast_in_dim3A_1206 = vector.broadcast %jit3A_1205 : i32 to vector<16xi32>
      %select_n3A_1207 = arith.select %eq3A_1204, %get3A_1199, %broadcast_in_dim3A_1206 : vector<16xi1>, vector<16xi32>
      %reduce_sum3A_1208 = arith.constant true
      %reduce_sum3A_1209 = vector.broadcast %reduce_sum3A_1208 : i1 to vector<16xi1>
      %reduce_sum3A_1210 = tpu.scan <sum>, %select_n3A_1207 masked %reduce_sum3A_1209 : vector<16xi32>, vector<16xi1> -> vector<16xi32>
      %reduce_sum3A_1211 = vector.extract %reduce_sum3A_1210[15] : i32 from vector<16xi32>
      %add3A_1212 = arith.constant 1 : i32
      %add3A_1213 = arith.addi %add3A_1192, %add3A_1212 : i32
      %shift_right_arithmetic3A_1214 = arith.constant 4 : i32
      %shift_right_arithmetic3A_1215 = arith.shrsi %add3A_1213, %shift_right_arithmetic3A_1214 : i32
      %mul3A_1216 = arith.constant 16 : i32
      %mul3A_1217 = arith.muli %shift_right_arithmetic3A_1215, %mul3A_1216 : i32
      %multiple_of3A_1218 = tpu.assume_multiple %mul3A_1217, 16 : i32
      %get3A_1219 = arith.index_cast %multiple_of3A_1218 : i32 to index
      %get3A_1220 = tpu.vector_load %arg11[%get3A_1219] {strides = array<i32>} : memref<256xi32, #tpu.memory_space<vmem>>, vector<16xi32>,
      %iota3A_1221 = tpu.iota {dimensions = array<i32: 0>} : vector<16xi32>
      %and3A_1222 = arith.constant 15 : i32
      %and3A_1223 = arith.andi %add3A_1213, %and3A_1222 : i32
      %eq3A_1224 = vector.broadcast %and3A_1223 : i32 to vector<16xi32>
      %eq3A_1225 = arith.cmpi eq, %iota3A_1221, %eq3A_1224 : vector<16xi32>
      %jit3A_1226 = arith.constant 0 : i32
      %broadcast_in_dim3A_1227 = vector.broadcast %jit3A_1226 : i32 to vector<16xi32>
      %select_n3A_1228 = arith.select %eq3A_1225, %get3A_1220, %broadcast_in_dim3A_1227 : vector<16xi1>, vector<16xi32>
      %reduce_sum3A_1229 = arith.constant true
      %reduce_sum3A_1230 = vector.broadcast %reduce_sum3A_1229 : i1 to vector<16xi1>
      %reduce_sum3A_1231 = tpu.scan <sum>, %select_n3A_1228 masked %reduce_sum3A_1230 : vector<16xi32>, vector<16xi1> -> vector<16xi32>
      %reduce_sum3A_1232 = vector.extract %reduce_sum3A_1231[15] : i32 from vector<16xi32>
      %sub3A_1233 = arith.subi %reduce_sum3A_1232, %reduce_sum3A_1211 : i32
      %sub3A_1234 = arith.constant 16 : i32
      %sub3A_1235 = arith.constant 1 : i32
      %sub3A_1236 = arith.subi %sub3A_1234, %sub3A_1235 : i32
      %add3A_1237 = arith.addi %sub3A_1233, %sub3A_1236 : i32
      %div3A_1238 = arith.constant 16 : i32
      %div3A_1239 = arith.divsi %add3A_1237, %div3A_1238 : i32
      %while3A_1240 = arith.constant 16 : i32
      %while3A_1241 = arith.constant 0 : i32
      %while3A_1242 = arith.subi %div3A_1239, %while3A_1241 : i32
      %while3A_1243 = arith.addi %while3A_1241, %while3A_1242 : i32
      %while3A_1244 = arith.constant 1 : i32
      %while3A_1245 = arith.divsi %while3A_1242, %while3A_1244 : i32
      %while3A_1246 = arith.muli %while3A_1245, %while3A_1244 : i32
      %while3A_1247 = arith.addi %while3A_1241, %while3A_1246 : i32
      %while3A_1248 = arith.constant 1 : i32
      scf.for %while3A_1584 = %while3A_1241 to %while3A_1247 step %while3A_1248  : i32 {
        %mul3A_1585 = arith.muli %while3A_1584, %while3A_1240 : i32
        %add3A_1586 = arith.addi %reduce_sum3A_1211, %mul3A_1585 : i32
        %sub3A_1587 = arith.subi %reduce_sum3A_1232, %add3A_1586 : i32
        %iota3A_1588 = tpu.iota {dimensions = array<i32: 0>} : vector<16xi32>
        %lt3A_1589 = vector.broadcast %sub3A_1587 : i32 to vector<16xi32>
        %lt3A_1590 = arith.cmpi slt, %iota3A_1588, %lt3A_1589 : vector<16xi32>
        %get3A_1591 = arith.index_cast %add3A_1586 : i32 to index
        %get3A_1592 = tpu.vector_load %arg8[%get3A_1591] {strides = array<i32>} : memref<16400xi32, #tpu.memory_space<vmem>>, vector<16xi32>,
        %shift_right_arithmetic3A_1593 = arith.constant 14 : i32
        %shift_right_arithmetic3A_1594 = vector.broadcast %shift_right_arithmetic3A_1593 : i32 to vector<16xi32>
        %shift_right_arithmetic3A_1595 = arith.shrsi %get3A_1592, %shift_right_arithmetic3A_1594 : vector<16xi32>
        %and3A_1596 = arith.constant 4095 : i32
        %and3A_1597 = vector.broadcast %and3A_1596 : i32 to vector<16xi32>
        %and3A_1598 = arith.andi %shift_right_arithmetic3A_1595, %and3A_1597 : vector<16xi32>
        %and3A_1599 = arith.constant 16383 : i32
        %and3A_1600 = vector.broadcast %and3A_1599 : i32 to vector<16xi32>
        %and3A_1601 = arith.andi %get3A_1592, %and3A_1600 : vector<16xi32>
        %gather3A = tpu.vector_load_idx %arg14[%and3A_1598] masked %lt3A_1590 : memref<4096xf32, #tpu.memory_space<vmem>>[vector<16xi32>], vector<16xf32>, vector<16xi1>
        tpu.vector_store_idx %arg17[%and3A_1601], %gather3A masked %lt3A_1590 : memref<16384xf32, #tpu.memory_space<vmem>>[vector<16xi32>], vector<16xf32>, vector<16xi1>
      }
      %while3A_1249 = arith.constant 1 : i32
      scf.for %while3A_1584 = %while3A_1247 to %while3A_1243 step %while3A_1249  : i32 {
        %mul3A_1585 = arith.muli %while3A_1584, %while3A_1240 : i32
        %add3A_1586 = arith.addi %reduce_sum3A_1211, %mul3A_1585 : i32
        %sub3A_1587 = arith.subi %reduce_sum3A_1232, %add3A_1586 : i32
        %iota3A_1588 = tpu.iota {dimensions = array<i32: 0>} : vector<16xi32>
        %lt3A_1589 = vector.broadcast %sub3A_1587 : i32 to vector<16xi32>
        %lt3A_1590 = arith.cmpi slt, %iota3A_1588, %lt3A_1589 : vector<16xi32>
        %get3A_1591 = arith.index_cast %add3A_1586 : i32 to index
        %get3A_1592 = tpu.vector_load %arg8[%get3A_1591] {strides = array<i32>} : memref<16400xi32, #tpu.memory_space<vmem>>, vector<16xi32>,
        %shift_right_arithmetic3A_1593 = arith.constant 14 : i32
        %shift_right_arithmetic3A_1594 = vector.broadcast %shift_right_arithmetic3A_1593 : i32 to vector<16xi32>
        %shift_right_arithmetic3A_1595 = arith.shrsi %get3A_1592, %shift_right_arithmetic3A_1594 : vector<16xi32>
        %and3A_1596 = arith.constant 4095 : i32
        %and3A_1597 = vector.broadcast %and3A_1596 : i32 to vector<16xi32>
        %and3A_1598 = arith.andi %shift_right_arithmetic3A_1595, %and3A_1597 : vector<16xi32>
        %and3A_1599 = arith.constant 16383 : i32
        %and3A_1600 = vector.broadcast %and3A_1599 : i32 to vector<16xi32>
        %and3A_1601 = arith.andi %get3A_1592, %and3A_1600 : vector<16xi32>
        %gather3A = tpu.vector_load_idx %arg14[%and3A_1598] masked %lt3A_1590 : memref<4096xf32, #tpu.memory_space<vmem>>[vector<16xi32>], vector<16xf32>, vector<16xi1>
        tpu.vector_store_idx %arg17[%and3A_1601], %gather3A masked %lt3A_1590 : memref<16384xf32, #tpu.memory_space<vmem>>[vector<16xi32>], vector<16xf32>, vector<16xi1>
      }
      %add3A_1250 = arith.constant 1 : i32
      %add3A_1251 = arith.addi %add3A_1055, %add3A_1250 : i32
      %shift_right_arithmetic3A_1252 = arith.constant 4 : i32
      %shift_right_arithmetic3A_1253 = arith.shrsi %add3A_1251, %shift_right_arithmetic3A_1252 : i32
      %mul3A_1254 = arith.constant 16 : i32
      %mul3A_1255 = arith.muli %shift_right_arithmetic3A_1253, %mul3A_1254 : i32
      %multiple_of3A_1256 = tpu.assume_multiple %mul3A_1255, 16 : i32
      %get3A_1257 = arith.index_cast %multiple_of3A_1256 : i32 to index
      %get3A_1258 = tpu.vector_load %arg12[%get3A_1257] {strides = array<i32>} : memref<256xi32, #tpu.memory_space<vmem>>, vector<16xi32>,
      %iota3A_1259 = tpu.iota {dimensions = array<i32: 0>} : vector<16xi32>
      %and3A_1260 = arith.constant 15 : i32
      %and3A_1261 = arith.andi %add3A_1251, %and3A_1260 : i32
      %eq3A_1262 = vector.broadcast %and3A_1261 : i32 to vector<16xi32>
      %eq3A_1263 = arith.cmpi eq, %iota3A_1259, %eq3A_1262 : vector<16xi32>
      %jit3A_1264 = arith.constant 0 : i32
      %broadcast_in_dim3A_1265 = vector.broadcast %jit3A_1264 : i32 to vector<16xi32>
      %select_n3A_1266 = arith.select %eq3A_1263, %get3A_1258, %broadcast_in_dim3A_1265 : vector<16xi1>, vector<16xi32>
      %reduce_sum3A_1267 = arith.constant true
      %reduce_sum3A_1268 = vector.broadcast %reduce_sum3A_1267 : i1 to vector<16xi1>
      %reduce_sum3A_1269 = tpu.scan <sum>, %select_n3A_1266 masked %reduce_sum3A_1268 : vector<16xi32>, vector<16xi1> -> vector<16xi32>
      %reduce_sum3A_1270 = vector.extract %reduce_sum3A_1269[15] : i32 from vector<16xi32>
      %add3A_1271 = arith.constant 1 : i32
      %add3A_1272 = arith.addi %add3A_1251, %add3A_1271 : i32
      %shift_right_arithmetic3A_1273 = arith.constant 4 : i32
      %shift_right_arithmetic3A_1274 = arith.shrsi %add3A_1272, %shift_right_arithmetic3A_1273 : i32
      %mul3A_1275 = arith.constant 16 : i32
      %mul3A_1276 = arith.muli %shift_right_arithmetic3A_1274, %mul3A_1275 : i32
      %multiple_of3A_1277 = tpu.assume_multiple %mul3A_1276, 16 : i32
      %get3A_1278 = arith.index_cast %multiple_of3A_1277 : i32 to index
      %get3A_1279 = tpu.vector_load %arg12[%get3A_1278] {strides = array<i32>} : memref<256xi32, #tpu.memory_space<vmem>>, vector<16xi32>,
      %iota3A_1280 = tpu.iota {dimensions = array<i32: 0>} : vector<16xi32>
      %and3A_1281 = arith.constant 15 : i32
      %and3A_1282 = arith.andi %add3A_1272, %and3A_1281 : i32
      %eq3A_1283 = vector.broadcast %and3A_1282 : i32 to vector<16xi32>
      %eq3A_1284 = arith.cmpi eq, %iota3A_1280, %eq3A_1283 : vector<16xi32>
      %jit3A_1285 = arith.constant 0 : i32
      %broadcast_in_dim3A_1286 = vector.broadcast %jit3A_1285 : i32 to vector<16xi32>
      %select_n3A_1287 = arith.select %eq3A_1284, %get3A_1279, %broadcast_in_dim3A_1286 : vector<16xi1>, vector<16xi32>
      %reduce_sum3A_1288 = arith.constant true
      %reduce_sum3A_1289 = vector.broadcast %reduce_sum3A_1288 : i1 to vector<16xi1>
      %reduce_sum3A_1290 = tpu.scan <sum>, %select_n3A_1287 masked %reduce_sum3A_1289 : vector<16xi32>, vector<16xi1> -> vector<16xi32>
      %reduce_sum3A_1291 = vector.extract %reduce_sum3A_1290[15] : i32 from vector<16xi32>
      %sub3A_1292 = arith.subi %reduce_sum3A_1291, %reduce_sum3A_1270 : i32
      %sub3A_1293 = arith.constant 16 : i32
      %sub3A_1294 = arith.constant 1 : i32
      %sub3A_1295 = arith.subi %sub3A_1293, %sub3A_1294 : i32
      %add3A_1296 = arith.addi %sub3A_1292, %sub3A_1295 : i32
      %div3A_1297 = arith.constant 16 : i32
      %div3A_1298 = arith.divsi %add3A_1296, %div3A_1297 : i32
      %while3A_1299 = arith.constant 16 : i32
      %while3A_1300 = arith.constant 0 : i32
      %while3A_1301 = arith.subi %div3A_1298, %while3A_1300 : i32
      %while3A_1302 = arith.addi %while3A_1300, %while3A_1301 : i32
      %while3A_1303 = arith.constant 1 : i32
      %while3A_1304 = arith.divsi %while3A_1301, %while3A_1303 : i32
      %while3A_1305 = arith.muli %while3A_1304, %while3A_1303 : i32
      %while3A_1306 = arith.addi %while3A_1300, %while3A_1305 : i32
      %while3A_1307 = arith.constant 1 : i32
      scf.for %while3A_1584 = %while3A_1300 to %while3A_1306 step %while3A_1307  : i32 {
        %mul3A_1585 = arith.muli %while3A_1584, %while3A_1299 : i32
        %add3A_1586 = arith.addi %reduce_sum3A_1270, %mul3A_1585 : i32
        %sub3A_1587 = arith.subi %reduce_sum3A_1291, %add3A_1586 : i32
        %iota3A_1588 = tpu.iota {dimensions = array<i32: 0>} : vector<16xi32>
        %lt3A_1589 = vector.broadcast %sub3A_1587 : i32 to vector<16xi32>
        %lt3A_1590 = arith.cmpi slt, %iota3A_1588, %lt3A_1589 : vector<16xi32>
        %get3A_1591 = arith.index_cast %add3A_1586 : i32 to index
        %get3A_1592 = tpu.vector_load %arg9[%get3A_1591] {strides = array<i32>} : memref<16400xi32, #tpu.memory_space<vmem>>, vector<16xi32>,
        %shift_right_arithmetic3A_1593 = arith.constant 14 : i32
        %shift_right_arithmetic3A_1594 = vector.broadcast %shift_right_arithmetic3A_1593 : i32 to vector<16xi32>
        %shift_right_arithmetic3A_1595 = arith.shrsi %get3A_1592, %shift_right_arithmetic3A_1594 : vector<16xi32>
        %and3A_1596 = arith.constant 4095 : i32
        %and3A_1597 = vector.broadcast %and3A_1596 : i32 to vector<16xi32>
        %and3A_1598 = arith.andi %shift_right_arithmetic3A_1595, %and3A_1597 : vector<16xi32>
        %and3A_1599 = arith.constant 16383 : i32
        %and3A_1600 = vector.broadcast %and3A_1599 : i32 to vector<16xi32>
        %and3A_1601 = arith.andi %get3A_1592, %and3A_1600 : vector<16xi32>
        %gather3A = tpu.vector_load_idx %arg14[%and3A_1598] masked %lt3A_1590 : memref<4096xf32, #tpu.memory_space<vmem>>[vector<16xi32>], vector<16xf32>, vector<16xi1>
        tpu.vector_store_idx %arg18[%and3A_1601], %gather3A masked %lt3A_1590 : memref<16384xf32, #tpu.memory_space<vmem>>[vector<16xi32>], vector<16xf32>, vector<16xi1>
      }
      %while3A_1308 = arith.constant 1 : i32
      scf.for %while3A_1584 = %while3A_1306 to %while3A_1302 step %while3A_1308  : i32 {
        %mul3A_1585 = arith.muli %while3A_1584, %while3A_1299 : i32
        %add3A_1586 = arith.addi %reduce_sum3A_1270, %mul3A_1585 : i32
        %sub3A_1587 = arith.subi %reduce_sum3A_1291, %add3A_1586 : i32
        %iota3A_1588 = tpu.iota {dimensions = array<i32: 0>} : vector<16xi32>
        %lt3A_1589 = vector.broadcast %sub3A_1587 : i32 to vector<16xi32>
        %lt3A_1590 = arith.cmpi slt, %iota3A_1588, %lt3A_1589 : vector<16xi32>
        %get3A_1591 = arith.index_cast %add3A_1586 : i32 to index
        %get3A_1592 = tpu.vector_load %arg9[%get3A_1591] {strides = array<i32>} : memref<16400xi32, #tpu.memory_space<vmem>>, vector<16xi32>,
        %shift_right_arithmetic3A_1593 = arith.constant 14 : i32
        %shift_right_arithmetic3A_1594 = vector.broadcast %shift_right_arithmetic3A_1593 : i32 to vector<16xi32>
        %shift_right_arithmetic3A_1595 = arith.shrsi %get3A_1592, %shift_right_arithmetic3A_1594 : vector<16xi32>
        %and3A_1596 = arith.constant 4095 : i32
        %and3A_1597 = vector.broadcast %and3A_1596 : i32 to vector<16xi32>
        %and3A_1598 = arith.andi %shift_right_arithmetic3A_1595, %and3A_1597 : vector<16xi32>
        %and3A_1599 = arith.constant 16383 : i32
        %and3A_1600 = vector.broadcast %and3A_1599 : i32 to vector<16xi32>
        %and3A_1601 = arith.andi %get3A_1592, %and3A_1600 : vector<16xi32>
        %gather3A = tpu.vector_load_idx %arg14[%and3A_1598] masked %lt3A_1590 : memref<4096xf32, #tpu.memory_space<vmem>>[vector<16xi32>], vector<16xf32>, vector<16xi1>
        tpu.vector_store_idx %arg18[%and3A_1601], %gather3A masked %lt3A_1590 : memref<16384xf32, #tpu.memory_space<vmem>>[vector<16xi32>], vector<16xf32>, vector<16xi1>
      }
      %add3A_1309 = arith.constant 1 : i32
      %add3A_1310 = arith.addi %add3A_1055, %add3A_1309 : i32
      %add3A_1311 = arith.constant 4 : i32
      %add3A_1312 = arith.addi %add3A_1310, %add3A_1311 : i32
      %lt3A_1313 = arith.constant 244 : i32
      %lt3A_1314 = arith.cmpi slt, %add3A_1312, %lt3A_1313 : i32
      %convert_element_type3A_1315 = arith.extui %lt3A_1314 : i1 to i32
      %cond3A_1316 = arith.constant 0 : i32
      %cond3A_1317 = arith.cmpi ne, %convert_element_type3A_1315, %cond3A_1316 : i32
      scf.if %cond3A_1317 {
        %add3A_1584 = arith.constant 1 : i32
        %add3A_1585 = arith.addi %add3A_1055, %add3A_1584 : i32
        %add3A_1586 = arith.constant 4 : i32
        %add3A_1587 = arith.addi %add3A_1585, %add3A_1586 : i32
        %mul3A_1588 = arith.constant 4096 : i32
        %mul3A_1589 = arith.muli %add3A_1587, %mul3A_1588 : i32
        %dma_start3A_1590 = tpu.memref_slice %arg3[%add3A_901, %mul3A_1589] : memref<64x1000000xf32, #tpu.memory_space<hbm>> -> memref<1x4096xf32, #tpu.memory_space<hbm>>
        %dma_start3A_1591 = tpu.memref_squeeze %dma_start3A_1590 : memref<1x4096xf32, #tpu.memory_space<hbm>> -> memref<4096xf32, #tpu.memory_space<hbm>>
        %dma_start3A_1592 = tpu.memref_slice %arg3[%add3A_901, %mul3A_1589] : memref<64x1000000xf32, #tpu.memory_space<hbm>> -> memref<1x4096xf32, #tpu.memory_space<hbm>>
        %dma_start3A_1593 = tpu.memref_squeeze %dma_start3A_1592 : memref<1x4096xf32, #tpu.memory_space<hbm>> -> memref<4096xf32, #tpu.memory_space<hbm>>
        tpu.enqueue_dma source(%dma_start3A_1593 : memref<4096xf32, #tpu.memory_space<hbm>>) target(%arg14 : memref<4096xf32, #tpu.memory_space<vmem>>) target_semaphore(%arg20 : memref<!tpu.dma_semaphore, #tpu.memory_space<semaphore_mem>>)
      } else {
      }
      %dma_wait3A_1318 = arith.constant 0 : i32
      %dma_wait3A_1319 = tpu.memref_slice %arg3[%add3A_901, %dma_wait3A_1318] : memref<64x1000000xf32, #tpu.memory_space<hbm>> -> memref<1x4096xf32, #tpu.memory_space<hbm>>
      %dma_wait3A_1320 = tpu.memref_squeeze %dma_wait3A_1319 : memref<1x4096xf32, #tpu.memory_space<hbm>> -> memref<4096xf32, #tpu.memory_space<hbm>>
      %dma_wait3A_1321 = arith.constant 0 : i32
      %dma_wait3A_1322 = tpu.memref_slice %arg3[%add3A_901, %dma_wait3A_1321] : memref<64x1000000xf32, #tpu.memory_space<hbm>> -> memref<1x4096xf32, #tpu.memory_space<hbm>>
      %dma_wait3A_1323 = tpu.memref_squeeze %dma_wait3A_1322 : memref<1x4096xf32, #tpu.memory_space<hbm>> -> memref<4096xf32, #tpu.memory_space<hbm>>
      tpu.wait_dma2 semaphore(%arg21 : memref<!tpu.dma_semaphore, #tpu.memory_space<semaphore_mem>>) src(%dma_wait3A_1323 : memref<4096xf32, #tpu.memory_space<hbm>>) dst(%arg15 : memref<4096xf32, #tpu.memory_space<vmem>>)
      %add3A_1324 = arith.constant 2 : i32
      %add3A_1325 = arith.addi %add3A_1055, %add3A_1324 : i32
      %shift_right_arithmetic3A_1326 = arith.constant 4 : i32
      %shift_right_arithmetic3A_1327 = arith.shrsi %add3A_1325, %shift_right_arithmetic3A_1326 : i32
      %mul3A_1328 = arith.constant 16 : i32
      %mul3A_1329 = arith.muli %shift_right_arithmetic3A_1327, %mul3A_1328 : i32
      %multiple_of3A_1330 = tpu.assume_multiple %mul3A_1329, 16 : i32
      %get3A_1331 = arith.index_cast %multiple_of3A_1330 : i32 to index
      %get3A_1332 = tpu.vector_load %arg11[%get3A_1331] {strides = array<i32>} : memref<256xi32, #tpu.memory_space<vmem>>, vector<16xi32>,
      %iota3A_1333 = tpu.iota {dimensions = array<i32: 0>} : vector<16xi32>
      %and3A_1334 = arith.constant 15 : i32
      %and3A_1335 = arith.andi %add3A_1325, %and3A_1334 : i32
      %eq3A_1336 = vector.broadcast %and3A_1335 : i32 to vector<16xi32>
      %eq3A_1337 = arith.cmpi eq, %iota3A_1333, %eq3A_1336 : vector<16xi32>
      %jit3A_1338 = arith.constant 0 : i32
      %broadcast_in_dim3A_1339 = vector.broadcast %jit3A_1338 : i32 to vector<16xi32>
      %select_n3A_1340 = arith.select %eq3A_1337, %get3A_1332, %broadcast_in_dim3A_1339 : vector<16xi1>, vector<16xi32>
      %reduce_sum3A_1341 = arith.constant true
      %reduce_sum3A_1342 = vector.broadcast %reduce_sum3A_1341 : i1 to vector<16xi1>
      %reduce_sum3A_1343 = tpu.scan <sum>, %select_n3A_1340 masked %reduce_sum3A_1342 : vector<16xi32>, vector<16xi1> -> vector<16xi32>
      %reduce_sum3A_1344 = vector.extract %reduce_sum3A_1343[15] : i32 from vector<16xi32>
      %add3A_1345 = arith.constant 1 : i32
      %add3A_1346 = arith.addi %add3A_1325, %add3A_1345 : i32
      %shift_right_arithmetic3A_1347 = arith.constant 4 : i32
      %shift_right_arithmetic3A_1348 = arith.shrsi %add3A_1346, %shift_right_arithmetic3A_1347 : i32
      %mul3A_1349 = arith.constant 16 : i32
      %mul3A_1350 = arith.muli %shift_right_arithmetic3A_1348, %mul3A_1349 : i32
      %multiple_of3A_1351 = tpu.assume_multiple %mul3A_1350, 16 : i32
      %get3A_1352 = arith.index_cast %multiple_of3A_1351 : i32 to index
      %get3A_1353 = tpu.vector_load %arg11[%get3A_1352] {strides = array<i32>} : memref<256xi32, #tpu.memory_space<vmem>>, vector<16xi32>,
      %iota3A_1354 = tpu.iota {dimensions = array<i32: 0>} : vector<16xi32>
      %and3A_1355 = arith.constant 15 : i32
      %and3A_1356 = arith.andi %add3A_1346, %and3A_1355 : i32
      %eq3A_1357 = vector.broadcast %and3A_1356 : i32 to vector<16xi32>
      %eq3A_1358 = arith.cmpi eq, %iota3A_1354, %eq3A_1357 : vector<16xi32>
      %jit3A_1359 = arith.constant 0 : i32
      %broadcast_in_dim3A_1360 = vector.broadcast %jit3A_1359 : i32 to vector<16xi32>
      %select_n3A_1361 = arith.select %eq3A_1358, %get3A_1353, %broadcast_in_dim3A_1360 : vector<16xi1>, vector<16xi32>
      %reduce_sum3A_1362 = arith.constant true
      %reduce_sum3A_1363 = vector.broadcast %reduce_sum3A_1362 : i1 to vector<16xi1>
      %reduce_sum3A_1364 = tpu.scan <sum>, %select_n3A_1361 masked %reduce_sum3A_1363 : vector<16xi32>, vector<16xi1> -> vector<16xi32>
      %reduce_sum3A_1365 = vector.extract %reduce_sum3A_1364[15] : i32 from vector<16xi32>
      %sub3A_1366 = arith.subi %reduce_sum3A_1365, %reduce_sum3A_1344 : i32
      %sub3A_1367 = arith.constant 16 : i32
      %sub3A_1368 = arith.constant 1 : i32
      %sub3A_1369 = arith.subi %sub3A_1367, %sub3A_1368 : i32
      %add3A_1370 = arith.addi %sub3A_1366, %sub3A_1369 : i32
      %div3A_1371 = arith.constant 16 : i32
      %div3A_1372 = arith.divsi %add3A_1370, %div3A_1371 : i32
      %while3A_1373 = arith.constant 16 : i32
      %while3A_1374 = arith.constant 0 : i32
      %while3A_1375 = arith.subi %div3A_1372, %while3A_1374 : i32
      %while3A_1376 = arith.addi %while3A_1374, %while3A_1375 : i32
      %while3A_1377 = arith.constant 1 : i32
      %while3A_1378 = arith.divsi %while3A_1375, %while3A_1377 : i32
      %while3A_1379 = arith.muli %while3A_1378, %while3A_1377 : i32
      %while3A_1380 = arith.addi %while3A_1374, %while3A_1379 : i32
      %while3A_1381 = arith.constant 1 : i32
      scf.for %while3A_1584 = %while3A_1374 to %while3A_1380 step %while3A_1381  : i32 {
        %mul3A_1585 = arith.muli %while3A_1584, %while3A_1373 : i32
        %add3A_1586 = arith.addi %reduce_sum3A_1344, %mul3A_1585 : i32
        %sub3A_1587 = arith.subi %reduce_sum3A_1365, %add3A_1586 : i32
        %iota3A_1588 = tpu.iota {dimensions = array<i32: 0>} : vector<16xi32>
        %lt3A_1589 = vector.broadcast %sub3A_1587 : i32 to vector<16xi32>
        %lt3A_1590 = arith.cmpi slt, %iota3A_1588, %lt3A_1589 : vector<16xi32>
        %get3A_1591 = arith.index_cast %add3A_1586 : i32 to index
        %get3A_1592 = tpu.vector_load %arg8[%get3A_1591] {strides = array<i32>} : memref<16400xi32, #tpu.memory_space<vmem>>, vector<16xi32>,
        %shift_right_arithmetic3A_1593 = arith.constant 14 : i32
        %shift_right_arithmetic3A_1594 = vector.broadcast %shift_right_arithmetic3A_1593 : i32 to vector<16xi32>
        %shift_right_arithmetic3A_1595 = arith.shrsi %get3A_1592, %shift_right_arithmetic3A_1594 : vector<16xi32>
        %and3A_1596 = arith.constant 4095 : i32
        %and3A_1597 = vector.broadcast %and3A_1596 : i32 to vector<16xi32>
        %and3A_1598 = arith.andi %shift_right_arithmetic3A_1595, %and3A_1597 : vector<16xi32>
        %and3A_1599 = arith.constant 16383 : i32
        %and3A_1600 = vector.broadcast %and3A_1599 : i32 to vector<16xi32>
        %and3A_1601 = arith.andi %get3A_1592, %and3A_1600 : vector<16xi32>
        %gather3A = tpu.vector_load_idx %arg15[%and3A_1598] masked %lt3A_1590 : memref<4096xf32, #tpu.memory_space<vmem>>[vector<16xi32>], vector<16xf32>, vector<16xi1>
        tpu.vector_store_idx %arg17[%and3A_1601], %gather3A masked %lt3A_1590 : memref<16384xf32, #tpu.memory_space<vmem>>[vector<16xi32>], vector<16xf32>, vector<16xi1>
      }
      %while3A_1382 = arith.constant 1 : i32
      scf.for %while3A_1584 = %while3A_1380 to %while3A_1376 step %while3A_1382  : i32 {
        %mul3A_1585 = arith.muli %while3A_1584, %while3A_1373 : i32
        %add3A_1586 = arith.addi %reduce_sum3A_1344, %mul3A_1585 : i32
        %sub3A_1587 = arith.subi %reduce_sum3A_1365, %add3A_1586 : i32
        %iota3A_1588 = tpu.iota {dimensions = array<i32: 0>} : vector<16xi32>
        %lt3A_1589 = vector.broadcast %sub3A_1587 : i32 to vector<16xi32>
        %lt3A_1590 = arith.cmpi slt, %iota3A_1588, %lt3A_1589 : vector<16xi32>
        %get3A_1591 = arith.index_cast %add3A_1586 : i32 to index
        %get3A_1592 = tpu.vector_load %arg8[%get3A_1591] {strides = array<i32>} : memref<16400xi32, #tpu.memory_space<vmem>>, vector<16xi32>,
        %shift_right_arithmetic3A_1593 = arith.constant 14 : i32
        %shift_right_arithmetic3A_1594 = vector.broadcast %shift_right_arithmetic3A_1593 : i32 to vector<16xi32>
        %shift_right_arithmetic3A_1595 = arith.shrsi %get3A_1592, %shift_right_arithmetic3A_1594 : vector<16xi32>
        %and3A_1596 = arith.constant 4095 : i32
        %and3A_1597 = vector.broadcast %and3A_1596 : i32 to vector<16xi32>
        %and3A_1598 = arith.andi %shift_right_arithmetic3A_1595, %and3A_1597 : vector<16xi32>
        %and3A_1599 = arith.constant 16383 : i32
        %and3A_1600 = vector.broadcast %and3A_1599 : i32 to vector<16xi32>
        %and3A_1601 = arith.andi %get3A_1592, %and3A_1600 : vector<16xi32>
        %gather3A = tpu.vector_load_idx %arg15[%and3A_1598] masked %lt3A_1590 : memref<4096xf32, #tpu.memory_space<vmem>>[vector<16xi32>], vector<16xf32>, vector<16xi1>
        tpu.vector_store_idx %arg17[%and3A_1601], %gather3A masked %lt3A_1590 : memref<16384xf32, #tpu.memory_space<vmem>>[vector<16xi32>], vector<16xf32>, vector<16xi1>
      }
      %add3A_1383 = arith.constant 2 : i32
      %add3A_1384 = arith.addi %add3A_1055, %add3A_1383 : i32
      %shift_right_arithmetic3A_1385 = arith.constant 4 : i32
      %shift_right_arithmetic3A_1386 = arith.shrsi %add3A_1384, %shift_right_arithmetic3A_1385 : i32
      %mul3A_1387 = arith.constant 16 : i32
      %mul3A_1388 = arith.muli %shift_right_arithmetic3A_1386, %mul3A_1387 : i32
      %multiple_of3A_1389 = tpu.assume_multiple %mul3A_1388, 16 : i32
      %get3A_1390 = arith.index_cast %multiple_of3A_1389 : i32 to index
      %get3A_1391 = tpu.vector_load %arg12[%get3A_1390] {strides = array<i32>} : memref<256xi32, #tpu.memory_space<vmem>>, vector<16xi32>,
      %iota3A_1392 = tpu.iota {dimensions = array<i32: 0>} : vector<16xi32>
      %and3A_1393 = arith.constant 15 : i32
      %and3A_1394 = arith.andi %add3A_1384, %and3A_1393 : i32
      %eq3A_1395 = vector.broadcast %and3A_1394 : i32 to vector<16xi32>
      %eq3A_1396 = arith.cmpi eq, %iota3A_1392, %eq3A_1395 : vector<16xi32>
      %jit3A_1397 = arith.constant 0 : i32
      %broadcast_in_dim3A_1398 = vector.broadcast %jit3A_1397 : i32 to vector<16xi32>
      %select_n3A_1399 = arith.select %eq3A_1396, %get3A_1391, %broadcast_in_dim3A_1398 : vector<16xi1>, vector<16xi32>
      %reduce_sum3A_1400 = arith.constant true
      %reduce_sum3A_1401 = vector.broadcast %reduce_sum3A_1400 : i1 to vector<16xi1>
      %reduce_sum3A_1402 = tpu.scan <sum>, %select_n3A_1399 masked %reduce_sum3A_1401 : vector<16xi32>, vector<16xi1> -> vector<16xi32>
      %reduce_sum3A_1403 = vector.extract %reduce_sum3A_1402[15] : i32 from vector<16xi32>
      %add3A_1404 = arith.constant 1 : i32
      %add3A_1405 = arith.addi %add3A_1384, %add3A_1404 : i32
      %shift_right_arithmetic3A_1406 = arith.constant 4 : i32
      %shift_right_arithmetic3A_1407 = arith.shrsi %add3A_1405, %shift_right_arithmetic3A_1406 : i32
      %mul3A_1408 = arith.constant 16 : i32
      %mul3A_1409 = arith.muli %shift_right_arithmetic3A_1407, %mul3A_1408 : i32
      %multiple_of3A_1410 = tpu.assume_multiple %mul3A_1409, 16 : i32
      %get3A_1411 = arith.index_cast %multiple_of3A_1410 : i32 to index
      %get3A_1412 = tpu.vector_load %arg12[%get3A_1411] {strides = array<i32>} : memref<256xi32, #tpu.memory_space<vmem>>, vector<16xi32>,
      %iota3A_1413 = tpu.iota {dimensions = array<i32: 0>} : vector<16xi32>
      %and3A_1414 = arith.constant 15 : i32
      %and3A_1415 = arith.andi %add3A_1405, %and3A_1414 : i32
      %eq3A_1416 = vector.broadcast %and3A_1415 : i32 to vector<16xi32>
      %eq3A_1417 = arith.cmpi eq, %iota3A_1413, %eq3A_1416 : vector<16xi32>
      %jit3A_1418 = arith.constant 0 : i32
      %broadcast_in_dim3A_1419 = vector.broadcast %jit3A_1418 : i32 to vector<16xi32>
      %select_n3A_1420 = arith.select %eq3A_1417, %get3A_1412, %broadcast_in_dim3A_1419 : vector<16xi1>, vector<16xi32>
      %reduce_sum3A_1421 = arith.constant true
      %reduce_sum3A_1422 = vector.broadcast %reduce_sum3A_1421 : i1 to vector<16xi1>
      %reduce_sum3A_1423 = tpu.scan <sum>, %select_n3A_1420 masked %reduce_sum3A_1422 : vector<16xi32>, vector<16xi1> -> vector<16xi32>
      %reduce_sum3A_1424 = vector.extract %reduce_sum3A_1423[15] : i32 from vector<16xi32>
      %sub3A_1425 = arith.subi %reduce_sum3A_1424, %reduce_sum3A_1403 : i32
      %sub3A_1426 = arith.constant 16 : i32
      %sub3A_1427 = arith.constant 1 : i32
      %sub3A_1428 = arith.subi %sub3A_1426, %sub3A_1427 : i32
      %add3A_1429 = arith.addi %sub3A_1425, %sub3A_1428 : i32
      %div3A_1430 = arith.constant 16 : i32
      %div3A_1431 = arith.divsi %add3A_1429, %div3A_1430 : i32
      %while3A_1432 = arith.constant 16 : i32
      %while3A_1433 = arith.constant 0 : i32
      %while3A_1434 = arith.subi %div3A_1431, %while3A_1433 : i32
      %while3A_1435 = arith.addi %while3A_1433, %while3A_1434 : i32
      %while3A_1436 = arith.constant 1 : i32
      %while3A_1437 = arith.divsi %while3A_1434, %while3A_1436 : i32
      %while3A_1438 = arith.muli %while3A_1437, %while3A_1436 : i32
      %while3A_1439 = arith.addi %while3A_1433, %while3A_1438 : i32
      %while3A_1440 = arith.constant 1 : i32
      scf.for %while3A_1584 = %while3A_1433 to %while3A_1439 step %while3A_1440  : i32 {
        %mul3A_1585 = arith.muli %while3A_1584, %while3A_1432 : i32
        %add3A_1586 = arith.addi %reduce_sum3A_1403, %mul3A_1585 : i32
        %sub3A_1587 = arith.subi %reduce_sum3A_1424, %add3A_1586 : i32
        %iota3A_1588 = tpu.iota {dimensions = array<i32: 0>} : vector<16xi32>
        %lt3A_1589 = vector.broadcast %sub3A_1587 : i32 to vector<16xi32>
        %lt3A_1590 = arith.cmpi slt, %iota3A_1588, %lt3A_1589 : vector<16xi32>
        %get3A_1591 = arith.index_cast %add3A_1586 : i32 to index
        %get3A_1592 = tpu.vector_load %arg9[%get3A_1591] {strides = array<i32>} : memref<16400xi32, #tpu.memory_space<vmem>>, vector<16xi32>,
        %shift_right_arithmetic3A_1593 = arith.constant 14 : i32
        %shift_right_arithmetic3A_1594 = vector.broadcast %shift_right_arithmetic3A_1593 : i32 to vector<16xi32>
        %shift_right_arithmetic3A_1595 = arith.shrsi %get3A_1592, %shift_right_arithmetic3A_1594 : vector<16xi32>
        %and3A_1596 = arith.constant 4095 : i32
        %and3A_1597 = vector.broadcast %and3A_1596 : i32 to vector<16xi32>
        %and3A_1598 = arith.andi %shift_right_arithmetic3A_1595, %and3A_1597 : vector<16xi32>
        %and3A_1599 = arith.constant 16383 : i32
        %and3A_1600 = vector.broadcast %and3A_1599 : i32 to vector<16xi32>
        %and3A_1601 = arith.andi %get3A_1592, %and3A_1600 : vector<16xi32>
        %gather3A = tpu.vector_load_idx %arg15[%and3A_1598] masked %lt3A_1590 : memref<4096xf32, #tpu.memory_space<vmem>>[vector<16xi32>], vector<16xf32>, vector<16xi1>
        tpu.vector_store_idx %arg18[%and3A_1601], %gather3A masked %lt3A_1590 : memref<16384xf32, #tpu.memory_space<vmem>>[vector<16xi32>], vector<16xf32>, vector<16xi1>
      }
      %while3A_1441 = arith.constant 1 : i32
      scf.for %while3A_1584 = %while3A_1439 to %while3A_1435 step %while3A_1441  : i32 {
        %mul3A_1585 = arith.muli %while3A_1584, %while3A_1432 : i32
        %add3A_1586 = arith.addi %reduce_sum3A_1403, %mul3A_1585 : i32
        %sub3A_1587 = arith.subi %reduce_sum3A_1424, %add3A_1586 : i32
        %iota3A_1588 = tpu.iota {dimensions = array<i32: 0>} : vector<16xi32>
        %lt3A_1589 = vector.broadcast %sub3A_1587 : i32 to vector<16xi32>
        %lt3A_1590 = arith.cmpi slt, %iota3A_1588, %lt3A_1589 : vector<16xi32>
        %get3A_1591 = arith.index_cast %add3A_1586 : i32 to index
        %get3A_1592 = tpu.vector_load %arg9[%get3A_1591] {strides = array<i32>} : memref<16400xi32, #tpu.memory_space<vmem>>, vector<16xi32>,
        %shift_right_arithmetic3A_1593 = arith.constant 14 : i32
        %shift_right_arithmetic3A_1594 = vector.broadcast %shift_right_arithmetic3A_1593 : i32 to vector<16xi32>
        %shift_right_arithmetic3A_1595 = arith.shrsi %get3A_1592, %shift_right_arithmetic3A_1594 : vector<16xi32>
        %and3A_1596 = arith.constant 4095 : i32
        %and3A_1597 = vector.broadcast %and3A_1596 : i32 to vector<16xi32>
        %and3A_1598 = arith.andi %shift_right_arithmetic3A_1595, %and3A_1597 : vector<16xi32>
        %and3A_1599 = arith.constant 16383 : i32
        %and3A_1600 = vector.broadcast %and3A_1599 : i32 to vector<16xi32>
        %and3A_1601 = arith.andi %get3A_1592, %and3A_1600 : vector<16xi32>
        %gather3A = tpu.vector_load_idx %arg15[%and3A_1598] masked %lt3A_1590 : memref<4096xf32, #tpu.memory_space<vmem>>[vector<16xi32>], vector<16xf32>, vector<16xi1>
        tpu.vector_store_idx %arg18[%and3A_1601], %gather3A masked %lt3A_1590 : memref<16384xf32, #tpu.memory_space<vmem>>[vector<16xi32>], vector<16xf32>, vector<16xi1>
      }
      %add3A_1442 = arith.constant 2 : i32
      %add3A_1443 = arith.addi %add3A_1055, %add3A_1442 : i32
      %add3A_1444 = arith.constant 4 : i32
      %add3A_1445 = arith.addi %add3A_1443, %add3A_1444 : i32
      %lt3A_1446 = arith.constant 244 : i32
      %lt3A_1447 = arith.cmpi slt, %add3A_1445, %lt3A_1446 : i32
      %convert_element_type3A_1448 = arith.extui %lt3A_1447 : i1 to i32
      %cond3A_1449 = arith.constant 0 : i32
      %cond3A_1450 = arith.cmpi ne, %convert_element_type3A_1448, %cond3A_1449 : i32
      scf.if %cond3A_1450 {
        %add3A_1584 = arith.constant 2 : i32
        %add3A_1585 = arith.addi %add3A_1055, %add3A_1584 : i32
        %add3A_1586 = arith.constant 4 : i32
        %add3A_1587 = arith.addi %add3A_1585, %add3A_1586 : i32
        %mul3A_1588 = arith.constant 4096 : i32
        %mul3A_1589 = arith.muli %add3A_1587, %mul3A_1588 : i32
        %dma_start3A_1590 = tpu.memref_slice %arg3[%add3A_901, %mul3A_1589] : memref<64x1000000xf32, #tpu.memory_space<hbm>> -> memref<1x4096xf32, #tpu.memory_space<hbm>>
        %dma_start3A_1591 = tpu.memref_squeeze %dma_start3A_1590 : memref<1x4096xf32, #tpu.memory_space<hbm>> -> memref<4096xf32, #tpu.memory_space<hbm>>
        %dma_start3A_1592 = tpu.memref_slice %arg3[%add3A_901, %mul3A_1589] : memref<64x1000000xf32, #tpu.memory_space<hbm>> -> memref<1x4096xf32, #tpu.memory_space<hbm>>
        %dma_start3A_1593 = tpu.memref_squeeze %dma_start3A_1592 : memref<1x4096xf32, #tpu.memory_space<hbm>> -> memref<4096xf32, #tpu.memory_space<hbm>>
        tpu.enqueue_dma source(%dma_start3A_1593 : memref<4096xf32, #tpu.memory_space<hbm>>) target(%arg15 : memref<4096xf32, #tpu.memory_space<vmem>>) target_semaphore(%arg21 : memref<!tpu.dma_semaphore, #tpu.memory_space<semaphore_mem>>)
      } else {
      }
      %dma_wait3A_1451 = arith.constant 0 : i32
      %dma_wait3A_1452 = tpu.memref_slice %arg3[%add3A_901, %dma_wait3A_1451] : memref<64x1000000xf32, #tpu.memory_space<hbm>> -> memref<1x4096xf32, #tpu.memory_space<hbm>>
      %dma_wait3A_1453 = tpu.memref_squeeze %dma_wait3A_1452 : memref<1x4096xf32, #tpu.memory_space<hbm>> -> memref<4096xf32, #tpu.memory_space<hbm>>
      %dma_wait3A_1454 = arith.constant 0 : i32
      %dma_wait3A_1455 = tpu.memref_slice %arg3[%add3A_901, %dma_wait3A_1454] : memref<64x1000000xf32, #tpu.memory_space<hbm>> -> memref<1x4096xf32, #tpu.memory_space<hbm>>
      %dma_wait3A_1456 = tpu.memref_squeeze %dma_wait3A_1455 : memref<1x4096xf32, #tpu.memory_space<hbm>> -> memref<4096xf32, #tpu.memory_space<hbm>>
      tpu.wait_dma2 semaphore(%arg22 : memref<!tpu.dma_semaphore, #tpu.memory_space<semaphore_mem>>) src(%dma_wait3A_1456 : memref<4096xf32, #tpu.memory_space<hbm>>) dst(%arg16 : memref<4096xf32, #tpu.memory_space<vmem>>)
      %add3A_1457 = arith.constant 3 : i32
      %add3A_1458 = arith.addi %add3A_1055, %add3A_1457 : i32
      %shift_right_arithmetic3A_1459 = arith.constant 4 : i32
      %shift_right_arithmetic3A_1460 = arith.shrsi %add3A_1458, %shift_right_arithmetic3A_1459 : i32
      %mul3A_1461 = arith.constant 16 : i32
      %mul3A_1462 = arith.muli %shift_right_arithmetic3A_1460, %mul3A_1461 : i32
      %multiple_of3A_1463 = tpu.assume_multiple %mul3A_1462, 16 : i32
      %get3A_1464 = arith.index_cast %multiple_of3A_1463 : i32 to index
      %get3A_1465 = tpu.vector_load %arg11[%get3A_1464] {strides = array<i32>} : memref<256xi32, #tpu.memory_space<vmem>>, vector<16xi32>,
      %iota3A_1466 = tpu.iota {dimensions = array<i32: 0>} : vector<16xi32>
      %and3A_1467 = arith.constant 15 : i32
      %and3A_1468 = arith.andi %add3A_1458, %and3A_1467 : i32
      %eq3A_1469 = vector.broadcast %and3A_1468 : i32 to vector<16xi32>
      %eq3A_1470 = arith.cmpi eq, %iota3A_1466, %eq3A_1469 : vector<16xi32>
      %jit3A_1471 = arith.constant 0 : i32
      %broadcast_in_dim3A_1472 = vector.broadcast %jit3A_1471 : i32 to vector<16xi32>
      %select_n3A_1473 = arith.select %eq3A_1470, %get3A_1465, %broadcast_in_dim3A_1472 : vector<16xi1>, vector<16xi32>
      %reduce_sum3A_1474 = arith.constant true
      %reduce_sum3A_1475 = vector.broadcast %reduce_sum3A_1474 : i1 to vector<16xi1>
      %reduce_sum3A_1476 = tpu.scan <sum>, %select_n3A_1473 masked %reduce_sum3A_1475 : vector<16xi32>, vector<16xi1> -> vector<16xi32>
      %reduce_sum3A_1477 = vector.extract %reduce_sum3A_1476[15] : i32 from vector<16xi32>
      %add3A_1478 = arith.constant 1 : i32
      %add3A_1479 = arith.addi %add3A_1458, %add3A_1478 : i32
      %shift_right_arithmetic3A_1480 = arith.constant 4 : i32
      %shift_right_arithmetic3A_1481 = arith.shrsi %add3A_1479, %shift_right_arithmetic3A_1480 : i32
      %mul3A_1482 = arith.constant 16 : i32
      %mul3A_1483 = arith.muli %shift_right_arithmetic3A_1481, %mul3A_1482 : i32
      %multiple_of3A_1484 = tpu.assume_multiple %mul3A_1483, 16 : i32
      %get3A_1485 = arith.index_cast %multiple_of3A_1484 : i32 to index
      %get3A_1486 = tpu.vector_load %arg11[%get3A_1485] {strides = array<i32>} : memref<256xi32, #tpu.memory_space<vmem>>, vector<16xi32>,
      %iota3A_1487 = tpu.iota {dimensions = array<i32: 0>} : vector<16xi32>
      %and3A_1488 = arith.constant 15 : i32
      %and3A_1489 = arith.andi %add3A_1479, %and3A_1488 : i32
      %eq3A_1490 = vector.broadcast %and3A_1489 : i32 to vector<16xi32>
      %eq3A_1491 = arith.cmpi eq, %iota3A_1487, %eq3A_1490 : vector<16xi32>
      %jit3A_1492 = arith.constant 0 : i32
      %broadcast_in_dim3A_1493 = vector.broadcast %jit3A_1492 : i32 to vector<16xi32>
      %select_n3A_1494 = arith.select %eq3A_1491, %get3A_1486, %broadcast_in_dim3A_1493 : vector<16xi1>, vector<16xi32>
      %reduce_sum3A_1495 = arith.constant true
      %reduce_sum3A_1496 = vector.broadcast %reduce_sum3A_1495 : i1 to vector<16xi1>
      %reduce_sum3A_1497 = tpu.scan <sum>, %select_n3A_1494 masked %reduce_sum3A_1496 : vector<16xi32>, vector<16xi1> -> vector<16xi32>
      %reduce_sum3A_1498 = vector.extract %reduce_sum3A_1497[15] : i32 from vector<16xi32>
      %sub3A_1499 = arith.subi %reduce_sum3A_1498, %reduce_sum3A_1477 : i32
      %sub3A_1500 = arith.constant 16 : i32
      %sub3A_1501 = arith.constant 1 : i32
      %sub3A_1502 = arith.subi %sub3A_1500, %sub3A_1501 : i32
      %add3A_1503 = arith.addi %sub3A_1499, %sub3A_1502 : i32
      %div3A_1504 = arith.constant 16 : i32
      %div3A_1505 = arith.divsi %add3A_1503, %div3A_1504 : i32
      %while3A_1506 = arith.constant 16 : i32
      %while3A_1507 = arith.constant 0 : i32
      %while3A_1508 = arith.subi %div3A_1505, %while3A_1507 : i32
      %while3A_1509 = arith.addi %while3A_1507, %while3A_1508 : i32
      %while3A_1510 = arith.constant 1 : i32
      %while3A_1511 = arith.divsi %while3A_1508, %while3A_1510 : i32
      %while3A_1512 = arith.muli %while3A_1511, %while3A_1510 : i32
      %while3A_1513 = arith.addi %while3A_1507, %while3A_1512 : i32
      %while3A_1514 = arith.constant 1 : i32
      scf.for %while3A_1584 = %while3A_1507 to %while3A_1513 step %while3A_1514  : i32 {
        %mul3A_1585 = arith.muli %while3A_1584, %while3A_1506 : i32
        %add3A_1586 = arith.addi %reduce_sum3A_1477, %mul3A_1585 : i32
        %sub3A_1587 = arith.subi %reduce_sum3A_1498, %add3A_1586 : i32
        %iota3A_1588 = tpu.iota {dimensions = array<i32: 0>} : vector<16xi32>
        %lt3A_1589 = vector.broadcast %sub3A_1587 : i32 to vector<16xi32>
        %lt3A_1590 = arith.cmpi slt, %iota3A_1588, %lt3A_1589 : vector<16xi32>
        %get3A_1591 = arith.index_cast %add3A_1586 : i32 to index
        %get3A_1592 = tpu.vector_load %arg8[%get3A_1591] {strides = array<i32>} : memref<16400xi32, #tpu.memory_space<vmem>>, vector<16xi32>,
        %shift_right_arithmetic3A_1593 = arith.constant 14 : i32
        %shift_right_arithmetic3A_1594 = vector.broadcast %shift_right_arithmetic3A_1593 : i32 to vector<16xi32>
        %shift_right_arithmetic3A_1595 = arith.shrsi %get3A_1592, %shift_right_arithmetic3A_1594 : vector<16xi32>
        %and3A_1596 = arith.constant 4095 : i32
        %and3A_1597 = vector.broadcast %and3A_1596 : i32 to vector<16xi32>
        %and3A_1598 = arith.andi %shift_right_arithmetic3A_1595, %and3A_1597 : vector<16xi32>
        %and3A_1599 = arith.constant 16383 : i32
        %and3A_1600 = vector.broadcast %and3A_1599 : i32 to vector<16xi32>
        %and3A_1601 = arith.andi %get3A_1592, %and3A_1600 : vector<16xi32>
        %gather3A = tpu.vector_load_idx %arg16[%and3A_1598] masked %lt3A_1590 : memref<4096xf32, #tpu.memory_space<vmem>>[vector<16xi32>], vector<16xf32>, vector<16xi1>
        tpu.vector_store_idx %arg17[%and3A_1601], %gather3A masked %lt3A_1590 : memref<16384xf32, #tpu.memory_space<vmem>>[vector<16xi32>], vector<16xf32>, vector<16xi1>
      }
      %while3A_1515 = arith.constant 1 : i32
      scf.for %while3A_1584 = %while3A_1513 to %while3A_1509 step %while3A_1515  : i32 {
        %mul3A_1585 = arith.muli %while3A_1584, %while3A_1506 : i32
        %add3A_1586 = arith.addi %reduce_sum3A_1477, %mul3A_1585 : i32
        %sub3A_1587 = arith.subi %reduce_sum3A_1498, %add3A_1586 : i32
        %iota3A_1588 = tpu.iota {dimensions = array<i32: 0>} : vector<16xi32>
        %lt3A_1589 = vector.broadcast %sub3A_1587 : i32 to vector<16xi32>
        %lt3A_1590 = arith.cmpi slt, %iota3A_1588, %lt3A_1589 : vector<16xi32>
        %get3A_1591 = arith.index_cast %add3A_1586 : i32 to index
        %get3A_1592 = tpu.vector_load %arg8[%get3A_1591] {strides = array<i32>} : memref<16400xi32, #tpu.memory_space<vmem>>, vector<16xi32>,
        %shift_right_arithmetic3A_1593 = arith.constant 14 : i32
        %shift_right_arithmetic3A_1594 = vector.broadcast %shift_right_arithmetic3A_1593 : i32 to vector<16xi32>
        %shift_right_arithmetic3A_1595 = arith.shrsi %get3A_1592, %shift_right_arithmetic3A_1594 : vector<16xi32>
        %and3A_1596 = arith.constant 4095 : i32
        %and3A_1597 = vector.broadcast %and3A_1596 : i32 to vector<16xi32>
        %and3A_1598 = arith.andi %shift_right_arithmetic3A_1595, %and3A_1597 : vector<16xi32>
        %and3A_1599 = arith.constant 16383 : i32
        %and3A_1600 = vector.broadcast %and3A_1599 : i32 to vector<16xi32>
        %and3A_1601 = arith.andi %get3A_1592, %and3A_1600 : vector<16xi32>
        %gather3A = tpu.vector_load_idx %arg16[%and3A_1598] masked %lt3A_1590 : memref<4096xf32, #tpu.memory_space<vmem>>[vector<16xi32>], vector<16xf32>, vector<16xi1>
        tpu.vector_store_idx %arg17[%and3A_1601], %gather3A masked %lt3A_1590 : memref<16384xf32, #tpu.memory_space<vmem>>[vector<16xi32>], vector<16xf32>, vector<16xi1>
      }
      %add3A_1516 = arith.constant 3 : i32
      %add3A_1517 = arith.addi %add3A_1055, %add3A_1516 : i32
      %shift_right_arithmetic3A_1518 = arith.constant 4 : i32
      %shift_right_arithmetic3A_1519 = arith.shrsi %add3A_1517, %shift_right_arithmetic3A_1518 : i32
      %mul3A_1520 = arith.constant 16 : i32
      %mul3A_1521 = arith.muli %shift_right_arithmetic3A_1519, %mul3A_1520 : i32
      %multiple_of3A_1522 = tpu.assume_multiple %mul3A_1521, 16 : i32
      %get3A_1523 = arith.index_cast %multiple_of3A_1522 : i32 to index
      %get3A_1524 = tpu.vector_load %arg12[%get3A_1523] {strides = array<i32>} : memref<256xi32, #tpu.memory_space<vmem>>, vector<16xi32>,
      %iota3A_1525 = tpu.iota {dimensions = array<i32: 0>} : vector<16xi32>
      %and3A_1526 = arith.constant 15 : i32
      %and3A_1527 = arith.andi %add3A_1517, %and3A_1526 : i32
      %eq3A_1528 = vector.broadcast %and3A_1527 : i32 to vector<16xi32>
      %eq3A_1529 = arith.cmpi eq, %iota3A_1525, %eq3A_1528 : vector<16xi32>
      %jit3A_1530 = arith.constant 0 : i32
      %broadcast_in_dim3A_1531 = vector.broadcast %jit3A_1530 : i32 to vector<16xi32>
      %select_n3A_1532 = arith.select %eq3A_1529, %get3A_1524, %broadcast_in_dim3A_1531 : vector<16xi1>, vector<16xi32>
      %reduce_sum3A_1533 = arith.constant true
      %reduce_sum3A_1534 = vector.broadcast %reduce_sum3A_1533 : i1 to vector<16xi1>
      %reduce_sum3A_1535 = tpu.scan <sum>, %select_n3A_1532 masked %reduce_sum3A_1534 : vector<16xi32>, vector<16xi1> -> vector<16xi32>
      %reduce_sum3A_1536 = vector.extract %reduce_sum3A_1535[15] : i32 from vector<16xi32>
      %add3A_1537 = arith.constant 1 : i32
      %add3A_1538 = arith.addi %add3A_1517, %add3A_1537 : i32
      %shift_right_arithmetic3A_1539 = arith.constant 4 : i32
      %shift_right_arithmetic3A_1540 = arith.shrsi %add3A_1538, %shift_right_arithmetic3A_1539 : i32
      %mul3A_1541 = arith.constant 16 : i32
      %mul3A_1542 = arith.muli %shift_right_arithmetic3A_1540, %mul3A_1541 : i32
      %multiple_of3A_1543 = tpu.assume_multiple %mul3A_1542, 16 : i32
      %get3A_1544 = arith.index_cast %multiple_of3A_1543 : i32 to index
      %get3A_1545 = tpu.vector_load %arg12[%get3A_1544] {strides = array<i32>} : memref<256xi32, #tpu.memory_space<vmem>>, vector<16xi32>,
      %iota3A_1546 = tpu.iota {dimensions = array<i32: 0>} : vector<16xi32>
      %and3A_1547 = arith.constant 15 : i32
      %and3A_1548 = arith.andi %add3A_1538, %and3A_1547 : i32
      %eq3A_1549 = vector.broadcast %and3A_1548 : i32 to vector<16xi32>
      %eq3A_1550 = arith.cmpi eq, %iota3A_1546, %eq3A_1549 : vector<16xi32>
      %jit3A_1551 = arith.constant 0 : i32
      %broadcast_in_dim3A_1552 = vector.broadcast %jit3A_1551 : i32 to vector<16xi32>
      %select_n3A_1553 = arith.select %eq3A_1550, %get3A_1545, %broadcast_in_dim3A_1552 : vector<16xi1>, vector<16xi32>
      %reduce_sum3A_1554 = arith.constant true
      %reduce_sum3A_1555 = vector.broadcast %reduce_sum3A_1554 : i1 to vector<16xi1>
      %reduce_sum3A_1556 = tpu.scan <sum>, %select_n3A_1553 masked %reduce_sum3A_1555 : vector<16xi32>, vector<16xi1> -> vector<16xi32>
      %reduce_sum3A_1557 = vector.extract %reduce_sum3A_1556[15] : i32 from vector<16xi32>
      %sub3A_1558 = arith.subi %reduce_sum3A_1557, %reduce_sum3A_1536 : i32
      %sub3A_1559 = arith.constant 16 : i32
      %sub3A_1560 = arith.constant 1 : i32
      %sub3A_1561 = arith.subi %sub3A_1559, %sub3A_1560 : i32
      %add3A_1562 = arith.addi %sub3A_1558, %sub3A_1561 : i32
      %div3A_1563 = arith.constant 16 : i32
      %div3A_1564 = arith.divsi %add3A_1562, %div3A_1563 : i32
      %while3A_1565 = arith.constant 16 : i32
      %while3A_1566 = arith.constant 0 : i32
      %while3A_1567 = arith.subi %div3A_1564, %while3A_1566 : i32
      %while3A_1568 = arith.addi %while3A_1566, %while3A_1567 : i32
      %while3A_1569 = arith.constant 1 : i32
      %while3A_1570 = arith.divsi %while3A_1567, %while3A_1569 : i32
      %while3A_1571 = arith.muli %while3A_1570, %while3A_1569 : i32
      %while3A_1572 = arith.addi %while3A_1566, %while3A_1571 : i32
      %while3A_1573 = arith.constant 1 : i32
      scf.for %while3A_1584 = %while3A_1566 to %while3A_1572 step %while3A_1573  : i32 {
        %mul3A_1585 = arith.muli %while3A_1584, %while3A_1565 : i32
        %add3A_1586 = arith.addi %reduce_sum3A_1536, %mul3A_1585 : i32
        %sub3A_1587 = arith.subi %reduce_sum3A_1557, %add3A_1586 : i32
        %iota3A_1588 = tpu.iota {dimensions = array<i32: 0>} : vector<16xi32>
        %lt3A_1589 = vector.broadcast %sub3A_1587 : i32 to vector<16xi32>
        %lt3A_1590 = arith.cmpi slt, %iota3A_1588, %lt3A_1589 : vector<16xi32>
        %get3A_1591 = arith.index_cast %add3A_1586 : i32 to index
        %get3A_1592 = tpu.vector_load %arg9[%get3A_1591] {strides = array<i32>} : memref<16400xi32, #tpu.memory_space<vmem>>, vector<16xi32>,
        %shift_right_arithmetic3A_1593 = arith.constant 14 : i32
        %shift_right_arithmetic3A_1594 = vector.broadcast %shift_right_arithmetic3A_1593 : i32 to vector<16xi32>
        %shift_right_arithmetic3A_1595 = arith.shrsi %get3A_1592, %shift_right_arithmetic3A_1594 : vector<16xi32>
        %and3A_1596 = arith.constant 4095 : i32
        %and3A_1597 = vector.broadcast %and3A_1596 : i32 to vector<16xi32>
        %and3A_1598 = arith.andi %shift_right_arithmetic3A_1595, %and3A_1597 : vector<16xi32>
        %and3A_1599 = arith.constant 16383 : i32
        %and3A_1600 = vector.broadcast %and3A_1599 : i32 to vector<16xi32>
        %and3A_1601 = arith.andi %get3A_1592, %and3A_1600 : vector<16xi32>
        %gather3A = tpu.vector_load_idx %arg16[%and3A_1598] masked %lt3A_1590 : memref<4096xf32, #tpu.memory_space<vmem>>[vector<16xi32>], vector<16xf32>, vector<16xi1>
        tpu.vector_store_idx %arg18[%and3A_1601], %gather3A masked %lt3A_1590 : memref<16384xf32, #tpu.memory_space<vmem>>[vector<16xi32>], vector<16xf32>, vector<16xi1>
      }
      %while3A_1574 = arith.constant 1 : i32
      scf.for %while3A_1584 = %while3A_1572 to %while3A_1568 step %while3A_1574  : i32 {
        %mul3A_1585 = arith.muli %while3A_1584, %while3A_1565 : i32
        %add3A_1586 = arith.addi %reduce_sum3A_1536, %mul3A_1585 : i32
        %sub3A_1587 = arith.subi %reduce_sum3A_1557, %add3A_1586 : i32
        %iota3A_1588 = tpu.iota {dimensions = array<i32: 0>} : vector<16xi32>
        %lt3A_1589 = vector.broadcast %sub3A_1587 : i32 to vector<16xi32>
        %lt3A_1590 = arith.cmpi slt, %iota3A_1588, %lt3A_1589 : vector<16xi32>
        %get3A_1591 = arith.index_cast %add3A_1586 : i32 to index
        %get3A_1592 = tpu.vector_load %arg9[%get3A_1591] {strides = array<i32>} : memref<16400xi32, #tpu.memory_space<vmem>>, vector<16xi32>,
        %shift_right_arithmetic3A_1593 = arith.constant 14 : i32
        %shift_right_arithmetic3A_1594 = vector.broadcast %shift_right_arithmetic3A_1593 : i32 to vector<16xi32>
        %shift_right_arithmetic3A_1595 = arith.shrsi %get3A_1592, %shift_right_arithmetic3A_1594 : vector<16xi32>
        %and3A_1596 = arith.constant 4095 : i32
        %and3A_1597 = vector.broadcast %and3A_1596 : i32 to vector<16xi32>
        %and3A_1598 = arith.andi %shift_right_arithmetic3A_1595, %and3A_1597 : vector<16xi32>
        %and3A_1599 = arith.constant 16383 : i32
        %and3A_1600 = vector.broadcast %and3A_1599 : i32 to vector<16xi32>
        %and3A_1601 = arith.andi %get3A_1592, %and3A_1600 : vector<16xi32>
        %gather3A = tpu.vector_load_idx %arg16[%and3A_1598] masked %lt3A_1590 : memref<4096xf32, #tpu.memory_space<vmem>>[vector<16xi32>], vector<16xf32>, vector<16xi1>
        tpu.vector_store_idx %arg18[%and3A_1601], %gather3A masked %lt3A_1590 : memref<16384xf32, #tpu.memory_space<vmem>>[vector<16xi32>], vector<16xf32>, vector<16xi1>
      }
      %add3A_1575 = arith.constant 3 : i32
      %add3A_1576 = arith.addi %add3A_1055, %add3A_1575 : i32
      %add3A_1577 = arith.constant 4 : i32
      %add3A_1578 = arith.addi %add3A_1576, %add3A_1577 : i32
      %lt3A_1579 = arith.constant 244 : i32
      %lt3A_1580 = arith.cmpi slt, %add3A_1578, %lt3A_1579 : i32
      %convert_element_type3A_1581 = arith.extui %lt3A_1580 : i1 to i32
      %cond3A_1582 = arith.constant 0 : i32
      %cond3A_1583 = arith.cmpi ne, %convert_element_type3A_1581, %cond3A_1582 : i32
      scf.if %cond3A_1583 {
        %add3A_1584 = arith.constant 3 : i32
        %add3A_1585 = arith.addi %add3A_1055, %add3A_1584 : i32
        %add3A_1586 = arith.constant 4 : i32
        %add3A_1587 = arith.addi %add3A_1585, %add3A_1586 : i32
        %mul3A_1588 = arith.constant 4096 : i32
        %mul3A_1589 = arith.muli %add3A_1587, %mul3A_1588 : i32
        %dma_start3A_1590 = tpu.memref_slice %arg3[%add3A_901, %mul3A_1589] : memref<64x1000000xf32, #tpu.memory_space<hbm>> -> memref<1x4096xf32, #tpu.memory_space<hbm>>
        %dma_start3A_1591 = tpu.memref_squeeze %dma_start3A_1590 : memref<1x4096xf32, #tpu.memory_space<hbm>> -> memref<4096xf32, #tpu.memory_space<hbm>>
        %dma_start3A_1592 = tpu.memref_slice %arg3[%add3A_901, %mul3A_1589] : memref<64x1000000xf32, #tpu.memory_space<hbm>> -> memref<1x4096xf32, #tpu.memory_space<hbm>>
        %dma_start3A_1593 = tpu.memref_squeeze %dma_start3A_1592 : memref<1x4096xf32, #tpu.memory_space<hbm>> -> memref<4096xf32, #tpu.memory_space<hbm>>
        tpu.enqueue_dma source(%dma_start3A_1593 : memref<4096xf32, #tpu.memory_space<hbm>>) target(%arg16 : memref<4096xf32, #tpu.memory_space<vmem>>) target_semaphore(%arg22 : memref<!tpu.dma_semaphore, #tpu.memory_space<semaphore_mem>>)
      } else {
      }
    }
    %scan3A_930 = arith.constant 61 : i32
    "tpu.region"() ({
      %run_scoped3A_1051 = tpu.sem_alloc : memref<!tpu.dma_semaphore, #tpu.memory_space<semaphore_mem>>
      %dma_start3A_1052 = arith.constant 0 : i32
      %dma_start3A_1053 = tpu.memref_slice %arg13[%dma_start3A_1052] : memref<4096xf32, #tpu.memory_space<vmem>> -> memref<512xf32, #tpu.memory_space<vmem>>
      %dma_start3A_1054 = arith.constant 999424 : i32
      %dma_start3A_1055 = tpu.memref_slice %arg3[%add3A_901, %dma_start3A_1054] : memref<64x1000000xf32, #tpu.memory_space<hbm>> -> memref<1x512xf32, #tpu.memory_space<hbm>>
      %dma_start3A_1056 = tpu.memref_squeeze %dma_start3A_1055 : memref<1x512xf32, #tpu.memory_space<hbm>> -> memref<512xf32, #tpu.memory_space<hbm>>
      %dma_start3A_1057 = arith.constant 0 : i32
      %dma_start3A_1058 = tpu.memref_slice %arg13[%dma_start3A_1057] : memref<4096xf32, #tpu.memory_space<vmem>> -> memref<512xf32, #tpu.memory_space<vmem>>
      %dma_start3A_1059 = arith.constant 999424 : i32
      %dma_start3A_1060 = tpu.memref_slice %arg3[%add3A_901, %dma_start3A_1059] : memref<64x1000000xf32, #tpu.memory_space<hbm>> -> memref<1x512xf32, #tpu.memory_space<hbm>>
      %dma_start3A_1061 = tpu.memref_squeeze %dma_start3A_1060 : memref<1x512xf32, #tpu.memory_space<hbm>> -> memref<512xf32, #tpu.memory_space<hbm>>
      tpu.enqueue_dma source(%dma_start3A_1061 : memref<512xf32, #tpu.memory_space<hbm>>) target(%dma_start3A_1058 : memref<512xf32, #tpu.memory_space<vmem>>) target_semaphore(%run_scoped3A_1051 : memref<!tpu.dma_semaphore, #tpu.memory_space<semaphore_mem>>)
      %dma_wait3A = arith.constant 0 : i32
      %dma_wait3A_1062 = tpu.memref_slice %arg13[%dma_wait3A] : memref<4096xf32, #tpu.memory_space<vmem>> -> memref<512xf32, #tpu.memory_space<vmem>>
      %dma_wait3A_1063 = arith.constant 999424 : i32
      %dma_wait3A_1064 = tpu.memref_slice %arg3[%add3A_901, %dma_wait3A_1063] : memref<64x1000000xf32, #tpu.memory_space<hbm>> -> memref<1x512xf32, #tpu.memory_space<hbm>>
      %dma_wait3A_1065 = tpu.memref_squeeze %dma_wait3A_1064 : memref<1x512xf32, #tpu.memory_space<hbm>> -> memref<512xf32, #tpu.memory_space<hbm>>
      %dma_wait3A_1066 = arith.constant 0 : i32
      %dma_wait3A_1067 = tpu.memref_slice %arg13[%dma_wait3A_1066] : memref<4096xf32, #tpu.memory_space<vmem>> -> memref<512xf32, #tpu.memory_space<vmem>>
      %dma_wait3A_1068 = arith.constant 999424 : i32
      %dma_wait3A_1069 = tpu.memref_slice %arg3[%add3A_901, %dma_wait3A_1068] : memref<64x1000000xf32, #tpu.memory_space<hbm>> -> memref<1x512xf32, #tpu.memory_space<hbm>>
      %dma_wait3A_1070 = tpu.memref_squeeze %dma_wait3A_1069 : memref<1x512xf32, #tpu.memory_space<hbm>> -> memref<512xf32, #tpu.memory_space<hbm>>
      tpu.wait_dma2 semaphore(%run_scoped3A_1051 : memref<!tpu.dma_semaphore, #tpu.memory_space<semaphore_mem>>) src(%dma_wait3A_1070 : memref<512xf32, #tpu.memory_space<hbm>>) dst(%dma_wait3A_1067 : memref<512xf32, #tpu.memory_space<vmem>>)
      tpu.yield
    }) : () -> ()
    "tpu.region"() ({
      %run_scoped3A_1051 = tpu.sem_alloc : memref<!tpu.dma_semaphore, #tpu.memory_space<semaphore_mem>>
      %dma_start3A_1052 = arith.constant 512 : i32
      %dma_start3A_1053 = tpu.memref_slice %arg13[%dma_start3A_1052] : memref<4096xf32, #tpu.memory_space<vmem>> -> memref<128xf32, #tpu.memory_space<vmem>>
      %dma_start3A_1054 = arith.constant 0 : i32
      %dma_start3A_1055 = tpu.memref_slice %arg4[%add3A_901, %dma_start3A_1054] : memref<64x128xf32, #tpu.memory_space<hbm>> -> memref<1x128xf32, #tpu.memory_space<hbm>>
      %dma_start3A_1056 = tpu.memref_squeeze %dma_start3A_1055 : memref<1x128xf32, #tpu.memory_space<hbm>> -> memref<128xf32, #tpu.memory_space<hbm>>
      %dma_start3A_1057 = arith.constant 512 : i32
      %dma_start3A_1058 = tpu.memref_slice %arg13[%dma_start3A_1057] : memref<4096xf32, #tpu.memory_space<vmem>> -> memref<128xf32, #tpu.memory_space<vmem>>
      %dma_start3A_1059 = arith.constant 0 : i32
      %dma_start3A_1060 = tpu.memref_slice %arg4[%add3A_901, %dma_start3A_1059] : memref<64x128xf32, #tpu.memory_space<hbm>> -> memref<1x128xf32, #tpu.memory_space<hbm>>
      %dma_start3A_1061 = tpu.memref_squeeze %dma_start3A_1060 : memref<1x128xf32, #tpu.memory_space<hbm>> -> memref<128xf32, #tpu.memory_space<hbm>>
      tpu.enqueue_dma source(%dma_start3A_1061 : memref<128xf32, #tpu.memory_space<hbm>>) target(%dma_start3A_1058 : memref<128xf32, #tpu.memory_space<vmem>>) target_semaphore(%run_scoped3A_1051 : memref<!tpu.dma_semaphore, #tpu.memory_space<semaphore_mem>>)
      %dma_wait3A = arith.constant 512 : i32
      %dma_wait3A_1062 = tpu.memref_slice %arg13[%dma_wait3A] : memref<4096xf32, #tpu.memory_space<vmem>> -> memref<128xf32, #tpu.memory_space<vmem>>
      %dma_wait3A_1063 = arith.constant 0 : i32
      %dma_wait3A_1064 = tpu.memref_slice %arg4[%add3A_901, %dma_wait3A_1063] : memref<64x128xf32, #tpu.memory_space<hbm>> -> memref<1x128xf32, #tpu.memory_space<hbm>>
      %dma_wait3A_1065 = tpu.memref_squeeze %dma_wait3A_1064 : memref<1x128xf32, #tpu.memory_space<hbm>> -> memref<128xf32, #tpu.memory_space<hbm>>
      %dma_wait3A_1066 = arith.constant 512 : i32
      %dma_wait3A_1067 = tpu.memref_slice %arg13[%dma_wait3A_1066] : memref<4096xf32, #tpu.memory_space<vmem>> -> memref<128xf32, #tpu.memory_space<vmem>>
      %dma_wait3A_1068 = arith.constant 0 : i32
      %dma_wait3A_1069 = tpu.memref_slice %arg4[%add3A_901, %dma_wait3A_1068] : memref<64x128xf32, #tpu.memory_space<hbm>> -> memref<1x128xf32, #tpu.memory_space<hbm>>
      %dma_wait3A_1070 = tpu.memref_squeeze %dma_wait3A_1069 : memref<1x128xf32, #tpu.memory_space<hbm>> -> memref<128xf32, #tpu.memory_space<hbm>>
      tpu.wait_dma2 semaphore(%run_scoped3A_1051 : memref<!tpu.dma_semaphore, #tpu.memory_space<semaphore_mem>>) src(%dma_wait3A_1070 : memref<128xf32, #tpu.memory_space<hbm>>) dst(%dma_wait3A_1067 : memref<128xf32, #tpu.memory_space<vmem>>)
      tpu.yield
    }) : () -> ()
    %shift_right_arithmetic3A_931 = arith.constant 244 : i32
    %shift_right_arithmetic3A_932 = arith.constant 4 : i32
    %shift_right_arithmetic3A_933 = arith.shrsi %shift_right_arithmetic3A_931, %shift_right_arithmetic3A_932 : i32
    %mul3A_934 = arith.constant 16 : i32
    %mul3A_935 = arith.muli %shift_right_arithmetic3A_933, %mul3A_934 : i32
    %multiple_of3A_936 = tpu.assume_multiple %mul3A_935, 16 : i32
    %get3A_937 = arith.index_cast %multiple_of3A_936 : i32 to index
    %get3A_938 = tpu.vector_load %arg11[%get3A_937] {strides = array<i32>} : memref<256xi32, #tpu.memory_space<vmem>>, vector<16xi32>,
    %iota3A_939 = tpu.iota {dimensions = array<i32: 0>} : vector<16xi32>
    %and3A_940 = arith.constant 244 : i32
    %and3A_941 = arith.constant 15 : i32
    %and3A_942 = arith.andi %and3A_940, %and3A_941 : i32
    %eq3A_943 = vector.broadcast %and3A_942 : i32 to vector<16xi32>
    %eq3A_944 = arith.cmpi eq, %iota3A_939, %eq3A_943 : vector<16xi32>
    %jit3A_945 = arith.constant 0 : i32
    %broadcast_in_dim3A_946 = vector.broadcast %jit3A_945 : i32 to vector<16xi32>
    %select_n3A_947 = arith.select %eq3A_944, %get3A_938, %broadcast_in_dim3A_946 : vector<16xi1>, vector<16xi32>
    %reduce_sum3A_948 = arith.constant true
    %reduce_sum3A_949 = vector.broadcast %reduce_sum3A_948 : i1 to vector<16xi1>
    %reduce_sum3A_950 = tpu.scan <sum>, %select_n3A_947 masked %reduce_sum3A_949 : vector<16xi32>, vector<16xi1> -> vector<16xi32>
    %reduce_sum3A_951 = vector.extract %reduce_sum3A_950[15] : i32 from vector<16xi32>
    %shift_right_arithmetic3A_952 = arith.constant 245 : i32
    %shift_right_arithmetic3A_953 = arith.constant 4 : i32
    %shift_right_arithmetic3A_954 = arith.shrsi %shift_right_arithmetic3A_952, %shift_right_arithmetic3A_953 : i32
    %mul3A_955 = arith.constant 16 : i32
    %mul3A_956 = arith.muli %shift_right_arithmetic3A_954, %mul3A_955 : i32
    %multiple_of3A_957 = tpu.assume_multiple %mul3A_956, 16 : i32
    %get3A_958 = arith.index_cast %multiple_of3A_957 : i32 to index
    %get3A_959 = tpu.vector_load %arg11[%get3A_958] {strides = array<i32>} : memref<256xi32, #tpu.memory_space<vmem>>, vector<16xi32>,
    %iota3A_960 = tpu.iota {dimensions = array<i32: 0>} : vector<16xi32>
    %and3A_961 = arith.constant 245 : i32
    %and3A_962 = arith.constant 15 : i32
    %and3A_963 = arith.andi %and3A_961, %and3A_962 : i32
    %eq3A_964 = vector.broadcast %and3A_963 : i32 to vector<16xi32>
    %eq3A_965 = arith.cmpi eq, %iota3A_960, %eq3A_964 : vector<16xi32>
    %jit3A_966 = arith.constant 0 : i32
    %broadcast_in_dim3A_967 = vector.broadcast %jit3A_966 : i32 to vector<16xi32>
    %select_n3A_968 = arith.select %eq3A_965, %get3A_959, %broadcast_in_dim3A_967 : vector<16xi1>, vector<16xi32>
    %reduce_sum3A_969 = arith.constant true
    %reduce_sum3A_970 = vector.broadcast %reduce_sum3A_969 : i1 to vector<16xi1>
    %reduce_sum3A_971 = tpu.scan <sum>, %select_n3A_968 masked %reduce_sum3A_970 : vector<16xi32>, vector<16xi1> -> vector<16xi32>
    %reduce_sum3A_972 = vector.extract %reduce_sum3A_971[15] : i32 from vector<16xi32>
    %sub3A_973 = arith.subi %reduce_sum3A_972, %reduce_sum3A_951 : i32
    %sub3A_974 = arith.constant 16 : i32
    %sub3A_975 = arith.constant 1 : i32
    %sub3A_976 = arith.subi %sub3A_974, %sub3A_975 : i32
    %add3A_977 = arith.addi %sub3A_973, %sub3A_976 : i32
    %div3A_978 = arith.constant 16 : i32
    %div3A_979 = arith.divsi %add3A_977, %div3A_978 : i32
    %while3A_980 = arith.constant 16 : i32
    %while3A_981 = arith.constant 0 : i32
    %while3A_982 = arith.subi %div3A_979, %while3A_981 : i32
    %while3A_983 = arith.addi %while3A_981, %while3A_982 : i32
    %while3A_984 = arith.constant 1 : i32
    %while3A_985 = arith.divsi %while3A_982, %while3A_984 : i32
    %while3A_986 = arith.muli %while3A_985, %while3A_984 : i32
    %while3A_987 = arith.addi %while3A_981, %while3A_986 : i32
    %while3A_988 = arith.constant 1 : i32
    scf.for %while3A_1051 = %while3A_981 to %while3A_987 step %while3A_988  : i32 {
      %mul3A_1052 = arith.muli %while3A_1051, %while3A_980 : i32
      %add3A_1053 = arith.addi %reduce_sum3A_951, %mul3A_1052 : i32
      %sub3A_1054 = arith.subi %reduce_sum3A_972, %add3A_1053 : i32
      %iota3A_1055 = tpu.iota {dimensions = array<i32: 0>} : vector<16xi32>
      %lt3A = vector.broadcast %sub3A_1054 : i32 to vector<16xi32>
      %lt3A_1056 = arith.cmpi slt, %iota3A_1055, %lt3A : vector<16xi32>
      %get3A_1057 = arith.index_cast %add3A_1053 : i32 to index
      %get3A_1058 = tpu.vector_load %arg8[%get3A_1057] {strides = array<i32>} : memref<16400xi32, #tpu.memory_space<vmem>>, vector<16xi32>,
      %shift_right_arithmetic3A_1059 = arith.constant 14 : i32
      %shift_right_arithmetic3A_1060 = vector.broadcast %shift_right_arithmetic3A_1059 : i32 to vector<16xi32>
      %shift_right_arithmetic3A_1061 = arith.shrsi %get3A_1058, %shift_right_arithmetic3A_1060 : vector<16xi32>
      %and3A_1062 = arith.constant 4095 : i32
      %and3A_1063 = vector.broadcast %and3A_1062 : i32 to vector<16xi32>
      %and3A_1064 = arith.andi %shift_right_arithmetic3A_1061, %and3A_1063 : vector<16xi32>
      %and3A_1065 = arith.constant 16383 : i32
      %and3A_1066 = vector.broadcast %and3A_1065 : i32 to vector<16xi32>
      %and3A_1067 = arith.andi %get3A_1058, %and3A_1066 : vector<16xi32>
      %gather3A = tpu.vector_load_idx %arg13[%and3A_1064] masked %lt3A_1056 : memref<4096xf32, #tpu.memory_space<vmem>>[vector<16xi32>], vector<16xf32>, vector<16xi1>
      tpu.vector_store_idx %arg17[%and3A_1067], %gather3A masked %lt3A_1056 : memref<16384xf32, #tpu.memory_space<vmem>>[vector<16xi32>], vector<16xf32>, vector<16xi1>
    }
    %while3A_989 = arith.constant 1 : i32
    scf.for %while3A_1051 = %while3A_987 to %while3A_983 step %while3A_989  : i32 {
      %mul3A_1052 = arith.muli %while3A_1051, %while3A_980 : i32
      %add3A_1053 = arith.addi %reduce_sum3A_951, %mul3A_1052 : i32
      %sub3A_1054 = arith.subi %reduce_sum3A_972, %add3A_1053 : i32
      %iota3A_1055 = tpu.iota {dimensions = array<i32: 0>} : vector<16xi32>
      %lt3A = vector.broadcast %sub3A_1054 : i32 to vector<16xi32>
      %lt3A_1056 = arith.cmpi slt, %iota3A_1055, %lt3A : vector<16xi32>
      %get3A_1057 = arith.index_cast %add3A_1053 : i32 to index
      %get3A_1058 = tpu.vector_load %arg8[%get3A_1057] {strides = array<i32>} : memref<16400xi32, #tpu.memory_space<vmem>>, vector<16xi32>,
      %shift_right_arithmetic3A_1059 = arith.constant 14 : i32
      %shift_right_arithmetic3A_1060 = vector.broadcast %shift_right_arithmetic3A_1059 : i32 to vector<16xi32>
      %shift_right_arithmetic3A_1061 = arith.shrsi %get3A_1058, %shift_right_arithmetic3A_1060 : vector<16xi32>
      %and3A_1062 = arith.constant 4095 : i32
      %and3A_1063 = vector.broadcast %and3A_1062 : i32 to vector<16xi32>
      %and3A_1064 = arith.andi %shift_right_arithmetic3A_1061, %and3A_1063 : vector<16xi32>
      %and3A_1065 = arith.constant 16383 : i32
      %and3A_1066 = vector.broadcast %and3A_1065 : i32 to vector<16xi32>
      %and3A_1067 = arith.andi %get3A_1058, %and3A_1066 : vector<16xi32>
      %gather3A = tpu.vector_load_idx %arg13[%and3A_1064] masked %lt3A_1056 : memref<4096xf32, #tpu.memory_space<vmem>>[vector<16xi32>], vector<16xf32>, vector<16xi1>
      tpu.vector_store_idx %arg17[%and3A_1067], %gather3A masked %lt3A_1056 : memref<16384xf32, #tpu.memory_space<vmem>>[vector<16xi32>], vector<16xf32>, vector<16xi1>
    }
    %shift_right_arithmetic3A_990 = arith.constant 244 : i32
    %shift_right_arithmetic3A_991 = arith.constant 4 : i32
    %shift_right_arithmetic3A_992 = arith.shrsi %shift_right_arithmetic3A_990, %shift_right_arithmetic3A_991 : i32
    %mul3A_993 = arith.constant 16 : i32
    %mul3A_994 = arith.muli %shift_right_arithmetic3A_992, %mul3A_993 : i32
    %multiple_of3A_995 = tpu.assume_multiple %mul3A_994, 16 : i32
    %get3A_996 = arith.index_cast %multiple_of3A_995 : i32 to index
    %get3A_997 = tpu.vector_load %arg12[%get3A_996] {strides = array<i32>} : memref<256xi32, #tpu.memory_space<vmem>>, vector<16xi32>,
    %iota3A_998 = tpu.iota {dimensions = array<i32: 0>} : vector<16xi32>
    %and3A_999 = arith.constant 244 : i32
    %and3A_1000 = arith.constant 15 : i32
    %and3A_1001 = arith.andi %and3A_999, %and3A_1000 : i32
    %eq3A_1002 = vector.broadcast %and3A_1001 : i32 to vector<16xi32>
    %eq3A_1003 = arith.cmpi eq, %iota3A_998, %eq3A_1002 : vector<16xi32>
    %jit3A_1004 = arith.constant 0 : i32
    %broadcast_in_dim3A_1005 = vector.broadcast %jit3A_1004 : i32 to vector<16xi32>
    %select_n3A_1006 = arith.select %eq3A_1003, %get3A_997, %broadcast_in_dim3A_1005 : vector<16xi1>, vector<16xi32>
    %reduce_sum3A_1007 = arith.constant true
    %reduce_sum3A_1008 = vector.broadcast %reduce_sum3A_1007 : i1 to vector<16xi1>
    %reduce_sum3A_1009 = tpu.scan <sum>, %select_n3A_1006 masked %reduce_sum3A_1008 : vector<16xi32>, vector<16xi1> -> vector<16xi32>
    %reduce_sum3A_1010 = vector.extract %reduce_sum3A_1009[15] : i32 from vector<16xi32>
    %shift_right_arithmetic3A_1011 = arith.constant 245 : i32
    %shift_right_arithmetic3A_1012 = arith.constant 4 : i32
    %shift_right_arithmetic3A_1013 = arith.shrsi %shift_right_arithmetic3A_1011, %shift_right_arithmetic3A_1012 : i32
    %mul3A_1014 = arith.constant 16 : i32
    %mul3A_1015 = arith.muli %shift_right_arithmetic3A_1013, %mul3A_1014 : i32
    %multiple_of3A_1016 = tpu.assume_multiple %mul3A_1015, 16 : i32
    %get3A_1017 = arith.index_cast %multiple_of3A_1016 : i32 to index
    %get3A_1018 = tpu.vector_load %arg12[%get3A_1017] {strides = array<i32>} : memref<256xi32, #tpu.memory_space<vmem>>, vector<16xi32>,
    %iota3A_1019 = tpu.iota {dimensions = array<i32: 0>} : vector<16xi32>
    %and3A_1020 = arith.constant 245 : i32
    %and3A_1021 = arith.constant 15 : i32
    %and3A_1022 = arith.andi %and3A_1020, %and3A_1021 : i32
    %eq3A_1023 = vector.broadcast %and3A_1022 : i32 to vector<16xi32>
    %eq3A_1024 = arith.cmpi eq, %iota3A_1019, %eq3A_1023 : vector<16xi32>
    %jit3A_1025 = arith.constant 0 : i32
    %broadcast_in_dim3A_1026 = vector.broadcast %jit3A_1025 : i32 to vector<16xi32>
    %select_n3A_1027 = arith.select %eq3A_1024, %get3A_1018, %broadcast_in_dim3A_1026 : vector<16xi1>, vector<16xi32>
    %reduce_sum3A_1028 = arith.constant true
    %reduce_sum3A_1029 = vector.broadcast %reduce_sum3A_1028 : i1 to vector<16xi1>
    %reduce_sum3A_1030 = tpu.scan <sum>, %select_n3A_1027 masked %reduce_sum3A_1029 : vector<16xi32>, vector<16xi1> -> vector<16xi32>
    %reduce_sum3A_1031 = vector.extract %reduce_sum3A_1030[15] : i32 from vector<16xi32>
    %sub3A_1032 = arith.subi %reduce_sum3A_1031, %reduce_sum3A_1010 : i32
    %sub3A_1033 = arith.constant 16 : i32
    %sub3A_1034 = arith.constant 1 : i32
    %sub3A_1035 = arith.subi %sub3A_1033, %sub3A_1034 : i32
    %add3A_1036 = arith.addi %sub3A_1032, %sub3A_1035 : i32
    %div3A_1037 = arith.constant 16 : i32
    %div3A_1038 = arith.divsi %add3A_1036, %div3A_1037 : i32
    %while3A_1039 = arith.constant 16 : i32
    %while3A_1040 = arith.constant 0 : i32
    %while3A_1041 = arith.subi %div3A_1038, %while3A_1040 : i32
    %while3A_1042 = arith.addi %while3A_1040, %while3A_1041 : i32
    %while3A_1043 = arith.constant 1 : i32
    %while3A_1044 = arith.divsi %while3A_1041, %while3A_1043 : i32
    %while3A_1045 = arith.muli %while3A_1044, %while3A_1043 : i32
    %while3A_1046 = arith.addi %while3A_1040, %while3A_1045 : i32
    %while3A_1047 = arith.constant 1 : i32
    scf.for %while3A_1051 = %while3A_1040 to %while3A_1046 step %while3A_1047  : i32 {
      %mul3A_1052 = arith.muli %while3A_1051, %while3A_1039 : i32
      %add3A_1053 = arith.addi %reduce_sum3A_1010, %mul3A_1052 : i32
      %sub3A_1054 = arith.subi %reduce_sum3A_1031, %add3A_1053 : i32
      %iota3A_1055 = tpu.iota {dimensions = array<i32: 0>} : vector<16xi32>
      %lt3A = vector.broadcast %sub3A_1054 : i32 to vector<16xi32>
      %lt3A_1056 = arith.cmpi slt, %iota3A_1055, %lt3A : vector<16xi32>
      %get3A_1057 = arith.index_cast %add3A_1053 : i32 to index
      %get3A_1058 = tpu.vector_load %arg9[%get3A_1057] {strides = array<i32>} : memref<16400xi32, #tpu.memory_space<vmem>>, vector<16xi32>,
      %shift_right_arithmetic3A_1059 = arith.constant 14 : i32
      %shift_right_arithmetic3A_1060 = vector.broadcast %shift_right_arithmetic3A_1059 : i32 to vector<16xi32>
      %shift_right_arithmetic3A_1061 = arith.shrsi %get3A_1058, %shift_right_arithmetic3A_1060 : vector<16xi32>
      %and3A_1062 = arith.constant 4095 : i32
      %and3A_1063 = vector.broadcast %and3A_1062 : i32 to vector<16xi32>
      %and3A_1064 = arith.andi %shift_right_arithmetic3A_1061, %and3A_1063 : vector<16xi32>
      %and3A_1065 = arith.constant 16383 : i32
      %and3A_1066 = vector.broadcast %and3A_1065 : i32 to vector<16xi32>
      %and3A_1067 = arith.andi %get3A_1058, %and3A_1066 : vector<16xi32>
      %gather3A = tpu.vector_load_idx %arg13[%and3A_1064] masked %lt3A_1056 : memref<4096xf32, #tpu.memory_space<vmem>>[vector<16xi32>], vector<16xf32>, vector<16xi1>
      tpu.vector_store_idx %arg18[%and3A_1067], %gather3A masked %lt3A_1056 : memref<16384xf32, #tpu.memory_space<vmem>>[vector<16xi32>], vector<16xf32>, vector<16xi1>
    }
    %while3A_1048 = arith.constant 1 : i32
    scf.for %while3A_1051 = %while3A_1046 to %while3A_1042 step %while3A_1048  : i32 {
      %mul3A_1052 = arith.muli %while3A_1051, %while3A_1039 : i32
      %add3A_1053 = arith.addi %reduce_sum3A_1010, %mul3A_1052 : i32
      %sub3A_1054 = arith.subi %reduce_sum3A_1031, %add3A_1053 : i32
      %iota3A_1055 = tpu.iota {dimensions = array<i32: 0>} : vector<16xi32>
      %lt3A = vector.broadcast %sub3A_1054 : i32 to vector<16xi32>
      %lt3A_1056 = arith.cmpi slt, %iota3A_1055, %lt3A : vector<16xi32>
      %get3A_1057 = arith.index_cast %add3A_1053 : i32 to index
      %get3A_1058 = tpu.vector_load %arg9[%get3A_1057] {strides = array<i32>} : memref<16400xi32, #tpu.memory_space<vmem>>, vector<16xi32>,
      %shift_right_arithmetic3A_1059 = arith.constant 14 : i32
      %shift_right_arithmetic3A_1060 = vector.broadcast %shift_right_arithmetic3A_1059 : i32 to vector<16xi32>
      %shift_right_arithmetic3A_1061 = arith.shrsi %get3A_1058, %shift_right_arithmetic3A_1060 : vector<16xi32>
      %and3A_1062 = arith.constant 4095 : i32
      %and3A_1063 = vector.broadcast %and3A_1062 : i32 to vector<16xi32>
      %and3A_1064 = arith.andi %shift_right_arithmetic3A_1061, %and3A_1063 : vector<16xi32>
      %and3A_1065 = arith.constant 16383 : i32
      %and3A_1066 = vector.broadcast %and3A_1065 : i32 to vector<16xi32>
      %and3A_1067 = arith.andi %get3A_1058, %and3A_1066 : vector<16xi32>
      %gather3A = tpu.vector_load_idx %arg13[%and3A_1064] masked %lt3A_1056 : memref<4096xf32, #tpu.memory_space<vmem>>[vector<16xi32>], vector<16xf32>, vector<16xi1>
      tpu.vector_store_idx %arg18[%and3A_1067], %gather3A masked %lt3A_1056 : memref<16384xf32, #tpu.memory_space<vmem>>[vector<16xi32>], vector<16xf32>, vector<16xi1>
    }
    "tpu.region"() ({
      %run_scoped3A_1051 = tpu.sem_alloc : memref<!tpu.dma_semaphore, #tpu.memory_space<semaphore_mem>>
      %dma_start3A_1052 = arith.constant 0 : i32
      %dma_start3A_1053 = tpu.memref_slice %arg5[%add3A_901, %dma_start3A_1052] : memref<128x16384xf32, #tpu.memory_space<hbm>> -> memref<1x16384xf32, #tpu.memory_space<hbm>>
      %dma_start3A_1054 = tpu.memref_squeeze %dma_start3A_1053 : memref<1x16384xf32, #tpu.memory_space<hbm>> -> memref<16384xf32, #tpu.memory_space<hbm>>
      %dma_start3A_1055 = arith.constant 0 : i32
      %dma_start3A_1056 = tpu.memref_slice %arg5[%add3A_901, %dma_start3A_1055] : memref<128x16384xf32, #tpu.memory_space<hbm>> -> memref<1x16384xf32, #tpu.memory_space<hbm>>
      %dma_start3A_1057 = tpu.memref_squeeze %dma_start3A_1056 : memref<1x16384xf32, #tpu.memory_space<hbm>> -> memref<16384xf32, #tpu.memory_space<hbm>>
      tpu.enqueue_dma source(%arg17 : memref<16384xf32, #tpu.memory_space<vmem>>) target(%dma_start3A_1057 : memref<16384xf32, #tpu.memory_space<hbm>>) target_semaphore(%run_scoped3A_1051 : memref<!tpu.dma_semaphore, #tpu.memory_space<semaphore_mem>>)
      %dma_wait3A = arith.constant 0 : i32
      %dma_wait3A_1058 = tpu.memref_slice %arg5[%add3A_901, %dma_wait3A] : memref<128x16384xf32, #tpu.memory_space<hbm>> -> memref<1x16384xf32, #tpu.memory_space<hbm>>
      %dma_wait3A_1059 = tpu.memref_squeeze %dma_wait3A_1058 : memref<1x16384xf32, #tpu.memory_space<hbm>> -> memref<16384xf32, #tpu.memory_space<hbm>>
      %dma_wait3A_1060 = arith.constant 0 : i32
      %dma_wait3A_1061 = tpu.memref_slice %arg5[%add3A_901, %dma_wait3A_1060] : memref<128x16384xf32, #tpu.memory_space<hbm>> -> memref<1x16384xf32, #tpu.memory_space<hbm>>
      %dma_wait3A_1062 = tpu.memref_squeeze %dma_wait3A_1061 : memref<1x16384xf32, #tpu.memory_space<hbm>> -> memref<16384xf32, #tpu.memory_space<hbm>>
      tpu.wait_dma2 semaphore(%run_scoped3A_1051 : memref<!tpu.dma_semaphore, #tpu.memory_space<semaphore_mem>>) src(%arg17 : memref<16384xf32, #tpu.memory_space<vmem>>) dst(%dma_wait3A_1062 : memref<16384xf32, #tpu.memory_space<hbm>>)
      tpu.yield
    }) : () -> ()
    %add3A_1049 = arith.constant 64 : i32
    %add3A_1050 = arith.addi %add3A_1049, %add3A_901 : i32
    "tpu.region"() ({
      %run_scoped3A_1051 = tpu.sem_alloc : memref<!tpu.dma_semaphore, #tpu.memory_space<semaphore_mem>>
      %dma_start3A_1052 = arith.constant 0 : i32
      %dma_start3A_1053 = tpu.memref_slice %arg5[%add3A_1050, %dma_start3A_1052] : memref<128x16384xf32, #tpu.memory_space<hbm>> -> memref<1x16384xf32, #tpu.memory_space<hbm>>
      %dma_start3A_1054 = tpu.memref_squeeze %dma_start3A_1053 : memref<1x16384xf32, #tpu.memory_space<hbm>> -> memref<16384xf32, #tpu.memory_space<hbm>>
      %dma_start3A_1055 = arith.constant 0 : i32
      %dma_start3A_1056 = tpu.memref_slice %arg5[%add3A_1050, %dma_start3A_1055] : memref<128x16384xf32, #tpu.memory_space<hbm>> -> memref<1x16384xf32, #tpu.memory_space<hbm>>
      %dma_start3A_1057 = tpu.memref_squeeze %dma_start3A_1056 : memref<1x16384xf32, #tpu.memory_space<hbm>> -> memref<16384xf32, #tpu.memory_space<hbm>>
      tpu.enqueue_dma source(%arg18 : memref<16384xf32, #tpu.memory_space<vmem>>) target(%dma_start3A_1057 : memref<16384xf32, #tpu.memory_space<hbm>>) target_semaphore(%run_scoped3A_1051 : memref<!tpu.dma_semaphore, #tpu.memory_space<semaphore_mem>>)
      %dma_wait3A = arith.constant 0 : i32
      %dma_wait3A_1058 = tpu.memref_slice %arg5[%add3A_1050, %dma_wait3A] : memref<128x16384xf32, #tpu.memory_space<hbm>> -> memref<1x16384xf32, #tpu.memory_space<hbm>>
      %dma_wait3A_1059 = tpu.memref_squeeze %dma_wait3A_1058 : memref<1x16384xf32, #tpu.memory_space<hbm>> -> memref<16384xf32, #tpu.memory_space<hbm>>
      %dma_wait3A_1060 = arith.constant 0 : i32
      %dma_wait3A_1061 = tpu.memref_slice %arg5[%add3A_1050, %dma_wait3A_1060] : memref<128x16384xf32, #tpu.memory_space<hbm>> -> memref<1x16384xf32, #tpu.memory_space<hbm>>
      %dma_wait3A_1062 = tpu.memref_squeeze %dma_wait3A_1061 : memref<1x16384xf32, #tpu.memory_space<hbm>> -> memref<16384xf32, #tpu.memory_space<hbm>>
      tpu.wait_dma2 semaphore(%run_scoped3A_1051 : memref<!tpu.dma_semaphore, #tpu.memory_space<semaphore_mem>>) src(%arg18 : memref<16384xf32, #tpu.memory_space<vmem>>) dst(%dma_wait3A_1062 : memref<16384xf32, #tpu.memory_space<hbm>>)
      tpu.yield
    }) : () -> ()
    return
  }
}

module attributes {stable_mosaic.version = 14 : i64} {
  func.func @_mlp_body(%arg0: i32, %arg1: memref<128x2048xf32, #tpu.memory_space<vmem>>, %arg2: memref<128x128xf32, #tpu.memory_space<vmem>>, %arg3: memref<128x1xf32, #tpu.memory_space<vmem>>, %arg4: memref<64x128xf32, #tpu.memory_space<vmem>>, %arg5: memref<64x1xf32, #tpu.memory_space<vmem>>, %arg6: memref<64x1xf32, #tpu.memory_space<vmem>>, %arg7: memref<1xf32, #tpu.memory_space<vmem>>, %arg8: memref<2048xf32, #tpu.memory_space<vmem>>) attributes {dimension_semantics = [#tpu.dimension_semantics<arbitrary>], iteration_bounds = array<i64: 8>, scalar_prefetch = 0 : i64, scratch_operands = 0 : i64, tpu.core_type = #tpu.core_type<tc>, window_params = [{transform_indices = @transform_0, window_bounds = array<i64: 128, 2048>}, {pipeline_mode = #tpu.pipeline_mode<synchronous>, transform_indices = @transform_1, window_bounds = array<i64: 128, 128>}, {pipeline_mode = #tpu.pipeline_mode<synchronous>, transform_indices = @transform_2, window_bounds = array<i64: 128, 1>}, {pipeline_mode = #tpu.pipeline_mode<synchronous>, transform_indices = @transform_3, window_bounds = array<i64: 64, 128>}, {pipeline_mode = #tpu.pipeline_mode<synchronous>, transform_indices = @transform_4, window_bounds = array<i64: 64, 1>}, {pipeline_mode = #tpu.pipeline_mode<synchronous>, transform_indices = @transform_5, window_bounds = array<i64: 64, 1>}, {pipeline_mode = #tpu.pipeline_mode<synchronous>, transform_indices = @transform_6, window_bounds = array<i64: 1>}, {transform_indices = @transform_7, window_bounds = array<i64: 2048>}]} {
    %get3A = arith.constant 0 : index
    %get3A_0 = arith.constant 0 : index
    %get3A_1 = vector.load %arg1[%get3A, %get3A_0] : memref<128x2048xf32, #tpu.memory_space<vmem>>, vector<128x2048xf32>
    %get3A_2 = arith.constant 0 : index
    %get3A_3 = arith.constant 0 : index
    %get3A_4 = vector.load %arg2[%get3A_2, %get3A_3] : memref<128x128xf32, #tpu.memory_space<vmem>>, vector<128x128xf32>
    %dot_general3A = arith.constant dense<0.000000e+00> : vector<128x2048xf32>
    %dot_general3A_5 = tpu.matmul %get3A_4, %get3A_1, %dot_general3A {dimension_numbers = #tpu.dot_dimension_numbers<[1], [0], [0], [1], [0, 0, 1, 1], [], []>, transpose_lhs_hint = false} : vector<128x128xf32>, vector<128x2048xf32>, vector<128x2048xf32> -> vector<128x2048xf32>
    %get3A_6 = arith.constant 0 : index
    %get3A_7 = arith.constant 0 : index
    %get3A_8 = vector.load %arg3[%get3A_6, %get3A_7] : memref<128x1xf32, #tpu.memory_space<vmem>>, vector<128x1xf32>
    %add3A = vector.broadcast %get3A_8 : vector<128x1xf32> to vector<128x2048xf32>
    %add3A_9 = arith.addf %dot_general3A_5, %add3A : vector<128x2048xf32>
    %max3A = arith.constant 0.000000e+00 : f32
    %max3A_10 = vector.broadcast %max3A : f32 to vector<128x2048xf32>
    %max3A_11 = arith.maximumf %add3A_9, %max3A_10 : vector<128x2048xf32>
    %get3A_12 = arith.constant 0 : index
    %get3A_13 = arith.constant 0 : index
    %get3A_14 = vector.load %arg4[%get3A_12, %get3A_13] : memref<64x128xf32, #tpu.memory_space<vmem>>, vector<64x128xf32>
    %dot_general3A_15 = arith.constant dense<0.000000e+00> : vector<64x2048xf32>
    %dot_general3A_16 = tpu.matmul %get3A_14, %max3A_11, %dot_general3A_15 {dimension_numbers = #tpu.dot_dimension_numbers<[1], [0], [0], [1], [0, 0, 1, 1], [], []>, transpose_lhs_hint = false} : vector<64x128xf32>, vector<128x2048xf32>, vector<64x2048xf32> -> vector<64x2048xf32>
    %get3A_17 = arith.constant 0 : index
    %get3A_18 = arith.constant 0 : index
    %get3A_19 = vector.load %arg5[%get3A_17, %get3A_18] : memref<64x1xf32, #tpu.memory_space<vmem>>, vector<64x1xf32>
    %add3A_20 = vector.broadcast %get3A_19 : vector<64x1xf32> to vector<64x2048xf32>
    %add3A_21 = arith.addf %dot_general3A_16, %add3A_20 : vector<64x2048xf32>
    %max3A_22 = arith.constant 0.000000e+00 : f32
    %max3A_23 = vector.broadcast %max3A_22 : f32 to vector<64x2048xf32>
    %max3A_24 = arith.maximumf %add3A_21, %max3A_23 : vector<64x2048xf32>
    %get3A_25 = arith.constant 0 : index
    %get3A_26 = arith.constant 0 : index
    %get3A_27 = vector.load %arg6[%get3A_25, %get3A_26] : memref<64x1xf32, #tpu.memory_space<vmem>>, vector<64x1xf32>
    %mul3A = vector.broadcast %get3A_27 : vector<64x1xf32> to vector<64x2048xf32>
    %mul3A_28 = arith.mulf %max3A_24, %mul3A : vector<64x2048xf32>
    %reduce_sum3A = arith.constant dense<0.000000e+00> : vector<2048xf32>
    %reduce_sum3A_29 = vector.multi_reduction <add>, %mul3A_28, %reduce_sum3A [0] : vector<64x2048xf32> to vector<2048xf32>
    %get3A_30 = arith.constant 0 : index
    %get3A_31 = vector.load %arg7[%get3A_30] : memref<1xf32, #tpu.memory_space<vmem>>, vector<1xf32>
    %get3A_32 = vector.extract %get3A_31[0] : f32 from vector<1xf32>
    %add3A_33 = vector.broadcast %get3A_32 : f32 to vector<2048xf32>
    %add3A_34 = arith.addf %reduce_sum3A_29, %add3A_33 : vector<2048xf32>
    %logistic3A = arith.negf %add3A_34 : vector<2048xf32>
    %logistic3A_35 = math.exp %logistic3A : vector<2048xf32>
    %logistic3A_36 = arith.constant 1.000000e+00 : f32
    %logistic3A_37 = vector.broadcast %logistic3A_36 : f32 to vector<2048xf32>
    %logistic3A_38 = arith.addf %logistic3A_37, %logistic3A_35 : vector<2048xf32>
    %logistic3A_39 = arith.divf %logistic3A_37, %logistic3A_38 : vector<2048xf32>
    %swap3A = arith.constant 0 : index
    %swap3A_40 = vector.load %arg8[%swap3A] : memref<2048xf32, #tpu.memory_space<vmem>>, vector<2048xf32>
    tpu.vector_store %arg8[%swap3A], %logistic3A_39 {strides = array<i32>} : memref<2048xf32, #tpu.memory_space<vmem>>, vector<2048xf32>,
    return
  }
  func.func @transform_0(%arg0: i32) -> (i32, i32) {
    %c0_i32 = arith.constant 0 : i32
    %c0_i32_0 = arith.constant 0 : i32
    return %c0_i32, %arg0 : i32, i32
  }
  func.func @transform_1(%arg0: i32) -> (i32, i32) {
    %c0_i32 = arith.constant 0 : i32
    %c0_i32_0 = arith.constant 0 : i32
    %c0_i32_1 = arith.constant 0 : i32
    return %c0_i32, %c0_i32_0 : i32, i32
  }
  func.func @transform_2(%arg0: i32) -> (i32, i32) {
    %c0_i32 = arith.constant 0 : i32
    %c0_i32_0 = arith.constant 0 : i32
    %c0_i32_1 = arith.constant 0 : i32
    return %c0_i32, %c0_i32_0 : i32, i32
  }
  func.func @transform_3(%arg0: i32) -> (i32, i32) {
    %c0_i32 = arith.constant 0 : i32
    %c0_i32_0 = arith.constant 0 : i32
    %c0_i32_1 = arith.constant 0 : i32
    return %c0_i32, %c0_i32_0 : i32, i32
  }
  func.func @transform_4(%arg0: i32) -> (i32, i32) {
    %c0_i32 = arith.constant 0 : i32
    %c0_i32_0 = arith.constant 0 : i32
    %c0_i32_1 = arith.constant 0 : i32
    return %c0_i32, %c0_i32_0 : i32, i32
  }
  func.func @transform_5(%arg0: i32) -> (i32, i32) {
    %c0_i32 = arith.constant 0 : i32
    %c0_i32_0 = arith.constant 0 : i32
    %c0_i32_1 = arith.constant 0 : i32
    return %c0_i32, %c0_i32_0 : i32, i32
  }
  func.func @transform_6(%arg0: i32) -> i32 {
    %c0_i32 = arith.constant 0 : i32
    %c0_i32_0 = arith.constant 0 : i32
    return %c0_i32 : i32
  }
  func.func @transform_7(%arg0: i32) -> i32 {
    %c0_i32 = arith.constant 0 : i32
    return %arg0 : i32
  }
}

</mosaic_0001>

<sc_bundles>
// kernel: kernel.4.cloned.1.call-start
scs
__scs_entry_jumppad:
0x0: {  	(pc) =	sbr.rel $0x88, $3  }
0x1: {  	(tag) =	ssettag $0x0;
	lr =	simm.s32 $0x1  }
0x2: {  	[smem:$0x3F99] =	sst lr;
	_ =	strace $0xD0000000  }
0x3: {  	_ = 	snop  }
0x4: {  	_ = 	snop  }
0x5: {  	_ = 	snop  }
0x6: {  	_ = 	snop  }
0x7: {  	_ = 	snop  }
__scs_overlays_trampoline_lowered:
0x8: {  	[smem:$0x3FA8] =	sst s0  }
0x9: {  	[smem:$0x3FA9] =	sst s1  }
0xa: {  	[smem:$0x3FAA] =	sst s2  }
0xb: {  	[smem:$0x3FAB] =	sst s3  }
0xc: {  	[smem:$0x3FAC] =	sst s4  }
0xd: {  	[smem:$0x3FAD] =	sst s5  }
0xe: {  	[smem:$0x3FAE] =	sst s6  }
0xf: {  	[smem:$0x3FAF] =	sst s7  }
0x10: {  	[smem:$0x3FB0] =	sst s8  }
0x11: {  	[smem:$0x3FB1] =	sst s9;
	s0 =	simm.s32 @!p0 $0x0  }
0x12: {  	s1 =	sld [smem:$0x3F97];
	s0 =	simm.s32 @p0 $0x1  }
0x13: {  	[smem:$0x3FB2] =	sst s0;
	s0 =	simm.s32 @!p1 $0x0  }
0x14: {  	s2 =	sld [smem:$0x3F96];
	s0 =	simm.s32 @p1 $0x1  }
0x15: {  	[smem:$0x3FB3] =	sst s0;
	s0 =	simm.s32 @!p2 $0x0  }
0x16: {  	s3 =	sld [smem:$0x3FDB];
	s0 =	simm.s32 @p2 $0x1  }
0x17: {  	s4 =	simm.s32 $0x1BF5;
	[smem:$0x3FB5] =	sst s0  }
0x18: {  	s0 =	sld [smem:$0x3F98];
	_ =	swait.ge [sflag:s4], $0x0  }
0x19: {  	s7 =	sld [smem:$0x3F99]  }
0x1a: {  	s8 =	sadd.s32 $0xFFFFE003, lr  }
0x1b: {  	s9 =	sadd.s32 $0xFFFFFEF7, lr;
	s5 =	simm.s32 $0xFFFFFFFF;
	p2 =	slt.u32 s8, $0xFFFFF086  }
0x1c: {  	p1 =	slt.u32 s9, $0xF7A;
	s5 =	simm.s32 @!p2 $0x0  }
0x1d: {  	s5 =	simm.s32 @p1 $0x1;
	p0 =	seq.s32 s7, s2  }
0x1e: {  	s7 =	smul.u32 @!p0 $0xF7A, s2;
	p2 =	seq.s32 @!p0 s5, $0x0  }
0x1f: {  	s9 =	smul.u32 $0xF7A, s1;
	s8 =	simm.s32 @!p0 $0x1BF5;
	p2 =	por !p2, p0  }
0x20: {  	[sflag:s8] =	ssyncset.s32 @!p0 $0xFFFFF086;
	s6 =	sadd.s32 @!p0 s3, s7;
	s7 =	simm.s32 @!p0 $0x108  }
0x21: {  	s3 =	sadd.s32 s3, s9;
	s6 =	sadd.s32 @!p0 $0x88, s6;
	s7 =	simm.s32 @p2 $0x1082  }
0x22: {  	[simem:s7], [sflag:s8] =	dma.local @!p0 [hbm:s6], $0xF7A  }
0x23: {  	s9 =	sor.u32 $0xD0000000, s2;
	s6 =	simm.s32 $0x108;
	_ =	swait.ge @!p0 [sflag:s8], $0x0  }
0x24: {  	s3 =	sadd.s32 $0x88, s3;
	s6 =	simm.s32 @!p1 $0x1082;
	[sflag:s4] =	ssyncset.s32 $0xFFFFF086  }
0x25: {  	[simem:s6], [sflag:s4] =	dma.local [hbm:s3], $0xF7A  }
0x26: {  	[smem:$0x3F99] =	sst s1;
	(tag) =	ssettag s2;
	_ =	strace s9  }
0x27: {  	s1 =	sld [smem:$0x3FA9]  }
0x28: {  	s2 =	sld [smem:$0x3FAA]  }
0x29: {  	s4 =	sld [smem:$0x3FAC]  }
0x2a: {  	p0 =	seq.s32 s5, $0x0;
	s5 =	sld [smem:$0x3FAD]  }
0x2b: {  	s6 =	sld [smem:$0x3FAE]  }
0x2c: {  	s7 =	sld [smem:$0x3FAF]  }
0x2d: {  	s3 =	simm.s32 $0x108;
	s8 =	sld [smem:$0x3FB0]  }
0x2e: {  	s3 =	simm.s32 @!p0 $0x1082;
	s9 =	sld [smem:$0x3FB1]  }
0x2f: {  	lr =	sadd.s32 s0, s3;
	s0 =	sld [smem:$0x3FA8]  }
0x30: {  	s3 =	sld [smem:$0x3FAB]  }
0x31: {  	[smem:$0x3FB4] =	sst s10  }
0x32: {  	s10 =	sld [smem:$0x3FB2];
	_ =	sdelay $0x3  }
0x33: {  	p0 =	seq.s32 s10, $0x1;
	s10 =	sld [smem:$0x3FB4];
	_ =	sdelay $0x3  }
0x34: {  	[smem:$0x3FB4] =	sst s10  }
0x35: {  	s10 =	sld [smem:$0x3FB3];
	_ =	sdelay $0x3  }
0x36: {  	p1 =	seq.s32 s10, $0x1;
	s10 =	sld [smem:$0x3FB4];
	_ =	sdelay $0x3  }
0x37: {  	[smem:$0x3FB4] =	sst s10  }
0x38: {  	s10 =	sld [smem:$0x3FB5]  }
0x39: {  	_ = 	snop;
	(pc) =	sbr.ind lr, $3  }
0x3a: {  	_ = 	snop  }
0x3b: {  	_ = 	snop  }
0x3c: {  	p2 =	seq.s32 s10, $0x1;
	s10 =	sld [smem:$0x3FB4]  }
0x3d: {  	_ =	shalt  }
0x3e: {  	_ =	shalt  }
0x3f: {  	_ =	shalt  }
0x40: {  	_ =	shalt  }
0x41: {  	_ =	shalt  }
0x42: {  	_ =	shalt  }
0x43: {  	_ =	shalt  }
0x44: {  	_ =	shalt  }
0x45: {  	_ =	shalt  }
0x46: {  	_ =	shalt  }
0x47: {  	_ =	shalt  }
0x48: {  	_ =	shalt  }
0x49: {  	_ =	shalt  }
0x4a: {  	_ =	shalt  }
0x4b: {  	_ =	shalt  }
0x4c: {  	_ =	shalt  }
0x4d: {  	_ =	shalt  }
0x4e: {  	_ =	shalt  }
0x4f: {  	_ =	shalt  }
0x50: {  	_ =	shalt  }
0x51: {  	_ =	shalt  }
0x52: {  	_ =	shalt  }
0x53: {  	_ =	shalt  }
0x54: {  	_ =	shalt  }
0x55: {  	_ =	shalt  }
0x56: {  	_ =	shalt  }
0x57: {  	_ =	shalt  }
0x58: {  	_ =	shalt  }
0x59: {  	_ =	shalt  }
0x5a: {  	_ =	shalt  }
0x5b: {  	_ =	shalt  }
0x5c: {  	_ =	shalt  }
0x5d: {  	_ =	shalt  }
0x5e: {  	_ =	shalt  }
0x5f: {  	_ =	shalt  }
0x60: {  	_ =	shalt  }
0x61: {  	_ =	shalt  }
0x62: {  	_ =	shalt  }
0x63: {  	_ =	shalt  }
0x64: {  	_ =	shalt  }
0x65: {  	_ =	shalt  }
0x66: {  	_ =	shalt  }
0x67: {  	_ =	shalt  }
0x68: {  	_ =	shalt  }
0x69: {  	_ =	shalt  }
0x6a: {  	_ =	shalt  }
0x6b: {  	_ =	shalt  }
0x6c: {  	_ =	shalt  }
0x6d: {  	_ =	shalt  }
0x6e: {  	_ =	shalt  }
0x6f: {  	_ =	shalt  }
0x70: {  	_ =	shalt  }
0x71: {  	_ =	shalt  }
0x72: {  	_ =	shalt  }
0x73: {  	_ =	shalt  }
0x74: {  	_ =	shalt  }
0x75: {  	_ =	shalt  }
0x76: {  	_ =	shalt  }
0x77: {  	_ =	shalt  }
0x78: {  	_ =	shalt  }
0x79: {  	_ =	shalt  }
0x7a: {  	_ =	shalt  }
0x7b: {  	_ =	shalt  }
0x7c: {  	_ =	shalt  }
0x7d: {  	_ =	shalt  }
0x7e: {  	_ =	shalt  }
0x7f: {  	_ =	shalt  }
0x80: {  	_ =	shalt  }
0x81: {  	_ =	shalt  }
0x82: {  	_ =	shalt  }
0x83: {  	_ =	shalt  }
0x84: {  	_ =	shalt  }
0x85: {  	_ =	shalt  }
0x86: {  	_ =	shalt  }
0x87: {  	_ =	shalt  }
.Lfunc_end0:
.L_simem_size_0:
called_computation_lowered:
.L_overlay_start_0:
0x88: {  	s2 =	sld [smem:$0x3FD9]  }
0x89: {  	s3 =	sld [smem:$0x3FFE];
	_ =	sdelay $0x1  }
0x8a: {  	s1 =	srdreg.scid  }
0x8b: {  	s0 =	sand.u32 $0x1, s1  }
0x8c: {  	s17 =	sshll.u32 s0, $0xA;
	s2 =	sadd.s32 s3, s2  }
0x8d: {  	s2 =	sadd.s32 s2, s17  }
0x8e: {  	[smem:$0x3FC0] =	sst s2  }
0x8f: {  	_ = 	snop  }
0x90: {  	s2 =	sld [smem:$0x3FC9]  }
0x91: {  	s18 =	sld [smem:$0x3FC8]  }
0x92: {  	s4 =	sld [smem:$0x3FD0];
	(tm) =	ssettm $0x1  }
0x93: {  	s5 =	sld [smem:$0x3FFB];
	_ =	sdelay $0x3  }
0x94: {  	_ =	strace s5  }
0x95: {  	s5 =	sld [smem:$0x3FFC];
	_ =	sdelay $0x3  }
0x96: {  	_ =	strace s5  }
0x97: {  	s5 =	sld [smem:$0x3FFD];
	_ =	sdelay $0x3  }
0x98: {  	_ =	strace s5  }
0x99: {  	_ =	strace $0x8FFFFFFF  }
0x9a: {  	s19 =	sld [smem:$0x3FDB];
	_ =	sdelay $0x1  }
0x9b: {  	s6 =	simm.s32 $_scs_section_size  }
0x9c: {  	s7 =	simm.s32 $_size__tile_overlayer_lowered;
	s8 =	simm.s32 $_tile_overlayer_lowered  }
0x9d: {  	s22 =	simm.s32 $0x1BFF;
	s21 =	sshll.u32 s8, $0x1;
	s5 =	sadd.s32 s6, s19  }
0x9e: {  	s9 =	simm.s32 $0x0;
	s20 =	sshll.u32 s7, $0x1;
	s7 =	sadd.s32 s21, s5  }
0x9f: {  	[timem:s9], [sflag:s22] =	dma.local [hbm:s7], s20  }
0xa0: {  	_ =	swait.ge [sflag:s22], s20  }
0xa1: {  	s6 =	ssub.s32 $0x0, s20;
	[sflag:s22] =	ssyncset.done $0x0  }
0xa2: {  	[sflag:s22] =	ssyncadd.s32 s6;
	_ =	sdelay $0x1  }
0xa3: {  	s23 =	simm.s32 $0x1B8B  }
0xa4: {  	_ =	swait.ge [sflag:s23], $0x1  }
0xa5: {  	[sflag:s23] =	ssyncset.done $0x0  }
0xa6: {  	s25 =	simm.s32 $0x1B8E;
	s24 =	sld [smem:$0x3FFE];
	[sflag:s23] =	ssyncadd.s32 $0xFFFFFFFF  }
0xa7: {  	s26 =	simm.s32 $execute0_lowered;
	[smem:$0x3FD2] =	sst s25  }
0xa8: {  	s7 =	sshll.u32 s26, $0x1;
	_ =	strace $0x80000046;
	[dreg:$0x1] =	wrdreg $0xFFFFFFFF  }
0xa9: {  	s28 =	simm.s32 $_size_execute0_lowered;
	s5 =	sadd.s32 s5, s7;
	[dreg:$0x0] =	wrdreg $0x0  }
0xaa: {  	s7 =	sshll.u32 s28, $0x1;
	[dreg:$0x2] =	wrdreg s5  }
0xab: {  	[dreg:$0x3] =	wrdreg s7  }
0xac: {  	[dreg:$0x4] =	wrdreg $0xC0  }
0xad: {  	_ =	task [dreg:s9], $0x5FFFF  }
0xae: {  	[dreg:$0x1] =	wrdreg $0xFFFFFFFF  }
0xaf: {  	[dreg:$0x0] =	wrdreg $0x60  }
0xb0: {  	[dreg:$0x2] =	wrdreg s2  }
0xb1: {  	[dreg:$0x3] =	wrdreg s18  }
0xb2: {  	[dreg:$0x4] =	wrdreg s4  }
0xb3: {  	[dreg:$0x5] =	wrdreg s24  }
0xb4: {  	[dreg:$0x6] =	wrdreg $0x9  }
0xb5: {  	_ =	task.clear_ibuf [dreg:s9], $0x7FFFF;
	_ =	strace $0x90000046  }
0xb6: {  	s29 =	simm.s32 $0x9;
	_ =	strace $0x80000048  }
0xb7: {  	_ =	swait.ge [sflag:s29], $0x1  }
0xb8: {  	[sflag:s29] =	ssyncadd.s32 $0xFFFFFFFF  }
0xb9: {  	_ =	strace $0x90000048  }
0xba: {  	_ =	sfence  }
0xbb: {  	s30 =	sld [smem:$0x0];
	_ =	sdelay $0x2  }
0xbc: {  	s31 =	sshll.u32 s1, $0xD;
	s1 =	sshrl.u32 s1, $0x2  }
0xbd: {  	s3 =	sand.u32 $0x4000, s31;
	s1 =	sadd.s32 s1, s30  }
0xbe: {  	s0 =	sor.u32 s3, s0;
	s1 =	sshll.u32 s1, $0x11  }
0xbf: {  	s0 =	sor.u32 s1, s0  }
0xc0: {  	s0 =	sadd.s32 $0x8F2B, s0  }
0xc1: {  	[sflag:s0] =	ssyncadd.remote.s32 $0x1  }
0xc2: {  	_ =	sfence.sel $0xFFFF  }
0xc3: {  	[dreg:$0x0] =	wrdreg $0xFFFFFFFF;
	(pc) =	sbr.abs _section_cstart, $3  }
0xc4: {  	[dreg:$0x1] =	wrdreg $0xFFFFFFFF  }
0xc5: {  	_ =	task.clear_ibuf [dreg:s9], $0x2FFFF;
	_ =	strace $0x9FFFFFFF  }
0xc6: {  	(tm) =	ssettm $0x7FFFFFFF  }
0xc7: {  	_ =	shalt  }
tec
execute0_lowered:
.L_overlay_start_1:
0x0: {  	(tag) =	ssettag $0x1  }
0x1: {  	s0 =	srdreg.scid  }
0x2: {  	s4 =	rddreg [dreg:$0x2];
	s8 =	stileid.u32  }
0x3: {  	s11 =	rddreg [dreg:$0x3];
	s25 =	simm.s32 $0x0;
	s28 =	simm.s32 $0x5  }
0x4: {  	s0 =	sand.u32 $0x1, s0;
	s2 =	sshll.u32 s8, $0x2;
	s6 =	sshrl.u32 s8, $0x1  }
0x5: {  	s8 =	sshll.u32 s8, $0x10;
	[smem:$0x7FF] =	sst s25;
	s11 =	sadd.s32 $0x1000, s11  }
0x6: {  	s1 =	ssub.s32 $0x2, s0;
	s0 =	sshll.u32 s0, $0x1;
	s7 =	smul.u32 $0x7A1400, s6  }
0x7: {  	s20 =	sshll.u32 s6, $0xA;
	s3 =	sshrl.u32 s1, $0x1;
	s5 =	sor.u32 s0, s2  }
0x8: {  	s6 =	sshll.u32 s6, $0x11;
	s2 =	sshll.u32 s5, $0x7;
	s0 =	ssub.s32 s1, s3  }
0x9: {  	s9 =	sadd.s32 $0x8000, s7;
	s10 =	sadd.s32 $0x10000, s7;
	s15 =	sadd.s32 $0x18000, s7  }
0xa: {  	s16 =	sadd.s32 $0x28000, s7;
	s17 =	sadd.s32 $0x30000, s7;
	s19 =	sadd.s32 $0x38000, s7  }
0xb: {  	s23 =	sadd.s32 $0x7A0000, s7;
	s5 =	sor.u32 $0x41, s5;
	s29 =	sand.u32 $0x300, s2  }
0xc: {  	s12 =	sor.u32 s8, s2;
	s0 =	smax.u32 s0, $0x1;
	s1 =	sor.u32 s7, s29  }
0xd: {  	s13 =	sor.u32 s9, s29;
	s14 =	sor.u32 s10, s29;
	s18 =	sor.u32 s15, s29  }
0xe: {  	s2 =	sor.u32 s29, s16;
	s3 =	sor.u32 s29, s17;
	s21 =	sor.u32 $0x80, s29  }
0xf: {  	s22 =	sor.u32 s29, s19;
	s30 =	sor.u32 s20, s29;
	s31 =	sor.u32 s6, s29  }
0x10: {  	s12 =	sand.u32 $0xE0300, s12;
	[dreg:$0x5] =	wrdreg s22;
	s20 =	sor.u32 s20, s21  }
0x11: {  	s22 =	sshrl.u32 s30, $0x3;
	s7 =	sor.u32 s7, s21;
	s24 =	sor.u32 s10, s21  }
0x12: {  	s15 =	sor.u32 s15, s21;
	s8 =	sor.u32 s21, s16;
	s19 =	sor.u32 s21, s19  }
0x13: {  	s16 =	sor.u32 s23, s21;
	s6 =	sor.u32 s6, s21;
	s26 =	sshrl.u32 s31, $0x3  }
0x14: {  	s12 =	sshrl.u32 s12, $0x3;
	s30 =	sshll.u32 s5, $0x4;
	s5 =	sshll.u32 s5, $0xB  }
0x15: {  	s31 =	rddreg [dreg:$0x0];
	s14 =	sshrl.u32 s14, $0x3;
	s10 =	simm.s32 $0x0  }
0x16: {  	s20 =	sshrl.u32 s20, $0x3;
	s22 =	sadd.s32 s4, s22;
	[dreg:$0x8] =	wrdreg s19  }
0x17: {  	s12 =	sadd.s32 s12, s11;
	s6 =	sshrl.u32 s6, $0x3;
	s5 =	sand.u32 $0x3C000, s5  }
0x18: {  	s19 =	sshrl.u32 s18, $0x3;
	s25 =	sshrl.u32 s24, $0x3;
	s31 =	sadd.s32 $0x10, s31  }
0x19: {  	s18 =	simm.s32 $0x12400;
	s24 =	simm.s32 $0x3;
	[dreg:$0x6] =	wrdreg s22  }
0x1a: {  	s4 =	sadd.s32 s4, s20;
	s22 =	sor.u32 s9, s21;
	s9 =	sor.u32 s21, s17  }
0x1b: {  	s17 =	sand.u32 $0x70, s30;
	s6 =	sadd.s32 s11, s6;
	s21 =	sadd.s32 $0x20000, s12  }
0x1c: {  	s12 =	simm.s32 $0x400;
	[dreg:$0x7] =	wrdreg s4;
	s4 =	sor.u32 s23, s29  }
0x1d: {  	s29 =	sadd.s32 s11, s26;
	s17 =	sadd.s32 s11, s17;
	[dreg:$0xa] =	wrdreg s6  }
0x1e: {  	s11 =	sshrl.u32 s13, $0x3;
	s13 =	sshrl.u32 s1, $0x3;
	[dreg:$0x9] =	wrdreg s29  }
0x1f: {  	s22 =	sshrl.u32 s22, $0x3;
	s5 =	sadd.s32 s5, s17;
	s17 =	rddreg [dreg:$0x1]  }
0x20: {  	s23 =	sshrl.u32 s7, $0x3;
	[dreg:$0xb] =	wrdreg s5;
	s6 =	sadd.s32 s17, s13  }
0x21: {  	s5 =	sadd.s32 s17, s11;
	_ =	strace $0x80000047;
	[dreg:$0xc] =	wrdreg s6  }
0x22: {  	s4 =	sshrl.u32 s4, $0x3;
	s20 =	sadd.s32 s17, s19;
	[dreg:$0xd] =	wrdreg s5  }
0x23: {  	s26 =	sshrl.u32 s15, $0x3;
	s4 =	sadd.s32 s17, s4;
	[dreg:$0xf] =	wrdreg s20  }
0x24: {  	s15 =	simm.s32 $0x10400;
	s29 =	sshrl.u32 s16, $0x3;
	[dreg:$0x10] =	wrdreg s4  }
0x25: {  	s16 =	simm.s32 $0x11400;
	s30 =	sadd.s32 s17, s29;
	[dreg:$0x11] =	wrdreg s21  }
0x26: {  	s13 =	simm.s32 $0x80;
	s19 =	simm.s32 $0x13400;
	[dreg:$0x16] =	wrdreg s30  }
0x27: {  	s5 =	sadd.s32 s17, s14;
	s4 =	sadd.s32 s17, s22;
	[dreg:$0x17] =	wrdreg s0  }
0x28: {  	[dreg:$0x18] =	wrdreg s31;
	s6 =	simm.s32 $0x8000;
	s0 =	simm.s32 $0xC080  }
.Ltmp0:
0x29: {  	s20 =	simm.s32 $0x1;
	[dreg:$0xe] =	wrdreg s5;
	(pc) =	sbr.rel .LBB2_1-.Ltmp0, $4  }
0x2a: {  	s21 =	simm.s32 $0x14400;
	s5 =	sadd.s32 s17, s23;
	[dreg:$0x13] =	wrdreg s4  }
0x2b: {  	s22 =	simm.s32 $0x18400;
	s4 =	sadd.s32 s17, s25;
	[dreg:$0x12] =	wrdreg s5  }
0x2c: {  	v0 =	vimm.s32 $0x0;
	s23 =	simm.s32 $0x2;
	[dreg:$0x14] =	wrdreg s4;
	s4 =	sadd.s32 s17, s26  }
0x2d: {  	v1 =	vlaneseq.u32;
	vm0 =	vcmask $0xF14;
	vm1 =	vcmask $0x1318;
	s25 =	simm.s32 $0x4;
	s5 =	simm.s32 $0x10100;
	[dreg:$0x15] =	wrdreg s4  }
.LBB2_150:
0x2e: {  	s26 =	smov.u32 s11  }
.LBB2_154:
0x2f: {  	s4 =	sadd.s32 @p0 $0xFFFFFFF0, s26  }
0x30: {  	s11 =	smov.u32 @p0 s4  }
0x31: {  	v3 =	vmov s11  }
0x32: {  	vm2 =	vgt.s32 v3, v1;
	v3 =	vshrl.u32 v2, $0xE  }
0x33: {  	v3 =	vand.u32 $0xFFF, v3;
	_ =	sdelay $0x4  }
0x34: {  	v2 =	vand.u32 $0x3FFF, v2;
	v3 =	vld.idx.msk [tilespmem:v3+s15+$0x0], vm2;
	_ =	sdelay $0x4  }
0x35: {  	s10 =	rddreg [dreg:$0x19];
	[tilespmem:v2+s22+$0x0] =	vst.idx.msk vm2, v3  }
.LBB2_155:
0x36: {  	s4 =	rddreg [dreg:$0xa]  }
0x37: {  	[hbm4b:s4+s13] =	stream.strided.scatter [tilespmem:s21], [sflag:$0x5], $0x4000, s12, s13, $0x38;
	[tilespmem:$0x1C400] =	vst v63  }
0x38: {  	_ =	swait.ge [sflag:s28], $0x4000  }
0x39: {  	[sflag:s28] =	ssyncset.done $0x0  }
0x3a: {  	s30 =	rddreg [dreg:$0xb];
	[sflag:s28] =	ssyncadd.s32 $0xFFFFC000  }
0x3b: {  	[hbm4b:s30+s13] =	stream.strided.scatter [tilespmem:s22], [sflag:$0x5], $0x4000, s12, s13, $0x38;
	[tilespmem:$0x1C400] =	vst v63  }
0x3c: {  	_ =	swait.ge [sflag:s28], $0x4000  }
0x3d: {  	s10 =	sadd.s32 $0x1, s10;
	s31 =	rddreg [dreg:$0x17]  }
0x3e: {  	p0 =	sne.s32 s10, s31  }
.Ltmp1:
0x3f: {  	_ = 	snop;
	(pc) =	sbr.rel @!p0 .LBB2_156-.Ltmp1, $3  }
0x40: {  	_ =	sdelay $0x1  }
0x41: {  	[sflag:s28] =	ssyncset.done $0x0  }
0x42: {  	[sflag:s28] =	ssyncadd.s32 $0xFFFFC000  }
.LBB2_1:
0x43: {  	[dreg:$0x19] =	wrdreg s10  }
0x44: {  	s4 =	simm.s32 $0x0;
	s29 =	rddreg [dreg:$0x0];
	s11 =	simm.s32 $0x100  }
0x45: {  	[tilespmem:s4], [sflag:$0x5] =	stream.strided.gather [hbm4b:s29+s13], $0x4000, s11, s13, $0x38;
	[tilespmem:$0x1C400] =	vst v63  }
0x46: {  	_ =	swait.ge [sflag:s28], $0x4000  }
0x47: {  	[sflag:s28] =	ssyncset.done $0x0  }
0x48: {  	s31 =	simm.s32 $0x4000;
	s30 =	rddreg [dreg:$0x18];
	[sflag:s28] =	ssyncadd.s32 $0xFFFFC000  }
0x49: {  	[tilespmem:s31], [sflag:$0x5] =	stream.strided.gather [hbm4b:s30+s13], $0x4000, s11, s13, $0x38;
	[tilespmem:$0x1C400] =	vst v63  }
0x4a: {  	_ =	swait.ge [sflag:s28], $0x4000  }
0x4b: {  	[sflag:s28] =	ssyncset.done $0x0  }
0x4c: {  	[sflag:s28] =	ssyncadd.s32 $0xFFFFC000  }
0x4d: {  	[tilespmem:$0x10100] =	vst v0  }
0x4e: {  	[tilespmem:$0x10110] =	vst v0  }
0x4f: {  	[tilespmem:$0x10120] =	vst v0  }
0x50: {  	[tilespmem:$0x10130] =	vst v0  }
0x51: {  	[tilespmem:$0x10140] =	vst v0  }
0x52: {  	[tilespmem:$0x10150] =	vst v0  }
0x53: {  	[tilespmem:$0x10160] =	vst v0  }
0x54: {  	[tilespmem:$0x10170] =	vst v0  }
0x55: {  	[tilespmem:$0x10180] =	vst v0  }
0x56: {  	[tilespmem:$0x10190] =	vst v0  }
0x57: {  	[tilespmem:$0x101A0] =	vst v0  }
0x58: {  	[tilespmem:$0x101B0] =	vst v0  }
0x59: {  	[tilespmem:$0x101C0] =	vst v0  }
0x5a: {  	[tilespmem:$0x101D0] =	vst v0  }
0x5b: {  	[tilespmem:$0x101E0] =	vst v0  }
0x5c: {  	s11 =	simm.s32 $0xFFFFFFF8;
	s28 =	simm.s32 $0x40;
	[tilespmem:$0x101F0] =	vst v0  }
.LBB2_2:
0x5d: {  	v2 =	vld [tilespmem:s28+$0xFFFFFFC0];
	_ =	sdelay $0x4  }
0x5e: {  	v2 =	vshra.s32 v2, $0xC  }
0x5f: {  	(xrf1) =	vunique.msk.u32 $0xffff, v2;
	_ =	sdelay $0xd  }
0x60: {  	_, v3, vm2 =	vpop (xrf1);
	_ =	sdelay $0x5  }
0x61: {  	[tilespmem:v2+s5+$0x0] =	vst.idx.add.s32.msk vm2, v3  }
0x62: {  	v2 =	vld [tilespmem:s28+$0xFFFFFFD0];
	_ =	sdelay $0x4  }
0x63: {  	v2 =	vshra.s32 v2, $0xC  }
0x64: {  	(xrf1) =	vunique.msk.u32 $0xffff, v2;
	_ =	sdelay $0xd  }
0x65: {  	_, v3, vm2 =	vpop (xrf1);
	_ =	sdelay $0x5  }
0x66: {  	[tilespmem:v2+s5+$0x0] =	vst.idx.add.s32.msk vm2, v3  }
0x67: {  	v2 =	vld [tilespmem:s28+$0xFFFFFFE0];
	_ =	sdelay $0x4  }
0x68: {  	v2 =	vshra.s32 v2, $0xC  }
0x69: {  	(xrf1) =	vunique.msk.u32 $0xffff, v2;
	_ =	sdelay $0xd  }
0x6a: {  	_, v3, vm2 =	vpop (xrf1);
	_ =	sdelay $0x5  }
0x6b: {  	[tilespmem:v2+s5+$0x0] =	vst.idx.add.s32.msk vm2, v3  }
0x6c: {  	v2 =	vld [tilespmem:s28+$0xFFFFFFF0];
	_ =	sdelay $0x4  }
0x6d: {  	v2 =	vshra.s32 v2, $0xC  }
0x6e: {  	(xrf1) =	vunique.msk.u32 $0xffff, v2;
	_ =	sdelay $0xd  }
0x6f: {  	_, v3, vm2 =	vpop (xrf1);
	_ =	sdelay $0x5  }
0x70: {  	[tilespmem:v2+s5+$0x0] =	vst.idx.add.s32.msk vm2, v3  }
0x71: {  	v2 =	vld [tilespmem:s28+$0x0];
	_ =	sdelay $0x4  }
0x72: {  	v2 =	vshra.s32 v2, $0xC  }
0x73: {  	(xrf1) =	vunique.msk.u32 $0xffff, v2;
	_ =	sdelay $0xd  }
0x74: {  	_, v3, vm2 =	vpop (xrf1);
	_ =	sdelay $0x5  }
0x75: {  	[tilespmem:v2+s5+$0x0] =	vst.idx.add.s32.msk vm2, v3  }
0x76: {  	v2 =	vld [tilespmem:s28+$0x10];
	_ =	sdelay $0x4  }
0x77: {  	v2 =	vshra.s32 v2, $0xC  }
0x78: {  	(xrf1) =	vunique.msk.u32 $0xffff, v2;
	_ =	sdelay $0xd  }
0x79: {  	_, v3, vm2 =	vpop (xrf1);
	_ =	sdelay $0x5  }
0x7a: {  	[tilespmem:v2+s5+$0x0] =	vst.idx.add.s32.msk vm2, v3  }
0x7b: {  	v2 =	vld [tilespmem:s28+$0x20];
	_ =	sdelay $0x4  }
0x7c: {  	v2 =	vshra.s32 v2, $0xC  }
0x7d: {  	(xrf1) =	vunique.msk.u32 $0xffff, v2;
	_ =	sdelay $0xd  }
0x7e: {  	_, v3, vm2 =	vpop (xrf1);
	_ =	sdelay $0x5  }
0x7f: {  	[tilespmem:v2+s5+$0x0] =	vst.idx.add.s32.msk vm2, v3  }
0x80: {  	v2 =	vld [tilespmem:s28+$0x30];
	_ =	sdelay $0x4  }
0x81: {  	v2 =	vshra.s32 v2, $0xC  }
0x82: {  	(xrf1) =	vunique.msk.u32 $0xffff, v2;
	_ =	sdelay $0xd  }
0x83: {  	s11 =	sadd.s32 $0x8, s11;
	_, v3, vm2 =	vpop (xrf1)  }
0x84: {  	p0 =	slt.u32 s11, $0x3F8  }
.Ltmp2:
0x85: {  	_ = 	snop;
	(pc) =	sbr.rel @p0 .LBB2_2-.Ltmp2, $2  }
0x86: {  	_ =	sdelay $0x2  }
0x87: {  	s28 =	sadd.s32 $0x80, s28;
	[tilespmem:v2+s5+$0x0] =	vst.idx.add.s32.msk vm2, v3  }
0x88: {  	v2 =	vld [tilespmem:$0x10100]  }
0x89: {  	v3 =	vld [tilespmem:$0x10110]  }
0x8a: {  	v4 =	vld [tilespmem:$0x10120]  }
0x8b: {  	v5 =	vld [tilespmem:$0x10130]  }
0x8c: {  	v6 =	vld [tilespmem:$0x10140]  }
0x8d: {  	v7 =	vld [tilespmem:$0x10150];
	(xrf0) =	vadd.scan.msk.s32 $0xffff, v2  }
0x8e: {  	v8 =	vld [tilespmem:$0x10160];
	(xrf0) =	vadd.scan.msk.s32 $0xffff, v3  }
0x8f: {  	v9 =	vld [tilespmem:$0x10170];
	(xrf0) =	vadd.scan.msk.s32 $0xffff, v4  }
0x90: {  	v10 =	vld [tilespmem:$0x10180];
	(xrf0) =	vadd.scan.msk.s32 $0xffff, v5  }
0x91: {  	v11 =	vld [tilespmem:$0x10190];
	(xrf0) =	vadd.scan.msk.s32 $0xffff, v6  }
0x92: {  	v12 =	vld [tilespmem:$0x101A0];
	(xrf0) =	vadd.scan.msk.s32 $0xffff, v7  }
0x93: {  	v14 =	vld [tilespmem:$0x101B0];
	v13, _, _ =	vpop (xrf0);
	(xrf0) =	vadd.scan.msk.s32 $0xffff, v8  }
0x94: {  	v16 =	vld [tilespmem:$0x101C0];
	(v2sf) =	vpush v13, $0xF;
	v15, _, _ =	vpop (xrf0);
	(xrf0) =	vadd.scan.msk.s32 $0xffff, v9  }
0x95: {  	(v2sf) =	vpush v15, $0xF;
	v17, _, _ =	vpop (xrf0);
	(xrf0) =	vadd.scan.msk.s32 $0xffff, v10  }
0x96: {  	v19 =	vld [tilespmem:$0x101D0];
	(v2sf) =	vpush v17, $0xF;
	v18, _, _ =	vpop (xrf0);
	(xrf0) =	vadd.scan.msk.s32 $0xffff, v11  }
0x97: {  	v21 =	vld [tilespmem:$0x101E0];
	(v2sf) =	vpush v18, $0xF;
	v20, _, _ =	vpop (xrf0);
	(xrf0) =	vadd.scan.msk.s32 $0xffff, v12  }
0x98: {  	(v2sf) =	vpush v20, $0xF;
	v22, _, _ =	vpop (xrf0);
	(xrf0) =	vadd.scan.msk.s32 $0xffff, v14  }
0x99: {  	(v2sf) =	vpush v22, $0xF;
	v23, _, _ =	vpop (xrf0);
	(xrf0) =	vadd.scan.msk.s32 $0xffff, v16  }
0x9a: {  	v24, _, _ =	vpop (xrf0);
	(v2sf) =	vpush v23, $0xF  }
0x9b: {  	(xrf0) =	vadd.scan.msk.s32 $0xffff, v19;
	(v2sf) =	vpush v24, $0xF;
	v25, _, _ =	vpop (xrf0)  }
0x9c: {  	(xrf0) =	vadd.scan.msk.s32 $0xffff, v21;
	(v2sf) =	vpush v25, $0xF;
	v26, _, _ =	vpop (xrf0)  }
0x9d: {  	v27, _, _ =	vpop (xrf0);
	(v2sf) =	vpush v26, $0xF  }
0x9e: {  	v28, _, _ =	vpop (xrf0);
	(v2sf) =	vpush v27, $0xF  }
0x9f: {  	v29, _, _ =	vpop (xrf0);
	(v2sf) =	vpush v28, $0xF  }
0xa0: {  	(v2sf) =	vpush v29, $0xF  }
0xa1: {  	v30, _, _ =	vpop (xrf0)  }
0xa2: {  	v31 =	vbroadcast v13, $0xF;
	(v2sf) =	vpush v30, $0xF;
	v32, _, _ =	vpop (xrf0)  }
0xa3: {  	s4 =	spop (v2sf);
	(v2sf) =	vpush v32, $0xF  }
0xa4: {  	v2 =	vsub.s32 v13, v2;
	v3 =	vsub.s32 v31, v3;
	s11 =	spop (v2sf)  }
0xa5: {  	[tilespmem:$0x10200] =	vst v2;
	v4 =	vsub.s32 v17, v4;
	v3 =	vadd.s32 v15, v3;
	s14 =	spop (v2sf);
	s4 =	sadd.s32 s4, s11  }
0xa6: {  	[tilespmem:$0x10210] =	vst v3;
	v3 =	vsub.s32 v18, v5;
	s10 =	spop (v2sf);
	v4 =	vadd.s32 s4, v4;
	s4 =	sadd.s32 s4, s14  }
0xa7: {  	v49 =	vld [tilespmem:$0x101F0];
	v48 =	vsub.s32 v20, v6;
	[tilespmem:$0x10220] =	vst v4;
	s26 =	spop (v2sf);
	v3 =	vadd.s32 s4, v3;
	s4 =	sadd.s32 s4, s10  }
0xa8: {  	[tilespmem:$0x10230] =	vst v3;
	v3 =	vsub.s32 v22, v7;
	s30 =	spop (v2sf);
	v4 =	vadd.s32 s4, v48;
	s4 =	sadd.s32 s4, s26  }
0xa9: {  	v50 =	vsub.s32 v23, v8;
	[tilespmem:$0x10240] =	vst v4;
	s31 =	spop (v2sf);
	v3 =	vadd.s32 s4, v3;
	s4 =	sadd.s32 s4, s30  }
0xaa: {  	[tilespmem:$0x10250] =	vst v3;
	v3 =	vsub.s32 v24, v9;
	s10 =	spop (v2sf);
	v4 =	vadd.s32 s4, v50;
	s4 =	sadd.s32 s4, s31  }
0xab: {  	v51 =	vsub.s32 v25, v10;
	[tilespmem:$0x10260] =	vst v4;
	s26 =	spop (v2sf);
	v3 =	vadd.s32 s4, v3;
	s4 =	sadd.s32 s4, s10  }
0xac: {  	(xrf0) =	vadd.scan.msk.s32 $0xffff, v49;
	[tilespmem:$0x10270] =	vst v3;
	v3 =	vsub.s32 v26, v11;
	s30 =	spop (v2sf);
	v4 =	vadd.s32 s4, v51;
	s4 =	sadd.s32 s4, s26  }
0xad: {  	v52 =	vsub.s32 v27, v12;
	[tilespmem:$0x10280] =	vst v4;
	s31 =	spop (v2sf);
	v3 =	vadd.s32 s4, v3;
	s4 =	sadd.s32 s4, s30  }
0xae: {  	[tilespmem:$0x10290] =	vst v3;
	v3 =	vsub.s32 v28, v14;
	s10 =	spop (v2sf);
	v4 =	vadd.s32 s4, v52;
	s4 =	sadd.s32 s4, s31  }
0xaf: {  	v53 =	vsub.s32 v29, v16;
	[tilespmem:$0x102A0] =	vst v4;
	s26 =	spop (v2sf);
	v3 =	vadd.s32 s4, v3;
	s4 =	sadd.s32 s4, s10  }
0xb0: {  	[tilespmem:$0x102B0] =	vst v3;
	v3 =	vsub.s32 v30, v19;
	v4 =	vadd.s32 s4, v53;
	s4 =	sadd.s32 s4, s26  }
0xb1: {  	[tilespmem:$0x10100] =	vst v2;
	v55 =	vld [tilespmem:$0x10210];
	s30 =	spop (v2sf);
	v3 =	vadd.s32 s4, v3  }
0xb2: {  	v54, _, _ =	vpop (xrf0);
	v56 =	vld [tilespmem:$0x10220];
	s4 =	sadd.s32 s4, s30;
	[tilespmem:$0x102D0] =	vst v3;
	v3 =	vsub.s32 v32, v21;
	s31 =	spop (v2sf)  }
0xb3: {  	v57 =	vld [tilespmem:$0x10230];
	[tilespmem:$0x102C0] =	vst v4;
	v4 =	vsub.s32 v54, v49;
	v3 =	vadd.s32 s4, v3;
	s4 =	sadd.s32 s4, s31  }
0xb4: {  	v2 =	vld [tilespmem:$0x10250];
	[tilespmem:$0x102E0] =	vst v3;
	v3 =	vadd.s32 s4, v4  }
0xb5: {  	[tilespmem:$0x102F0] =	vst v3;
	v3 =	vld [tilespmem:$0x10240]  }
0xb6: {  	[tilespmem:$0x10110] =	vst v55;
	v58 =	vld [tilespmem:$0x10260]  }
0xb7: {  	[tilespmem:$0x10120] =	vst v56;
	v59 =	vld [tilespmem:$0x10270]  }
0xb8: {  	[tilespmem:$0x10130] =	vst v57;
	v60 =	vld [tilespmem:$0x10280]  }
0xb9: {  	[tilespmem:$0x10150] =	vst v2;
	v2 =	vld [tilespmem:$0x102A0]  }
0xba: {  	[tilespmem:$0x10140] =	vst v3;
	v3 =	vld [tilespmem:$0x10290]  }
0xbb: {  	[tilespmem:$0x10160] =	vst v58;
	v61 =	vld [tilespmem:$0x102B0]  }
0xbc: {  	[tilespmem:$0x10170] =	vst v59;
	v62 =	vld [tilespmem:$0x102C0]  }
0xbd: {  	[tilespmem:$0x10180] =	vst v60;
	v63 =	vld [tilespmem:$0x102D0]  }
0xbe: {  	[tilespmem:$0x101A0] =	vst v2;
	v2 =	vld [tilespmem:$0x102F0]  }
0xbf: {  	[tilespmem:$0x10190] =	vst v3;
	v3 =	vld [tilespmem:$0x102E0]  }
0xc0: {  	[tilespmem:$0x101B0] =	vst v61  }
0xc1: {  	[tilespmem:$0x101C0] =	vst v62  }
0xc2: {  	[tilespmem:$0x101D0] =	vst v63  }
0xc3: {  	[tilespmem:$0x101F0] =	vst v2  }
0xc4: {  	s28 =	simm.s32 $0x70;
	s29 =	simm.s32 $0x40;
	s11 =	simm.s32 $0xFFFFFFF8;
	[tilespmem:$0x101E0] =	vst v3  }
.LBB2_4:
0xc5: {  	v2 =	vld [tilespmem:s29+$0xFFFFFFC0];
	_ =	sdelay $0x4  }
0xc6: {  	v3 =	vshra.s32 v2, $0xC  }
0xc7: {  	(xrf1) =	vunique.msk.u32 $0xffff, v3;
	_ =	sdelay $0x9  }
0xc8: {  	v4 =	vld.idx.msk [tilespmem:v3+s5+$0x0], $0xffff;
	_ =	sdelay $0x3  }
0xc9: {  	_, v5, vm2 =	vpop (xrf1)  }
0xca: {  	v4 =	vadd.s32 v5, v4  }
0xcb: {  	v4 =	vadd.s32 $0xFFFFFFFF, v4  }
0xcc: {  	v2 =	vshll.u32 v2, $0xE  }
0xcd: {  	s4 =	sadd.s32 $0xFFFFFF90, s28;
	v2 =	vand.u32 $0x3FFC000, v2  }
0xce: {  	v2 =	vor.u32 s4, v2  }
0xcf: {  	v2 =	vor.u32 v1, v2  }
0xd0: {  	[tilespmem:v4+s6+$0x0] =	vst.idx.msk $0xffff, v2  }
0xd1: {  	[tilespmem:v3+s5+$0x0] =	vst.idx.add.s32.msk vm2, v5  }
0xd2: {  	v2 =	vld [tilespmem:s29+$0xFFFFFFD0];
	_ =	sdelay $0x4  }
0xd3: {  	v3 =	vshra.s32 v2, $0xC  }
0xd4: {  	(xrf1) =	vunique.msk.u32 $0xffff, v3;
	_ =	sdelay $0x9  }
0xd5: {  	v4 =	vld.idx.msk [tilespmem:v3+s5+$0x0], $0xffff;
	_ =	sdelay $0x3  }
0xd6: {  	_, v5, vm2 =	vpop (xrf1)  }
0xd7: {  	v4 =	vadd.s32 v5, v4  }
0xd8: {  	v4 =	vadd.s32 $0xFFFFFFFF, v4  }
0xd9: {  	v2 =	vshll.u32 v2, $0xE  }
0xda: {  	s31 =	sadd.s32 $0xFFFFFFA0, s28;
	v2 =	vand.u32 $0x3FFC000, v2  }
0xdb: {  	v2 =	vor.u32 s31, v2  }
0xdc: {  	v2 =	vor.u32 v1, v2  }
0xdd: {  	[tilespmem:v4+s6+$0x0] =	vst.idx.msk $0xffff, v2  }
0xde: {  	[tilespmem:v3+s5+$0x0] =	vst.idx.add.s32.msk vm2, v5  }
0xdf: {  	v2 =	vld [tilespmem:s29+$0xFFFFFFE0];
	_ =	sdelay $0x4  }
0xe0: {  	v3 =	vshra.s32 v2, $0xC  }
0xe1: {  	(xrf1) =	vunique.msk.u32 $0xffff, v3;
	_ =	sdelay $0x9  }
0xe2: {  	v4 =	vld.idx.msk [tilespmem:v3+s5+$0x0], $0xffff;
	_ =	sdelay $0x3  }
0xe3: {  	_, v5, vm2 =	vpop (xrf1)  }
0xe4: {  	v4 =	vadd.s32 v5, v4  }
0xe5: {  	v4 =	vadd.s32 $0xFFFFFFFF, v4  }
0xe6: {  	v2 =	vshll.u32 v2, $0xE  }
0xe7: {  	s10 =	sadd.s32 $0xFFFFFFB0, s28;
	v2 =	vand.u32 $0x3FFC000, v2  }
0xe8: {  	v2 =	vor.u32 s10, v2  }
0xe9: {  	v2 =	vor.u32 v1, v2  }
0xea: {  	[tilespmem:v4+s6+$0x0] =	vst.idx.msk $0xffff, v2  }
0xeb: {  	[tilespmem:v3+s5+$0x0] =	vst.idx.add.s32.msk vm2, v5  }
0xec: {  	v2 =	vld [tilespmem:s29+$0xFFFFFFF0];
	_ =	sdelay $0x4  }
0xed: {  	v3 =	vshra.s32 v2, $0xC  }
0xee: {  	(xrf1) =	vunique.msk.u32 $0xffff, v3;
	_ =	sdelay $0x9  }
0xef: {  	v4 =	vld.idx.msk [tilespmem:v3+s5+$0x0], $0xffff;
	_ =	sdelay $0x3  }
0xf0: {  	_, v5, vm2 =	vpop (xrf1)  }
0xf1: {  	v4 =	vadd.s32 v5, v4  }
0xf2: {  	v4 =	vadd.s32 $0xFFFFFFFF, v4  }
0xf3: {  	v2 =	vshll.u32 v2, $0xE  }
0xf4: {  	s14 =	sadd.s32 $0xFFFFFFC0, s28;
	v2 =	vand.u32 $0x3FFC000, v2  }
0xf5: {  	v2 =	vor.u32 s14, v2  }
0xf6: {  	v2 =	vor.u32 v1, v2  }
0xf7: {  	[tilespmem:v4+s6+$0x0] =	vst.idx.msk $0xffff, v2  }
0xf8: {  	[tilespmem:v3+s5+$0x0] =	vst.idx.add.s32.msk vm2, v5  }
0xf9: {  	v2 =	vld [tilespmem:s29+$0x0];
	_ =	sdelay $0x4  }
0xfa: {  	v3 =	vshra.s32 v2, $0xC  }
0xfb: {  	(xrf1) =	vunique.msk.u32 $0xffff, v3;
	_ =	sdelay $0x9  }
0xfc: {  	v4 =	vld.idx.msk [tilespmem:v3+s5+$0x0], $0xffff;
	_ =	sdelay $0x3  }
0xfd: {  	_, v5, vm2 =	vpop (xrf1)  }
0xfe: {  	v4 =	vadd.s32 v5, v4  }
0xff: {  	v4 =	vadd.s32 $0xFFFFFFFF, v4  }
0x100: {  	v2 =	vshll.u32 v2, $0xE  }
0x101: {  	s26 =	sadd.s32 $0xFFFFFFD0, s28;
	v2 =	vand.u32 $0x3FFC000, v2  }
0x102: {  	v2 =	vor.u32 s26, v2  }
0x103: {  	v2 =	vor.u32 v1, v2  }
0x104: {  	[tilespmem:v4+s6+$0x0] =	vst.idx.msk $0xffff, v2  }
0x105: {  	[tilespmem:v3+s5+$0x0] =	vst.idx.add.s32.msk vm2, v5  }
0x106: {  	v2 =	vld [tilespmem:s29+$0x10];
	_ =	sdelay $0x4  }
0x107: {  	v3 =	vshra.s32 v2, $0xC  }
0x108: {  	(xrf1) =	vunique.msk.u32 $0xffff, v3;
	_ =	sdelay $0x9  }
0x109: {  	v4 =	vld.idx.msk [tilespmem:v3+s5+$0x0], $0xffff;
	_ =	sdelay $0x3  }
0x10a: {  	_, v5, vm2 =	vpop (xrf1)  }
0x10b: {  	v4 =	vadd.s32 v5, v4  }
0x10c: {  	v4 =	vadd.s32 $0xFFFFFFFF, v4  }
0x10d: {  	v2 =	vshll.u32 v2, $0xE  }
0x10e: {  	s30 =	sadd.s32 $0xFFFFFFE0, s28;
	v2 =	vand.u32 $0x3FFC000, v2  }
0x10f: {  	v2 =	vor.u32 s30, v2  }
0x110: {  	v2 =	vor.u32 v1, v2  }
0x111: {  	[tilespmem:v4+s6+$0x0] =	vst.idx.msk $0xffff, v2  }
0x112: {  	[tilespmem:v3+s5+$0x0] =	vst.idx.add.s32.msk vm2, v5  }
0x113: {  	v2 =	vld [tilespmem:s29+$0x20];
	_ =	sdelay $0x4  }
0x114: {  	v3 =	vshra.s32 v2, $0xC  }
0x115: {  	(xrf1) =	vunique.msk.u32 $0xffff, v3;
	_ =	sdelay $0x9  }
0x116: {  	v4 =	vld.idx.msk [tilespmem:v3+s5+$0x0], $0xffff;
	_ =	sdelay $0x3  }
0x117: {  	_, v5, vm2 =	vpop (xrf1)  }
0x118: {  	v4 =	vadd.s32 v5, v4  }
0x119: {  	v4 =	vadd.s32 $0xFFFFFFFF, v4  }
0x11a: {  	v2 =	vshll.u32 v2, $0xE  }
0x11b: {  	s31 =	sadd.s32 $0xFFFFFFF0, s28;
	v2 =	vand.u32 $0x3FFC000, v2  }
0x11c: {  	v2 =	vor.u32 s31, v2  }
0x11d: {  	v2 =	vor.u32 v1, v2  }
0x11e: {  	[tilespmem:v4+s6+$0x0] =	vst.idx.msk $0xffff, v2  }
0x11f: {  	[tilespmem:v3+s5+$0x0] =	vst.idx.add.s32.msk vm2, v5  }
0x120: {  	v2 =	vld [tilespmem:s29+$0x30];
	_ =	sdelay $0x4  }
0x121: {  	v3 =	vshra.s32 v2, $0xC  }
0x122: {  	(xrf1) =	vunique.msk.u32 $0xffff, v3;
	_ =	sdelay $0x9  }
0x123: {  	v4 =	vld.idx.msk [tilespmem:v3+s5+$0x0], $0xffff;
	_ =	sdelay $0x3  }
0x124: {  	_, v5, vm2 =	vpop (xrf1)  }
0x125: {  	v4 =	vadd.s32 v5, v4  }
0x126: {  	s11 =	sadd.s32 $0x8, s11;
	v4 =	vadd.s32 $0xFFFFFFFF, v4  }
0x127: {  	p0 =	slt.u32 s11, $0x3F8;
	v2 =	vshll.u32 v2, $0xE  }
.Ltmp3:
0x128: {  	v2 =	vand.u32 $0x3FFC000, v2;
	(pc) =	sbr.rel @p0 .LBB2_4-.Ltmp3, $4  }
0x129: {  	v2 =	vor.u32 s28, v2  }
0x12a: {  	v2 =	vor.u32 v1, v2  }
0x12b: {  	[tilespmem:v4+s6+$0x0] =	vst.idx.msk $0xffff, v2  }
0x12c: {  	s29 =	sadd.s32 $0x80, s29;
	s28 =	sadd.s32 $0x80, s28;
	[tilespmem:v3+s5+$0x0] =	vst.idx.add.s32.msk vm2, v5  }
0x12d: {  	[tilespmem:$0x10100] =	vst v0  }
0x12e: {  	[tilespmem:$0x10110] =	vst v0  }
0x12f: {  	[tilespmem:$0x10120] =	vst v0  }
0x130: {  	[tilespmem:$0x10130] =	vst v0  }
0x131: {  	[tilespmem:$0x10140] =	vst v0  }
0x132: {  	[tilespmem:$0x10150] =	vst v0  }
0x133: {  	[tilespmem:$0x10160] =	vst v0  }
0x134: {  	[tilespmem:$0x10170] =	vst v0  }
0x135: {  	[tilespmem:$0x10180] =	vst v0  }
0x136: {  	[tilespmem:$0x10190] =	vst v0  }
0x137: {  	[tilespmem:$0x101A0] =	vst v0  }
0x138: {  	[tilespmem:$0x101B0] =	vst v0  }
0x139: {  	[tilespmem:$0x101C0] =	vst v0  }
0x13a: {  	[tilespmem:$0x101D0] =	vst v0  }
0x13b: {  	[tilespmem:$0x101E0] =	vst v0  }
0x13c: {  	[tilespmem:$0x101F0] =	vst v0;
	s11 =	simm.s32 $0xFFFFFFF8;
	s28 =	simm.s32 $0x4040  }
.LBB2_6:
0x13d: {  	v2 =	vld [tilespmem:s28+$0xFFFFFFC0];
	_ =	sdelay $0x4  }
0x13e: {  	v2 =	vshra.s32 v2, $0xC  }
0x13f: {  	(xrf1) =	vunique.msk.u32 $0xffff, v2;
	_ =	sdelay $0xd  }
0x140: {  	_, v3, vm2 =	vpop (xrf1);
	_ =	sdelay $0x5  }
0x141: {  	[tilespmem:v2+s5+$0x0] =	vst.idx.add.s32.msk vm2, v3  }
0x142: {  	v2 =	vld [tilespmem:s28+$0xFFFFFFD0];
	_ =	sdelay $0x4  }
0x143: {  	v2 =	vshra.s32 v2, $0xC  }
0x144: {  	(xrf1) =	vunique.msk.u32 $0xffff, v2;
	_ =	sdelay $0xd  }
0x145: {  	_, v3, vm2 =	vpop (xrf1);
	_ =	sdelay $0x5  }
0x146: {  	[tilespmem:v2+s5+$0x0] =	vst.idx.add.s32.msk vm2, v3  }
0x147: {  	v2 =	vld [tilespmem:s28+$0xFFFFFFE0];
	_ =	sdelay $0x4  }
0x148: {  	v2 =	vshra.s32 v2, $0xC  }
0x149: {  	(xrf1) =	vunique.msk.u32 $0xffff, v2;
	_ =	sdelay $0xd  }
0x14a: {  	_, v3, vm2 =	vpop (xrf1);
	_ =	sdelay $0x5  }
0x14b: {  	[tilespmem:v2+s5+$0x0] =	vst.idx.add.s32.msk vm2, v3  }
0x14c: {  	v2 =	vld [tilespmem:s28+$0xFFFFFFF0];
	_ =	sdelay $0x4  }
0x14d: {  	v2 =	vshra.s32 v2, $0xC  }
0x14e: {  	(xrf1) =	vunique.msk.u32 $0xffff, v2;
	_ =	sdelay $0xd  }
0x14f: {  	_, v3, vm2 =	vpop (xrf1);
	_ =	sdelay $0x5  }
0x150: {  	[tilespmem:v2+s5+$0x0] =	vst.idx.add.s32.msk vm2, v3  }
0x151: {  	v2 =	vld [tilespmem:s28+$0x0];
	_ =	sdelay $0x4  }
0x152: {  	v2 =	vshra.s32 v2, $0xC  }
0x153: {  	(xrf1) =	vunique.msk.u32 $0xffff, v2;
	_ =	sdelay $0xd  }
0x154: {  	_, v3, vm2 =	vpop (xrf1);
	_ =	sdelay $0x5  }
0x155: {  	[tilespmem:v2+s5+$0x0] =	vst.idx.add.s32.msk vm2, v3  }
0x156: {  	v2 =	vld [tilespmem:s28+$0x10];
	_ =	sdelay $0x4  }
0x157: {  	v2 =	vshra.s32 v2, $0xC  }
0x158: {  	(xrf1) =	vunique.msk.u32 $0xffff, v2;
	_ =	sdelay $0xd  }
0x159: {  	_, v3, vm2 =	vpop (xrf1);
	_ =	sdelay $0x5  }
0x15a: {  	[tilespmem:v2+s5+$0x0] =	vst.idx.add.s32.msk vm2, v3  }
0x15b: {  	v2 =	vld [tilespmem:s28+$0x20];
	_ =	sdelay $0x4  }
0x15c: {  	v2 =	vshra.s32 v2, $0xC  }
0x15d: {  	(xrf1) =	vunique.msk.u32 $0xffff, v2;
	_ =	sdelay $0xd  }
0x15e: {  	_, v3, vm2 =	vpop (xrf1);
	_ =	sdelay $0x5  }
0x15f: {  	[tilespmem:v2+s5+$0x0] =	vst.idx.add.s32.msk vm2, v3  }
0x160: {  	v2 =	vld [tilespmem:s28+$0x30];
	_ =	sdelay $0x4  }
0x161: {  	v2 =	vshra.s32 v2, $0xC  }
0x162: {  	(xrf1) =	vunique.msk.u32 $0xffff, v2;
	_ =	sdelay $0xd  }
0x163: {  	s11 =	sadd.s32 $0x8, s11;
	_, v3, vm2 =	vpop (xrf1)  }
0x164: {  	p0 =	slt.u32 s11, $0x3F8  }
.Ltmp4:
0x165: {  	_ = 	snop;
	(pc) =	sbr.rel @p0 .LBB2_6-.Ltmp4, $2  }
0x166: {  	_ =	sdelay $0x2  }
0x167: {  	s28 =	sadd.s32 $0x80, s28;
	[tilespmem:v2+s5+$0x0] =	vst.idx.add.s32.msk vm2, v3  }
0x168: {  	v2 =	vld [tilespmem:$0x10100]  }
0x169: {  	v3 =	vld [tilespmem:$0x10110]  }
0x16a: {  	v4 =	vld [tilespmem:$0x10120]  }
0x16b: {  	v5 =	vld [tilespmem:$0x10130]  }
0x16c: {  	v6 =	vld [tilespmem:$0x10140]  }
0x16d: {  	v7 =	vld [tilespmem:$0x10150];
	(xrf0) =	vadd.scan.msk.s32 $0xffff, v2  }
0x16e: {  	v8 =	vld [tilespmem:$0x10160];
	(xrf0) =	vadd.scan.msk.s32 $0xffff, v3  }
0x16f: {  	v9 =	vld [tilespmem:$0x10170];
	(xrf0) =	vadd.scan.msk.s32 $0xffff, v4  }
0x170: {  	v10 =	vld [tilespmem:$0x10180];
	(xrf0) =	vadd.scan.msk.s32 $0xffff, v5  }
0x171: {  	v11 =	vld [tilespmem:$0x10190];
	(xrf0) =	vadd.scan.msk.s32 $0xffff, v6  }
0x172: {  	v12 =	vld [tilespmem:$0x101A0];
	(xrf0) =	vadd.scan.msk.s32 $0xffff, v7  }
0x173: {  	v14 =	vld [tilespmem:$0x101B0];
	v13, _, _ =	vpop (xrf0);
	(xrf0) =	vadd.scan.msk.s32 $0xffff, v8  }
0x174: {  	v16 =	vld [tilespmem:$0x101C0];
	(v2sf) =	vpush v13, $0xF;
	v15, _, _ =	vpop (xrf0);
	(xrf0) =	vadd.scan.msk.s32 $0xffff, v9  }
0x175: {  	(v2sf) =	vpush v15, $0xF;
	v17, _, _ =	vpop (xrf0);
	(xrf0) =	vadd.scan.msk.s32 $0xffff, v10  }
0x176: {  	v19 =	vld [tilespmem:$0x101D0];
	(v2sf) =	vpush v17, $0xF;
	v18, _, _ =	vpop (xrf0);
	(xrf0) =	vadd.scan.msk.s32 $0xffff, v11  }
0x177: {  	v21 =	vld [tilespmem:$0x101E0];
	(v2sf) =	vpush v18, $0xF;
	v20, _, _ =	vpop (xrf0);
	(xrf0) =	vadd.scan.msk.s32 $0xffff, v12  }
0x178: {  	(v2sf) =	vpush v20, $0xF;
	v22, _, _ =	vpop (xrf0);
	(xrf0) =	vadd.scan.msk.s32 $0xffff, v14  }
0x179: {  	(v2sf) =	vpush v22, $0xF;
	v23, _, _ =	vpop (xrf0);
	(xrf0) =	vadd.scan.msk.s32 $0xffff, v16  }
0x17a: {  	v24, _, _ =	vpop (xrf0);
	(v2sf) =	vpush v23, $0xF  }
0x17b: {  	(xrf0) =	vadd.scan.msk.s32 $0xffff, v19;
	(v2sf) =	vpush v24, $0xF;
	v25, _, _ =	vpop (xrf0)  }
0x17c: {  	(xrf0) =	vadd.scan.msk.s32 $0xffff, v21;
	(v2sf) =	vpush v25, $0xF;
	v26, _, _ =	vpop (xrf0)  }
0x17d: {  	v27, _, _ =	vpop (xrf0);
	(v2sf) =	vpush v26, $0xF  }
0x17e: {  	v28, _, _ =	vpop (xrf0);
	(v2sf) =	vpush v27, $0xF  }
0x17f: {  	v29, _, _ =	vpop (xrf0);
	(v2sf) =	vpush v28, $0xF  }
0x180: {  	(v2sf) =	vpush v29, $0xF  }
0x181: {  	v30, _, _ =	vpop (xrf0)  }
0x182: {  	v31 =	vbroadcast v13, $0xF;
	(v2sf) =	vpush v30, $0xF;
	v32, _, _ =	vpop (xrf0)  }
0x183: {  	s4 =	spop (v2sf);
	(v2sf) =	vpush v32, $0xF  }
0x184: {  	v2 =	vsub.s32 v13, v2;
	v3 =	vsub.s32 v31, v3;
	s11 =	spop (v2sf)  }
0x185: {  	[tilespmem:$0x10300] =	vst v2;
	v4 =	vsub.s32 v17, v4;
	v3 =	vadd.s32 v15, v3;
	s14 =	spop (v2sf);
	s4 =	sadd.s32 s4, s11  }
0x186: {  	[tilespmem:$0x10310] =	vst v3;
	v3 =	vsub.s32 v18, v5;
	s10 =	spop (v2sf);
	v4 =	vadd.s32 s4, v4;
	s4 =	sadd.s32 s4, s14  }
0x187: {  	v49 =	vld [tilespmem:$0x101F0];
	v48 =	vsub.s32 v20, v6;
	[tilespmem:$0x10320] =	vst v4;
	s26 =	spop (v2sf);
	v3 =	vadd.s32 s4, v3;
	s4 =	sadd.s32 s4, s10  }
0x188: {  	[tilespmem:$0x10330] =	vst v3;
	v3 =	vsub.s32 v22, v7;
	s30 =	spop (v2sf);
	v4 =	vadd.s32 s4, v48;
	s4 =	sadd.s32 s4, s26  }
0x189: {  	v50 =	vsub.s32 v23, v8;
	[tilespmem:$0x10340] =	vst v4;
	s31 =	spop (v2sf);
	v3 =	vadd.s32 s4, v3;
	s4 =	sadd.s32 s4, s30  }
0x18a: {  	[tilespmem:$0x10350] =	vst v3;
	v3 =	vsub.s32 v24, v9;
	s10 =	spop (v2sf);
	v4 =	vadd.s32 s4, v50;
	s4 =	sadd.s32 s4, s31  }
0x18b: {  	v51 =	vsub.s32 v25, v10;
	[tilespmem:$0x10360] =	vst v4;
	s26 =	spop (v2sf);
	v3 =	vadd.s32 s4, v3;
	s4 =	sadd.s32 s4, s10  }
0x18c: {  	(xrf0) =	vadd.scan.msk.s32 $0xffff, v49;
	[tilespmem:$0x10370] =	vst v3;
	v3 =	vsub.s32 v26, v11;
	s30 =	spop (v2sf);
	v4 =	vadd.s32 s4, v51;
	s4 =	sadd.s32 s4, s26  }
0x18d: {  	v52 =	vsub.s32 v27, v12;
	[tilespmem:$0x10380] =	vst v4;
	s31 =	spop (v2sf);
	v3 =	vadd.s32 s4, v3;
	s4 =	sadd.s32 s4, s30  }
0x18e: {  	[tilespmem:$0x10390] =	vst v3;
	v3 =	vsub.s32 v28, v14;
	s10 =	spop (v2sf);
	v4 =	vadd.s32 s4, v52;
	s4 =	sadd.s32 s4, s31  }
0x18f: {  	v53 =	vsub.s32 v29, v16;
	[tilespmem:$0x103A0] =	vst v4;
	s26 =	spop (v2sf);
	v3 =	vadd.s32 s4, v3;
	s4 =	sadd.s32 s4, s10  }
0x190: {  	[tilespmem:$0x103B0] =	vst v3;
	v3 =	vsub.s32 v30, v19;
	v4 =	vadd.s32 s4, v53;
	s4 =	sadd.s32 s4, s26  }
0x191: {  	[tilespmem:$0x10100] =	vst v2;
	v55 =	vld [tilespmem:$0x10310];
	s30 =	spop (v2sf);
	v3 =	vadd.s32 s4, v3  }
0x192: {  	v54, _, _ =	vpop (xrf0);
	v56 =	vld [tilespmem:$0x10320];
	s4 =	sadd.s32 s4, s30;
	[tilespmem:$0x103D0] =	vst v3;
	v3 =	vsub.s32 v32, v21;
	s31 =	spop (v2sf)  }
0x193: {  	v57 =	vld [tilespmem:$0x10330];
	[tilespmem:$0x103C0] =	vst v4;
	v4 =	vsub.s32 v54, v49;
	v3 =	vadd.s32 s4, v3;
	s4 =	sadd.s32 s4, s31  }
0x194: {  	v2 =	vld [tilespmem:$0x10350];
	[tilespmem:$0x103E0] =	vst v3;
	v3 =	vadd.s32 s4, v4  }
0x195: {  	[tilespmem:$0x103F0] =	vst v3;
	v3 =	vld [tilespmem:$0x10340]  }
0x196: {  	[tilespmem:$0x10110] =	vst v55;
	v58 =	vld [tilespmem:$0x10360]  }
0x197: {  	[tilespmem:$0x10120] =	vst v56;
	v59 =	vld [tilespmem:$0x10370]  }
0x198: {  	[tilespmem:$0x10130] =	vst v57;
	v60 =	vld [tilespmem:$0x10380]  }
0x199: {  	[tilespmem:$0x10150] =	vst v2;
	v2 =	vld [tilespmem:$0x103A0]  }
0x19a: {  	[tilespmem:$0x10140] =	vst v3;
	v3 =	vld [tilespmem:$0x10390]  }
0x19b: {  	[tilespmem:$0x10160] =	vst v58;
	v61 =	vld [tilespmem:$0x103B0]  }
0x19c: {  	[tilespmem:$0x10170] =	vst v59;
	v62 =	vld [tilespmem:$0x103C0]  }
0x19d: {  	[tilespmem:$0x10180] =	vst v60;
	v63 =	vld [tilespmem:$0x103D0]  }
0x19e: {  	[tilespmem:$0x101A0] =	vst v2;
	v2 =	vld [tilespmem:$0x103F0]  }
0x19f: {  	[tilespmem:$0x10190] =	vst v3;
	v3 =	vld [tilespmem:$0x103E0]  }
0x1a0: {  	[tilespmem:$0x101B0] =	vst v61  }
0x1a1: {  	[tilespmem:$0x101C0] =	vst v62  }
0x1a2: {  	[tilespmem:$0x101D0] =	vst v63  }
0x1a3: {  	[tilespmem:$0x101F0] =	vst v2  }
0x1a4: {  	s28 =	simm.s32 $0x70;
	s29 =	simm.s32 $0x4040;
	s11 =	simm.s32 $0xFFFFFFF8;
	[tilespmem:$0x101E0] =	vst v3  }
.LBB2_8:
0x1a5: {  	v2 =	vld [tilespmem:s29+$0xFFFFFFC0];
	_ =	sdelay $0x4  }
0x1a6: {  	v3 =	vshra.s32 v2, $0xC  }
0x1a7: {  	(xrf1) =	vunique.msk.u32 $0xffff, v3;
	_ =	sdelay $0x9  }
0x1a8: {  	v4 =	vld.idx.msk [tilespmem:v3+s5+$0x0], $0xffff;
	_ =	sdelay $0x3  }
0x1a9: {  	_, v5, vm2 =	vpop (xrf1)  }
0x1aa: {  	v4 =	vadd.s32 v5, v4  }
0x1ab: {  	v4 =	vadd.s32 $0xFFFFFFFF, v4  }
0x1ac: {  	v2 =	vshll.u32 v2, $0xE  }
0x1ad: {  	s4 =	sadd.s32 $0xFFFFFF90, s28;
	v2 =	vand.u32 $0x3FFC000, v2  }
0x1ae: {  	v2 =	vor.u32 s4, v2  }
0x1af: {  	v2 =	vor.u32 v1, v2  }
0x1b0: {  	[tilespmem:v4+s0+$0x0] =	vst.idx.msk $0xffff, v2  }
0x1b1: {  	[tilespmem:v3+s5+$0x0] =	vst.idx.add.s32.msk vm2, v5  }
0x1b2: {  	v2 =	vld [tilespmem:s29+$0xFFFFFFD0];
	_ =	sdelay $0x4  }
0x1b3: {  	v3 =	vshra.s32 v2, $0xC  }
0x1b4: {  	(xrf1) =	vunique.msk.u32 $0xffff, v3;
	_ =	sdelay $0x9  }
0x1b5: {  	v4 =	vld.idx.msk [tilespmem:v3+s5+$0x0], $0xffff;
	_ =	sdelay $0x3  }
0x1b6: {  	_, v5, vm2 =	vpop (xrf1)  }
0x1b7: {  	v4 =	vadd.s32 v5, v4  }
0x1b8: {  	v4 =	vadd.s32 $0xFFFFFFFF, v4  }
0x1b9: {  	v2 =	vshll.u32 v2, $0xE  }
0x1ba: {  	s31 =	sadd.s32 $0xFFFFFFA0, s28;
	v2 =	vand.u32 $0x3FFC000, v2  }
0x1bb: {  	v2 =	vor.u32 s31, v2  }
0x1bc: {  	v2 =	vor.u32 v1, v2  }
0x1bd: {  	[tilespmem:v4+s0+$0x0] =	vst.idx.msk $0xffff, v2  }
0x1be: {  	[tilespmem:v3+s5+$0x0] =	vst.idx.add.s32.msk vm2, v5  }
0x1bf: {  	v2 =	vld [tilespmem:s29+$0xFFFFFFE0];
	_ =	sdelay $0x4  }
0x1c0: {  	v3 =	vshra.s32 v2, $0xC  }
0x1c1: {  	(xrf1) =	vunique.msk.u32 $0xffff, v3;
	_ =	sdelay $0x9  }
0x1c2: {  	v4 =	vld.idx.msk [tilespmem:v3+s5+$0x0], $0xffff;
	_ =	sdelay $0x3  }
0x1c3: {  	_, v5, vm2 =	vpop (xrf1)  }
0x1c4: {  	v4 =	vadd.s32 v5, v4  }
0x1c5: {  	v4 =	vadd.s32 $0xFFFFFFFF, v4  }
0x1c6: {  	v2 =	vshll.u32 v2, $0xE  }
0x1c7: {  	s10 =	sadd.s32 $0xFFFFFFB0, s28;
	v2 =	vand.u32 $0x3FFC000, v2  }
0x1c8: {  	v2 =	vor.u32 s10, v2  }
0x1c9: {  	v2 =	vor.u32 v1, v2  }
0x1ca: {  	[tilespmem:v4+s0+$0x0] =	vst.idx.msk $0xffff, v2  }
0x1cb: {  	[tilespmem:v3+s5+$0x0] =	vst.idx.add.s32.msk vm2, v5  }
0x1cc: {  	v2 =	vld [tilespmem:s29+$0xFFFFFFF0];
	_ =	sdelay $0x4  }
0x1cd: {  	v3 =	vshra.s32 v2, $0xC  }
0x1ce: {  	(xrf1) =	vunique.msk.u32 $0xffff, v3;
	_ =	sdelay $0x9  }
0x1cf: {  	v4 =	vld.idx.msk [tilespmem:v3+s5+$0x0], $0xffff;
	_ =	sdelay $0x3  }
0x1d0: {  	_, v5, vm2 =	vpop (xrf1)  }
0x1d1: {  	v4 =	vadd.s32 v5, v4  }
0x1d2: {  	v4 =	vadd.s32 $0xFFFFFFFF, v4  }
0x1d3: {  	v2 =	vshll.u32 v2, $0xE  }
0x1d4: {  	s14 =	sadd.s32 $0xFFFFFFC0, s28;
	v2 =	vand.u32 $0x3FFC000, v2  }
0x1d5: {  	v2 =	vor.u32 s14, v2  }
0x1d6: {  	v2 =	vor.u32 v1, v2  }
0x1d7: {  	[tilespmem:v4+s0+$0x0] =	vst.idx.msk $0xffff, v2  }
0x1d8: {  	[tilespmem:v3+s5+$0x0] =	vst.idx.add.s32.msk vm2, v5  }
0x1d9: {  	v2 =	vld [tilespmem:s29+$0x0];
	_ =	sdelay $0x4  }
0x1da: {  	v3 =	vshra.s32 v2, $0xC  }
0x1db: {  	(xrf1) =	vunique.msk.u32 $0xffff, v3;
	_ =	sdelay $0x9  }
0x1dc: {  	v4 =	vld.idx.msk [tilespmem:v3+s5+$0x0], $0xffff;
	_ =	sdelay $0x3  }
0x1dd: {  	_, v5, vm2 =	vpop (xrf1)  }
0x1de: {  	v4 =	vadd.s32 v5, v4  }
0x1df: {  	v4 =	vadd.s32 $0xFFFFFFFF, v4  }
0x1e0: {  	v2 =	vshll.u32 v2, $0xE  }
0x1e1: {  	s26 =	sadd.s32 $0xFFFFFFD0, s28;
	v2 =	vand.u32 $0x3FFC000, v2  }
0x1e2: {  	v2 =	vor.u32 s26, v2  }
0x1e3: {  	v2 =	vor.u32 v1, v2  }
0x1e4: {  	[tilespmem:v4+s0+$0x0] =	vst.idx.msk $0xffff, v2  }
0x1e5: {  	[tilespmem:v3+s5+$0x0] =	vst.idx.add.s32.msk vm2, v5  }
0x1e6: {  	v2 =	vld [tilespmem:s29+$0x10];
	_ =	sdelay $0x4  }
0x1e7: {  	v3 =	vshra.s32 v2, $0xC  }
0x1e8: {  	(xrf1) =	vunique.msk.u32 $0xffff, v3;
	_ =	sdelay $0x9  }
0x1e9: {  	v4 =	vld.idx.msk [tilespmem:v3+s5+$0x0], $0xffff;
	_ =	sdelay $0x3  }
0x1ea: {  	_, v5, vm2 =	vpop (xrf1)  }
0x1eb: {  	v4 =	vadd.s32 v5, v4  }
0x1ec: {  	v4 =	vadd.s32 $0xFFFFFFFF, v4  }
0x1ed: {  	v2 =	vshll.u32 v2, $0xE  }
0x1ee: {  	s30 =	sadd.s32 $0xFFFFFFE0, s28;
	v2 =	vand.u32 $0x3FFC000, v2  }
0x1ef: {  	v2 =	vor.u32 s30, v2  }
0x1f0: {  	v2 =	vor.u32 v1, v2  }
0x1f1: {  	[tilespmem:v4+s0+$0x0] =	vst.idx.msk $0xffff, v2  }
0x1f2: {  	[tilespmem:v3+s5+$0x0] =	vst.idx.add.s32.msk vm2, v5  }
0x1f3: {  	v2 =	vld [tilespmem:s29+$0x20];
	_ =	sdelay $0x4  }
0x1f4: {  	v3 =	vshra.s32 v2, $0xC  }
0x1f5: {  	(xrf1) =	vunique.msk.u32 $0xffff, v3;
	_ =	sdelay $0x9  }
0x1f6: {  	v4 =	vld.idx.msk [tilespmem:v3+s5+$0x0], $0xffff;
	_ =	sdelay $0x3  }
0x1f7: {  	_, v5, vm2 =	vpop (xrf1)  }
0x1f8: {  	v4 =	vadd.s32 v5, v4  }
0x1f9: {  	v4 =	vadd.s32 $0xFFFFFFFF, v4  }
0x1fa: {  	v2 =	vshll.u32 v2, $0xE  }
0x1fb: {  	s31 =	sadd.s32 $0xFFFFFFF0, s28;
	v2 =	vand.u32 $0x3FFC000, v2  }
0x1fc: {  	v2 =	vor.u32 s31, v2  }
0x1fd: {  	v2 =	vor.u32 v1, v2  }
0x1fe: {  	[tilespmem:v4+s0+$0x0] =	vst.idx.msk $0xffff, v2  }
0x1ff: {  	[tilespmem:v3+s5+$0x0] =	vst.idx.add.s32.msk vm2, v5  }
0x200: {  	v2 =	vld [tilespmem:s29+$0x30];
	_ =	sdelay $0x4  }
0x201: {  	v3 =	vshra.s32 v2, $0xC  }
0x202: {  	(xrf1) =	vunique.msk.u32 $0xffff, v3;
	_ =	sdelay $0x9  }
0x203: {  	v4 =	vld.idx.msk [tilespmem:v3+s5+$0x0], $0xffff;
	_ =	sdelay $0x3  }
0x204: {  	_, v5, vm2 =	vpop (xrf1)  }
0x205: {  	v4 =	vadd.s32 v5, v4  }
0x206: {  	s11 =	sadd.s32 $0x8, s11;
	v4 =	vadd.s32 $0xFFFFFFFF, v4  }
0x207: {  	p0 =	slt.u32 s11, $0x3F8;
	v2 =	vshll.u32 v2, $0xE  }
.Ltmp5:
0x208: {  	v2 =	vand.u32 $0x3FFC000, v2;
	(pc) =	sbr.rel @p0 .LBB2_8-.Ltmp5, $4  }
0x209: {  	v2 =	vor.u32 s28, v2  }
0x20a: {  	v2 =	vor.u32 v1, v2  }
0x20b: {  	[tilespmem:v4+s0+$0x0] =	vst.idx.msk $0xffff, v2  }
0x20c: {  	s29 =	sadd.s32 $0x80, s29;
	s28 =	sadd.s32 $0x80, s28;
	[tilespmem:v3+s5+$0x0] =	vst.idx.add.s32.msk vm2, v5  }
0x20d: {  	s4 =	rddreg [dreg:$0xc]  }
0x20e: {  	[tilespmem:s15], [sflag:$0x1] =	stream.strided.gather [hbm4b:s4+s13], $0x1000, s12, s13, $0x38;
	[tilespmem:$0x1C400] =	vst v63  }
0x20f: {  	s29 =	rddreg [dreg:$0xd]  }
0x210: {  	[tilespmem:s16], [sflag:$0x2] =	stream.strided.gather [hbm4b:s29+s13], $0x1000, s12, s13, $0x38;
	[tilespmem:$0x1C400] =	vst v63  }
0x211: {  	s30 =	rddreg [dreg:$0xe]  }
0x212: {  	[tilespmem:s18], [sflag:$0x3] =	stream.strided.gather [hbm4b:s30+s13], $0x1000, s12, s13, $0x38;
	[tilespmem:$0x1C400] =	vst v63  }
0x213: {  	s31 =	rddreg [dreg:$0xf];
	s28 =	simm.s32 $0x0  }
0x214: {  	[tilespmem:s19], [sflag:$0x4] =	stream.strided.gather [hbm4b:s31+s13], $0x1000, s12, s13, $0x38;
	[tilespmem:$0x1C400] =	vst v63  }
.LBB2_10:
0x215: {  	_ =	swait.ge [sflag:s20], $0x1000  }
0x216: {  	s11 =	sshll.u32 s28, $0x2;
	[sflag:s20] =	ssyncset.done $0x0  }
0x217: {  	s29 =	sand.u32 $0xF0, s11;
	[sflag:s20] =	ssyncadd.s32 $0xFFFFF000  }
0x218: {  	v2 =	vld [tilespmem:s29+$0x10200];
	_ =	sdelay $0x1  }
0x219: {  	s31 =	sand.u32 $0xC, s11  }
0x21a: {  	v3 =	vmov s31;
	s4 =	sor.u32 $0x1, s31  }
0x21b: {  	vm3 =	veq.s32 v3, v1;
	v3 =	vmov s4  }
0x21c: {  	vm2 =	veq.s32 v3, v1;
	v3 =	vnsel vm3, $0x0, v2  }
0x21d: {  	v2 =	vnsel vm2, $0x0, v2;
	(xrf0) =	vadd.scan.msk.s32 $0xffff, v3  }
0x21e: {  	(xrf0) =	vadd.scan.msk.s32 $0xffff, v2;
	_ =	sdelay $0x4  }
0x21f: {  	v2, _, _ =	vpop (xrf0)  }
0x220: {  	(v2sf) =	vpush v2, $0xF;
	v2, _, _ =	vpop (xrf0)  }
0x221: {  	(v2sf) =	vpush v2, $0xF;
	_ =	sdelay $0xd  }
0x222: {  	s4 =	spop (v2sf)  }
0x223: {  	s14 =	spop (v2sf)  }
0x224: {  	s26 =	ssub.s32 s14, s4  }
0x225: {  	s14 =	sadd.s32 $0xF, s26  }
0x226: {  	p0 =	slt.s32 s14, $0x10  }
.Ltmp6:
0x227: {  	_ = 	snop;
	(pc) =	sbr.rel @p0 .LBB2_17-.Ltmp6, $1  }
0x228: {  	_ =	sdelay $0x3  }
0x229: {  	s30 =	sshra.s32 s14, $0x1F  }
0x22a: {  	s30 =	sshrl.u32 s30, $0x1C  }
0x22b: {  	s10 =	sadd.s32 s30, s14  }
0x22c: {  	s14 =	sshra.s32 s10, $0x4  }
0x22d: {  	p1 =	sne.s32 s14, $0x1  }
.Ltmp7:
0x22e: {  	_ = 	snop;
	(pc) =	sbr.rel @!p1 .LBB2_12-.Ltmp7, $4  }
0x22f: {  	s4 =	sshll.u32 s4, $0x2  }
0x230: {  	s4 =	sshra.s32 s4, $0x2  }
0x231: {  	s4 =	sadd.s32 $0x8000, s4  }
0x232: {  	p0 =	por $0x0, $0x0;
	v2 =	vld [tilespmem:s4+$0x0];
	s30 =	sadd.s32 $0xFFFFFFFF, s14  }
0x233: {  	_ =	sdelay $0x2  }
0x234: {  	v3 =	vmov s26  }
0x235: {  	vm4 =	vgt.s32 v3, v1;
	v3 =	vshrl.u32 v2, $0xE  }
0x236: {  	v3 =	vand.u32 $0xFFF, v3;
	_ =	sdelay $0x4  }
0x237: {  	v2 =	vand.u32 $0x3FFF, v2;
	v3 =	vld.idx.msk [tilespmem:v3+s15+$0x0], vm4  }
0x238: {  	p1 =	sne.s32 s30, $0x1  }
.Ltmp8:
0x239: {  	_ = 	snop;
	(pc) =	sbr.rel @!p1 .LBB2_14-.Ltmp8, $3  }
0x23a: {  	_ =	sdelay $0x1  }
0x23b: {  	s14 =	sadd.s32 $0x10, s4;
	[tilespmem:v2+s21+$0x0] =	vst.idx.msk vm4, v3  }
0x23c: {  	s4 =	sadd.s32 $0xFFFFFFFF, s30;
	p0 =	por $0x1, $0x1;
	s30 =	smov.u32 s26;
	v2 =	vld [tilespmem:s14+$0x0]  }
.LBB2_15:
0x23d: {  	p1 =	sne.s32 s4, $0x1;
	_ =	sdelay $0x1  }
0x23e: {  	s30 =	sadd.s32 $0xFFFFFFF0, s30  }
0x23f: {  	v3 =	vmov s30  }
0x240: {  	vm4 =	vgt.s32 v3, v1;
	v3 =	vshrl.u32 v2, $0xE  }
0x241: {  	v3 =	vand.u32 $0xFFF, v3;
	_ =	sdelay $0x4  }
0x242: {  	v3 =	vld.idx.msk [tilespmem:v3+s15+$0x0], vm4  }
0x243: {  	v2 =	vand.u32 $0x3FFF, v2;
	_ =	sdelay $0x1  }
.Ltmp9:
0x244: {  	(pc) =	sbr.rel @p1 .LBB2_15-.Ltmp9, $3  }
0x245: {  	_ =	sdelay $0x1  }
0x246: {  	s14 =	sadd.s32 $0x10, s14;
	[tilespmem:v2+s21+$0x0] =	vst.idx.msk vm4, v3  }
0x247: {  	s4 =	sadd.s32 $0xFFFFFFFF, s4;
	v2 =	vld [tilespmem:s14+$0x0]  }
.LBB2_16:
0x248: {  	_ = 	snop  }
0x249: {  	s4 =	sadd.s32 @p0 $0xFFFFFFF0, s30  }
0x24a: {  	s26 =	smov.u32 @p0 s4  }
0x24b: {  	v3 =	vmov s26  }
0x24c: {  	vm4 =	vgt.s32 v3, v1;
	v3 =	vshrl.u32 v2, $0xE  }
0x24d: {  	v3 =	vand.u32 $0xFFF, v3;
	_ =	sdelay $0x4  }
0x24e: {  	v2 =	vand.u32 $0x3FFF, v2;
	v3 =	vld.idx.msk [tilespmem:v3+s15+$0x0], vm4;
	_ =	sdelay $0x4  }
0x24f: {  	[tilespmem:v2+s21+$0x0] =	vst.idx.msk vm4, v3  }
.LBB2_17:
0x250: {  	v2 =	vld [tilespmem:s29+$0x10300];
	_ =	sdelay $0x4  }
0x251: {  	v3 =	vnsel vm3, $0x0, v2  }
0x252: {  	v2 =	vnsel vm2, $0x0, v2;
	(xrf0) =	vadd.scan.msk.s32 $0xffff, v3  }
0x253: {  	(xrf0) =	vadd.scan.msk.s32 $0xffff, v2;
	_ =	sdelay $0x4  }
0x254: {  	v2, _, _ =	vpop (xrf0)  }
0x255: {  	(v2sf) =	vpush v2, $0xF;
	v2, _, _ =	vpop (xrf0)  }
0x256: {  	(v2sf) =	vpush v2, $0xF;
	_ =	sdelay $0xd  }
0x257: {  	s4 =	spop (v2sf)  }
0x258: {  	s14 =	spop (v2sf)  }
0x259: {  	s30 =	ssub.s32 s14, s4  }
0x25a: {  	s14 =	sadd.s32 $0xF, s30  }
0x25b: {  	p0 =	slt.s32 s14, $0x10  }
.Ltmp10:
0x25c: {  	_ = 	snop;
	(pc) =	sbr.rel @p0 .LBB2_24-.Ltmp10, $1  }
0x25d: {  	_ =	sdelay $0x3  }
0x25e: {  	s26 =	sshra.s32 s14, $0x1F  }
0x25f: {  	s26 =	sshrl.u32 s26, $0x1C  }
0x260: {  	s26 =	sadd.s32 s26, s14  }
0x261: {  	s14 =	sshra.s32 s26, $0x4  }
0x262: {  	p1 =	sne.s32 s14, $0x1  }
.Ltmp11:
0x263: {  	_ = 	snop;
	(pc) =	sbr.rel @!p1 .LBB2_19-.Ltmp11, $4  }
0x264: {  	s4 =	sshll.u32 s4, $0x2  }
0x265: {  	s4 =	sshra.s32 s4, $0x2  }
0x266: {  	s4 =	sadd.s32 $0xC080, s4  }
0x267: {  	p0 =	por $0x0, $0x0;
	v2 =	vld [tilespmem:s4+$0x0];
	s26 =	sadd.s32 $0xFFFFFFFF, s14  }
0x268: {  	_ =	sdelay $0x2  }
0x269: {  	v3 =	vmov s30  }
0x26a: {  	vm3 =	vgt.s32 v3, v1;
	v3 =	vshrl.u32 v2, $0xE  }
0x26b: {  	v3 =	vand.u32 $0xFFF, v3;
	_ =	sdelay $0x4  }
0x26c: {  	v2 =	vand.u32 $0x3FFF, v2;
	v3 =	vld.idx.msk [tilespmem:v3+s15+$0x0], vm3  }
0x26d: {  	p1 =	sne.s32 s26, $0x1  }
.Ltmp12:
0x26e: {  	_ = 	snop;
	(pc) =	sbr.rel @!p1 .LBB2_21-.Ltmp12, $3  }
0x26f: {  	_ =	sdelay $0x1  }
0x270: {  	s14 =	sadd.s32 $0x10, s4;
	[tilespmem:v2+s22+$0x0] =	vst.idx.msk vm3, v3  }
0x271: {  	s4 =	sadd.s32 $0xFFFFFFFF, s26;
	p0 =	por $0x1, $0x1;
	s26 =	smov.u32 s30;
	v2 =	vld [tilespmem:s14+$0x0]  }
.LBB2_22:
0x272: {  	p1 =	sne.s32 s4, $0x1;
	_ =	sdelay $0x1  }
0x273: {  	s26 =	sadd.s32 $0xFFFFFFF0, s26  }
0x274: {  	v3 =	vmov s26  }
0x275: {  	vm3 =	vgt.s32 v3, v1;
	v3 =	vshrl.u32 v2, $0xE  }
0x276: {  	v3 =	vand.u32 $0xFFF, v3;
	_ =	sdelay $0x4  }
0x277: {  	v3 =	vld.idx.msk [tilespmem:v3+s15+$0x0], vm3  }
0x278: {  	v2 =	vand.u32 $0x3FFF, v2;
	_ =	sdelay $0x1  }
.Ltmp13:
0x279: {  	(pc) =	sbr.rel @p1 .LBB2_22-.Ltmp13, $3  }
0x27a: {  	_ =	sdelay $0x1  }
0x27b: {  	s14 =	sadd.s32 $0x10, s14;
	[tilespmem:v2+s22+$0x0] =	vst.idx.msk vm3, v3  }
0x27c: {  	s4 =	sadd.s32 $0xFFFFFFFF, s4;
	v2 =	vld [tilespmem:s14+$0x0]  }
.LBB2_23:
0x27d: {  	_ = 	snop  }
0x27e: {  	s4 =	sadd.s32 @p0 $0xFFFFFFF0, s26  }
0x27f: {  	s30 =	smov.u32 @p0 s4  }
0x280: {  	v3 =	vmov s30  }
0x281: {  	vm3 =	vgt.s32 v3, v1;
	v3 =	vshrl.u32 v2, $0xE  }
0x282: {  	v3 =	vand.u32 $0xFFF, v3;
	_ =	sdelay $0x4  }
0x283: {  	v2 =	vand.u32 $0x3FFF, v2;
	v3 =	vld.idx.msk [tilespmem:v3+s15+$0x0], vm3;
	_ =	sdelay $0x4  }
0x284: {  	[tilespmem:v2+s22+$0x0] =	vst.idx.msk vm3, v3  }
.LBB2_24:
0x285: {  	s30 =	sadd.s32 $0x4, s11;
	p0 =	seq.s32 s28, $0x3C  }
0x286: {  	s4 =	sshll.u32 @!p0 s30, $0xF  }
0x287: {  	s4 =	sadd.s32 @!p0 s1, s4  }
0x288: {  	s11 =	simm.s32 @!p0 $0x80;
	s4 =	sshrl.u32 @!p0 s4, $0x3  }
0x289: {  	s14 =	simm.s32 @!p0 $0x400;
	s26 =	simm.s32 @!p0 $0x10400;
	s4 =	sadd.s32 @!p0 s17, s4  }
0x28a: {  	[tilespmem:s26], [sflag:$0x1] =	stream.strided.gather @!p0 [hbm4b:s4+s11], $0x1000, s14, s11, $0x38;
	[tilespmem:$0x1C400] =	vst v63  }
0x28b: {  	_ =	swait.ge [sflag:s23], $0x1000  }
0x28c: {  	[sflag:s23] =	ssyncset.done $0x0  }
0x28d: {  	[sflag:s23] =	ssyncadd.s32 $0xFFFFF000  }
0x28e: {  	v2 =	vld [tilespmem:s29+$0x10200];
	_ =	sdelay $0x2  }
0x28f: {  	s14 =	sor.u32 $0x2, s31  }
0x290: {  	v3 =	vmov s14  }
0x291: {  	vm3 =	veq.s32 v3, v1;
	v3 =	vnsel vm2, $0x0, v2  }
0x292: {  	v2 =	vnsel vm3, $0x0, v2;
	(xrf0) =	vadd.scan.msk.s32 $0xffff, v3  }
0x293: {  	(xrf0) =	vadd.scan.msk.s32 $0xffff, v2;
	_ =	sdelay $0x4  }
0x294: {  	v2, _, _ =	vpop (xrf0)  }
0x295: {  	(v2sf) =	vpush v2, $0xF;
	v2, _, _ =	vpop (xrf0)  }
0x296: {  	(v2sf) =	vpush v2, $0xF;
	_ =	sdelay $0xd  }
0x297: {  	s4 =	spop (v2sf)  }
0x298: {  	s26 =	spop (v2sf)  }
0x299: {  	s11 =	ssub.s32 s26, s4  }
0x29a: {  	s14 =	sadd.s32 $0xF, s11  }
0x29b: {  	p1 =	slt.s32 s14, $0x10  }
.Ltmp14:
0x29c: {  	_ = 	snop;
	(pc) =	sbr.rel @p1 .LBB2_31-.Ltmp14, $1  }
0x29d: {  	_ =	sdelay $0x3  }
0x29e: {  	s26 =	sshra.s32 s14, $0x1F  }
0x29f: {  	s26 =	sshrl.u32 s26, $0x1C  }
0x2a0: {  	s26 =	sadd.s32 s26, s14  }
0x2a1: {  	s14 =	sshra.s32 s26, $0x4  }
0x2a2: {  	p2 =	sne.s32 s14, $0x1  }
.Ltmp15:
0x2a3: {  	_ = 	snop;
	(pc) =	sbr.rel @!p2 .LBB2_26-.Ltmp15, $4  }
0x2a4: {  	s4 =	sshll.u32 s4, $0x2  }
0x2a5: {  	s4 =	sshra.s32 s4, $0x2  }
0x2a6: {  	s4 =	sadd.s32 $0x8000, s4  }
0x2a7: {  	p1 =	por $0x0, $0x0;
	v2 =	vld [tilespmem:s4+$0x0];
	s26 =	sadd.s32 $0xFFFFFFFF, s14  }
0x2a8: {  	_ =	sdelay $0x2  }
0x2a9: {  	v3 =	vmov s11  }
0x2aa: {  	vm4 =	vgt.s32 v3, v1;
	v3 =	vshrl.u32 v2, $0xE  }
0x2ab: {  	v3 =	vand.u32 $0xFFF, v3;
	_ =	sdelay $0x4  }
0x2ac: {  	v2 =	vand.u32 $0x3FFF, v2;
	v3 =	vld.idx.msk [tilespmem:v3+s16+$0x0], vm4  }
0x2ad: {  	p2 =	sne.s32 s26, $0x1  }
.Ltmp16:
0x2ae: {  	_ = 	snop;
	(pc) =	sbr.rel @!p2 .LBB2_28-.Ltmp16, $3  }
0x2af: {  	_ =	sdelay $0x1  }
0x2b0: {  	s14 =	sadd.s32 $0x10, s4;
	[tilespmem:v2+s21+$0x0] =	vst.idx.msk vm4, v3  }
0x2b1: {  	s4 =	sadd.s32 $0xFFFFFFFF, s26;
	p1 =	por $0x1, $0x1;
	s26 =	smov.u32 s11;
	v2 =	vld [tilespmem:s14+$0x0]  }
.LBB2_29:
0x2b2: {  	p2 =	sne.s32 s4, $0x1;
	_ =	sdelay $0x1  }
0x2b3: {  	s26 =	sadd.s32 $0xFFFFFFF0, s26  }
0x2b4: {  	v3 =	vmov s26  }
0x2b5: {  	vm4 =	vgt.s32 v3, v1;
	v3 =	vshrl.u32 v2, $0xE  }
0x2b6: {  	v3 =	vand.u32 $0xFFF, v3;
	_ =	sdelay $0x4  }
0x2b7: {  	v3 =	vld.idx.msk [tilespmem:v3+s16+$0x0], vm4  }
0x2b8: {  	v2 =	vand.u32 $0x3FFF, v2;
	_ =	sdelay $0x1  }
.Ltmp17:
0x2b9: {  	(pc) =	sbr.rel @p2 .LBB2_29-.Ltmp17, $3  }
0x2ba: {  	_ =	sdelay $0x1  }
0x2bb: {  	s14 =	sadd.s32 $0x10, s14;
	[tilespmem:v2+s21+$0x0] =	vst.idx.msk vm4, v3  }
0x2bc: {  	s4 =	sadd.s32 $0xFFFFFFFF, s4;
	v2 =	vld [tilespmem:s14+$0x0]  }
.LBB2_30:
0x2bd: {  	_ = 	snop  }
0x2be: {  	s4 =	sadd.s32 @p1 $0xFFFFFFF0, s26  }
0x2bf: {  	s11 =	smov.u32 @p1 s4  }
0x2c0: {  	v3 =	vmov s11  }
0x2c1: {  	vm4 =	vgt.s32 v3, v1;
	v3 =	vshrl.u32 v2, $0xE  }
0x2c2: {  	v3 =	vand.u32 $0xFFF, v3;
	_ =	sdelay $0x4  }
0x2c3: {  	v2 =	vand.u32 $0x3FFF, v2;
	v3 =	vld.idx.msk [tilespmem:v3+s16+$0x0], vm4;
	_ =	sdelay $0x4  }
0x2c4: {  	[tilespmem:v2+s21+$0x0] =	vst.idx.msk vm4, v3  }
.LBB2_31:
0x2c5: {  	v2 =	vld [tilespmem:s29+$0x10300];
	_ =	sdelay $0x4  }
0x2c6: {  	v3 =	vnsel vm2, $0x0, v2  }
0x2c7: {  	v2 =	vnsel vm3, $0x0, v2;
	(xrf0) =	vadd.scan.msk.s32 $0xffff, v3  }
0x2c8: {  	(xrf0) =	vadd.scan.msk.s32 $0xffff, v2;
	_ =	sdelay $0x4  }
0x2c9: {  	v2, _, _ =	vpop (xrf0)  }
0x2ca: {  	(v2sf) =	vpush v2, $0xF;
	v2, _, _ =	vpop (xrf0)  }
0x2cb: {  	(v2sf) =	vpush v2, $0xF;
	_ =	sdelay $0xd  }
0x2cc: {  	s4 =	spop (v2sf)  }
0x2cd: {  	s11 =	spop (v2sf)  }
0x2ce: {  	s11 =	ssub.s32 s11, s4  }
0x2cf: {  	s14 =	sadd.s32 $0xF, s11  }
0x2d0: {  	p1 =	slt.s32 s14, $0x10  }
.Ltmp18:
0x2d1: {  	_ = 	snop;
	(pc) =	sbr.rel @p1 .LBB2_38-.Ltmp18, $1  }
0x2d2: {  	_ =	sdelay $0x3  }
0x2d3: {  	s26 =	sshra.s32 s14, $0x1F  }
0x2d4: {  	s26 =	sshrl.u32 s26, $0x1C  }
0x2d5: {  	s26 =	sadd.s32 s26, s14  }
0x2d6: {  	s14 =	sshra.s32 s26, $0x4  }
0x2d7: {  	p2 =	sne.s32 s14, $0x1  }
.Ltmp19:
0x2d8: {  	_ = 	snop;
	(pc) =	sbr.rel @!p2 .LBB2_33-.Ltmp19, $4  }
0x2d9: {  	s4 =	sshll.u32 s4, $0x2  }
0x2da: {  	s4 =	sshra.s32 s4, $0x2  }
0x2db: {  	s4 =	sadd.s32 $0xC080, s4  }
0x2dc: {  	p1 =	por $0x0, $0x0;
	v2 =	vld [tilespmem:s4+$0x0];
	s26 =	sadd.s32 $0xFFFFFFFF, s14  }
0x2dd: {  	_ =	sdelay $0x2  }
0x2de: {  	v3 =	vmov s11  }
0x2df: {  	vm2 =	vgt.s32 v3, v1;
	v3 =	vshrl.u32 v2, $0xE  }
0x2e0: {  	v3 =	vand.u32 $0xFFF, v3;
	_ =	sdelay $0x4  }
0x2e1: {  	v2 =	vand.u32 $0x3FFF, v2;
	v3 =	vld.idx.msk [tilespmem:v3+s16+$0x0], vm2  }
0x2e2: {  	p2 =	sne.s32 s26, $0x1  }
.Ltmp20:
0x2e3: {  	_ = 	snop;
	(pc) =	sbr.rel @!p2 .LBB2_35-.Ltmp20, $3  }
0x2e4: {  	_ =	sdelay $0x1  }
0x2e5: {  	s14 =	sadd.s32 $0x10, s4;
	[tilespmem:v2+s22+$0x0] =	vst.idx.msk vm2, v3  }
0x2e6: {  	s4 =	sadd.s32 $0xFFFFFFFF, s26;
	p1 =	por $0x1, $0x1;
	s26 =	smov.u32 s11;
	v2 =	vld [tilespmem:s14+$0x0]  }
.LBB2_36:
0x2e7: {  	p2 =	sne.s32 s4, $0x1;
	_ =	sdelay $0x1  }
0x2e8: {  	s26 =	sadd.s32 $0xFFFFFFF0, s26  }
0x2e9: {  	v3 =	vmov s26  }
0x2ea: {  	vm2 =	vgt.s32 v3, v1;
	v3 =	vshrl.u32 v2, $0xE  }
0x2eb: {  	v3 =	vand.u32 $0xFFF, v3;
	_ =	sdelay $0x4  }
0x2ec: {  	v3 =	vld.idx.msk [tilespmem:v3+s16+$0x0], vm2  }
0x2ed: {  	v2 =	vand.u32 $0x3FFF, v2;
	_ =	sdelay $0x1  }
.Ltmp21:
0x2ee: {  	(pc) =	sbr.rel @p2 .LBB2_36-.Ltmp21, $3  }
0x2ef: {  	_ =	sdelay $0x1  }
0x2f0: {  	s14 =	sadd.s32 $0x10, s14;
	[tilespmem:v2+s22+$0x0] =	vst.idx.msk vm2, v3  }
0x2f1: {  	s4 =	sadd.s32 $0xFFFFFFFF, s4;
	v2 =	vld [tilespmem:s14+$0x0]  }
.LBB2_37:
0x2f2: {  	_ = 	snop  }
0x2f3: {  	s4 =	sadd.s32 @p1 $0xFFFFFFF0, s26  }
0x2f4: {  	s11 =	smov.u32 @p1 s4  }
0x2f5: {  	v3 =	vmov s11  }
0x2f6: {  	vm2 =	vgt.s32 v3, v1;
	v3 =	vshrl.u32 v2, $0xE  }
0x2f7: {  	v3 =	vand.u32 $0xFFF, v3;
	_ =	sdelay $0x4  }
0x2f8: {  	v2 =	vand.u32 $0x3FFF, v2;
	v3 =	vld.idx.msk [tilespmem:v3+s16+$0x0], vm2;
	_ =	sdelay $0x4  }
0x2f9: {  	[tilespmem:v2+s22+$0x0] =	vst.idx.msk vm2, v3  }
.LBB2_38:
0x2fa: {  	s11 =	sshll.u32 @!p0 s28, $0x11  }
0x2fb: {  	s4 =	sadd.s32 @!p0 s11, s2  }
0x2fc: {  	s14 =	simm.s32 @!p0 $0x80;
	s4 =	sshrl.u32 @!p0 s4, $0x3  }
0x2fd: {  	s26 =	simm.s32 @!p0 $0x400;
	s10 =	simm.s32 @!p0 $0x11400;
	s4 =	sadd.s32 @!p0 s17, s4  }
0x2fe: {  	[tilespmem:s10], [sflag:$0x2] =	stream.strided.gather @!p0 [hbm4b:s4+s14], $0x1000, s26, s14, $0x38;
	[tilespmem:$0x1C400] =	vst v63  }
0x2ff: {  	_ =	swait.ge [sflag:s24], $0x1000  }
0x300: {  	[sflag:s24] =	ssyncset.done $0x0  }
0x301: {  	[sflag:s24] =	ssyncadd.s32 $0xFFFFF000  }
0x302: {  	v2 =	vld [tilespmem:s29+$0x10200];
	_ =	sdelay $0x2  }
0x303: {  	s14 =	sor.u32 $0x3, s31  }
0x304: {  	v3 =	vmov s14  }
0x305: {  	vm2 =	veq.s32 v3, v1;
	v3 =	vnsel vm3, $0x0, v2  }
0x306: {  	v2 =	vnsel vm2, $0x0, v2;
	(xrf0) =	vadd.scan.msk.s32 $0xffff, v3  }
0x307: {  	(xrf0) =	vadd.scan.msk.s32 $0xffff, v2;
	_ =	sdelay $0x4  }
0x308: {  	v2, _, _ =	vpop (xrf0)  }
0x309: {  	(v2sf) =	vpush v2, $0xF;
	v2, _, _ =	vpop (xrf0)  }
0x30a: {  	(v2sf) =	vpush v2, $0xF;
	_ =	sdelay $0xd  }
0x30b: {  	s4 =	spop (v2sf)  }
0x30c: {  	s26 =	spop (v2sf)  }
0x30d: {  	s31 =	ssub.s32 s26, s4  }
0x30e: {  	s14 =	sadd.s32 $0xF, s31  }
0x30f: {  	p1 =	slt.s32 s14, $0x10  }
.Ltmp22:
0x310: {  	_ = 	snop;
	(pc) =	sbr.rel @p1 .LBB2_45-.Ltmp22, $1  }
0x311: {  	_ =	sdelay $0x3  }
0x312: {  	s10 =	sshra.s32 s14, $0x1F  }
0x313: {  	s10 =	sshrl.u32 s10, $0x1C  }
0x314: {  	s10 =	sadd.s32 s10, s14  }
0x315: {  	s10 =	sshra.s32 s10, $0x4  }
0x316: {  	p2 =	sne.s32 s10, $0x1  }
.Ltmp23:
0x317: {  	_ = 	snop;
	(pc) =	sbr.rel @!p2 .LBB2_40-.Ltmp23, $4  }
0x318: {  	s4 =	sshll.u32 s4, $0x2  }
0x319: {  	s4 =	sshra.s32 s4, $0x2  }
0x31a: {  	s4 =	sadd.s32 $0x8000, s4  }
0x31b: {  	p1 =	por $0x0, $0x0;
	v2 =	vld [tilespmem:s4+$0x0];
	s26 =	sadd.s32 $0xFFFFFFFF, s10  }
0x31c: {  	_ =	sdelay $0x2  }
0x31d: {  	v3 =	vmov s31  }
0x31e: {  	vm4 =	vgt.s32 v3, v1;
	v3 =	vshrl.u32 v2, $0xE  }
0x31f: {  	v3 =	vand.u32 $0xFFF, v3;
	_ =	sdelay $0x4  }
0x320: {  	v2 =	vand.u32 $0x3FFF, v2;
	v3 =	vld.idx.msk [tilespmem:v3+s18+$0x0], vm4  }
0x321: {  	p2 =	sne.s32 s26, $0x1  }
.Ltmp24:
0x322: {  	_ = 	snop;
	(pc) =	sbr.rel @!p2 .LBB2_42-.Ltmp24, $3  }
0x323: {  	_ =	sdelay $0x1  }
0x324: {  	s14 =	sadd.s32 $0x10, s4;
	[tilespmem:v2+s21+$0x0] =	vst.idx.msk vm4, v3  }
0x325: {  	s4 =	sadd.s32 $0xFFFFFFFF, s26;
	p1 =	por $0x1, $0x1;
	s26 =	smov.u32 s31;
	v2 =	vld [tilespmem:s14+$0x0]  }
.LBB2_43:
0x326: {  	p2 =	sne.s32 s4, $0x1;
	_ =	sdelay $0x1  }
0x327: {  	s26 =	sadd.s32 $0xFFFFFFF0, s26  }
0x328: {  	v3 =	vmov s26  }
0x329: {  	vm4 =	vgt.s32 v3, v1;
	v3 =	vshrl.u32 v2, $0xE  }
0x32a: {  	v3 =	vand.u32 $0xFFF, v3;
	_ =	sdelay $0x4  }
0x32b: {  	v3 =	vld.idx.msk [tilespmem:v3+s18+$0x0], vm4  }
0x32c: {  	v2 =	vand.u32 $0x3FFF, v2;
	_ =	sdelay $0x1  }
.Ltmp25:
0x32d: {  	(pc) =	sbr.rel @p2 .LBB2_43-.Ltmp25, $3  }
0x32e: {  	_ =	sdelay $0x1  }
0x32f: {  	s14 =	sadd.s32 $0x10, s14;
	[tilespmem:v2+s21+$0x0] =	vst.idx.msk vm4, v3  }
0x330: {  	s4 =	sadd.s32 $0xFFFFFFFF, s4;
	v2 =	vld [tilespmem:s14+$0x0]  }
.LBB2_44:
0x331: {  	_ = 	snop  }
0x332: {  	s4 =	sadd.s32 @p1 $0xFFFFFFF0, s26  }
0x333: {  	s31 =	smov.u32 @p1 s4  }
0x334: {  	v3 =	vmov s31  }
0x335: {  	vm4 =	vgt.s32 v3, v1;
	v3 =	vshrl.u32 v2, $0xE  }
0x336: {  	v3 =	vand.u32 $0xFFF, v3;
	_ =	sdelay $0x4  }
0x337: {  	v2 =	vand.u32 $0x3FFF, v2;
	v3 =	vld.idx.msk [tilespmem:v3+s18+$0x0], vm4;
	_ =	sdelay $0x4  }
0x338: {  	[tilespmem:v2+s21+$0x0] =	vst.idx.msk vm4, v3  }
.LBB2_45:
0x339: {  	v2 =	vld [tilespmem:s29+$0x10300];
	_ =	sdelay $0x4  }
0x33a: {  	v3 =	vnsel vm3, $0x0, v2  }
0x33b: {  	v2 =	vnsel vm2, $0x0, v2;
	(xrf0) =	vadd.scan.msk.s32 $0xffff, v3  }
0x33c: {  	(xrf0) =	vadd.scan.msk.s32 $0xffff, v2;
	_ =	sdelay $0x4  }
0x33d: {  	v2, _, _ =	vpop (xrf0)  }
0x33e: {  	(v2sf) =	vpush v2, $0xF;
	v2, _, _ =	vpop (xrf0)  }
0x33f: {  	(v2sf) =	vpush v2, $0xF;
	_ =	sdelay $0xd  }
0x340: {  	s4 =	spop (v2sf)  }
0x341: {  	s10 =	spop (v2sf)  }
0x342: {  	s31 =	ssub.s32 s10, s4  }
0x343: {  	s14 =	sadd.s32 $0xF, s31  }
0x344: {  	p1 =	slt.s32 s14, $0x10  }
.Ltmp26:
0x345: {  	_ = 	snop;
	(pc) =	sbr.rel @p1 .LBB2_52-.Ltmp26, $1  }
0x346: {  	_ =	sdelay $0x3  }
0x347: {  	s10 =	sshra.s32 s14, $0x1F  }
0x348: {  	s10 =	sshrl.u32 s10, $0x1C  }
0x349: {  	s10 =	sadd.s32 s10, s14  }
0x34a: {  	s10 =	sshra.s32 s10, $0x4  }
0x34b: {  	p2 =	sne.s32 s10, $0x1  }
.Ltmp27:
0x34c: {  	_ = 	snop;
	(pc) =	sbr.rel @!p2 .LBB2_47-.Ltmp27, $4  }
0x34d: {  	s4 =	sshll.u32 s4, $0x2  }
0x34e: {  	s4 =	sshra.s32 s4, $0x2  }
0x34f: {  	s4 =	sadd.s32 $0xC080, s4  }
0x350: {  	p1 =	por $0x0, $0x0;
	v2 =	vld [tilespmem:s4+$0x0];
	s26 =	sadd.s32 $0xFFFFFFFF, s10  }
0x351: {  	_ =	sdelay $0x2  }
0x352: {  	v3 =	vmov s31  }
0x353: {  	vm3 =	vgt.s32 v3, v1;
	v3 =	vshrl.u32 v2, $0xE  }
0x354: {  	v3 =	vand.u32 $0xFFF, v3;
	_ =	sdelay $0x4  }
0x355: {  	v2 =	vand.u32 $0x3FFF, v2;
	v3 =	vld.idx.msk [tilespmem:v3+s18+$0x0], vm3  }
0x356: {  	p2 =	sne.s32 s26, $0x1  }
.Ltmp28:
0x357: {  	_ = 	snop;
	(pc) =	sbr.rel @!p2 .LBB2_49-.Ltmp28, $3  }
0x358: {  	_ =	sdelay $0x1  }
0x359: {  	s14 =	sadd.s32 $0x10, s4;
	[tilespmem:v2+s22+$0x0] =	vst.idx.msk vm3, v3  }
0x35a: {  	s4 =	sadd.s32 $0xFFFFFFFF, s26;
	p1 =	por $0x1, $0x1;
	s26 =	smov.u32 s31;
	v2 =	vld [tilespmem:s14+$0x0]  }
.LBB2_50:
0x35b: {  	p2 =	sne.s32 s4, $0x1;
	_ =	sdelay $0x1  }
0x35c: {  	s26 =	sadd.s32 $0xFFFFFFF0, s26  }
0x35d: {  	v3 =	vmov s26  }
0x35e: {  	vm3 =	vgt.s32 v3, v1;
	v3 =	vshrl.u32 v2, $0xE  }
0x35f: {  	v3 =	vand.u32 $0xFFF, v3;
	_ =	sdelay $0x4  }
0x360: {  	v3 =	vld.idx.msk [tilespmem:v3+s18+$0x0], vm3  }
0x361: {  	v2 =	vand.u32 $0x3FFF, v2;
	_ =	sdelay $0x1  }
.Ltmp29:
0x362: {  	(pc) =	sbr.rel @p2 .LBB2_50-.Ltmp29, $3  }
0x363: {  	_ =	sdelay $0x1  }
0x364: {  	s14 =	sadd.s32 $0x10, s14;
	[tilespmem:v2+s22+$0x0] =	vst.idx.msk vm3, v3  }
0x365: {  	s4 =	sadd.s32 $0xFFFFFFFF, s4;
	v2 =	vld [tilespmem:s14+$0x0]  }
.LBB2_51:
0x366: {  	_ = 	snop  }
0x367: {  	s4 =	sadd.s32 @p1 $0xFFFFFFF0, s26  }
0x368: {  	s31 =	smov.u32 @p1 s4  }
0x369: {  	v3 =	vmov s31  }
0x36a: {  	vm3 =	vgt.s32 v3, v1;
	v3 =	vshrl.u32 v2, $0xE  }
0x36b: {  	v3 =	vand.u32 $0xFFF, v3;
	_ =	sdelay $0x4  }
0x36c: {  	v2 =	vand.u32 $0x3FFF, v2;
	v3 =	vld.idx.msk [tilespmem:v3+s18+$0x0], vm3;
	_ =	sdelay $0x4  }
0x36d: {  	[tilespmem:v2+s22+$0x0] =	vst.idx.msk vm3, v3  }
.LBB2_52:
0x36e: {  	s4 =	sadd.s32 @!p0 s11, s3  }
0x36f: {  	s10 =	simm.s32 @!p0 $0x80;
	s4 =	sshrl.u32 @!p0 s4, $0x3  }
0x370: {  	s11 =	simm.s32 @!p0 $0x400;
	s14 =	simm.s32 @!p0 $0x12400;
	s4 =	sadd.s32 @!p0 s17, s4  }
0x371: {  	[tilespmem:s14], [sflag:$0x3] =	stream.strided.gather @!p0 [hbm4b:s4+s10], $0x1000, s11, s10, $0x38;
	[tilespmem:$0x1C400] =	vst v63  }
0x372: {  	_ =	swait.ge [sflag:s25], $0x1000  }
0x373: {  	[sflag:s25] =	ssyncset.done $0x0  }
0x374: {  	[sflag:s25] =	ssyncadd.s32 $0xFFFFF000  }
0x375: {  	s11 =	sand.u32 $0x1F0, s30;
	v2 =	vld [tilespmem:s29+$0x10200]  }
0x376: {  	v3 =	vld [tilespmem:s11+$0x10200];
	_ =	sdelay $0x1  }
0x377: {  	s26 =	sand.u32 $0xC, s30  }
0x378: {  	v4 =	vmov s26  }
0x379: {  	vm3 =	veq.s32 v4, v1;
	v2 =	vnsel vm2, $0x0, v2  }
0x37a: {  	(xrf0) =	vadd.scan.msk.s32 $0xffff, v2;
	v2 =	vnsel vm3, $0x0, v3  }
0x37b: {  	(xrf0) =	vadd.scan.msk.s32 $0xffff, v2;
	_ =	sdelay $0x4  }
0x37c: {  	v2, _, _ =	vpop (xrf0)  }
0x37d: {  	(v2sf) =	vpush v2, $0xF;
	v2, _, _ =	vpop (xrf0)  }
0x37e: {  	(v2sf) =	vpush v2, $0xF;
	_ =	sdelay $0xd  }
0x37f: {  	s4 =	spop (v2sf)  }
0x380: {  	s31 =	spop (v2sf)  }
0x381: {  	s30 =	ssub.s32 s31, s4  }
0x382: {  	s14 =	sadd.s32 $0xF, s30  }
0x383: {  	p1 =	slt.s32 s14, $0x10  }
.Ltmp30:
0x384: {  	_ = 	snop;
	(pc) =	sbr.rel @p1 .LBB2_59-.Ltmp30, $1  }
0x385: {  	_ =	sdelay $0x3  }
0x386: {  	s10 =	sshra.s32 s14, $0x1F  }
0x387: {  	s10 =	sshrl.u32 s10, $0x1C  }
0x388: {  	s10 =	sadd.s32 s10, s14  }
0x389: {  	s10 =	sshra.s32 s10, $0x4  }
0x38a: {  	p2 =	sne.s32 s10, $0x1  }
.Ltmp31:
0x38b: {  	_ = 	snop;
	(pc) =	sbr.rel @!p2 .LBB2_54-.Ltmp31, $4  }
0x38c: {  	s4 =	sshll.u32 s4, $0x2  }
0x38d: {  	s4 =	sshra.s32 s4, $0x2  }
0x38e: {  	s4 =	sadd.s32 $0x8000, s4  }
0x38f: {  	p1 =	por $0x0, $0x0;
	v2 =	vld [tilespmem:s4+$0x0];
	s26 =	sadd.s32 $0xFFFFFFFF, s10  }
0x390: {  	_ =	sdelay $0x2  }
0x391: {  	v3 =	vmov s30  }
0x392: {  	vm4 =	vgt.s32 v3, v1;
	v3 =	vshrl.u32 v2, $0xE  }
0x393: {  	v3 =	vand.u32 $0xFFF, v3;
	_ =	sdelay $0x4  }
0x394: {  	v2 =	vand.u32 $0x3FFF, v2;
	v3 =	vld.idx.msk [tilespmem:v3+s19+$0x0], vm4  }
0x395: {  	p2 =	sne.s32 s26, $0x1  }
.Ltmp32:
0x396: {  	_ = 	snop;
	(pc) =	sbr.rel @!p2 .LBB2_56-.Ltmp32, $3  }
0x397: {  	_ =	sdelay $0x1  }
0x398: {  	s14 =	sadd.s32 $0x10, s4;
	[tilespmem:v2+s21+$0x0] =	vst.idx.msk vm4, v3  }
0x399: {  	s4 =	sadd.s32 $0xFFFFFFFF, s26;
	p1 =	por $0x1, $0x1;
	s26 =	smov.u32 s30;
	v2 =	vld [tilespmem:s14+$0x0]  }
.LBB2_57:
0x39a: {  	p2 =	sne.s32 s4, $0x1;
	_ =	sdelay $0x1  }
0x39b: {  	s26 =	sadd.s32 $0xFFFFFFF0, s26  }
0x39c: {  	v3 =	vmov s26  }
0x39d: {  	vm4 =	vgt.s32 v3, v1;
	v3 =	vshrl.u32 v2, $0xE  }
0x39e: {  	v3 =	vand.u32 $0xFFF, v3;
	_ =	sdelay $0x4  }
0x39f: {  	v3 =	vld.idx.msk [tilespmem:v3+s19+$0x0], vm4  }
0x3a0: {  	v2 =	vand.u32 $0x3FFF, v2;
	_ =	sdelay $0x1  }
.Ltmp33:
0x3a1: {  	(pc) =	sbr.rel @p2 .LBB2_57-.Ltmp33, $3  }
0x3a2: {  	_ =	sdelay $0x1  }
0x3a3: {  	s14 =	sadd.s32 $0x10, s14;
	[tilespmem:v2+s21+$0x0] =	vst.idx.msk vm4, v3  }
0x3a4: {  	s4 =	sadd.s32 $0xFFFFFFFF, s4;
	v2 =	vld [tilespmem:s14+$0x0]  }
.LBB2_58:
0x3a5: {  	_ = 	snop  }
0x3a6: {  	s4 =	sadd.s32 @p1 $0xFFFFFFF0, s26  }
0x3a7: {  	s30 =	smov.u32 @p1 s4  }
0x3a8: {  	v3 =	vmov s30  }
0x3a9: {  	vm4 =	vgt.s32 v3, v1;
	v3 =	vshrl.u32 v2, $0xE  }
0x3aa: {  	v3 =	vand.u32 $0xFFF, v3;
	_ =	sdelay $0x4  }
0x3ab: {  	v2 =	vand.u32 $0x3FFF, v2;
	v3 =	vld.idx.msk [tilespmem:v3+s19+$0x0], vm4;
	_ =	sdelay $0x4  }
0x3ac: {  	[tilespmem:v2+s21+$0x0] =	vst.idx.msk vm4, v3  }
.LBB2_59:
0x3ad: {  	v2 =	vld [tilespmem:s29+$0x10300]  }
0x3ae: {  	v3 =	vld [tilespmem:s11+$0x10300];
	_ =	sdelay $0x3  }
0x3af: {  	v2 =	vnsel vm2, $0x0, v2  }
0x3b0: {  	(xrf0) =	vadd.scan.msk.s32 $0xffff, v2;
	v2 =	vnsel vm3, $0x0, v3  }
0x3b1: {  	(xrf0) =	vadd.scan.msk.s32 $0xffff, v2;
	_ =	sdelay $0x4  }
0x3b2: {  	v2, _, _ =	vpop (xrf0)  }
0x3b3: {  	(v2sf) =	vpush v2, $0xF;
	v2, _, _ =	vpop (xrf0)  }
0x3b4: {  	(v2sf) =	vpush v2, $0xF;
	_ =	sdelay $0xd  }
0x3b5: {  	s4 =	spop (v2sf)  }
0x3b6: {  	s10 =	spop (v2sf)  }
0x3b7: {  	s11 =	ssub.s32 s10, s4  }
0x3b8: {  	s14 =	sadd.s32 $0xF, s11  }
0x3b9: {  	p1 =	slt.s32 s14, $0x10  }
.Ltmp34:
0x3ba: {  	_ = 	snop;
	(pc) =	sbr.rel @p1 .LBB2_66-.Ltmp34, $1  }
0x3bb: {  	_ =	sdelay $0x3  }
0x3bc: {  	s10 =	sshra.s32 s14, $0x1F  }
0x3bd: {  	s10 =	sshrl.u32 s10, $0x1C  }
0x3be: {  	s10 =	sadd.s32 s10, s14  }
0x3bf: {  	s10 =	sshra.s32 s10, $0x4  }
0x3c0: {  	p2 =	sne.s32 s10, $0x1  }
.Ltmp35:
0x3c1: {  	_ = 	snop;
	(pc) =	sbr.rel @!p2 .LBB2_61-.Ltmp35, $4  }
0x3c2: {  	s4 =	sshll.u32 s4, $0x2  }
0x3c3: {  	s4 =	sshra.s32 s4, $0x2  }
0x3c4: {  	s4 =	sadd.s32 $0xC080, s4  }
0x3c5: {  	p1 =	por $0x0, $0x0;
	v2 =	vld [tilespmem:s4+$0x0];
	s26 =	sadd.s32 $0xFFFFFFFF, s10  }
0x3c6: {  	_ =	sdelay $0x2  }
0x3c7: {  	v3 =	vmov s11  }
0x3c8: {  	vm2 =	vgt.s32 v3, v1;
	v3 =	vshrl.u32 v2, $0xE  }
0x3c9: {  	v3 =	vand.u32 $0xFFF, v3;
	_ =	sdelay $0x4  }
0x3ca: {  	v2 =	vand.u32 $0x3FFF, v2;
	v3 =	vld.idx.msk [tilespmem:v3+s19+$0x0], vm2  }
0x3cb: {  	p2 =	sne.s32 s26, $0x1  }
.Ltmp36:
0x3cc: {  	_ = 	snop;
	(pc) =	sbr.rel @!p2 .LBB2_63-.Ltmp36, $3  }
0x3cd: {  	_ =	sdelay $0x1  }
0x3ce: {  	s14 =	sadd.s32 $0x10, s4;
	[tilespmem:v2+s22+$0x0] =	vst.idx.msk vm2, v3  }
0x3cf: {  	s4 =	sadd.s32 $0xFFFFFFFF, s26;
	p1 =	por $0x1, $0x1;
	s26 =	smov.u32 s11;
	v2 =	vld [tilespmem:s14+$0x0]  }
.LBB2_64:
0x3d0: {  	p2 =	sne.s32 s4, $0x1;
	_ =	sdelay $0x1  }
0x3d1: {  	s26 =	sadd.s32 $0xFFFFFFF0, s26  }
0x3d2: {  	v3 =	vmov s26  }
0x3d3: {  	vm2 =	vgt.s32 v3, v1;
	v3 =	vshrl.u32 v2, $0xE  }
0x3d4: {  	v3 =	vand.u32 $0xFFF, v3;
	_ =	sdelay $0x4  }
0x3d5: {  	v3 =	vld.idx.msk [tilespmem:v3+s19+$0x0], vm2  }
0x3d6: {  	v2 =	vand.u32 $0x3FFF, v2;
	_ =	sdelay $0x1  }
.Ltmp37:
0x3d7: {  	(pc) =	sbr.rel @p2 .LBB2_64-.Ltmp37, $3  }
0x3d8: {  	_ =	sdelay $0x1  }
0x3d9: {  	s14 =	sadd.s32 $0x10, s14;
	[tilespmem:v2+s22+$0x0] =	vst.idx.msk vm2, v3  }
0x3da: {  	s4 =	sadd.s32 $0xFFFFFFFF, s4;
	v2 =	vld [tilespmem:s14+$0x0]  }
.LBB2_65:
0x3db: {  	_ = 	snop  }
0x3dc: {  	s4 =	sadd.s32 @p1 $0xFFFFFFF0, s26  }
0x3dd: {  	s11 =	smov.u32 @p1 s4  }
0x3de: {  	v3 =	vmov s11  }
0x3df: {  	vm2 =	vgt.s32 v3, v1;
	v3 =	vshrl.u32 v2, $0xE  }
0x3e0: {  	v3 =	vand.u32 $0xFFF, v3;
	_ =	sdelay $0x4  }
0x3e1: {  	v2 =	vand.u32 $0x3FFF, v2;
	v3 =	vld.idx.msk [tilespmem:v3+s19+$0x0], vm2;
	_ =	sdelay $0x4  }
0x3e2: {  	[tilespmem:v2+s22+$0x0] =	vst.idx.msk vm2, v3  }
.LBB2_66:
.Ltmp38:
0x3e3: {  	(pc) =	sbr.rel @p0 .LBB2_68-.Ltmp38, $1  }
0x3e4: {  	_ =	sdelay $0x3  }
.Ltmp39:
0x3e5: {  	s4 =	sshll.u32 s28, $0x11;
	s10 =	rddreg [dreg:$0x5];
	(pc) =	sbr.rel .LBB2_10-.Ltmp39, $4  }
0x3e6: {  	s4 =	sadd.s32 s4, s10  }
0x3e7: {  	s4 =	sshrl.u32 s4, $0x3  }
0x3e8: {  	s28 =	sadd.s32 $0x1, s28;
	s4 =	sadd.s32 s17, s4  }
0x3e9: {  	[tilespmem:s19], [sflag:$0x4] =	stream.strided.gather [hbm4b:s4+s13], $0x1000, s12, s13, $0x38;
	[tilespmem:$0x1C400] =	vst v63  }
.LBB2_12:
.Ltmp40:
0x3ea: {  	(pc) =	sbr.rel .LBB2_16-.Ltmp40, $2  }
0x3eb: {  	_ =	sdelay $0x2  }
0x3ec: {  	s30 =	smov.u32 s26  }
.LBB2_19:
.Ltmp41:
0x3ed: {  	(pc) =	sbr.rel .LBB2_23-.Ltmp41, $2  }
0x3ee: {  	_ =	sdelay $0x2  }
0x3ef: {  	s26 =	smov.u32 s30  }
.LBB2_26:
.Ltmp42:
0x3f0: {  	(pc) =	sbr.rel .LBB2_30-.Ltmp42, $2  }
0x3f1: {  	_ =	sdelay $0x2  }
0x3f2: {  	s26 =	smov.u32 s11  }
.LBB2_33:
.Ltmp43:
0x3f3: {  	(pc) =	sbr.rel .LBB2_37-.Ltmp43, $2  }
0x3f4: {  	_ =	sdelay $0x2  }
0x3f5: {  	s26 =	smov.u32 s11  }
.LBB2_40:
.Ltmp44:
0x3f6: {  	(pc) =	sbr.rel .LBB2_44-.Ltmp44, $2  }
0x3f7: {  	_ =	sdelay $0x2  }
0x3f8: {  	s26 =	smov.u32 s31  }
.LBB2_47:
.Ltmp45:
0x3f9: {  	(pc) =	sbr.rel .LBB2_51-.Ltmp45, $2  }
0x3fa: {  	_ =	sdelay $0x2  }
0x3fb: {  	s26 =	smov.u32 s31  }
.LBB2_54:
.Ltmp46:
0x3fc: {  	(pc) =	sbr.rel .LBB2_58-.Ltmp46, $2  }
0x3fd: {  	_ =	sdelay $0x2  }
0x3fe: {  	s26 =	smov.u32 s30  }
.LBB2_61:
.Ltmp47:
0x3ff: {  	(pc) =	sbr.rel .LBB2_65-.Ltmp47, $2  }
0x400: {  	_ =	sdelay $0x2  }
0x401: {  	s26 =	smov.u32 s11  }
.LBB2_14:
.Ltmp48:
0x402: {  	(pc) =	sbr.rel .LBB2_16-.Ltmp48, $2  }
0x403: {  	_ =	sdelay $0x2  }
0x404: {  	s30 =	smov.u32 s26  }
.LBB2_21:
.Ltmp49:
0x405: {  	(pc) =	sbr.rel .LBB2_23-.Ltmp49, $2  }
0x406: {  	_ =	sdelay $0x2  }
0x407: {  	s26 =	smov.u32 s30  }
.LBB2_28:
.Ltmp50:
0x408: {  	(pc) =	sbr.rel .LBB2_30-.Ltmp50, $2  }
0x409: {  	_ =	sdelay $0x2  }
0x40a: {  	s26 =	smov.u32 s11  }
.LBB2_35:
.Ltmp51:
0x40b: {  	(pc) =	sbr.rel .LBB2_37-.Ltmp51, $2  }
0x40c: {  	_ =	sdelay $0x2  }
0x40d: {  	s26 =	smov.u32 s11  }
.LBB2_42:
.Ltmp52:
0x40e: {  	(pc) =	sbr.rel .LBB2_44-.Ltmp52, $2  }
0x40f: {  	_ =	sdelay $0x2  }
0x410: {  	s26 =	smov.u32 s31  }
.LBB2_49:
.Ltmp53:
0x411: {  	(pc) =	sbr.rel .LBB2_51-.Ltmp53, $2  }
0x412: {  	_ =	sdelay $0x2  }
0x413: {  	s26 =	smov.u32 s31  }
.LBB2_56:
.Ltmp54:
0x414: {  	(pc) =	sbr.rel .LBB2_58-.Ltmp54, $2  }
0x415: {  	_ =	sdelay $0x2  }
0x416: {  	s26 =	smov.u32 s30  }
.LBB2_63:
.Ltmp55:
0x417: {  	(pc) =	sbr.rel .LBB2_65-.Ltmp55, $2  }
0x418: {  	_ =	sdelay $0x2  }
0x419: {  	s26 =	smov.u32 s11  }
.LBB2_68:
0x41a: {  	s4 =	rddreg [dreg:$0x10];
	s28 =	simm.s32 $0x5  }
0x41b: {  	[tilespmem:s15], [sflag:$0x5] =	stream.strided.gather [hbm4b:s4+s13], $0x200, s12, s13, $0x38;
	[tilespmem:$0x1C400] =	vst v63  }
0x41c: {  	_ =	swait.ge [sflag:s28], $0x200  }
0x41d: {  	s10 =	simm.s32 $0x0;
	[sflag:s28] =	ssyncset.done $0x0  }
0x41e: {  	s11 =	simm.s32 $0x10600;
	s30 =	rddreg [dreg:$0x6];
	[sflag:s28] =	ssyncadd.s32 $0xFFFFFE00  }
0x41f: {  	[tilespmem:s11], [sflag:$0x5] =	stream.linear.gather [hbm4b:s30+s10], $0x80, $0x38;
	[tilespmem:$0x1C400] =	vst v63  }
0x420: {  	_ =	swait.ge [sflag:s28], $0x80  }
0x421: {  	[sflag:s28] =	ssyncset.done $0x0  }
0x422: {  	[sflag:s28] =	ssyncadd.s32 $0xFFFFFF80  }
0x423: {  	v2 =	vld [tilespmem:$0x102F0];
	_ =	sdelay $0x4  }
0x424: {  	v3 =	vsel vm0, $0x0, v2  }
0x425: {  	v2 =	vsel vm1, $0x0, v2;
	(xrf0) =	vadd.scan.msk.s32 $0xffff, v3  }
0x426: {  	(xrf0) =	vadd.scan.msk.s32 $0xffff, v2;
	_ =	sdelay $0x4  }
0x427: {  	v2, _, _ =	vpop (xrf0)  }
0x428: {  	(v2sf) =	vpush v2, $0xF;
	v2, _, _ =	vpop (xrf0)  }
0x429: {  	(v2sf) =	vpush v2, $0xF;
	_ =	sdelay $0xd  }
0x42a: {  	s4 =	spop (v2sf)  }
0x42b: {  	s31 =	spop (v2sf)  }
0x42c: {  	s11 =	ssub.s32 s31, s4  }
0x42d: {  	s14 =	sadd.s32 $0xF, s11  }
0x42e: {  	p0 =	slt.s32 s14, $0x10  }
.Ltmp56:
0x42f: {  	_ = 	snop;
	(pc) =	sbr.rel @p0 .LBB2_75-.Ltmp56, $1  }
0x430: {  	_ =	sdelay $0x3  }
0x431: {  	s10 =	sshra.s32 s14, $0x1F  }
0x432: {  	s10 =	sshrl.u32 s10, $0x1C  }
0x433: {  	s10 =	sadd.s32 s10, s14  }
0x434: {  	s10 =	sshra.s32 s10, $0x4  }
0x435: {  	p1 =	sne.s32 s10, $0x1  }
.Ltmp57:
0x436: {  	_ = 	snop;
	(pc) =	sbr.rel @!p1 .LBB2_70-.Ltmp57, $4  }
0x437: {  	s4 =	sshll.u32 s4, $0x2  }
0x438: {  	s4 =	sshra.s32 s4, $0x2  }
0x439: {  	s4 =	sadd.s32 $0x8000, s4  }
0x43a: {  	p0 =	por $0x0, $0x0;
	v2 =	vld [tilespmem:s4+$0x0];
	s26 =	sadd.s32 $0xFFFFFFFF, s10  }
0x43b: {  	_ =	sdelay $0x2  }
0x43c: {  	v3 =	vmov s11  }
0x43d: {  	vm2 =	vgt.s32 v3, v1;
	v3 =	vshrl.u32 v2, $0xE  }
0x43e: {  	v3 =	vand.u32 $0xFFF, v3;
	_ =	sdelay $0x4  }
0x43f: {  	v2 =	vand.u32 $0x3FFF, v2;
	v3 =	vld.idx.msk [tilespmem:v3+s15+$0x0], vm2  }
0x440: {  	p1 =	sne.s32 s26, $0x1  }
.Ltmp58:
0x441: {  	_ = 	snop;
	(pc) =	sbr.rel @!p1 .LBB2_72-.Ltmp58, $3  }
0x442: {  	_ =	sdelay $0x1  }
0x443: {  	s14 =	sadd.s32 $0x10, s4;
	[tilespmem:v2+s21+$0x0] =	vst.idx.msk vm2, v3  }
0x444: {  	s4 =	sadd.s32 $0xFFFFFFFF, s26;
	p0 =	por $0x1, $0x1;
	s26 =	smov.u32 s11;
	v2 =	vld [tilespmem:s14+$0x0]  }
.LBB2_73:
0x445: {  	p1 =	sne.s32 s4, $0x1;
	_ =	sdelay $0x1  }
0x446: {  	s26 =	sadd.s32 $0xFFFFFFF0, s26  }
0x447: {  	v3 =	vmov s26  }
0x448: {  	vm2 =	vgt.s32 v3, v1;
	v3 =	vshrl.u32 v2, $0xE  }
0x449: {  	v3 =	vand.u32 $0xFFF, v3;
	_ =	sdelay $0x4  }
0x44a: {  	v3 =	vld.idx.msk [tilespmem:v3+s15+$0x0], vm2  }
0x44b: {  	v2 =	vand.u32 $0x3FFF, v2;
	_ =	sdelay $0x1  }
.Ltmp59:
0x44c: {  	(pc) =	sbr.rel @p1 .LBB2_73-.Ltmp59, $3  }
0x44d: {  	_ =	sdelay $0x1  }
0x44e: {  	s14 =	sadd.s32 $0x10, s14;
	[tilespmem:v2+s21+$0x0] =	vst.idx.msk vm2, v3  }
0x44f: {  	s4 =	sadd.s32 $0xFFFFFFFF, s4;
	v2 =	vld [tilespmem:s14+$0x0]  }
.LBB2_74:
0x450: {  	_ = 	snop  }
0x451: {  	s4 =	sadd.s32 @p0 $0xFFFFFFF0, s26  }
0x452: {  	s11 =	smov.u32 @p0 s4  }
0x453: {  	v3 =	vmov s11  }
0x454: {  	vm2 =	vgt.s32 v3, v1;
	v3 =	vshrl.u32 v2, $0xE  }
0x455: {  	v3 =	vand.u32 $0xFFF, v3;
	_ =	sdelay $0x4  }
0x456: {  	v2 =	vand.u32 $0x3FFF, v2;
	v3 =	vld.idx.msk [tilespmem:v3+s15+$0x0], vm2;
	_ =	sdelay $0x4  }
0x457: {  	[tilespmem:v2+s21+$0x0] =	vst.idx.msk vm2, v3  }
.LBB2_75:
0x458: {  	v2 =	vld [tilespmem:$0x103F0];
	_ =	sdelay $0x4  }
0x459: {  	v3 =	vsel vm0, $0x0, v2  }
0x45a: {  	v2 =	vsel vm1, $0x0, v2;
	(xrf0) =	vadd.scan.msk.s32 $0xffff, v3  }
0x45b: {  	(xrf0) =	vadd.scan.msk.s32 $0xffff, v2;
	_ =	sdelay $0x4  }
0x45c: {  	v2, _, _ =	vpop (xrf0)  }
0x45d: {  	(v2sf) =	vpush v2, $0xF;
	v2, _, _ =	vpop (xrf0)  }
0x45e: {  	(v2sf) =	vpush v2, $0xF;
	_ =	sdelay $0xd  }
0x45f: {  	s4 =	spop (v2sf)  }
0x460: {  	s10 =	spop (v2sf)  }
0x461: {  	s11 =	ssub.s32 s10, s4  }
0x462: {  	s14 =	sadd.s32 $0xF, s11  }
0x463: {  	p0 =	slt.s32 s14, $0x10  }
.Ltmp60:
0x464: {  	_ = 	snop;
	(pc) =	sbr.rel @p0 .LBB2_82-.Ltmp60, $1  }
0x465: {  	_ =	sdelay $0x3  }
0x466: {  	s10 =	sshra.s32 s14, $0x1F  }
0x467: {  	s10 =	sshrl.u32 s10, $0x1C  }
0x468: {  	s10 =	sadd.s32 s10, s14  }
0x469: {  	s10 =	sshra.s32 s10, $0x4  }
0x46a: {  	p1 =	sne.s32 s10, $0x1  }
.Ltmp61:
0x46b: {  	_ = 	snop;
	(pc) =	sbr.rel @!p1 .LBB2_77-.Ltmp61, $4  }
0x46c: {  	s4 =	sshll.u32 s4, $0x2  }
0x46d: {  	s4 =	sshra.s32 s4, $0x2  }
0x46e: {  	s4 =	sadd.s32 $0xC080, s4  }
0x46f: {  	p0 =	por $0x0, $0x0;
	v2 =	vld [tilespmem:s4+$0x0];
	s26 =	sadd.s32 $0xFFFFFFFF, s10  }
0x470: {  	_ =	sdelay $0x2  }
0x471: {  	v3 =	vmov s11  }
0x472: {  	vm2 =	vgt.s32 v3, v1;
	v3 =	vshrl.u32 v2, $0xE  }
0x473: {  	v3 =	vand.u32 $0xFFF, v3;
	_ =	sdelay $0x4  }
0x474: {  	v2 =	vand.u32 $0x3FFF, v2;
	v3 =	vld.idx.msk [tilespmem:v3+s15+$0x0], vm2  }
0x475: {  	p1 =	sne.s32 s26, $0x1  }
.Ltmp62:
0x476: {  	_ = 	snop;
	(pc) =	sbr.rel @!p1 .LBB2_79-.Ltmp62, $3  }
0x477: {  	_ =	sdelay $0x1  }
0x478: {  	s14 =	sadd.s32 $0x10, s4;
	[tilespmem:v2+s22+$0x0] =	vst.idx.msk vm2, v3  }
0x479: {  	s4 =	sadd.s32 $0xFFFFFFFF, s26;
	p0 =	por $0x1, $0x1;
	s26 =	smov.u32 s11;
	v2 =	vld [tilespmem:s14+$0x0]  }
.LBB2_80:
0x47a: {  	p1 =	sne.s32 s4, $0x1;
	_ =	sdelay $0x1  }
0x47b: {  	s26 =	sadd.s32 $0xFFFFFFF0, s26  }
0x47c: {  	v3 =	vmov s26  }
0x47d: {  	vm2 =	vgt.s32 v3, v1;
	v3 =	vshrl.u32 v2, $0xE  }
0x47e: {  	v3 =	vand.u32 $0xFFF, v3;
	_ =	sdelay $0x4  }
0x47f: {  	v3 =	vld.idx.msk [tilespmem:v3+s15+$0x0], vm2  }
0x480: {  	v2 =	vand.u32 $0x3FFF, v2;
	_ =	sdelay $0x1  }
.Ltmp63:
0x481: {  	(pc) =	sbr.rel @p1 .LBB2_80-.Ltmp63, $3  }
0x482: {  	_ =	sdelay $0x1  }
0x483: {  	s14 =	sadd.s32 $0x10, s14;
	[tilespmem:v2+s22+$0x0] =	vst.idx.msk vm2, v3  }
0x484: {  	s4 =	sadd.s32 $0xFFFFFFFF, s4;
	v2 =	vld [tilespmem:s14+$0x0]  }
.LBB2_81:
0x485: {  	_ = 	snop  }
0x486: {  	s4 =	sadd.s32 @p0 $0xFFFFFFF0, s26  }
0x487: {  	s11 =	smov.u32 @p0 s4  }
0x488: {  	v3 =	vmov s11  }
0x489: {  	vm2 =	vgt.s32 v3, v1;
	v3 =	vshrl.u32 v2, $0xE  }
0x48a: {  	v3 =	vand.u32 $0xFFF, v3;
	_ =	sdelay $0x4  }
0x48b: {  	v2 =	vand.u32 $0x3FFF, v2;
	v3 =	vld.idx.msk [tilespmem:v3+s15+$0x0], vm2;
	_ =	sdelay $0x4  }
0x48c: {  	[tilespmem:v2+s22+$0x0] =	vst.idx.msk vm2, v3  }
.LBB2_82:
0x48d: {  	s4 =	rddreg [dreg:$0x9]  }
0x48e: {  	[hbm4b:s4+s13] =	stream.strided.scatter [tilespmem:s21], [sflag:$0x5], $0x4000, s12, s13, $0x38;
	[tilespmem:$0x1C400] =	vst v63  }
0x48f: {  	_ =	swait.ge [sflag:s28], $0x4000  }
0x490: {  	[sflag:s28] =	ssyncset.done $0x0  }
0x491: {  	s14 =	rddreg [dreg:$0x11];
	[sflag:s28] =	ssyncadd.s32 $0xFFFFC000  }
0x492: {  	[hbm4b:s14+s13] =	stream.strided.scatter [tilespmem:s22], [sflag:$0x5], $0x4000, s12, s13, $0x38;
	[tilespmem:$0x1C400] =	vst v63  }
0x493: {  	_ =	swait.ge [sflag:s28], $0x4000  }
0x494: {  	[sflag:s28] =	ssyncset.done $0x0  }
0x495: {  	s26 =	rddreg [dreg:$0x12];
	[sflag:s28] =	ssyncadd.s32 $0xFFFFC000  }
0x496: {  	[tilespmem:s15], [sflag:$0x1] =	stream.strided.gather [hbm4b:s26+s13], $0x1000, s12, s13, $0x38;
	[tilespmem:$0x1C400] =	vst v63  }
0x497: {  	s29 =	rddreg [dreg:$0x13]  }
0x498: {  	[tilespmem:s16], [sflag:$0x2] =	stream.strided.gather [hbm4b:s29+s13], $0x1000, s12, s13, $0x38;
	[tilespmem:$0x1C400] =	vst v63  }
0x499: {  	s30 =	rddreg [dreg:$0x14]  }
0x49a: {  	[tilespmem:s18], [sflag:$0x3] =	stream.strided.gather [hbm4b:s30+s13], $0x1000, s12, s13, $0x38;
	[tilespmem:$0x1C400] =	vst v63  }
0x49b: {  	s31 =	rddreg [dreg:$0x15];
	s28 =	simm.s32 $0x0  }
0x49c: {  	[tilespmem:s19], [sflag:$0x4] =	stream.strided.gather [hbm4b:s31+s13], $0x1000, s12, s13, $0x38;
	[tilespmem:$0x1C400] =	vst v63  }
.LBB2_83:
0x49d: {  	_ =	swait.ge [sflag:s20], $0x1000  }
0x49e: {  	s11 =	sshll.u32 s28, $0x2;
	[sflag:s20] =	ssyncset.done $0x0  }
0x49f: {  	s29 =	sand.u32 $0xF0, s11;
	[sflag:s20] =	ssyncadd.s32 $0xFFFFF000  }
0x4a0: {  	v2 =	vld [tilespmem:s29+$0x10200];
	_ =	sdelay $0x1  }
0x4a1: {  	s31 =	sand.u32 $0xC, s11  }
0x4a2: {  	v3 =	vmov s31;
	s4 =	sor.u32 $0x1, s31  }
0x4a3: {  	vm3 =	veq.s32 v3, v1;
	v3 =	vmov s4  }
0x4a4: {  	vm2 =	veq.s32 v3, v1;
	v3 =	vnsel vm3, $0x0, v2  }
0x4a5: {  	v2 =	vnsel vm2, $0x0, v2;
	(xrf0) =	vadd.scan.msk.s32 $0xffff, v3  }
0x4a6: {  	(xrf0) =	vadd.scan.msk.s32 $0xffff, v2;
	_ =	sdelay $0x4  }
0x4a7: {  	v2, _, _ =	vpop (xrf0)  }
0x4a8: {  	(v2sf) =	vpush v2, $0xF;
	v2, _, _ =	vpop (xrf0)  }
0x4a9: {  	(v2sf) =	vpush v2, $0xF;
	_ =	sdelay $0xd  }
0x4aa: {  	s4 =	spop (v2sf)  }
0x4ab: {  	s10 =	spop (v2sf)  }
0x4ac: {  	s30 =	ssub.s32 s10, s4  }
0x4ad: {  	s14 =	sadd.s32 $0xF, s30  }
0x4ae: {  	p0 =	slt.s32 s14, $0x10  }
.Ltmp64:
0x4af: {  	_ = 	snop;
	(pc) =	sbr.rel @p0 .LBB2_90-.Ltmp64, $1  }
0x4b0: {  	_ =	sdelay $0x3  }
0x4b1: {  	s10 =	sshra.s32 s14, $0x1F  }
0x4b2: {  	s10 =	sshrl.u32 s10, $0x1C  }
0x4b3: {  	s10 =	sadd.s32 s10, s14  }
0x4b4: {  	s10 =	sshra.s32 s10, $0x4  }
0x4b5: {  	p1 =	sne.s32 s10, $0x1  }
.Ltmp65:
0x4b6: {  	_ = 	snop;
	(pc) =	sbr.rel @!p1 .LBB2_85-.Ltmp65, $4  }
0x4b7: {  	s4 =	sshll.u32 s4, $0x2  }
0x4b8: {  	s4 =	sshra.s32 s4, $0x2  }
0x4b9: {  	s4 =	sadd.s32 $0x8000, s4  }
0x4ba: {  	p0 =	por $0x0, $0x0;
	v2 =	vld [tilespmem:s4+$0x0];
	s26 =	sadd.s32 $0xFFFFFFFF, s10  }
0x4bb: {  	_ =	sdelay $0x2  }
0x4bc: {  	v3 =	vmov s30  }
0x4bd: {  	vm4 =	vgt.s32 v3, v1;
	v3 =	vshrl.u32 v2, $0xE  }
0x4be: {  	v3 =	vand.u32 $0xFFF, v3;
	_ =	sdelay $0x4  }
0x4bf: {  	v2 =	vand.u32 $0x3FFF, v2;
	v3 =	vld.idx.msk [tilespmem:v3+s15+$0x0], vm4  }
0x4c0: {  	p1 =	sne.s32 s26, $0x1  }
.Ltmp66:
0x4c1: {  	_ = 	snop;
	(pc) =	sbr.rel @!p1 .LBB2_87-.Ltmp66, $3  }
0x4c2: {  	_ =	sdelay $0x1  }
0x4c3: {  	s14 =	sadd.s32 $0x10, s4;
	[tilespmem:v2+s21+$0x0] =	vst.idx.msk vm4, v3  }
0x4c4: {  	s4 =	sadd.s32 $0xFFFFFFFF, s26;
	p0 =	por $0x1, $0x1;
	s26 =	smov.u32 s30;
	v2 =	vld [tilespmem:s14+$0x0]  }
.LBB2_88:
0x4c5: {  	p1 =	sne.s32 s4, $0x1;
	_ =	sdelay $0x1  }
0x4c6: {  	s26 =	sadd.s32 $0xFFFFFFF0, s26  }
0x4c7: {  	v3 =	vmov s26  }
0x4c8: {  	vm4 =	vgt.s32 v3, v1;
	v3 =	vshrl.u32 v2, $0xE  }
0x4c9: {  	v3 =	vand.u32 $0xFFF, v3;
	_ =	sdelay $0x4  }
0x4ca: {  	v3 =	vld.idx.msk [tilespmem:v3+s15+$0x0], vm4  }
0x4cb: {  	v2 =	vand.u32 $0x3FFF, v2;
	_ =	sdelay $0x1  }
.Ltmp67:
0x4cc: {  	(pc) =	sbr.rel @p1 .LBB2_88-.Ltmp67, $3  }
0x4cd: {  	_ =	sdelay $0x1  }
0x4ce: {  	s14 =	sadd.s32 $0x10, s14;
	[tilespmem:v2+s21+$0x0] =	vst.idx.msk vm4, v3  }
0x4cf: {  	s4 =	sadd.s32 $0xFFFFFFFF, s4;
	v2 =	vld [tilespmem:s14+$0x0]  }
.LBB2_89:
0x4d0: {  	_ = 	snop  }
0x4d1: {  	s4 =	sadd.s32 @p0 $0xFFFFFFF0, s26  }
0x4d2: {  	s30 =	smov.u32 @p0 s4  }
0x4d3: {  	v3 =	vmov s30  }
0x4d4: {  	vm4 =	vgt.s32 v3, v1;
	v3 =	vshrl.u32 v2, $0xE  }
0x4d5: {  	v3 =	vand.u32 $0xFFF, v3;
	_ =	sdelay $0x4  }
0x4d6: {  	v2 =	vand.u32 $0x3FFF, v2;
	v3 =	vld.idx.msk [tilespmem:v3+s15+$0x0], vm4;
	_ =	sdelay $0x4  }
0x4d7: {  	[tilespmem:v2+s21+$0x0] =	vst.idx.msk vm4, v3  }
.LBB2_90:
0x4d8: {  	v2 =	vld [tilespmem:s29+$0x10300];
	_ =	sdelay $0x4  }
0x4d9: {  	v3 =	vnsel vm3, $0x0, v2  }
0x4da: {  	v2 =	vnsel vm2, $0x0, v2;
	(xrf0) =	vadd.scan.msk.s32 $0xffff, v3  }
0x4db: {  	(xrf0) =	vadd.scan.msk.s32 $0xffff, v2;
	_ =	sdelay $0x4  }
0x4dc: {  	v2, _, _ =	vpop (xrf0)  }
0x4dd: {  	(v2sf) =	vpush v2, $0xF;
	v2, _, _ =	vpop (xrf0)  }
0x4de: {  	(v2sf) =	vpush v2, $0xF;
	_ =	sdelay $0xd  }
0x4df: {  	s4 =	spop (v2sf)  }
0x4e0: {  	s10 =	spop (v2sf)  }
0x4e1: {  	s30 =	ssub.s32 s10, s4  }
0x4e2: {  	s14 =	sadd.s32 $0xF, s30  }
0x4e3: {  	p0 =	slt.s32 s14, $0x10  }
.Ltmp68:
0x4e4: {  	_ = 	snop;
	(pc) =	sbr.rel @p0 .LBB2_97-.Ltmp68, $1  }
0x4e5: {  	_ =	sdelay $0x3  }
0x4e6: {  	s10 =	sshra.s32 s14, $0x1F  }
0x4e7: {  	s10 =	sshrl.u32 s10, $0x1C  }
0x4e8: {  	s10 =	sadd.s32 s10, s14  }
0x4e9: {  	s10 =	sshra.s32 s10, $0x4  }
0x4ea: {  	p1 =	sne.s32 s10, $0x1  }
.Ltmp69:
0x4eb: {  	_ = 	snop;
	(pc) =	sbr.rel @!p1 .LBB2_92-.Ltmp69, $4  }
0x4ec: {  	s4 =	sshll.u32 s4, $0x2  }
0x4ed: {  	s4 =	sshra.s32 s4, $0x2  }
0x4ee: {  	s4 =	sadd.s32 $0xC080, s4  }
0x4ef: {  	p0 =	por $0x0, $0x0;
	v2 =	vld [tilespmem:s4+$0x0];
	s26 =	sadd.s32 $0xFFFFFFFF, s10  }
0x4f0: {  	_ =	sdelay $0x2  }
0x4f1: {  	v3 =	vmov s30  }
0x4f2: {  	vm3 =	vgt.s32 v3, v1;
	v3 =	vshrl.u32 v2, $0xE  }
0x4f3: {  	v3 =	vand.u32 $0xFFF, v3;
	_ =	sdelay $0x4  }
0x4f4: {  	v2 =	vand.u32 $0x3FFF, v2;
	v3 =	vld.idx.msk [tilespmem:v3+s15+$0x0], vm3  }
0x4f5: {  	p1 =	sne.s32 s26, $0x1  }
.Ltmp70:
0x4f6: {  	_ = 	snop;
	(pc) =	sbr.rel @!p1 .LBB2_94-.Ltmp70, $3  }
0x4f7: {  	_ =	sdelay $0x1  }
0x4f8: {  	s14 =	sadd.s32 $0x10, s4;
	[tilespmem:v2+s22+$0x0] =	vst.idx.msk vm3, v3  }
0x4f9: {  	s4 =	sadd.s32 $0xFFFFFFFF, s26;
	p0 =	por $0x1, $0x1;
	s26 =	smov.u32 s30;
	v2 =	vld [tilespmem:s14+$0x0]  }
.LBB2_95:
0x4fa: {  	p1 =	sne.s32 s4, $0x1;
	_ =	sdelay $0x1  }
0x4fb: {  	s26 =	sadd.s32 $0xFFFFFFF0, s26  }
0x4fc: {  	v3 =	vmov s26  }
0x4fd: {  	vm3 =	vgt.s32 v3, v1;
	v3 =	vshrl.u32 v2, $0xE  }
0x4fe: {  	v3 =	vand.u32 $0xFFF, v3;
	_ =	sdelay $0x4  }
0x4ff: {  	v3 =	vld.idx.msk [tilespmem:v3+s15+$0x0], vm3  }
0x500: {  	v2 =	vand.u32 $0x3FFF, v2;
	_ =	sdelay $0x1  }
.Ltmp71:
0x501: {  	(pc) =	sbr.rel @p1 .LBB2_95-.Ltmp71, $3  }
0x502: {  	_ =	sdelay $0x1  }
0x503: {  	s14 =	sadd.s32 $0x10, s14;
	[tilespmem:v2+s22+$0x0] =	vst.idx.msk vm3, v3  }
0x504: {  	s4 =	sadd.s32 $0xFFFFFFFF, s4;
	v2 =	vld [tilespmem:s14+$0x0]  }
.LBB2_96:
0x505: {  	_ = 	snop  }
0x506: {  	s4 =	sadd.s32 @p0 $0xFFFFFFF0, s26  }
0x507: {  	s30 =	smov.u32 @p0 s4  }
0x508: {  	v3 =	vmov s30  }
0x509: {  	vm3 =	vgt.s32 v3, v1;
	v3 =	vshrl.u32 v2, $0xE  }
0x50a: {  	v3 =	vand.u32 $0xFFF, v3;
	_ =	sdelay $0x4  }
0x50b: {  	v2 =	vand.u32 $0x3FFF, v2;
	v3 =	vld.idx.msk [tilespmem:v3+s15+$0x0], vm3;
	_ =	sdelay $0x4  }
0x50c: {  	[tilespmem:v2+s22+$0x0] =	vst.idx.msk vm3, v3  }
.LBB2_97:
0x50d: {  	s30 =	sadd.s32 $0x4, s11;
	p0 =	seq.s32 s28, $0x3C  }
0x50e: {  	s4 =	sshll.u32 @!p0 s30, $0xF  }
0x50f: {  	s4 =	sadd.s32 @!p0 s7, s4  }
0x510: {  	s10 =	simm.s32 @!p0 $0x80;
	s4 =	sshrl.u32 @!p0 s4, $0x3  }
0x511: {  	s11 =	simm.s32 @!p0 $0x400;
	s14 =	simm.s32 @!p0 $0x10400;
	s4 =	sadd.s32 @!p0 s17, s4  }
0x512: {  	[tilespmem:s14], [sflag:$0x1] =	stream.strided.gather @!p0 [hbm4b:s4+s10], $0x1000, s11, s10, $0x38;
	[tilespmem:$0x1C400] =	vst v63  }
0x513: {  	_ =	swait.ge [sflag:s23], $0x1000  }
0x514: {  	[sflag:s23] =	ssyncset.done $0x0  }
0x515: {  	[sflag:s23] =	ssyncadd.s32 $0xFFFFF000  }
0x516: {  	v2 =	vld [tilespmem:s29+$0x10200];
	_ =	sdelay $0x2  }
0x517: {  	s14 =	sor.u32 $0x2, s31  }
0x518: {  	v3 =	vmov s14  }
0x519: {  	vm3 =	veq.s32 v3, v1;
	v3 =	vnsel vm2, $0x0, v2  }
0x51a: {  	v2 =	vnsel vm3, $0x0, v2;
	(xrf0) =	vadd.scan.msk.s32 $0xffff, v3  }
0x51b: {  	(xrf0) =	vadd.scan.msk.s32 $0xffff, v2;
	_ =	sdelay $0x4  }
0x51c: {  	v2, _, _ =	vpop (xrf0)  }
0x51d: {  	(v2sf) =	vpush v2, $0xF;
	v2, _, _ =	vpop (xrf0)  }
0x51e: {  	(v2sf) =	vpush v2, $0xF;
	_ =	sdelay $0xd  }
0x51f: {  	s4 =	spop (v2sf)  }
0x520: {  	s26 =	spop (v2sf)  }
0x521: {  	s11 =	ssub.s32 s26, s4  }
0x522: {  	s14 =	sadd.s32 $0xF, s11  }
0x523: {  	p1 =	slt.s32 s14, $0x10  }
.Ltmp72:
0x524: {  	_ = 	snop;
	(pc) =	sbr.rel @p1 .LBB2_104-.Ltmp72, $1  }
0x525: {  	_ =	sdelay $0x3  }
0x526: {  	s10 =	sshra.s32 s14, $0x1F  }
0x527: {  	s10 =	sshrl.u32 s10, $0x1C  }
0x528: {  	s10 =	sadd.s32 s10, s14  }
0x529: {  	s10 =	sshra.s32 s10, $0x4  }
0x52a: {  	p2 =	sne.s32 s10, $0x1  }
.Ltmp73:
0x52b: {  	_ = 	snop;
	(pc) =	sbr.rel @!p2 .LBB2_99-.Ltmp73, $4  }
0x52c: {  	s4 =	sshll.u32 s4, $0x2  }
0x52d: {  	s4 =	sshra.s32 s4, $0x2  }
0x52e: {  	s4 =	sadd.s32 $0x8000, s4  }
0x52f: {  	p1 =	por $0x0, $0x0;
	v2 =	vld [tilespmem:s4+$0x0];
	s26 =	sadd.s32 $0xFFFFFFFF, s10  }
0x530: {  	_ =	sdelay $0x2  }
0x531: {  	v3 =	vmov s11  }
0x532: {  	vm4 =	vgt.s32 v3, v1;
	v3 =	vshrl.u32 v2, $0xE  }
0x533: {  	v3 =	vand.u32 $0xFFF, v3;
	_ =	sdelay $0x4  }
0x534: {  	v2 =	vand.u32 $0x3FFF, v2;
	v3 =	vld.idx.msk [tilespmem:v3+s16+$0x0], vm4  }
0x535: {  	p2 =	sne.s32 s26, $0x1  }
.Ltmp74:
0x536: {  	_ = 	snop;
	(pc) =	sbr.rel @!p2 .LBB2_101-.Ltmp74, $3  }
0x537: {  	_ =	sdelay $0x1  }
0x538: {  	s14 =	sadd.s32 $0x10, s4;
	[tilespmem:v2+s21+$0x0] =	vst.idx.msk vm4, v3  }
0x539: {  	s4 =	sadd.s32 $0xFFFFFFFF, s26;
	p1 =	por $0x1, $0x1;
	s26 =	smov.u32 s11;
	v2 =	vld [tilespmem:s14+$0x0]  }
.LBB2_102:
0x53a: {  	p2 =	sne.s32 s4, $0x1;
	_ =	sdelay $0x1  }
0x53b: {  	s26 =	sadd.s32 $0xFFFFFFF0, s26  }
0x53c: {  	v3 =	vmov s26  }
0x53d: {  	vm4 =	vgt.s32 v3, v1;
	v3 =	vshrl.u32 v2, $0xE  }
0x53e: {  	v3 =	vand.u32 $0xFFF, v3;
	_ =	sdelay $0x4  }
0x53f: {  	v3 =	vld.idx.msk [tilespmem:v3+s16+$0x0], vm4  }
0x540: {  	v2 =	vand.u32 $0x3FFF, v2;
	_ =	sdelay $0x1  }
.Ltmp75:
0x541: {  	(pc) =	sbr.rel @p2 .LBB2_102-.Ltmp75, $3  }
0x542: {  	_ =	sdelay $0x1  }
0x543: {  	s14 =	sadd.s32 $0x10, s14;
	[tilespmem:v2+s21+$0x0] =	vst.idx.msk vm4, v3  }
0x544: {  	s4 =	sadd.s32 $0xFFFFFFFF, s4;
	v2 =	vld [tilespmem:s14+$0x0]  }
.LBB2_103:
0x545: {  	_ = 	snop  }
0x546: {  	s4 =	sadd.s32 @p1 $0xFFFFFFF0, s26  }
0x547: {  	s11 =	smov.u32 @p1 s4  }
0x548: {  	v3 =	vmov s11  }
0x549: {  	vm4 =	vgt.s32 v3, v1;
	v3 =	vshrl.u32 v2, $0xE  }
0x54a: {  	v3 =	vand.u32 $0xFFF, v3;
	_ =	sdelay $0x4  }
0x54b: {  	v2 =	vand.u32 $0x3FFF, v2;
	v3 =	vld.idx.msk [tilespmem:v3+s16+$0x0], vm4;
	_ =	sdelay $0x4  }
0x54c: {  	[tilespmem:v2+s21+$0x0] =	vst.idx.msk vm4, v3  }
.LBB2_104:
0x54d: {  	v2 =	vld [tilespmem:s29+$0x10300];
	_ =	sdelay $0x4  }
0x54e: {  	v3 =	vnsel vm2, $0x0, v2  }
0x54f: {  	v2 =	vnsel vm3, $0x0, v2;
	(xrf0) =	vadd.scan.msk.s32 $0xffff, v3  }
0x550: {  	(xrf0) =	vadd.scan.msk.s32 $0xffff, v2;
	_ =	sdelay $0x4  }
0x551: {  	v2, _, _ =	vpop (xrf0)  }
0x552: {  	(v2sf) =	vpush v2, $0xF;
	v2, _, _ =	vpop (xrf0)  }
0x553: {  	(v2sf) =	vpush v2, $0xF;
	_ =	sdelay $0xd  }
0x554: {  	s4 =	spop (v2sf)  }
0x555: {  	s10 =	spop (v2sf)  }
0x556: {  	s11 =	ssub.s32 s10, s4  }
0x557: {  	s14 =	sadd.s32 $0xF, s11  }
0x558: {  	p1 =	slt.s32 s14, $0x10  }
.Ltmp76:
0x559: {  	_ = 	snop;
	(pc) =	sbr.rel @p1 .LBB2_111-.Ltmp76, $1  }
0x55a: {  	_ =	sdelay $0x3  }
0x55b: {  	s10 =	sshra.s32 s14, $0x1F  }
0x55c: {  	s10 =	sshrl.u32 s10, $0x1C  }
0x55d: {  	s10 =	sadd.s32 s10, s14  }
0x55e: {  	s10 =	sshra.s32 s10, $0x4  }
0x55f: {  	p2 =	sne.s32 s10, $0x1  }
.Ltmp77:
0x560: {  	_ = 	snop;
	(pc) =	sbr.rel @!p2 .LBB2_106-.Ltmp77, $4  }
0x561: {  	s4 =	sshll.u32 s4, $0x2  }
0x562: {  	s4 =	sshra.s32 s4, $0x2  }
0x563: {  	s4 =	sadd.s32 $0xC080, s4  }
0x564: {  	p1 =	por $0x0, $0x0;
	v2 =	vld [tilespmem:s4+$0x0];
	s26 =	sadd.s32 $0xFFFFFFFF, s10  }
0x565: {  	_ =	sdelay $0x2  }
0x566: {  	v3 =	vmov s11  }
0x567: {  	vm2 =	vgt.s32 v3, v1;
	v3 =	vshrl.u32 v2, $0xE  }
0x568: {  	v3 =	vand.u32 $0xFFF, v3;
	_ =	sdelay $0x4  }
0x569: {  	v2 =	vand.u32 $0x3FFF, v2;
	v3 =	vld.idx.msk [tilespmem:v3+s16+$0x0], vm2  }
0x56a: {  	p2 =	sne.s32 s26, $0x1  }
.Ltmp78:
0x56b: {  	_ = 	snop;
	(pc) =	sbr.rel @!p2 .LBB2_108-.Ltmp78, $3  }
0x56c: {  	_ =	sdelay $0x1  }
0x56d: {  	s14 =	sadd.s32 $0x10, s4;
	[tilespmem:v2+s22+$0x0] =	vst.idx.msk vm2, v3  }
0x56e: {  	s4 =	sadd.s32 $0xFFFFFFFF, s26;
	p1 =	por $0x1, $0x1;
	s26 =	smov.u32 s11;
	v2 =	vld [tilespmem:s14+$0x0]  }
.LBB2_109:
0x56f: {  	p2 =	sne.s32 s4, $0x1;
	_ =	sdelay $0x1  }
0x570: {  	s26 =	sadd.s32 $0xFFFFFFF0, s26  }
0x571: {  	v3 =	vmov s26  }
0x572: {  	vm2 =	vgt.s32 v3, v1;
	v3 =	vshrl.u32 v2, $0xE  }
0x573: {  	v3 =	vand.u32 $0xFFF, v3;
	_ =	sdelay $0x4  }
0x574: {  	v3 =	vld.idx.msk [tilespmem:v3+s16+$0x0], vm2  }
0x575: {  	v2 =	vand.u32 $0x3FFF, v2;
	_ =	sdelay $0x1  }
.Ltmp79:
0x576: {  	(pc) =	sbr.rel @p2 .LBB2_109-.Ltmp79, $3  }
0x577: {  	_ =	sdelay $0x1  }
0x578: {  	s14 =	sadd.s32 $0x10, s14;
	[tilespmem:v2+s22+$0x0] =	vst.idx.msk vm2, v3  }
0x579: {  	s4 =	sadd.s32 $0xFFFFFFFF, s4;
	v2 =	vld [tilespmem:s14+$0x0]  }
.LBB2_110:
0x57a: {  	_ = 	snop  }
0x57b: {  	s4 =	sadd.s32 @p1 $0xFFFFFFF0, s26  }
0x57c: {  	s11 =	smov.u32 @p1 s4  }
0x57d: {  	v3 =	vmov s11  }
0x57e: {  	vm2 =	vgt.s32 v3, v1;
	v3 =	vshrl.u32 v2, $0xE  }
0x57f: {  	v3 =	vand.u32 $0xFFF, v3;
	_ =	sdelay $0x4  }
0x580: {  	v2 =	vand.u32 $0x3FFF, v2;
	v3 =	vld.idx.msk [tilespmem:v3+s16+$0x0], vm2;
	_ =	sdelay $0x4  }
0x581: {  	[tilespmem:v2+s22+$0x0] =	vst.idx.msk vm2, v3  }
.LBB2_111:
0x582: {  	s11 =	sshll.u32 @!p0 s28, $0x11  }
0x583: {  	s4 =	sadd.s32 @!p0 s11, s8  }
0x584: {  	s10 =	simm.s32 @!p0 $0x80;
	s4 =	sshrl.u32 @!p0 s4, $0x3  }
0x585: {  	s14 =	simm.s32 @!p0 $0x400;
	s26 =	simm.s32 @!p0 $0x11400;
	s4 =	sadd.s32 @!p0 s17, s4  }
0x586: {  	[tilespmem:s26], [sflag:$0x2] =	stream.strided.gather @!p0 [hbm4b:s4+s10], $0x1000, s14, s10, $0x38;
	[tilespmem:$0x1C400] =	vst v63  }
0x587: {  	_ =	swait.ge [sflag:s24], $0x1000  }
0x588: {  	[sflag:s24] =	ssyncset.done $0x0  }
0x589: {  	[sflag:s24] =	ssyncadd.s32 $0xFFFFF000  }
0x58a: {  	v2 =	vld [tilespmem:s29+$0x10200];
	_ =	sdelay $0x2  }
0x58b: {  	s14 =	sor.u32 $0x3, s31  }
0x58c: {  	v3 =	vmov s14  }
0x58d: {  	vm2 =	veq.s32 v3, v1;
	v3 =	vnsel vm3, $0x0, v2  }
0x58e: {  	v2 =	vnsel vm2, $0x0, v2;
	(xrf0) =	vadd.scan.msk.s32 $0xffff, v3  }
0x58f: {  	(xrf0) =	vadd.scan.msk.s32 $0xffff, v2;
	_ =	sdelay $0x4  }
0x590: {  	v2, _, _ =	vpop (xrf0)  }
0x591: {  	(v2sf) =	vpush v2, $0xF;
	v2, _, _ =	vpop (xrf0)  }
0x592: {  	(v2sf) =	vpush v2, $0xF;
	_ =	sdelay $0xd  }
0x593: {  	s4 =	spop (v2sf)  }
0x594: {  	s26 =	spop (v2sf)  }
0x595: {  	s31 =	ssub.s32 s26, s4  }
0x596: {  	s14 =	sadd.s32 $0xF, s31  }
0x597: {  	p1 =	slt.s32 s14, $0x10  }
.Ltmp80:
0x598: {  	_ = 	snop;
	(pc) =	sbr.rel @p1 .LBB2_118-.Ltmp80, $1  }
0x599: {  	_ =	sdelay $0x3  }
0x59a: {  	s10 =	sshra.s32 s14, $0x1F  }
0x59b: {  	s10 =	sshrl.u32 s10, $0x1C  }
0x59c: {  	s10 =	sadd.s32 s10, s14  }
0x59d: {  	s10 =	sshra.s32 s10, $0x4  }
0x59e: {  	p2 =	sne.s32 s10, $0x1  }
.Ltmp81:
0x59f: {  	_ = 	snop;
	(pc) =	sbr.rel @!p2 .LBB2_113-.Ltmp81, $4  }
0x5a0: {  	s4 =	sshll.u32 s4, $0x2  }
0x5a1: {  	s4 =	sshra.s32 s4, $0x2  }
0x5a2: {  	s4 =	sadd.s32 $0x8000, s4  }
0x5a3: {  	p1 =	por $0x0, $0x0;
	v2 =	vld [tilespmem:s4+$0x0];
	s26 =	sadd.s32 $0xFFFFFFFF, s10  }
0x5a4: {  	_ =	sdelay $0x2  }
0x5a5: {  	v3 =	vmov s31  }
0x5a6: {  	vm4 =	vgt.s32 v3, v1;
	v3 =	vshrl.u32 v2, $0xE  }
0x5a7: {  	v3 =	vand.u32 $0xFFF, v3;
	_ =	sdelay $0x4  }
0x5a8: {  	v2 =	vand.u32 $0x3FFF, v2;
	v3 =	vld.idx.msk [tilespmem:v3+s18+$0x0], vm4  }
0x5a9: {  	p2 =	sne.s32 s26, $0x1  }
.Ltmp82:
0x5aa: {  	_ = 	snop;
	(pc) =	sbr.rel @!p2 .LBB2_115-.Ltmp82, $3  }
0x5ab: {  	_ =	sdelay $0x1  }
0x5ac: {  	s14 =	sadd.s32 $0x10, s4;
	[tilespmem:v2+s21+$0x0] =	vst.idx.msk vm4, v3  }
0x5ad: {  	s4 =	sadd.s32 $0xFFFFFFFF, s26;
	p1 =	por $0x1, $0x1;
	s26 =	smov.u32 s31;
	v2 =	vld [tilespmem:s14+$0x0]  }
.LBB2_116:
0x5ae: {  	p2 =	sne.s32 s4, $0x1;
	_ =	sdelay $0x1  }
0x5af: {  	s26 =	sadd.s32 $0xFFFFFFF0, s26  }
0x5b0: {  	v3 =	vmov s26  }
0x5b1: {  	vm4 =	vgt.s32 v3, v1;
	v3 =	vshrl.u32 v2, $0xE  }
0x5b2: {  	v3 =	vand.u32 $0xFFF, v3;
	_ =	sdelay $0x4  }
0x5b3: {  	v3 =	vld.idx.msk [tilespmem:v3+s18+$0x0], vm4  }
0x5b4: {  	v2 =	vand.u32 $0x3FFF, v2;
	_ =	sdelay $0x1  }
.Ltmp83:
0x5b5: {  	(pc) =	sbr.rel @p2 .LBB2_116-.Ltmp83, $3  }
0x5b6: {  	_ =	sdelay $0x1  }
0x5b7: {  	s14 =	sadd.s32 $0x10, s14;
	[tilespmem:v2+s21+$0x0] =	vst.idx.msk vm4, v3  }
0x5b8: {  	s4 =	sadd.s32 $0xFFFFFFFF, s4;
	v2 =	vld [tilespmem:s14+$0x0]  }
.LBB2_117:
0x5b9: {  	_ = 	snop  }
0x5ba: {  	s4 =	sadd.s32 @p1 $0xFFFFFFF0, s26  }
0x5bb: {  	s31 =	smov.u32 @p1 s4  }
0x5bc: {  	v3 =	vmov s31  }
0x5bd: {  	vm4 =	vgt.s32 v3, v1;
	v3 =	vshrl.u32 v2, $0xE  }
0x5be: {  	v3 =	vand.u32 $0xFFF, v3;
	_ =	sdelay $0x4  }
0x5bf: {  	v2 =	vand.u32 $0x3FFF, v2;
	v3 =	vld.idx.msk [tilespmem:v3+s18+$0x0], vm4;
	_ =	sdelay $0x4  }
0x5c0: {  	[tilespmem:v2+s21+$0x0] =	vst.idx.msk vm4, v3  }
.LBB2_118:
0x5c1: {  	v2 =	vld [tilespmem:s29+$0x10300];
	_ =	sdelay $0x4  }
0x5c2: {  	v3 =	vnsel vm3, $0x0, v2  }
0x5c3: {  	v2 =	vnsel vm2, $0x0, v2;
	(xrf0) =	vadd.scan.msk.s32 $0xffff, v3  }
0x5c4: {  	(xrf0) =	vadd.scan.msk.s32 $0xffff, v2;
	_ =	sdelay $0x4  }
0x5c5: {  	v2, _, _ =	vpop (xrf0)  }
0x5c6: {  	(v2sf) =	vpush v2, $0xF;
	v2, _, _ =	vpop (xrf0)  }
0x5c7: {  	(v2sf) =	vpush v2, $0xF;
	_ =	sdelay $0xd  }
0x5c8: {  	s4 =	spop (v2sf)  }
0x5c9: {  	s10 =	spop (v2sf)  }
0x5ca: {  	s31 =	ssub.s32 s10, s4  }
0x5cb: {  	s14 =	sadd.s32 $0xF, s31  }
0x5cc: {  	p1 =	slt.s32 s14, $0x10  }
.Ltmp84:
0x5cd: {  	_ = 	snop;
	(pc) =	sbr.rel @p1 .LBB2_125-.Ltmp84, $1  }
0x5ce: {  	_ =	sdelay $0x3  }
0x5cf: {  	s10 =	sshra.s32 s14, $0x1F  }
0x5d0: {  	s10 =	sshrl.u32 s10, $0x1C  }
0x5d1: {  	s10 =	sadd.s32 s10, s14  }
0x5d2: {  	s10 =	sshra.s32 s10, $0x4  }
0x5d3: {  	p2 =	sne.s32 s10, $0x1  }
.Ltmp85:
0x5d4: {  	_ = 	snop;
	(pc) =	sbr.rel @!p2 .LBB2_120-.Ltmp85, $4  }
0x5d5: {  	s4 =	sshll.u32 s4, $0x2  }
0x5d6: {  	s4 =	sshra.s32 s4, $0x2  }
0x5d7: {  	s4 =	sadd.s32 $0xC080, s4  }
0x5d8: {  	p1 =	por $0x0, $0x0;
	v2 =	vld [tilespmem:s4+$0x0];
	s26 =	sadd.s32 $0xFFFFFFFF, s10  }
0x5d9: {  	_ =	sdelay $0x2  }
0x5da: {  	v3 =	vmov s31  }
0x5db: {  	vm3 =	vgt.s32 v3, v1;
	v3 =	vshrl.u32 v2, $0xE  }
0x5dc: {  	v3 =	vand.u32 $0xFFF, v3;
	_ =	sdelay $0x4  }
0x5dd: {  	v2 =	vand.u32 $0x3FFF, v2;
	v3 =	vld.idx.msk [tilespmem:v3+s18+$0x0], vm3  }
0x5de: {  	p2 =	sne.s32 s26, $0x1  }
.Ltmp86:
0x5df: {  	_ = 	snop;
	(pc) =	sbr.rel @!p2 .LBB2_122-.Ltmp86, $3  }
0x5e0: {  	_ =	sdelay $0x1  }
0x5e1: {  	s14 =	sadd.s32 $0x10, s4;
	[tilespmem:v2+s22+$0x0] =	vst.idx.msk vm3, v3  }
0x5e2: {  	s4 =	sadd.s32 $0xFFFFFFFF, s26;
	p1 =	por $0x1, $0x1;
	s26 =	smov.u32 s31;
	v2 =	vld [tilespmem:s14+$0x0]  }
.LBB2_123:
0x5e3: {  	p2 =	sne.s32 s4, $0x1;
	_ =	sdelay $0x1  }
0x5e4: {  	s26 =	sadd.s32 $0xFFFFFFF0, s26  }
0x5e5: {  	v3 =	vmov s26  }
0x5e6: {  	vm3 =	vgt.s32 v3, v1;
	v3 =	vshrl.u32 v2, $0xE  }
0x5e7: {  	v3 =	vand.u32 $0xFFF, v3;
	_ =	sdelay $0x4  }
0x5e8: {  	v3 =	vld.idx.msk [tilespmem:v3+s18+$0x0], vm3  }
0x5e9: {  	v2 =	vand.u32 $0x3FFF, v2;
	_ =	sdelay $0x1  }
.Ltmp87:
0x5ea: {  	(pc) =	sbr.rel @p2 .LBB2_123-.Ltmp87, $3  }
0x5eb: {  	_ =	sdelay $0x1  }
0x5ec: {  	s14 =	sadd.s32 $0x10, s14;
	[tilespmem:v2+s22+$0x0] =	vst.idx.msk vm3, v3  }
0x5ed: {  	s4 =	sadd.s32 $0xFFFFFFFF, s4;
	v2 =	vld [tilespmem:s14+$0x0]  }
.LBB2_124:
0x5ee: {  	_ = 	snop  }
0x5ef: {  	s4 =	sadd.s32 @p1 $0xFFFFFFF0, s26  }
0x5f0: {  	s31 =	smov.u32 @p1 s4  }
0x5f1: {  	v3 =	vmov s31  }
0x5f2: {  	vm3 =	vgt.s32 v3, v1;
	v3 =	vshrl.u32 v2, $0xE  }
0x5f3: {  	v3 =	vand.u32 $0xFFF, v3;
	_ =	sdelay $0x4  }
0x5f4: {  	v2 =	vand.u32 $0x3FFF, v2;
	v3 =	vld.idx.msk [tilespmem:v3+s18+$0x0], vm3;
	_ =	sdelay $0x4  }
0x5f5: {  	[tilespmem:v2+s22+$0x0] =	vst.idx.msk vm3, v3  }
.LBB2_125:
0x5f6: {  	s4 =	sadd.s32 @!p0 s11, s9  }
0x5f7: {  	s10 =	simm.s32 @!p0 $0x80;
	s4 =	sshrl.u32 @!p0 s4, $0x3  }
0x5f8: {  	s11 =	simm.s32 @!p0 $0x400;
	s14 =	simm.s32 @!p0 $0x12400;
	s4 =	sadd.s32 @!p0 s17, s4  }
0x5f9: {  	[tilespmem:s14], [sflag:$0x3] =	stream.strided.gather @!p0 [hbm4b:s4+s10], $0x1000, s11, s10, $0x38;
	[tilespmem:$0x1C400] =	vst v63  }
0x5fa: {  	_ =	swait.ge [sflag:s25], $0x1000  }
0x5fb: {  	[sflag:s25] =	ssyncset.done $0x0  }
0x5fc: {  	[sflag:s25] =	ssyncadd.s32 $0xFFFFF000  }
0x5fd: {  	s11 =	sand.u32 $0x1F0, s30;
	v2 =	vld [tilespmem:s29+$0x10200]  }
0x5fe: {  	v3 =	vld [tilespmem:s11+$0x10200];
	_ =	sdelay $0x1  }
0x5ff: {  	s26 =	sand.u32 $0xC, s30  }
0x600: {  	v4 =	vmov s26  }
0x601: {  	vm3 =	veq.s32 v4, v1;
	v2 =	vnsel vm2, $0x0, v2  }
0x602: {  	(xrf0) =	vadd.scan.msk.s32 $0xffff, v2;
	v2 =	vnsel vm3, $0x0, v3  }
0x603: {  	(xrf0) =	vadd.scan.msk.s32 $0xffff, v2;
	_ =	sdelay $0x4  }
0x604: {  	v2, _, _ =	vpop (xrf0)  }
0x605: {  	(v2sf) =	vpush v2, $0xF;
	v2, _, _ =	vpop (xrf0)  }
0x606: {  	(v2sf) =	vpush v2, $0xF;
	_ =	sdelay $0xd  }
0x607: {  	s4 =	spop (v2sf)  }
0x608: {  	s31 =	spop (v2sf)  }
0x609: {  	s30 =	ssub.s32 s31, s4  }
0x60a: {  	s14 =	sadd.s32 $0xF, s30  }
0x60b: {  	p1 =	slt.s32 s14, $0x10  }
.Ltmp88:
0x60c: {  	_ = 	snop;
	(pc) =	sbr.rel @p1 .LBB2_132-.Ltmp88, $1  }
0x60d: {  	_ =	sdelay $0x3  }
0x60e: {  	s10 =	sshra.s32 s14, $0x1F  }
0x60f: {  	s10 =	sshrl.u32 s10, $0x1C  }
0x610: {  	s10 =	sadd.s32 s10, s14  }
0x611: {  	s10 =	sshra.s32 s10, $0x4  }
0x612: {  	p2 =	sne.s32 s10, $0x1  }
.Ltmp89:
0x613: {  	_ = 	snop;
	(pc) =	sbr.rel @!p2 .LBB2_127-.Ltmp89, $4  }
0x614: {  	s4 =	sshll.u32 s4, $0x2  }
0x615: {  	s4 =	sshra.s32 s4, $0x2  }
0x616: {  	s4 =	sadd.s32 $0x8000, s4  }
0x617: {  	p1 =	por $0x0, $0x0;
	v2 =	vld [tilespmem:s4+$0x0];
	s26 =	sadd.s32 $0xFFFFFFFF, s10  }
0x618: {  	_ =	sdelay $0x2  }
0x619: {  	v3 =	vmov s30  }
0x61a: {  	vm4 =	vgt.s32 v3, v1;
	v3 =	vshrl.u32 v2, $0xE  }
0x61b: {  	v3 =	vand.u32 $0xFFF, v3;
	_ =	sdelay $0x4  }
0x61c: {  	v2 =	vand.u32 $0x3FFF, v2;
	v3 =	vld.idx.msk [tilespmem:v3+s19+$0x0], vm4  }
0x61d: {  	p2 =	sne.s32 s26, $0x1  }
.Ltmp90:
0x61e: {  	_ = 	snop;
	(pc) =	sbr.rel @!p2 .LBB2_129-.Ltmp90, $3  }
0x61f: {  	_ =	sdelay $0x1  }
0x620: {  	s14 =	sadd.s32 $0x10, s4;
	[tilespmem:v2+s21+$0x0] =	vst.idx.msk vm4, v3  }
0x621: {  	s4 =	sadd.s32 $0xFFFFFFFF, s26;
	p1 =	por $0x1, $0x1;
	s26 =	smov.u32 s30;
	v2 =	vld [tilespmem:s14+$0x0]  }
.LBB2_130:
0x622: {  	p2 =	sne.s32 s4, $0x1;
	_ =	sdelay $0x1  }
0x623: {  	s26 =	sadd.s32 $0xFFFFFFF0, s26  }
0x624: {  	v3 =	vmov s26  }
0x625: {  	vm4 =	vgt.s32 v3, v1;
	v3 =	vshrl.u32 v2, $0xE  }
0x626: {  	v3 =	vand.u32 $0xFFF, v3;
	_ =	sdelay $0x4  }
0x627: {  	v3 =	vld.idx.msk [tilespmem:v3+s19+$0x0], vm4  }
0x628: {  	v2 =	vand.u32 $0x3FFF, v2;
	_ =	sdelay $0x1  }
.Ltmp91:
0x629: {  	(pc) =	sbr.rel @p2 .LBB2_130-.Ltmp91, $3  }
0x62a: {  	_ =	sdelay $0x1  }
0x62b: {  	s14 =	sadd.s32 $0x10, s14;
	[tilespmem:v2+s21+$0x0] =	vst.idx.msk vm4, v3  }
0x62c: {  	s4 =	sadd.s32 $0xFFFFFFFF, s4;
	v2 =	vld [tilespmem:s14+$0x0]  }
.LBB2_131:
0x62d: {  	_ = 	snop  }
0x62e: {  	s4 =	sadd.s32 @p1 $0xFFFFFFF0, s26  }
0x62f: {  	s30 =	smov.u32 @p1 s4  }
0x630: {  	v3 =	vmov s30  }
0x631: {  	vm4 =	vgt.s32 v3, v1;
	v3 =	vshrl.u32 v2, $0xE  }
0x632: {  	v3 =	vand.u32 $0xFFF, v3;
	_ =	sdelay $0x4  }
0x633: {  	v2 =	vand.u32 $0x3FFF, v2;
	v3 =	vld.idx.msk [tilespmem:v3+s19+$0x0], vm4;
	_ =	sdelay $0x4  }
0x634: {  	[tilespmem:v2+s21+$0x0] =	vst.idx.msk vm4, v3  }
.LBB2_132:
0x635: {  	v2 =	vld [tilespmem:s29+$0x10300]  }
0x636: {  	v3 =	vld [tilespmem:s11+$0x10300];
	_ =	sdelay $0x3  }
0x637: {  	v2 =	vnsel vm2, $0x0, v2  }
0x638: {  	(xrf0) =	vadd.scan.msk.s32 $0xffff, v2;
	v2 =	vnsel vm3, $0x0, v3  }
0x639: {  	(xrf0) =	vadd.scan.msk.s32 $0xffff, v2;
	_ =	sdelay $0x4  }
0x63a: {  	v2, _, _ =	vpop (xrf0)  }
0x63b: {  	(v2sf) =	vpush v2, $0xF;
	v2, _, _ =	vpop (xrf0)  }
0x63c: {  	(v2sf) =	vpush v2, $0xF;
	_ =	sdelay $0xd  }
0x63d: {  	s4 =	spop (v2sf)  }
0x63e: {  	s10 =	spop (v2sf)  }
0x63f: {  	s11 =	ssub.s32 s10, s4  }
0x640: {  	s14 =	sadd.s32 $0xF, s11  }
0x641: {  	p1 =	slt.s32 s14, $0x10  }
.Ltmp92:
0x642: {  	_ = 	snop;
	(pc) =	sbr.rel @p1 .LBB2_139-.Ltmp92, $1  }
0x643: {  	_ =	sdelay $0x3  }
0x644: {  	s10 =	sshra.s32 s14, $0x1F  }
0x645: {  	s10 =	sshrl.u32 s10, $0x1C  }
0x646: {  	s10 =	sadd.s32 s10, s14  }
0x647: {  	s10 =	sshra.s32 s10, $0x4  }
0x648: {  	p2 =	sne.s32 s10, $0x1  }
.Ltmp93:
0x649: {  	_ = 	snop;
	(pc) =	sbr.rel @!p2 .LBB2_134-.Ltmp93, $4  }
0x64a: {  	s4 =	sshll.u32 s4, $0x2  }
0x64b: {  	s4 =	sshra.s32 s4, $0x2  }
0x64c: {  	s4 =	sadd.s32 $0xC080, s4  }
0x64d: {  	p1 =	por $0x0, $0x0;
	v2 =	vld [tilespmem:s4+$0x0];
	s26 =	sadd.s32 $0xFFFFFFFF, s10  }
0x64e: {  	_ =	sdelay $0x2  }
0x64f: {  	v3 =	vmov s11  }
0x650: {  	vm2 =	vgt.s32 v3, v1;
	v3 =	vshrl.u32 v2, $0xE  }
0x651: {  	v3 =	vand.u32 $0xFFF, v3;
	_ =	sdelay $0x4  }
0x652: {  	v2 =	vand.u32 $0x3FFF, v2;
	v3 =	vld.idx.msk [tilespmem:v3+s19+$0x0], vm2  }
0x653: {  	p2 =	sne.s32 s26, $0x1  }
.Ltmp94:
0x654: {  	_ = 	snop;
	(pc) =	sbr.rel @!p2 .LBB2_136-.Ltmp94, $3  }
0x655: {  	_ =	sdelay $0x1  }
0x656: {  	s14 =	sadd.s32 $0x10, s4;
	[tilespmem:v2+s22+$0x0] =	vst.idx.msk vm2, v3  }
0x657: {  	s4 =	sadd.s32 $0xFFFFFFFF, s26;
	p1 =	por $0x1, $0x1;
	s26 =	smov.u32 s11;
	v2 =	vld [tilespmem:s14+$0x0]  }
.LBB2_137:
0x658: {  	p2 =	sne.s32 s4, $0x1;
	_ =	sdelay $0x1  }
0x659: {  	s26 =	sadd.s32 $0xFFFFFFF0, s26  }
0x65a: {  	v3 =	vmov s26  }
0x65b: {  	vm2 =	vgt.s32 v3, v1;
	v3 =	vshrl.u32 v2, $0xE  }
0x65c: {  	v3 =	vand.u32 $0xFFF, v3;
	_ =	sdelay $0x4  }
0x65d: {  	v3 =	vld.idx.msk [tilespmem:v3+s19+$0x0], vm2  }
0x65e: {  	v2 =	vand.u32 $0x3FFF, v2;
	_ =	sdelay $0x1  }
.Ltmp95:
0x65f: {  	(pc) =	sbr.rel @p2 .LBB2_137-.Ltmp95, $3  }
0x660: {  	_ =	sdelay $0x1  }
0x661: {  	s14 =	sadd.s32 $0x10, s14;
	[tilespmem:v2+s22+$0x0] =	vst.idx.msk vm2, v3  }
0x662: {  	s4 =	sadd.s32 $0xFFFFFFFF, s4;
	v2 =	vld [tilespmem:s14+$0x0]  }
.LBB2_138:
0x663: {  	_ = 	snop  }
0x664: {  	s4 =	sadd.s32 @p1 $0xFFFFFFF0, s26  }
0x665: {  	s11 =	smov.u32 @p1 s4  }
0x666: {  	v3 =	vmov s11  }
0x667: {  	vm2 =	vgt.s32 v3, v1;
	v3 =	vshrl.u32 v2, $0xE  }
0x668: {  	v3 =	vand.u32 $0xFFF, v3;
	_ =	sdelay $0x4  }
0x669: {  	v2 =	vand.u32 $0x3FFF, v2;
	v3 =	vld.idx.msk [tilespmem:v3+s19+$0x0], vm2;
	_ =	sdelay $0x4  }
0x66a: {  	[tilespmem:v2+s22+$0x0] =	vst.idx.msk vm2, v3  }
.LBB2_139:
.Ltmp96:
0x66b: {  	(pc) =	sbr.rel @p0 .LBB2_141-.Ltmp96, $1  }
0x66c: {  	_ =	sdelay $0x3  }
.Ltmp97:
0x66d: {  	s4 =	sshll.u32 s28, $0x11;
	s10 =	rddreg [dreg:$0x8];
	(pc) =	sbr.rel .LBB2_83-.Ltmp97, $4  }
0x66e: {  	s4 =	sadd.s32 s4, s10  }
0x66f: {  	s4 =	sshrl.u32 s4, $0x3  }
0x670: {  	s28 =	sadd.s32 $0x1, s28;
	s4 =	sadd.s32 s17, s4  }
0x671: {  	[tilespmem:s19], [sflag:$0x4] =	stream.strided.gather [hbm4b:s4+s13], $0x1000, s12, s13, $0x38;
	[tilespmem:$0x1C400] =	vst v63  }
.LBB2_85:
.Ltmp98:
0x672: {  	(pc) =	sbr.rel .LBB2_89-.Ltmp98, $2  }
0x673: {  	_ =	sdelay $0x2  }
0x674: {  	s26 =	smov.u32 s30  }
.LBB2_92:
.Ltmp99:
0x675: {  	(pc) =	sbr.rel .LBB2_96-.Ltmp99, $2  }
0x676: {  	_ =	sdelay $0x2  }
0x677: {  	s26 =	smov.u32 s30  }
.LBB2_99:
.Ltmp100:
0x678: {  	(pc) =	sbr.rel .LBB2_103-.Ltmp100, $2  }
0x679: {  	_ =	sdelay $0x2  }
0x67a: {  	s26 =	smov.u32 s11  }
.LBB2_106:
.Ltmp101:
0x67b: {  	(pc) =	sbr.rel .LBB2_110-.Ltmp101, $2  }
0x67c: {  	_ =	sdelay $0x2  }
0x67d: {  	s26 =	smov.u32 s11  }
.LBB2_113:
.Ltmp102:
0x67e: {  	(pc) =	sbr.rel .LBB2_117-.Ltmp102, $2  }
0x67f: {  	_ =	sdelay $0x2  }
0x680: {  	s26 =	smov.u32 s31  }
.LBB2_120:
.Ltmp103:
0x681: {  	(pc) =	sbr.rel .LBB2_124-.Ltmp103, $2  }
0x682: {  	_ =	sdelay $0x2  }
0x683: {  	s26 =	smov.u32 s31  }
.LBB2_127:
.Ltmp104:
0x684: {  	(pc) =	sbr.rel .LBB2_131-.Ltmp104, $2  }
0x685: {  	_ =	sdelay $0x2  }
0x686: {  	s26 =	smov.u32 s30  }
.LBB2_134:
.Ltmp105:
0x687: {  	(pc) =	sbr.rel .LBB2_138-.Ltmp105, $2  }
0x688: {  	_ =	sdelay $0x2  }
0x689: {  	s26 =	smov.u32 s11  }
.LBB2_87:
.Ltmp106:
0x68a: {  	(pc) =	sbr.rel .LBB2_89-.Ltmp106, $2  }
0x68b: {  	_ =	sdelay $0x2  }
0x68c: {  	s26 =	smov.u32 s30  }
.LBB2_94:
.Ltmp107:
0x68d: {  	(pc) =	sbr.rel .LBB2_96-.Ltmp107, $2  }
0x68e: {  	_ =	sdelay $0x2  }
0x68f: {  	s26 =	smov.u32 s30  }
.LBB2_101:
.Ltmp108:
0x690: {  	(pc) =	sbr.rel .LBB2_103-.Ltmp108, $2  }
0x691: {  	_ =	sdelay $0x2  }
0x692: {  	s26 =	smov.u32 s11  }
.LBB2_108:
.Ltmp109:
0x693: {  	(pc) =	sbr.rel .LBB2_110-.Ltmp109, $2  }
0x694: {  	_ =	sdelay $0x2  }
0x695: {  	s26 =	smov.u32 s11  }
.LBB2_115:
.Ltmp110:
0x696: {  	(pc) =	sbr.rel .LBB2_117-.Ltmp110, $2  }
0x697: {  	_ =	sdelay $0x2  }
0x698: {  	s26 =	smov.u32 s31  }
.LBB2_122:
.Ltmp111:
0x699: {  	(pc) =	sbr.rel .LBB2_124-.Ltmp111, $2  }
0x69a: {  	_ =	sdelay $0x2  }
0x69b: {  	s26 =	smov.u32 s31  }
.LBB2_129:
.Ltmp112:
0x69c: {  	(pc) =	sbr.rel .LBB2_131-.Ltmp112, $2  }
0x69d: {  	_ =	sdelay $0x2  }
0x69e: {  	s26 =	smov.u32 s30  }
.LBB2_136:
.Ltmp113:
0x69f: {  	(pc) =	sbr.rel .LBB2_138-.Ltmp113, $2  }
0x6a0: {  	_ =	sdelay $0x2  }
0x6a1: {  	s26 =	smov.u32 s11  }
.LBB2_141:
0x6a2: {  	s4 =	rddreg [dreg:$0x16];
	s28 =	simm.s32 $0x5  }
0x6a3: {  	[tilespmem:s15], [sflag:$0x5] =	stream.strided.gather [hbm4b:s4+s13], $0x200, s12, s13, $0x38;
	[tilespmem:$0x1C400] =	vst v63  }
0x6a4: {  	_ =	swait.ge [sflag:s28], $0x200  }
0x6a5: {  	s10 =	simm.s32 $0x0;
	[sflag:s28] =	ssyncset.done $0x0  }
0x6a6: {  	s11 =	simm.s32 $0x10600;
	s30 =	rddreg [dreg:$0x7];
	[sflag:s28] =	ssyncadd.s32 $0xFFFFFE00  }
0x6a7: {  	[tilespmem:s11], [sflag:$0x5] =	stream.linear.gather [hbm4b:s30+s10], $0x80, $0x38;
	[tilespmem:$0x1C400] =	vst v63  }
0x6a8: {  	_ =	swait.ge [sflag:s28], $0x80  }
0x6a9: {  	[sflag:s28] =	ssyncset.done $0x0  }
0x6aa: {  	[sflag:s28] =	ssyncadd.s32 $0xFFFFFF80  }
0x6ab: {  	v2 =	vld [tilespmem:$0x102F0];
	_ =	sdelay $0x4  }
0x6ac: {  	v3 =	vsel vm0, $0x0, v2  }
0x6ad: {  	v2 =	vsel vm1, $0x0, v2;
	(xrf0) =	vadd.scan.msk.s32 $0xffff, v3  }
0x6ae: {  	(xrf0) =	vadd.scan.msk.s32 $0xffff, v2;
	_ =	sdelay $0x4  }
0x6af: {  	v2, _, _ =	vpop (xrf0)  }
0x6b0: {  	(v2sf) =	vpush v2, $0xF;
	v2, _, _ =	vpop (xrf0)  }
0x6b1: {  	(v2sf) =	vpush v2, $0xF;
	_ =	sdelay $0xd  }
0x6b2: {  	s4 =	spop (v2sf)  }
0x6b3: {  	s31 =	spop (v2sf)  }
0x6b4: {  	s11 =	ssub.s32 s31, s4  }
0x6b5: {  	s14 =	sadd.s32 $0xF, s11  }
0x6b6: {  	p0 =	slt.s32 s14, $0x10  }
.Ltmp114:
0x6b7: {  	_ = 	snop;
	(pc) =	sbr.rel @p0 .LBB2_148-.Ltmp114, $1  }
0x6b8: {  	_ =	sdelay $0x3  }
0x6b9: {  	s10 =	sshra.s32 s14, $0x1F  }
0x6ba: {  	s10 =	sshrl.u32 s10, $0x1C  }
0x6bb: {  	s10 =	sadd.s32 s10, s14  }
0x6bc: {  	s10 =	sshra.s32 s10, $0x4  }
0x6bd: {  	p1 =	sne.s32 s10, $0x1  }
.Ltmp115:
0x6be: {  	_ = 	snop;
	(pc) =	sbr.rel @!p1 .LBB2_143-.Ltmp115, $4  }
0x6bf: {  	s4 =	sshll.u32 s4, $0x2  }
0x6c0: {  	s4 =	sshra.s32 s4, $0x2  }
0x6c1: {  	s4 =	sadd.s32 $0x8000, s4  }
0x6c2: {  	p0 =	por $0x0, $0x0;
	v2 =	vld [tilespmem:s4+$0x0];
	s26 =	sadd.s32 $0xFFFFFFFF, s10  }
0x6c3: {  	_ =	sdelay $0x2  }
0x6c4: {  	v3 =	vmov s11  }
0x6c5: {  	vm2 =	vgt.s32 v3, v1;
	v3 =	vshrl.u32 v2, $0xE  }
0x6c6: {  	v3 =	vand.u32 $0xFFF, v3;
	_ =	sdelay $0x4  }
0x6c7: {  	v2 =	vand.u32 $0x3FFF, v2;
	v3 =	vld.idx.msk [tilespmem:v3+s15+$0x0], vm2  }
0x6c8: {  	p1 =	sne.s32 s26, $0x1  }
.Ltmp116:
0x6c9: {  	_ = 	snop;
	(pc) =	sbr.rel @!p1 .LBB2_145-.Ltmp116, $3  }
0x6ca: {  	_ =	sdelay $0x1  }
0x6cb: {  	s14 =	sadd.s32 $0x10, s4;
	[tilespmem:v2+s21+$0x0] =	vst.idx.msk vm2, v3  }
0x6cc: {  	s4 =	sadd.s32 $0xFFFFFFFF, s26;
	p0 =	por $0x1, $0x1;
	s26 =	smov.u32 s11;
	v2 =	vld [tilespmem:s14+$0x0]  }
.LBB2_146:
0x6cd: {  	p1 =	sne.s32 s4, $0x1;
	_ =	sdelay $0x1  }
0x6ce: {  	s26 =	sadd.s32 $0xFFFFFFF0, s26  }
0x6cf: {  	v3 =	vmov s26  }
0x6d0: {  	vm2 =	vgt.s32 v3, v1;
	v3 =	vshrl.u32 v2, $0xE  }
0x6d1: {  	v3 =	vand.u32 $0xFFF, v3;
	_ =	sdelay $0x4  }
0x6d2: {  	v3 =	vld.idx.msk [tilespmem:v3+s15+$0x0], vm2  }
0x6d3: {  	v2 =	vand.u32 $0x3FFF, v2;
	_ =	sdelay $0x1  }
.Ltmp117:
0x6d4: {  	(pc) =	sbr.rel @p1 .LBB2_146-.Ltmp117, $3  }
0x6d5: {  	_ =	sdelay $0x1  }
0x6d6: {  	s14 =	sadd.s32 $0x10, s14;
	[tilespmem:v2+s21+$0x0] =	vst.idx.msk vm2, v3  }
0x6d7: {  	s4 =	sadd.s32 $0xFFFFFFFF, s4;
	v2 =	vld [tilespmem:s14+$0x0]  }
.LBB2_147:
0x6d8: {  	_ = 	snop  }
0x6d9: {  	s4 =	sadd.s32 @p0 $0xFFFFFFF0, s26  }
0x6da: {  	s11 =	smov.u32 @p0 s4  }
0x6db: {  	v3 =	vmov s11  }
0x6dc: {  	vm2 =	vgt.s32 v3, v1;
	v3 =	vshrl.u32 v2, $0xE  }
0x6dd: {  	v3 =	vand.u32 $0xFFF, v3;
	_ =	sdelay $0x4  }
0x6de: {  	v2 =	vand.u32 $0x3FFF, v2;
	v3 =	vld.idx.msk [tilespmem:v3+s15+$0x0], vm2;
	_ =	sdelay $0x4  }
0x6df: {  	[tilespmem:v2+s21+$0x0] =	vst.idx.msk vm2, v3  }
.LBB2_148:
0x6e0: {  	v2 =	vld [tilespmem:$0x103F0];
	_ =	sdelay $0x4  }
0x6e1: {  	v3 =	vsel vm0, $0x0, v2  }
0x6e2: {  	v2 =	vsel vm1, $0x0, v2;
	(xrf0) =	vadd.scan.msk.s32 $0xffff, v3  }
0x6e3: {  	(xrf0) =	vadd.scan.msk.s32 $0xffff, v2;
	_ =	sdelay $0x4  }
0x6e4: {  	v2, _, _ =	vpop (xrf0)  }
0x6e5: {  	(v2sf) =	vpush v2, $0xF;
	v2, _, _ =	vpop (xrf0)  }
0x6e6: {  	(v2sf) =	vpush v2, $0xF;
	_ =	sdelay $0xd  }
0x6e7: {  	s4 =	spop (v2sf)  }
0x6e8: {  	s10 =	spop (v2sf)  }
0x6e9: {  	s11 =	ssub.s32 s10, s4  }
0x6ea: {  	s14 =	sadd.s32 $0xF, s11  }
0x6eb: {  	p0 =	slt.s32 s14, $0x10  }
.Ltmp118:
0x6ec: {  	_ = 	snop;
	(pc) =	sbr.rel @p0 .LBB2_155-.Ltmp118, $2  }
0x6ed: {  	_ =	sdelay $0x2  }
0x6ee: {  	s10 =	rddreg [dreg:$0x19]  }
0x6ef: {  	s10 =	sshra.s32 s14, $0x1F  }
0x6f0: {  	s10 =	sshrl.u32 s10, $0x1C  }
0x6f1: {  	s10 =	sadd.s32 s10, s14  }
0x6f2: {  	s10 =	sshra.s32 s10, $0x4  }
0x6f3: {  	p1 =	sne.s32 s10, $0x1  }
.Ltmp119:
0x6f4: {  	s4 =	sshll.u32 s4, $0x2;
	(pc) =	sbr.rel @!p1 .LBB2_150-.Ltmp119, $4  }
0x6f5: {  	s4 =	sshra.s32 s4, $0x2  }
0x6f6: {  	s4 =	sadd.s32 $0xC080, s4  }
0x6f7: {  	v2 =	vld [tilespmem:s4+$0x0]  }
0x6f8: {  	p0 =	por $0x0, $0x0;
	s26 =	sadd.s32 $0xFFFFFFFF, s10  }
0x6f9: {  	_ =	sdelay $0x1  }
0x6fa: {  	v3 =	vmov s11  }
0x6fb: {  	vm2 =	vgt.s32 v3, v1;
	v3 =	vshrl.u32 v2, $0xE  }
0x6fc: {  	v3 =	vand.u32 $0xFFF, v3;
	_ =	sdelay $0x4  }
0x6fd: {  	v2 =	vand.u32 $0x3FFF, v2;
	v3 =	vld.idx.msk [tilespmem:v3+s15+$0x0], vm2;
	_ =	sdelay $0x1  }
0x6fe: {  	p1 =	sne.s32 s26, $0x1  }
.Ltmp120:
0x6ff: {  	_ = 	snop;
	(pc) =	sbr.rel @!p1 .LBB2_152-.Ltmp120, $4  }
0x700: {  	_ = 	snop  }
0x701: {  	s14 =	sadd.s32 $0x10, s4;
	[tilespmem:v2+s22+$0x0] =	vst.idx.msk vm2, v3  }
0x702: {  	v2 =	vld [tilespmem:s14+$0x0]  }
0x703: {  	s4 =	sadd.s32 $0xFFFFFFFF, s26;
	p0 =	por $0x1, $0x1;
	s26 =	smov.u32 s11  }
.LBB2_153:
0x704: {  	p1 =	sne.s32 s4, $0x1;
	_ =	sdelay $0x1  }
0x705: {  	s26 =	sadd.s32 $0xFFFFFFF0, s26  }
0x706: {  	v3 =	vmov s26  }
0x707: {  	vm2 =	vgt.s32 v3, v1;
	v3 =	vshrl.u32 v2, $0xE  }
0x708: {  	v3 =	vand.u32 $0xFFF, v3;
	_ =	sdelay $0x4  }
0x709: {  	v3 =	vld.idx.msk [tilespmem:v3+s15+$0x0], vm2  }
0x70a: {  	v2 =	vand.u32 $0x3FFF, v2;
	_ =	sdelay $0x1  }
.Ltmp121:
0x70b: {  	(pc) =	sbr.rel @p1 .LBB2_153-.Ltmp121, $3  }
0x70c: {  	_ =	sdelay $0x1  }
0x70d: {  	s14 =	sadd.s32 $0x10, s14;
	[tilespmem:v2+s22+$0x0] =	vst.idx.msk vm2, v3  }
0x70e: {  	s4 =	sadd.s32 $0xFFFFFFFF, s4;
	v2 =	vld [tilespmem:s14+$0x0]  }
.Ltmp122:
0x70f: {  	_ = 	snop;
	(pc) =	sbr.rel .LBB2_154-.Ltmp122, $1  }
0x710: {  	_ =	sdelay $0x3  }
.LBB2_70:
.Ltmp123:
0x711: {  	(pc) =	sbr.rel .LBB2_74-.Ltmp123, $2  }
0x712: {  	_ =	sdelay $0x2  }
0x713: {  	s26 =	smov.u32 s11  }
.LBB2_77:
.Ltmp124:
0x714: {  	(pc) =	sbr.rel .LBB2_81-.Ltmp124, $2  }
0x715: {  	_ =	sdelay $0x2  }
0x716: {  	s26 =	smov.u32 s11  }
.LBB2_143:
.Ltmp125:
0x717: {  	(pc) =	sbr.rel .LBB2_147-.Ltmp125, $2  }
0x718: {  	_ =	sdelay $0x2  }
0x719: {  	s26 =	smov.u32 s11  }
.LBB2_72:
.Ltmp126:
0x71a: {  	(pc) =	sbr.rel .LBB2_74-.Ltmp126, $2  }
0x71b: {  	_ =	sdelay $0x2  }
0x71c: {  	s26 =	smov.u32 s11  }
.LBB2_79:
.Ltmp127:
0x71d: {  	(pc) =	sbr.rel .LBB2_81-.Ltmp127, $2  }
0x71e: {  	_ =	sdelay $0x2  }
0x71f: {  	s26 =	smov.u32 s11  }
.LBB2_145:
.Ltmp128:
0x720: {  	(pc) =	sbr.rel .LBB2_147-.Ltmp128, $2  }
0x721: {  	_ =	sdelay $0x2  }
0x722: {  	s26 =	smov.u32 s11  }
.LBB2_152:
.Ltmp129:
0x723: {  	(pc) =	sbr.rel .LBB2_154-.Ltmp129, $2  }
0x724: {  	_ =	sdelay $0x2  }
0x725: {  	s26 =	smov.u32 s11  }
.LBB2_156:
0x726: {  	_ =	sfence.sel $0x180000  }
0x727: {  	[bflag:$0x0] =	sbarrier.arrive $0xFFFF  }
0x728: {  	_ =	strace $0x90000047  }
0x729: {  	s0 =	stileid.u32;
	[bflag:$0x2] =	sbarrier.arrive $0xFFFF  }
0x72a: {  	p0 =	sne.s32 s0, $0x0;
	s0 =	rddreg [dreg:$0x4]  }
0x72b: {  	s0 =	sadd.s32 @!p0 $0x100000, s0  }
0x72c: {  	[sflag:s0] =	ssyncadd.tile.s32 @!p0 $0x1;
	_ =	shalt  }
.Lfunc_end2:
_tile_overlayer_lowered:
.L_overlay_start_2:
0x72d: {  	(tag) =	ssettag $0x2  }
0x72e: {  	s0 =	rddreg [dreg:$0x0];
	s2 =	stileid.u32  }
0x72f: {  	s1 =	rddreg [dreg:$0x1];
	p0 =	sne.s32 s2, $0x0  }
0x730: {  	s3 =	rddreg [dreg:$0x2];
	[bflag:$0x3] =	sbarrier.arrive $0xFFFF;
	s2 =	simm.s32 @!p0 $0x1C05  }
0x731: {  	[timem:s3], [sflag:s2] =	dma.local @!p0 [hbm:s0], s1  }
0x732: {  	s0 =	simm.s32 @!p0 $0x5  }
0x733: {  	_ =	swait.ge @!p0 [sflag:s0], s1  }
0x734: {  	s1 =	ssub.s32 @!p0 $0x0, s1;
	[sflag:s0] =	ssyncset.done @!p0 $0x0  }
0x735: {  	[sflag:s0] =	ssyncadd.s32 @!p0 s1  }
0x736: {  	[bflag:$0x3] =	sbarrier.arrive $0xFFFF  }
0x737: {  	_ =	shalt  }

</sc_bundles>
